<compile_context>
chip_gen: v7x
topology: tpu7x:2x2x1
jax: 0.10.2.dev20260603
libtpu: 0.0.44.dev20260713+nightly
codegen_flags: <defaults>
</compile_context>

<pallas_src>
import functools

import jax
import jax.numpy as jnp
from jax import lax
from jax.experimental import pallas as pl
from jax.experimental.pallas import tpu as pltpu
from jax.experimental.pallas import tpu_sc as plsc

RESIZE = 518.0
PATCH = 14.0
GRID = 37
TOTAL_PATCHES = GRID * GRID

RB = 80
CL = 128
VP = RB * CL

SC_CORES = 2
SC_SUBCORES = 16
NW = SC_CORES * SC_SUBCORES
CB = 16


def _proj_body(nc, zrow, params_ref, e8_ref, k8_ref, pts_ref, idx_ref, mask_ref):
    b = pl.program_id(0)
    c = pl.program_id(1)

    def p(k):
        return params_ref[0, 0, 0, k]

    cam8 = jnp.dot(e8_ref[0, 0], pts_ref[0])
    pix8 = jnp.dot(k8_ref[0, 0], cam8)
    cz = cam8[2:3, :]
    px = pix8[0:1, :]
    py = pix8[1:2, :]
    pz = pix8[2:3, :]
    denom = jnp.maximum(pz, 1e-12)
    u = px / denom
    v = py / denom
    img_h = p(0)
    img_w = p(1)
    valid = (cz > 0) & (u >= 0) & (u < img_w) & (v >= 0) & (v < img_h)
    uu = jnp.where(valid, u, -1.0) * p(2)
    vv = jnp.where(valid, v, -1.0) * p(3)
    pxi = jnp.clip((uu / PATCH).astype(jnp.int32), 0, GRID - 1)
    pyi = jnp.clip((vv / PATCH).astype(jnp.int32), 0, GRID - 1)
    flat = jnp.clip(pyi * GRID + pxi, 0, TOTAL_PATCHES - 1)
    rowbase = (b * nc + c) * TOTAL_PATCHES
    idx_ref[0, 0] = jnp.where(valid, flat + rowbase, zrow)
    mask_ref[0, 0] = valid.astype(jnp.float32)


def _sc_gather_body(nc, d, per_w, table_hbm, gidxt_hbm, out_hbm, idx0, idx1,
                    buf0, buf1, out0, out1, sg0, sg1, so0, so1):
    wid = lax.axis_index("s") * SC_CORES + lax.axis_index("c")
    base = wid * per_w
    nch = per_w // CB
    idxs = (idx0, idx1)
    bufs = (buf0, buf1)
    outs = (out0, out1)
    sgs = (sg0, sg1)
    sos = (so0, so1)

    def start(koff, sl):
        off = base + koff * CB
        pltpu.sync_copy(gidxt_hbm.at[pl.ds(off * nc, CB * nc)], idxs[sl])
        pltpu.async_copy(table_hbm.at[idxs[sl]], bufs[sl], sgs[sl])

    start(0, 0)

    def iter2(m, carry):
        for sl in range(2):
            kk = 2 * m + sl
            nxt = kk + 1

            @pl.when(nxt < nch)
            def _():
                start(nxt, sl ^ 1)

            pltpu.make_async_copy(table_hbm.at[idxs[sl]], bufs[sl],
                                  sgs[sl]).wait()

            @pl.when(m > 0)
            def _():
                pltpu.make_async_copy(
                    outs[sl], out_hbm.at[pl.ds(base, CB)], sos[sl]).wait()

            b = bufs[sl]
            o = outs[sl]

            @plsc.parallel_loop(0, CB, unroll=4)
            def _(i):
                for j in range(d // 16):
                    vs = pl.ds(j * 16, 16)
                    s = b[i * nc, vs]
                    for c in range(1, nc):
                        s = s + b[i * nc + c, vs]
                    o[i, vs] = s
            pltpu.async_copy(outs[sl], out_hbm.at[pl.ds(base + kk * CB, CB)],
                             sos[sl])
        return carry

    lax.fori_loop(0, nch // 2, iter2, 0)
    for sl in range(2):
        pltpu.make_async_copy(outs[sl], out_hbm.at[pl.ds(base, CB)],
                              sos[sl]).wait()


def _mlp_body(vf_ref, fs_ref, m_ref, w1a_ref, w1b_ref, b1_ref, w2_ref, b2_ref,
              w3_ref, b3_ref, out_ref):
    m = m_ref[0]
    cnt = jnp.maximum(jnp.sum(m, axis=0), 1.0)
    fs = fs_ref[0] / cnt[:, None]
    vf = vf_ref[0]
    h = (jnp.dot(vf, w1a_ref[...], preferred_element_type=jnp.float32)
         + jnp.dot(fs, w1b_ref[...], preferred_element_type=jnp.float32)
         + b1_ref[...])
    h = jnp.maximum(h, 0.0)
    h = jnp.dot(h, w2_ref[...], preferred_element_type=jnp.float32) + b2_ref[...]
    h = jnp.maximum(h, 0.0)
    out_ref[0] = jnp.dot(h, w3_ref[...], preferred_element_type=jnp.float32) + b3_ref[...]


def kernel(patch_tokens, voxel_features, voxel_coords, cam_intrinsics,
           lidar2cam_extrinsics, image_sizes, W1, b1, W2, b2, W3, b3):
    B, NC, M, D = patch_tokens.shape
    V = voxel_coords.shape[1]
    PF = voxel_features.shape[2]
    OUT = W3.shape[1]

    sizes = image_sizes.astype(jnp.float32)
    img_h = sizes[:, 0]
    img_w = sizes[:, 1]
    sx = RESIZE / jnp.maximum(img_w, 1e-6)
    sy = RESIZE / jnp.maximum(img_h, 1e-6)
    params = jnp.concatenate([
        jnp.broadcast_to(img_h[:, None, None], (B, NC, 1)),
        jnp.broadcast_to(img_w[:, None, None], (B, NC, 1)),
        jnp.broadcast_to(sx[:, None, None], (B, NC, 1)),
        jnp.broadcast_to(sy[:, None, None], (B, NC, 1)),
        jnp.zeros((B, NC, 4), jnp.float32),
    ], axis=-1).reshape(B, NC, 1, 8)

    e8 = jnp.zeros((B, NC, 8, 8), jnp.float32).at[:, :, :4, :4].set(
        lidar2cam_extrinsics)
    k8 = jnp.zeros((B, NC, 8, 8), jnp.float32).at[:, :, :3, :3].set(
        cam_intrinsics)
    vcp = jnp.pad(voxel_coords, ((0, 0), (0, VP - V), (0, 0)))
    pts = jnp.concatenate([vcp, jnp.ones((B, VP, 1), jnp.float32),
                           jnp.zeros((B, VP, 4), jnp.float32)], axis=-1)
    pts8t = pts.transpose(0, 2, 1)

    zrow = B * NC * M
    tbl = jnp.concatenate(
        [patch_tokens.reshape(zrow, D), jnp.zeros((8, D), jnp.float32)], axis=0)

    idx, mask = pl.pallas_call(
        functools.partial(_proj_body, NC, zrow),
        grid=(B, NC),
        in_specs=[
            pl.BlockSpec((1, 1, 1, 8), lambda b, c: (b, c, 0, 0),
                         memory_space=pltpu.SMEM),
            pl.BlockSpec((1, 1, 8, 8), lambda b, c: (b, c, 0, 0)),
            pl.BlockSpec((1, 1, 8, 8), lambda b, c: (b, c, 0, 0)),
            pl.BlockSpec((1, 8, VP), lambda b, c: (b, 0, 0)),
        ],
        out_specs=[
            pl.BlockSpec((1, 1, 1, VP), lambda b, c: (c, b, 0, 0)),
            pl.BlockSpec((1, 1, 1, VP), lambda b, c: (b, c, 0, 0)),
        ],
        out_shape=[
            jax.ShapeDtypeStruct((NC, B, 1, VP), jnp.int32),
            jax.ShapeDtypeStruct((B, NC, 1, VP), jnp.float32),
        ],
    )(params, e8, k8, pts8t)

    gidxt = idx.reshape(NC, B * VP).T.reshape(B * VP * NC)

    per_w = (B * VP) // NW
    sc_gather = functools.partial(
        pl.kernel,
        mesh=plsc.VectorSubcoreMesh(core_axis_name="c", subcore_axis_name="s"),
        out_type=jax.ShapeDtypeStruct((B * VP, D), jnp.float32),
        scratch_types=[
            pltpu.VMEM((CB * NC,), jnp.int32),
            pltpu.VMEM((CB * NC,), jnp.int32),
            pltpu.VMEM((CB * NC, D), jnp.float32),
            pltpu.VMEM((CB * NC, D), jnp.float32),
            pltpu.VMEM((CB, D), jnp.float32),
            pltpu.VMEM((CB, D), jnp.float32),
            pltpu.SemaphoreType.DMA,
            pltpu.SemaphoreType.DMA,
            pltpu.SemaphoreType.DMA,
            pltpu.SemaphoreType.DMA,
        ],
    )(functools.partial(_sc_gather_body, NC, D, per_w))
    fused_sum = sc_gather(tbl, gidxt).reshape(B, VP, D)

    vfp = jnp.pad(voxel_features, ((0, 0), (0, VP - V), (0, 0)))
    maskr = mask.reshape(B, NC, VP)
    TV = 1024
    out = pl.pallas_call(
        _mlp_body,
        grid=(B, VP // TV),
        in_specs=[
            pl.BlockSpec((1, TV, PF), lambda b, t: (b, t, 0)),
            pl.BlockSpec((1, TV, D), lambda b, t: (b, t, 0)),
            pl.BlockSpec((1, NC, TV), lambda b, t: (b, 0, t)),
            pl.BlockSpec((PF, 256), lambda b, t: (0, 0)),
            pl.BlockSpec((D, 256), lambda b, t: (0, 0)),
            pl.BlockSpec((1, 256), lambda b, t: (0, 0)),
            pl.BlockSpec((256, 64), lambda b, t: (0, 0)),
            pl.BlockSpec((1, 64), lambda b, t: (0, 0)),
            pl.BlockSpec((64, OUT), lambda b, t: (0, 0)),
            pl.BlockSpec((1, OUT), lambda b, t: (0, 0)),
        ],
        out_specs=pl.BlockSpec((1, TV, OUT), lambda b, t: (b, t, 0)),
        out_shape=jax.ShapeDtypeStruct((B, VP, OUT), jnp.float32),
    )(vfp, fused_sum, maskr, W1[:PF], W1[PF:], b1.reshape(1, 256),
      W2, b2.reshape(1, 64), W3, b3.reshape(1, OUT))

    return out[:, :V, :]

# --- scband reference (transcript-rebuilt; emitter-appended) ---
"""Pipeline reference for scband-feature-fusion-model-17351667876588 (READ-ONLY COPY).

The authoritative reference and input builder live on the scoring server;
editing this copy changes nothing except your own understanding.
"""

import jax, jax.numpy as jnp
import numpy as np

RESIZE_SIZE = 518
PATCH_SIZE = 14
GRID = RESIZE_SIZE // PATCH_SIZE          # 37
TOTAL_PATCHES = GRID * GRID               # 1369


def _forward(patch_tokens, voxel_features, voxel_coords, cam_intrinsics,
             lidar2cam_extrinsics, image_sizes, W1, b1, W2, b2, W3, b3):
    B, V, _ = voxel_coords.shape
    _, NC, M, D = patch_tokens.shape
    sizes = image_sizes.astype(jnp.float32)
    # ---- multi_camera_projector ----
    pts_h = jnp.concatenate([voxel_coords, jnp.ones((B, V, 1), jnp.float32)], axis=-1)
    cam_pts = jnp.einsum('bcij,bvj->bcvi', lidar2cam_extrinsics, pts_h)  # (B,NC,V,4)
    xyz = cam_pts[..., :3]
    z = xyz[..., 2]
    pix = jnp.einsum('bcij,bcvj->bcvi', cam_intrinsics, xyz)
    denom = jnp.clip(pix[..., 2], 1e-12, None)
    u = pix[..., 0] / denom
    v = pix[..., 1] / denom
    img_h = sizes[:, 0].reshape(B, 1, 1)
    img_w = sizes[:, 1].reshape(B, 1, 1)
    valid = (z > 0) & (u >= 0) & (u < img_w) & (v >= 0) & (v < img_h)
    coords = jnp.stack([u, v], axis=-1)
    coords = jnp.where(valid[..., None], coords, jnp.full_like(coords, -1.0))
    # ---- scale_pixel_coords to (RESIZE_SIZE, RESIZE_SIZE) ----
    H_orig = jnp.clip(sizes[:, 0], 1e-6, None)
    W_orig = jnp.clip(sizes[:, 1], 1e-6, None)
    scale = jnp.stack([RESIZE_SIZE / W_orig, RESIZE_SIZE / H_orig], axis=-1).reshape(B, 1, 1, 2)
    coords = coords * scale
    # ---- patch index computation + gather (embedding-lookup core) ----
    patch_xy = (coords / float(PATCH_SIZE)).astype(jnp.int32)
    patch_xy = jnp.clip(patch_xy, 0, GRID - 1)
    flat_idx = jnp.clip(patch_xy[..., 1] * GRID + patch_xy[..., 0], 0, TOTAL_PATCHES - 1)  # (B,NC,V)
    gather_idx = jnp.broadcast_to(flat_idx[..., None], (B, NC, V, D))
    gathered = jnp.take_along_axis(patch_tokens, gather_idx, axis=2)  # (B,NC,V,D)
    # ---- masked mean over cameras ----
    mask = valid.astype(jnp.float32)[..., None]
    masked = gathered * mask
    valid_counts = jnp.clip(mask.sum(axis=1), 1.0, None)
    fused_img = masked.sum(axis=1) / valid_counts  # (B,V,D)
    fused = jnp.concatenate([voxel_features, fused_img], axis=-1)
    # ---- MLP head ----
    h = jax.nn.relu(fused @ W1 + b1)
    h = jax.nn.relu(h @ W2 + b2)
    voxel_scores = h @ W3 + b3
    # pcd_encoder.devoxelize stubbed as identity voxel->point mapping
    return voxel_scores


def setup_inputs(seed: int = 0):
    key = jax.random.key(seed)
    ks = jax.random.split(key, 12)
    B, NC, V, D, PF, OUT = 2, 6, 10000, 384, 64, 16
    patch_tokens = jax.random.normal(ks[0], (B, NC, TOTAL_PATCHES, D), jnp.float32)
    voxel_features = jax.random.normal(ks[1], (B, V, PF), jnp.float32)
    voxel_coords = jax.random.normal(ks[2], (B, V, 3), jnp.float32) * 20.0
    cam_intrinsics = jax.random.normal(ks[3], (B, NC, 3, 3), jnp.float32)
    lidar2cam_extrinsics = jax.random.normal(ks[4], (B, NC, 4, 4), jnp.float32)
    image_sizes = jax.random.randint(ks[5], (B, 2), 600, 1600).astype(jnp.int32)
    W1 = jax.random.normal(ks[6], (PF + D, 256), jnp.float32) * 0.02
    b1 = jnp.zeros((256,), jnp.float32)
    W2 = jax.random.normal(ks[7], (256, 64), jnp.float32) * 0.02
    b2 = jnp.zeros((64,), jnp.float32)
    W3 = jax.random.normal(ks[8], (64, OUT), jnp.float32) * 0.02
    b3 = jnp.zeros((OUT,), jnp.float32)
    return {"patch_tokens": patch_tokens, "voxel_features": voxel_features,
            "voxel_coords": voxel_coords, "cam_intrinsics": cam_intrinsics,
            "lidar2cam_extrinsics": lidar2cam_extrinsics, "image_sizes": image_sizes,
            "W1": W1, "b1": b1, "W2": W2, "b2": b2, "W3": W3, "b3": b3}


def reference(patch_tokens, voxel_features, voxel_coords, cam_intrinsics,
              lidar2cam_extrinsics, image_sizes, W1, b1, W2, b2, W3, b3):
    return _forward(patch_tokens, voxel_features, voxel_coords, cam_intrinsics,
                    lidar2cam_extrinsics, image_sizes, W1, b1, W2, b2, W3, b3)

if __name__ == "__main__":
    import jax
    _d = setup_inputs()
    print(jax.jit(kernel)(*tuple(_d.values())))

</pallas_src>

<mosaic_0001>
#map = affine_map<(d0, d1) -> (0, 0)>
#map1 = affine_map<(d0, d1) -> (0)>
module attributes {stable_mosaic.version = 14 : i64} {
  func.func @_sc_gather_body(%arg0: i32, %arg1: i32, %arg2: memref<16436x384xf32, #tpu.memory_space<hbm>>, %arg3: memref<122880xi32, #tpu.memory_space<hbm>>, %arg4: memref<20480x384xf32, #tpu.memory_space<hbm>>, %arg5: memref<96xi32, #tpu.memory_space<vmem>>, %arg6: memref<96xi32, #tpu.memory_space<vmem>>, %arg7: memref<96x384xf32, #tpu.memory_space<vmem>>, %arg8: memref<96x384xf32, #tpu.memory_space<vmem>>, %arg9: memref<16x384xf32, #tpu.memory_space<vmem>>, %arg10: memref<16x384xf32, #tpu.memory_space<vmem>>, %arg11: memref<!tpu.dma_semaphore, #tpu.memory_space<semaphore_mem>>, %arg12: memref<!tpu.dma_semaphore, #tpu.memory_space<semaphore_mem>>, %arg13: memref<!tpu.dma_semaphore, #tpu.memory_space<semaphore_mem>>, %arg14: memref<!tpu.dma_semaphore, #tpu.memory_space<semaphore_mem>>) attributes {dimension_semantics = [#tpu.dimension_semantics<core_parallel>, #tpu.dimension_semantics<subcore_parallel>], iteration_bounds = array<i64: 2, 16>, scalar_prefetch = 0 : i64, scratch_operands = 10 : i64, tpu.core_type = #tpu.core_type<sc_vector_subcore>, window_params = [{transform_indices = #map}, {transform_indices = #map1}, {transform_indices = #map}]} {
    %mul3A = arith.constant 2 : i32
    %mul3A_0 = arith.muli %arg1, %mul3A : i32
    %add3A = arith.addi %mul3A_0, %arg0 : i32
    %mul3A_1 = arith.constant 640 : i32
    %mul3A_2 = arith.muli %add3A, %mul3A_1 : i32
    %add3A_3 = arith.constant 0 : i32
    %add3A_4 = arith.addi %mul3A_2, %add3A_3 : i32
    %mul3A_5 = arith.constant 6 : i32
    %mul3A_6 = arith.muli %add3A_4, %mul3A_5 : i32
    "tpu.region"() ({
      %run_scoped3A = tpu.sem_alloc : memref<!tpu.dma_semaphore, #tpu.memory_space<semaphore_mem>>
      %dma_start3A_21 = tpu.memref_slice %arg3[%mul3A_6] : memref<122880xi32, #tpu.memory_space<hbm>> -> memref<96xi32, #tpu.memory_space<hbm>>
      %dma_start3A_22 = tpu.memref_slice %arg3[%mul3A_6] : memref<122880xi32, #tpu.memory_space<hbm>> -> memref<96xi32, #tpu.memory_space<hbm>>
      tpu.enqueue_dma source(%dma_start3A_22 : memref<96xi32, #tpu.memory_space<hbm>>) target(%arg5 : memref<96xi32, #tpu.memory_space<vmem>>) target_semaphore(%run_scoped3A : memref<!tpu.dma_semaphore, #tpu.memory_space<semaphore_mem>>)
      %dma_wait3A_23 = tpu.memref_slice %arg3[%mul3A_6] : memref<122880xi32, #tpu.memory_space<hbm>> -> memref<96xi32, #tpu.memory_space<hbm>>
      %dma_wait3A_24 = tpu.memref_slice %arg3[%mul3A_6] : memref<122880xi32, #tpu.memory_space<hbm>> -> memref<96xi32, #tpu.memory_space<hbm>>
      tpu.wait_dma2 semaphore(%run_scoped3A : memref<!tpu.dma_semaphore, #tpu.memory_space<semaphore_mem>>) src(%dma_wait3A_24 : memref<96xi32, #tpu.memory_space<hbm>>) dst(%arg5 : memref<96xi32, #tpu.memory_space<vmem>>)
      tpu.yield
    }) : () -> ()
    %dma_start3A = arith.constant 0 : i32
    %dma_start3A_7 = arith.constant 0 : i32
    %dma_start3A_8 = tpu.memref_slice %arg2[%dma_start3A, %dma_start3A_7] : memref<16436x384xf32, #tpu.memory_space<hbm>> -> memref<16436x384xf32, #tpu.memory_space<hbm>>
    tpu.enqueue_indirect_dma source(%dma_start3A_8 : memref<16436x384xf32, #tpu.memory_space<hbm>>) target(%arg7 : memref<96x384xf32, #tpu.memory_space<vmem>>) offsets(%arg5 : memref<96xi32, #tpu.memory_space<vmem>>) semaphore(%arg11 : memref<!tpu.dma_semaphore, #tpu.memory_space<semaphore_mem>>)
    %scan3A = arith.constant 0 : i32
    %scan3A_9 = arith.constant 0 : i32
    %scan3A_10 = arith.constant 20 : i32
    %scan3A_11 = arith.addi %scan3A_9, %scan3A_10 : i32
    %scan3A_12 = arith.constant 1 : i32
    scf.for %scan3A_21 = %scan3A_9 to %scan3A_11 step %scan3A_12  : i32 {
      %mul3A_22 = arith.constant 2 : i32
      %mul3A_23 = arith.muli %mul3A_22, %scan3A_21 : i32
      %add3A_24 = arith.constant 0 : i32
      %add3A_25 = arith.addi %mul3A_23, %add3A_24 : i32
      %add3A_26 = arith.constant 1 : i32
      %add3A_27 = arith.addi %add3A_25, %add3A_26 : i32
      %lt3A = arith.constant 40 : i32
      %lt3A_28 = arith.cmpi slt, %add3A_27, %lt3A : i32
      %convert_element_type3A = arith.extui %lt3A_28 : i1 to i32
      %cond3A = arith.constant 0 : i32
      %cond3A_29 = arith.cmpi ne, %convert_element_type3A, %cond3A : i32
      scf.if %cond3A_29 {
        %mul3A_75 = arith.constant 16 : i32
        %mul3A_76 = arith.muli %add3A_27, %mul3A_75 : i32
        %add3A_77 = arith.addi %mul3A_2, %mul3A_76 : i32
        %mul3A_78 = arith.constant 6 : i32
        %mul3A_79 = arith.muli %add3A_77, %mul3A_78 : i32
        "tpu.region"() ({
          %run_scoped3A = tpu.sem_alloc : memref<!tpu.dma_semaphore, #tpu.memory_space<semaphore_mem>>
          %dma_start3A_83 = tpu.memref_slice %arg3[%mul3A_79] : memref<122880xi32, #tpu.memory_space<hbm>> -> memref<96xi32, #tpu.memory_space<hbm>>
          %dma_start3A_84 = tpu.memref_slice %arg3[%mul3A_79] : memref<122880xi32, #tpu.memory_space<hbm>> -> memref<96xi32, #tpu.memory_space<hbm>>
          tpu.enqueue_dma source(%dma_start3A_84 : memref<96xi32, #tpu.memory_space<hbm>>) target(%arg6 : memref<96xi32, #tpu.memory_space<vmem>>) target_semaphore(%run_scoped3A : memref<!tpu.dma_semaphore, #tpu.memory_space<semaphore_mem>>)
          %dma_wait3A_85 = tpu.memref_slice %arg3[%mul3A_79] : memref<122880xi32, #tpu.memory_space<hbm>> -> memref<96xi32, #tpu.memory_space<hbm>>
          %dma_wait3A_86 = tpu.memref_slice %arg3[%mul3A_79] : memref<122880xi32, #tpu.memory_space<hbm>> -> memref<96xi32, #tpu.memory_space<hbm>>
          tpu.wait_dma2 semaphore(%run_scoped3A : memref<!tpu.dma_semaphore, #tpu.memory_space<semaphore_mem>>) src(%dma_wait3A_86 : memref<96xi32, #tpu.memory_space<hbm>>) dst(%arg6 : memref<96xi32, #tpu.memory_space<vmem>>)
          tpu.yield
        }) : () -> ()
        %dma_start3A_80 = arith.constant 0 : i32
        %dma_start3A_81 = arith.constant 0 : i32
        %dma_start3A_82 = tpu.memref_slice %arg2[%dma_start3A_80, %dma_start3A_81] : memref<16436x384xf32, #tpu.memory_space<hbm>> -> memref<16436x384xf32, #tpu.memory_space<hbm>>
        tpu.enqueue_indirect_dma source(%dma_start3A_82 : memref<16436x384xf32, #tpu.memory_space<hbm>>) target(%arg8 : memref<96x384xf32, #tpu.memory_space<vmem>>) offsets(%arg6 : memref<96xi32, #tpu.memory_space<vmem>>) semaphore(%arg12 : memref<!tpu.dma_semaphore, #tpu.memory_space<semaphore_mem>>)
      } else {
      }
      %dma_wait3A_30 = arith.constant 0 : i32
      %dma_wait3A_31 = arith.constant 0 : i32
      %dma_wait3A_32 = tpu.memref_slice %arg2[%dma_wait3A_30, %dma_wait3A_31] : memref<16436x384xf32, #tpu.memory_space<hbm>> -> memref<16436x384xf32, #tpu.memory_space<hbm>>
      tpu.wait_indirect_dma semaphore(%arg11 : memref<!tpu.dma_semaphore, #tpu.memory_space<semaphore_mem>>) src(%dma_wait3A_32 : memref<16436x384xf32, #tpu.memory_space<hbm>>) dst(%arg7 : memref<96x384xf32, #tpu.memory_space<vmem>>)
      %gt3A = arith.constant 0 : i32
      %gt3A_33 = arith.cmpi sgt, %scan3A_21, %gt3A : i32
      %convert_element_type3A_34 = arith.extui %gt3A_33 : i1 to i32
      %cond3A_35 = arith.constant 0 : i32
      %cond3A_36 = arith.cmpi ne, %convert_element_type3A_34, %cond3A_35 : i32
      scf.if %cond3A_36 {
        %dma_wait3A_75 = arith.constant 0 : i32
        %dma_wait3A_76 = tpu.memref_slice %arg4[%mul3A_2, %dma_wait3A_75] : memref<20480x384xf32, #tpu.memory_space<hbm>> -> memref<16x384xf32, #tpu.memory_space<hbm>>
        %dma_wait3A_77 = arith.constant 0 : i32
        %dma_wait3A_78 = tpu.memref_slice %arg4[%mul3A_2, %dma_wait3A_77] : memref<20480x384xf32, #tpu.memory_space<hbm>> -> memref<16x384xf32, #tpu.memory_space<hbm>>
        tpu.wait_dma2 semaphore(%arg13 : memref<!tpu.dma_semaphore, #tpu.memory_space<semaphore_mem>>) src(%arg9 : memref<16x384xf32, #tpu.memory_space<vmem>>) dst(%dma_wait3A_78 : memref<16x384xf32, #tpu.memory_space<hbm>>)
      } else {
      }
      %parallel_loop3A = arith.constant 0 : i32
      %parallel_loop3A_37 = arith.constant 16 : i32
      %parallel_loop3A_38 = arith.constant 1 : i32
      scf.for %parallel_loop3A_75 = %parallel_loop3A to %parallel_loop3A_37 step %parallel_loop3A_38  : i32 {
        %parallel_loop3A_76 = arith.constant 6 : i32
        %parallel_loop3A_77 = arith.muli %parallel_loop3A_75, %parallel_loop3A_76 : i32
        %parallel_loop3A_78 = arith.index_cast %parallel_loop3A_77 : i32 to index
        %parallel_loop3A_79 = arith.constant 0 : index
        %parallel_loop3A_80 = tpu.vector_load %arg7[%parallel_loop3A_78, %parallel_loop3A_79] {strides = array<i32>} : memref<96x384xf32, #tpu.memory_space<vmem>>, vector<1x16xf32>,
        %parallel_loop3A_81 = vector.shape_cast %parallel_loop3A_80 : vector<1x16xf32> to vector<16xf32>
        %parallel_loop3A_82 = arith.constant 6 : i32
        %parallel_loop3A_83 = arith.muli %parallel_loop3A_75, %parallel_loop3A_82 : i32
        %parallel_loop3A_84 = arith.constant 1 : i32
        %parallel_loop3A_85 = arith.addi %parallel_loop3A_83, %parallel_loop3A_84 : i32
        %parallel_loop3A_86 = arith.index_cast %parallel_loop3A_85 : i32 to index
        %parallel_loop3A_87 = arith.constant 0 : index
        %parallel_loop3A_88 = tpu.vector_load %arg7[%parallel_loop3A_86, %parallel_loop3A_87] {strides = array<i32>} : memref<96x384xf32, #tpu.memory_space<vmem>>, vector<1x16xf32>,
        %parallel_loop3A_89 = vector.shape_cast %parallel_loop3A_88 : vector<1x16xf32> to vector<16xf32>
        %parallel_loop3A_90 = arith.addf %parallel_loop3A_81, %parallel_loop3A_89 : vector<16xf32>
        %parallel_loop3A_91 = arith.constant 6 : i32
        %parallel_loop3A_92 = arith.muli %parallel_loop3A_75, %parallel_loop3A_91 : i32
        %parallel_loop3A_93 = arith.constant 2 : i32
        %parallel_loop3A_94 = arith.addi %parallel_loop3A_92, %parallel_loop3A_93 : i32
        %parallel_loop3A_95 = arith.index_cast %parallel_loop3A_94 : i32 to index
        %parallel_loop3A_96 = arith.constant 0 : index
        %parallel_loop3A_97 = tpu.vector_load %arg7[%parallel_loop3A_95, %parallel_loop3A_96] {strides = array<i32>} : memref<96x384xf32, #tpu.memory_space<vmem>>, vector<1x16xf32>,
        %parallel_loop3A_98 = vector.shape_cast %parallel_loop3A_97 : vector<1x16xf32> to vector<16xf32>
        %parallel_loop3A_99 = arith.addf %parallel_loop3A_90, %parallel_loop3A_98 : vector<16xf32>
        %parallel_loop3A_100 = arith.constant 6 : i32
        %parallel_loop3A_101 = arith.muli %parallel_loop3A_75, %parallel_loop3A_100 : i32
        %parallel_loop3A_102 = arith.constant 3 : i32
        %parallel_loop3A_103 = arith.addi %parallel_loop3A_101, %parallel_loop3A_102 : i32
        %parallel_loop3A_104 = arith.index_cast %parallel_loop3A_103 : i32 to index
        %parallel_loop3A_105 = arith.constant 0 : index
        %parallel_loop3A_106 = tpu.vector_load %arg7[%parallel_loop3A_104, %parallel_loop3A_105] {strides = array<i32>} : memref<96x384xf32, #tpu.memory_space<vmem>>, vector<1x16xf32>,
        %parallel_loop3A_107 = vector.shape_cast %parallel_loop3A_106 : vector<1x16xf32> to vector<16xf32>
        %parallel_loop3A_108 = arith.addf %parallel_loop3A_99, %parallel_loop3A_107 : vector<16xf32>
        %parallel_loop3A_109 = arith.constant 6 : i32
        %parallel_loop3A_110 = arith.muli %parallel_loop3A_75, %parallel_loop3A_109 : i32
        %parallel_loop3A_111 = arith.constant 4 : i32
        %parallel_loop3A_112 = arith.addi %parallel_loop3A_110, %parallel_loop3A_111 : i32
        %parallel_loop3A_113 = arith.index_cast %parallel_loop3A_112 : i32 to index
        %parallel_loop3A_114 = arith.constant 0 : index
        %parallel_loop3A_115 = tpu.vector_load %arg7[%parallel_loop3A_113, %parallel_loop3A_114] {strides = array<i32>} : memref<96x384xf32, #tpu.memory_space<vmem>>, vector<1x16xf32>,
        %parallel_loop3A_116 = vector.shape_cast %parallel_loop3A_115 : vector<1x16xf32> to vector<16xf32>
        %parallel_loop3A_117 = arith.addf %parallel_loop3A_108, %parallel_loop3A_116 : vector<16xf32>
        %parallel_loop3A_118 = arith.constant 6 : i32
        %parallel_loop3A_119 = arith.muli %parallel_loop3A_75, %parallel_loop3A_118 : i32
        %parallel_loop3A_120 = arith.constant 5 : i32
        %parallel_loop3A_121 = arith.addi %parallel_loop3A_119, %parallel_loop3A_120 : i32
        %parallel_loop3A_122 = arith.index_cast %parallel_loop3A_121 : i32 to index
        %parallel_loop3A_123 = arith.constant 0 : index
        %parallel_loop3A_124 = tpu.vector_load %arg7[%parallel_loop3A_122, %parallel_loop3A_123] {strides = array<i32>} : memref<96x384xf32, #tpu.memory_space<vmem>>, vector<1x16xf32>,
        %parallel_loop3A_125 = vector.shape_cast %parallel_loop3A_124 : vector<1x16xf32> to vector<16xf32>
        %parallel_loop3A_126 = arith.addf %parallel_loop3A_117, %parallel_loop3A_125 : vector<16xf32>
        %parallel_loop3A_127 = arith.index_cast %parallel_loop3A_75 : i32 to index
        %parallel_loop3A_128 = arith.constant 0 : index
        %parallel_loop3A_129 = tpu.vector_load %arg9[%parallel_loop3A_127, %parallel_loop3A_128] {strides = array<i32>} : memref<16x384xf32, #tpu.memory_space<vmem>>, vector<1x16xf32>,
        %parallel_loop3A_130 = vector.shape_cast %parallel_loop3A_129 : vector<1x16xf32> to vector<16xf32>
        %parallel_loop3A_131 = vector.shape_cast %parallel_loop3A_126 : vector<16xf32> to vector<1x16xf32>
        tpu.vector_store %arg9[%parallel_loop3A_127, %parallel_loop3A_128], %parallel_loop3A_131 {strides = array<i32>} : memref<16x384xf32, #tpu.memory_space<vmem>>, vector<1x16xf32>,
        %parallel_loop3A_132 = arith.constant 6 : i32
        %parallel_loop3A_133 = arith.muli %parallel_loop3A_75, %parallel_loop3A_132 : i32
        %parallel_loop3A_134 = arith.index_cast %parallel_loop3A_133 : i32 to index
        %parallel_loop3A_135 = arith.constant 16 : index
        %parallel_loop3A_136 = tpu.vector_load %arg7[%parallel_loop3A_134, %parallel_loop3A_135] {strides = array<i32>} : memref<96x384xf32, #tpu.memory_space<vmem>>, vector<1x16xf32>,
        %parallel_loop3A_137 = vector.shape_cast %parallel_loop3A_136 : vector<1x16xf32> to vector<16xf32>
        %parallel_loop3A_138 = arith.constant 6 : i32
        %parallel_loop3A_139 = arith.muli %parallel_loop3A_75, %parallel_loop3A_138 : i32
        %parallel_loop3A_140 = arith.constant 1 : i32
        %parallel_loop3A_141 = arith.addi %parallel_loop3A_139, %parallel_loop3A_140 : i32
        %parallel_loop3A_142 = arith.index_cast %parallel_loop3A_141 : i32 to index
        %parallel_loop3A_143 = arith.constant 16 : index
        %parallel_loop3A_144 = tpu.vector_load %arg7[%parallel_loop3A_142, %parallel_loop3A_143] {strides = array<i32>} : memref<96x384xf32, #tpu.memory_space<vmem>>, vector<1x16xf32>,
        %parallel_loop3A_145 = vector.shape_cast %parallel_loop3A_144 : vector<1x16xf32> to vector<16xf32>
        %parallel_loop3A_146 = arith.addf %parallel_loop3A_137, %parallel_loop3A_145 : vector<16xf32>
        %parallel_loop3A_147 = arith.constant 6 : i32
        %parallel_loop3A_148 = arith.muli %parallel_loop3A_75, %parallel_loop3A_147 : i32
        %parallel_loop3A_149 = arith.constant 2 : i32
        %parallel_loop3A_150 = arith.addi %parallel_loop3A_148, %parallel_loop3A_149 : i32
        %parallel_loop3A_151 = arith.index_cast %parallel_loop3A_150 : i32 to index
        %parallel_loop3A_152 = arith.constant 16 : index
        %parallel_loop3A_153 = tpu.vector_load %arg7[%parallel_loop3A_151, %parallel_loop3A_152] {strides = array<i32>} : memref<96x384xf32, #tpu.memory_space<vmem>>, vector<1x16xf32>,
        %parallel_loop3A_154 = vector.shape_cast %parallel_loop3A_153 : vector<1x16xf32> to vector<16xf32>
        %parallel_loop3A_155 = arith.addf %parallel_loop3A_146, %parallel_loop3A_154 : vector<16xf32>
        %parallel_loop3A_156 = arith.constant 6 : i32
        %parallel_loop3A_157 = arith.muli %parallel_loop3A_75, %parallel_loop3A_156 : i32
        %parallel_loop3A_158 = arith.constant 3 : i32
        %parallel_loop3A_159 = arith.addi %parallel_loop3A_157, %parallel_loop3A_158 : i32
        %parallel_loop3A_160 = arith.index_cast %parallel_loop3A_159 : i32 to index
        %parallel_loop3A_161 = arith.constant 16 : index
        %parallel_loop3A_162 = tpu.vector_load %arg7[%parallel_loop3A_160, %parallel_loop3A_161] {strides = array<i32>} : memref<96x384xf32, #tpu.memory_space<vmem>>, vector<1x16xf32>,
        %parallel_loop3A_163 = vector.shape_cast %parallel_loop3A_162 : vector<1x16xf32> to vector<16xf32>
        %parallel_loop3A_164 = arith.addf %parallel_loop3A_155, %parallel_loop3A_163 : vector<16xf32>
        %parallel_loop3A_165 = arith.constant 6 : i32
        %parallel_loop3A_166 = arith.muli %parallel_loop3A_75, %parallel_loop3A_165 : i32
        %parallel_loop3A_167 = arith.constant 4 : i32
        %parallel_loop3A_168 = arith.addi %parallel_loop3A_166, %parallel_loop3A_167 : i32
        %parallel_loop3A_169 = arith.index_cast %parallel_loop3A_168 : i32 to index
        %parallel_loop3A_170 = arith.constant 16 : index
        %parallel_loop3A_171 = tpu.vector_load %arg7[%parallel_loop3A_169, %parallel_loop3A_170] {strides = array<i32>} : memref<96x384xf32, #tpu.memory_space<vmem>>, vector<1x16xf32>,
        %parallel_loop3A_172 = vector.shape_cast %parallel_loop3A_171 : vector<1x16xf32> to vector<16xf32>
        %parallel_loop3A_173 = arith.addf %parallel_loop3A_164, %parallel_loop3A_172 : vector<16xf32>
        %parallel_loop3A_174 = arith.constant 6 : i32
        %parallel_loop3A_175 = arith.muli %parallel_loop3A_75, %parallel_loop3A_174 : i32
        %parallel_loop3A_176 = arith.constant 5 : i32
        %parallel_loop3A_177 = arith.addi %parallel_loop3A_175, %parallel_loop3A_176 : i32
        %parallel_loop3A_178 = arith.index_cast %parallel_loop3A_177 : i32 to index
        %parallel_loop3A_179 = arith.constant 16 : index
        %parallel_loop3A_180 = tpu.vector_load %arg7[%parallel_loop3A_178, %parallel_loop3A_179] {strides = array<i32>} : memref<96x384xf32, #tpu.memory_space<vmem>>, vector<1x16xf32>,
        %parallel_loop3A_181 = vector.shape_cast %parallel_loop3A_180 : vector<1x16xf32> to vector<16xf32>
        %parallel_loop3A_182 = arith.addf %parallel_loop3A_173, %parallel_loop3A_181 : vector<16xf32>
        %parallel_loop3A_183 = arith.index_cast %parallel_loop3A_75 : i32 to index
        %parallel_loop3A_184 = arith.constant 16 : index
        %parallel_loop3A_185 = tpu.vector_load %arg9[%parallel_loop3A_183, %parallel_loop3A_184] {strides = array<i32>} : memref<16x384xf32, #tpu.memory_space<vmem>>, vector<1x16xf32>,
        %parallel_loop3A_186 = vector.shape_cast %parallel_loop3A_185 : vector<1x16xf32> to vector<16xf32>
        %parallel_loop3A_187 = vector.shape_cast %parallel_loop3A_182 : vector<16xf32> to vector<1x16xf32>
        tpu.vector_store %arg9[%parallel_loop3A_183, %parallel_loop3A_184], %parallel_loop3A_187 {strides = array<i32>} : memref<16x384xf32, #tpu.memory_space<vmem>>, vector<1x16xf32>,
        %parallel_loop3A_188 = arith.constant 6 : i32
        %parallel_loop3A_189 = arith.muli %parallel_loop3A_75, %parallel_loop3A_188 : i32
        %parallel_loop3A_190 = arith.index_cast %parallel_loop3A_189 : i32 to index
        %parallel_loop3A_191 = arith.constant 32 : index
        %parallel_loop3A_192 = tpu.vector_load %arg7[%parallel_loop3A_190, %parallel_loop3A_191] {strides = array<i32>} : memref<96x384xf32, #tpu.memory_space<vmem>>, vector<1x16xf32>,
        %parallel_loop3A_193 = vector.shape_cast %parallel_loop3A_192 : vector<1x16xf32> to vector<16xf32>
        %parallel_loop3A_194 = arith.constant 6 : i32
        %parallel_loop3A_195 = arith.muli %parallel_loop3A_75, %parallel_loop3A_194 : i32
        %parallel_loop3A_196 = arith.constant 1 : i32
        %parallel_loop3A_197 = arith.addi %parallel_loop3A_195, %parallel_loop3A_196 : i32
        %parallel_loop3A_198 = arith.index_cast %parallel_loop3A_197 : i32 to index
        %parallel_loop3A_199 = arith.constant 32 : index
        %parallel_loop3A_200 = tpu.vector_load %arg7[%parallel_loop3A_198, %parallel_loop3A_199] {strides = array<i32>} : memref<96x384xf32, #tpu.memory_space<vmem>>, vector<1x16xf32>,
        %parallel_loop3A_201 = vector.shape_cast %parallel_loop3A_200 : vector<1x16xf32> to vector<16xf32>
        %parallel_loop3A_202 = arith.addf %parallel_loop3A_193, %parallel_loop3A_201 : vector<16xf32>
        %parallel_loop3A_203 = arith.constant 6 : i32
        %parallel_loop3A_204 = arith.muli %parallel_loop3A_75, %parallel_loop3A_203 : i32
        %parallel_loop3A_205 = arith.constant 2 : i32
        %parallel_loop3A_206 = arith.addi %parallel_loop3A_204, %parallel_loop3A_205 : i32
        %parallel_loop3A_207 = arith.index_cast %parallel_loop3A_206 : i32 to index
        %parallel_loop3A_208 = arith.constant 32 : index
        %parallel_loop3A_209 = tpu.vector_load %arg7[%parallel_loop3A_207, %parallel_loop3A_208] {strides = array<i32>} : memref<96x384xf32, #tpu.memory_space<vmem>>, vector<1x16xf32>,
        %parallel_loop3A_210 = vector.shape_cast %parallel_loop3A_209 : vector<1x16xf32> to vector<16xf32>
        %parallel_loop3A_211 = arith.addf %parallel_loop3A_202, %parallel_loop3A_210 : vector<16xf32>
        %parallel_loop3A_212 = arith.constant 6 : i32
        %parallel_loop3A_213 = arith.muli %parallel_loop3A_75, %parallel_loop3A_212 : i32
        %parallel_loop3A_214 = arith.constant 3 : i32
        %parallel_loop3A_215 = arith.addi %parallel_loop3A_213, %parallel_loop3A_214 : i32
        %parallel_loop3A_216 = arith.index_cast %parallel_loop3A_215 : i32 to index
        %parallel_loop3A_217 = arith.constant 32 : index
        %parallel_loop3A_218 = tpu.vector_load %arg7[%parallel_loop3A_216, %parallel_loop3A_217] {strides = array<i32>} : memref<96x384xf32, #tpu.memory_space<vmem>>, vector<1x16xf32>,
        %parallel_loop3A_219 = vector.shape_cast %parallel_loop3A_218 : vector<1x16xf32> to vector<16xf32>
        %parallel_loop3A_220 = arith.addf %parallel_loop3A_211, %parallel_loop3A_219 : vector<16xf32>
        %parallel_loop3A_221 = arith.constant 6 : i32
        %parallel_loop3A_222 = arith.muli %parallel_loop3A_75, %parallel_loop3A_221 : i32
        %parallel_loop3A_223 = arith.constant 4 : i32
        %parallel_loop3A_224 = arith.addi %parallel_loop3A_222, %parallel_loop3A_223 : i32
        %parallel_loop3A_225 = arith.index_cast %parallel_loop3A_224 : i32 to index
        %parallel_loop3A_226 = arith.constant 32 : index
        %parallel_loop3A_227 = tpu.vector_load %arg7[%parallel_loop3A_225, %parallel_loop3A_226] {strides = array<i32>} : memref<96x384xf32, #tpu.memory_space<vmem>>, vector<1x16xf32>,
        %parallel_loop3A_228 = vector.shape_cast %parallel_loop3A_227 : vector<1x16xf32> to vector<16xf32>
        %parallel_loop3A_229 = arith.addf %parallel_loop3A_220, %parallel_loop3A_228 : vector<16xf32>
        %parallel_loop3A_230 = arith.constant 6 : i32
        %parallel_loop3A_231 = arith.muli %parallel_loop3A_75, %parallel_loop3A_230 : i32
        %parallel_loop3A_232 = arith.constant 5 : i32
        %parallel_loop3A_233 = arith.addi %parallel_loop3A_231, %parallel_loop3A_232 : i32
        %parallel_loop3A_234 = arith.index_cast %parallel_loop3A_233 : i32 to index
        %parallel_loop3A_235 = arith.constant 32 : index
        %parallel_loop3A_236 = tpu.vector_load %arg7[%parallel_loop3A_234, %parallel_loop3A_235] {strides = array<i32>} : memref<96x384xf32, #tpu.memory_space<vmem>>, vector<1x16xf32>,
        %parallel_loop3A_237 = vector.shape_cast %parallel_loop3A_236 : vector<1x16xf32> to vector<16xf32>
        %parallel_loop3A_238 = arith.addf %parallel_loop3A_229, %parallel_loop3A_237 : vector<16xf32>
        %parallel_loop3A_239 = arith.index_cast %parallel_loop3A_75 : i32 to index
        %parallel_loop3A_240 = arith.constant 32 : index
        %parallel_loop3A_241 = tpu.vector_load %arg9[%parallel_loop3A_239, %parallel_loop3A_240] {strides = array<i32>} : memref<16x384xf32, #tpu.memory_space<vmem>>, vector<1x16xf32>,
        %parallel_loop3A_242 = vector.shape_cast %parallel_loop3A_241 : vector<1x16xf32> to vector<16xf32>
        %parallel_loop3A_243 = vector.shape_cast %parallel_loop3A_238 : vector<16xf32> to vector<1x16xf32>
        tpu.vector_store %arg9[%parallel_loop3A_239, %parallel_loop3A_240], %parallel_loop3A_243 {strides = array<i32>} : memref<16x384xf32, #tpu.memory_space<vmem>>, vector<1x16xf32>,
        %parallel_loop3A_244 = arith.constant 6 : i32
        %parallel_loop3A_245 = arith.muli %parallel_loop3A_75, %parallel_loop3A_244 : i32
        %parallel_loop3A_246 = arith.index_cast %parallel_loop3A_245 : i32 to index
        %parallel_loop3A_247 = arith.constant 48 : index
        %parallel_loop3A_248 = tpu.vector_load %arg7[%parallel_loop3A_246, %parallel_loop3A_247] {strides = array<i32>} : memref<96x384xf32, #tpu.memory_space<vmem>>, vector<1x16xf32>,
        %parallel_loop3A_249 = vector.shape_cast %parallel_loop3A_248 : vector<1x16xf32> to vector<16xf32>
        %parallel_loop3A_250 = arith.constant 6 : i32
        %parallel_loop3A_251 = arith.muli %parallel_loop3A_75, %parallel_loop3A_250 : i32
        %parallel_loop3A_252 = arith.constant 1 : i32
        %parallel_loop3A_253 = arith.addi %parallel_loop3A_251, %parallel_loop3A_252 : i32
        %parallel_loop3A_254 = arith.index_cast %parallel_loop3A_253 : i32 to index
        %parallel_loop3A_255 = arith.constant 48 : index
        %parallel_loop3A_256 = tpu.vector_load %arg7[%parallel_loop3A_254, %parallel_loop3A_255] {strides = array<i32>} : memref<96x384xf32, #tpu.memory_space<vmem>>, vector<1x16xf32>,
        %parallel_loop3A_257 = vector.shape_cast %parallel_loop3A_256 : vector<1x16xf32> to vector<16xf32>
        %parallel_loop3A_258 = arith.addf %parallel_loop3A_249, %parallel_loop3A_257 : vector<16xf32>
        %parallel_loop3A_259 = arith.constant 6 : i32
        %parallel_loop3A_260 = arith.muli %parallel_loop3A_75, %parallel_loop3A_259 : i32
        %parallel_loop3A_261 = arith.constant 2 : i32
        %parallel_loop3A_262 = arith.addi %parallel_loop3A_260, %parallel_loop3A_261 : i32
        %parallel_loop3A_263 = arith.index_cast %parallel_loop3A_262 : i32 to index
        %parallel_loop3A_264 = arith.constant 48 : index
        %parallel_loop3A_265 = tpu.vector_load %arg7[%parallel_loop3A_263, %parallel_loop3A_264] {strides = array<i32>} : memref<96x384xf32, #tpu.memory_space<vmem>>, vector<1x16xf32>,
        %parallel_loop3A_266 = vector.shape_cast %parallel_loop3A_265 : vector<1x16xf32> to vector<16xf32>
        %parallel_loop3A_267 = arith.addf %parallel_loop3A_258, %parallel_loop3A_266 : vector<16xf32>
        %parallel_loop3A_268 = arith.constant 6 : i32
        %parallel_loop3A_269 = arith.muli %parallel_loop3A_75, %parallel_loop3A_268 : i32
        %parallel_loop3A_270 = arith.constant 3 : i32
        %parallel_loop3A_271 = arith.addi %parallel_loop3A_269, %parallel_loop3A_270 : i32
        %parallel_loop3A_272 = arith.index_cast %parallel_loop3A_271 : i32 to index
        %parallel_loop3A_273 = arith.constant 48 : index
        %parallel_loop3A_274 = tpu.vector_load %arg7[%parallel_loop3A_272, %parallel_loop3A_273] {strides = array<i32>} : memref<96x384xf32, #tpu.memory_space<vmem>>, vector<1x16xf32>,
        %parallel_loop3A_275 = vector.shape_cast %parallel_loop3A_274 : vector<1x16xf32> to vector<16xf32>
        %parallel_loop3A_276 = arith.addf %parallel_loop3A_267, %parallel_loop3A_275 : vector<16xf32>
        %parallel_loop3A_277 = arith.constant 6 : i32
        %parallel_loop3A_278 = arith.muli %parallel_loop3A_75, %parallel_loop3A_277 : i32
        %parallel_loop3A_279 = arith.constant 4 : i32
        %parallel_loop3A_280 = arith.addi %parallel_loop3A_278, %parallel_loop3A_279 : i32
        %parallel_loop3A_281 = arith.index_cast %parallel_loop3A_280 : i32 to index
        %parallel_loop3A_282 = arith.constant 48 : index
        %parallel_loop3A_283 = tpu.vector_load %arg7[%parallel_loop3A_281, %parallel_loop3A_282] {strides = array<i32>} : memref<96x384xf32, #tpu.memory_space<vmem>>, vector<1x16xf32>,
        %parallel_loop3A_284 = vector.shape_cast %parallel_loop3A_283 : vector<1x16xf32> to vector<16xf32>
        %parallel_loop3A_285 = arith.addf %parallel_loop3A_276, %parallel_loop3A_284 : vector<16xf32>
        %parallel_loop3A_286 = arith.constant 6 : i32
        %parallel_loop3A_287 = arith.muli %parallel_loop3A_75, %parallel_loop3A_286 : i32
        %parallel_loop3A_288 = arith.constant 5 : i32
        %parallel_loop3A_289 = arith.addi %parallel_loop3A_287, %parallel_loop3A_288 : i32
        %parallel_loop3A_290 = arith.index_cast %parallel_loop3A_289 : i32 to index
        %parallel_loop3A_291 = arith.constant 48 : index
        %parallel_loop3A_292 = tpu.vector_load %arg7[%parallel_loop3A_290, %parallel_loop3A_291] {strides = array<i32>} : memref<96x384xf32, #tpu.memory_space<vmem>>, vector<1x16xf32>,
        %parallel_loop3A_293 = vector.shape_cast %parallel_loop3A_292 : vector<1x16xf32> to vector<16xf32>
        %parallel_loop3A_294 = arith.addf %parallel_loop3A_285, %parallel_loop3A_293 : vector<16xf32>
        %parallel_loop3A_295 = arith.index_cast %parallel_loop3A_75 : i32 to index
        %parallel_loop3A_296 = arith.constant 48 : index
        %parallel_loop3A_297 = tpu.vector_load %arg9[%parallel_loop3A_295, %parallel_loop3A_296] {strides = array<i32>} : memref<16x384xf32, #tpu.memory_space<vmem>>, vector<1x16xf32>,
        %parallel_loop3A_298 = vector.shape_cast %parallel_loop3A_297 : vector<1x16xf32> to vector<16xf32>
        %parallel_loop3A_299 = vector.shape_cast %parallel_loop3A_294 : vector<16xf32> to vector<1x16xf32>
        tpu.vector_store %arg9[%parallel_loop3A_295, %parallel_loop3A_296], %parallel_loop3A_299 {strides = array<i32>} : memref<16x384xf32, #tpu.memory_space<vmem>>, vector<1x16xf32>,
        %parallel_loop3A_300 = arith.constant 6 : i32
        %parallel_loop3A_301 = arith.muli %parallel_loop3A_75, %parallel_loop3A_300 : i32
        %parallel_loop3A_302 = arith.index_cast %parallel_loop3A_301 : i32 to index
        %parallel_loop3A_303 = arith.constant 64 : index
        %parallel_loop3A_304 = tpu.vector_load %arg7[%parallel_loop3A_302, %parallel_loop3A_303] {strides = array<i32>} : memref<96x384xf32, #tpu.memory_space<vmem>>, vector<1x16xf32>,
        %parallel_loop3A_305 = vector.shape_cast %parallel_loop3A_304 : vector<1x16xf32> to vector<16xf32>
        %parallel_loop3A_306 = arith.constant 6 : i32
        %parallel_loop3A_307 = arith.muli %parallel_loop3A_75, %parallel_loop3A_306 : i32
        %parallel_loop3A_308 = arith.constant 1 : i32
        %parallel_loop3A_309 = arith.addi %parallel_loop3A_307, %parallel_loop3A_308 : i32
        %parallel_loop3A_310 = arith.index_cast %parallel_loop3A_309 : i32 to index
        %parallel_loop3A_311 = arith.constant 64 : index
        %parallel_loop3A_312 = tpu.vector_load %arg7[%parallel_loop3A_310, %parallel_loop3A_311] {strides = array<i32>} : memref<96x384xf32, #tpu.memory_space<vmem>>, vector<1x16xf32>,
        %parallel_loop3A_313 = vector.shape_cast %parallel_loop3A_312 : vector<1x16xf32> to vector<16xf32>
        %parallel_loop3A_314 = arith.addf %parallel_loop3A_305, %parallel_loop3A_313 : vector<16xf32>
        %parallel_loop3A_315 = arith.constant 6 : i32
        %parallel_loop3A_316 = arith.muli %parallel_loop3A_75, %parallel_loop3A_315 : i32
        %parallel_loop3A_317 = arith.constant 2 : i32
        %parallel_loop3A_318 = arith.addi %parallel_loop3A_316, %parallel_loop3A_317 : i32
        %parallel_loop3A_319 = arith.index_cast %parallel_loop3A_318 : i32 to index
        %parallel_loop3A_320 = arith.constant 64 : index
        %parallel_loop3A_321 = tpu.vector_load %arg7[%parallel_loop3A_319, %parallel_loop3A_320] {strides = array<i32>} : memref<96x384xf32, #tpu.memory_space<vmem>>, vector<1x16xf32>,
        %parallel_loop3A_322 = vector.shape_cast %parallel_loop3A_321 : vector<1x16xf32> to vector<16xf32>
        %parallel_loop3A_323 = arith.addf %parallel_loop3A_314, %parallel_loop3A_322 : vector<16xf32>
        %parallel_loop3A_324 = arith.constant 6 : i32
        %parallel_loop3A_325 = arith.muli %parallel_loop3A_75, %parallel_loop3A_324 : i32
        %parallel_loop3A_326 = arith.constant 3 : i32
        %parallel_loop3A_327 = arith.addi %parallel_loop3A_325, %parallel_loop3A_326 : i32
        %parallel_loop3A_328 = arith.index_cast %parallel_loop3A_327 : i32 to index
        %parallel_loop3A_329 = arith.constant 64 : index
        %parallel_loop3A_330 = tpu.vector_load %arg7[%parallel_loop3A_328, %parallel_loop3A_329] {strides = array<i32>} : memref<96x384xf32, #tpu.memory_space<vmem>>, vector<1x16xf32>,
        %parallel_loop3A_331 = vector.shape_cast %parallel_loop3A_330 : vector<1x16xf32> to vector<16xf32>
        %parallel_loop3A_332 = arith.addf %parallel_loop3A_323, %parallel_loop3A_331 : vector<16xf32>
        %parallel_loop3A_333 = arith.constant 6 : i32
        %parallel_loop3A_334 = arith.muli %parallel_loop3A_75, %parallel_loop3A_333 : i32
        %parallel_loop3A_335 = arith.constant 4 : i32
        %parallel_loop3A_336 = arith.addi %parallel_loop3A_334, %parallel_loop3A_335 : i32
        %parallel_loop3A_337 = arith.index_cast %parallel_loop3A_336 : i32 to index
        %parallel_loop3A_338 = arith.constant 64 : index
        %parallel_loop3A_339 = tpu.vector_load %arg7[%parallel_loop3A_337, %parallel_loop3A_338] {strides = array<i32>} : memref<96x384xf32, #tpu.memory_space<vmem>>, vector<1x16xf32>,
        %parallel_loop3A_340 = vector.shape_cast %parallel_loop3A_339 : vector<1x16xf32> to vector<16xf32>
        %parallel_loop3A_341 = arith.addf %parallel_loop3A_332, %parallel_loop3A_340 : vector<16xf32>
        %parallel_loop3A_342 = arith.constant 6 : i32
        %parallel_loop3A_343 = arith.muli %parallel_loop3A_75, %parallel_loop3A_342 : i32
        %parallel_loop3A_344 = arith.constant 5 : i32
        %parallel_loop3A_345 = arith.addi %parallel_loop3A_343, %parallel_loop3A_344 : i32
        %parallel_loop3A_346 = arith.index_cast %parallel_loop3A_345 : i32 to index
        %parallel_loop3A_347 = arith.constant 64 : index
        %parallel_loop3A_348 = tpu.vector_load %arg7[%parallel_loop3A_346, %parallel_loop3A_347] {strides = array<i32>} : memref<96x384xf32, #tpu.memory_space<vmem>>, vector<1x16xf32>,
        %parallel_loop3A_349 = vector.shape_cast %parallel_loop3A_348 : vector<1x16xf32> to vector<16xf32>
        %parallel_loop3A_350 = arith.addf %parallel_loop3A_341, %parallel_loop3A_349 : vector<16xf32>
        %parallel_loop3A_351 = arith.index_cast %parallel_loop3A_75 : i32 to index
        %parallel_loop3A_352 = arith.constant 64 : index
        %parallel_loop3A_353 = tpu.vector_load %arg9[%parallel_loop3A_351, %parallel_loop3A_352] {strides = array<i32>} : memref<16x384xf32, #tpu.memory_space<vmem>>, vector<1x16xf32>,
        %parallel_loop3A_354 = vector.shape_cast %parallel_loop3A_353 : vector<1x16xf32> to vector<16xf32>
        %parallel_loop3A_355 = vector.shape_cast %parallel_loop3A_350 : vector<16xf32> to vector<1x16xf32>
        tpu.vector_store %arg9[%parallel_loop3A_351, %parallel_loop3A_352], %parallel_loop3A_355 {strides = array<i32>} : memref<16x384xf32, #tpu.memory_space<vmem>>, vector<1x16xf32>,
        %parallel_loop3A_356 = arith.constant 6 : i32
        %parallel_loop3A_357 = arith.muli %parallel_loop3A_75, %parallel_loop3A_356 : i32
        %parallel_loop3A_358 = arith.index_cast %parallel_loop3A_357 : i32 to index
        %parallel_loop3A_359 = arith.constant 80 : index
        %parallel_loop3A_360 = tpu.vector_load %arg7[%parallel_loop3A_358, %parallel_loop3A_359] {strides = array<i32>} : memref<96x384xf32, #tpu.memory_space<vmem>>, vector<1x16xf32>,
        %parallel_loop3A_361 = vector.shape_cast %parallel_loop3A_360 : vector<1x16xf32> to vector<16xf32>
        %parallel_loop3A_362 = arith.constant 6 : i32
        %parallel_loop3A_363 = arith.muli %parallel_loop3A_75, %parallel_loop3A_362 : i32
        %parallel_loop3A_364 = arith.constant 1 : i32
        %parallel_loop3A_365 = arith.addi %parallel_loop3A_363, %parallel_loop3A_364 : i32
        %parallel_loop3A_366 = arith.index_cast %parallel_loop3A_365 : i32 to index
        %parallel_loop3A_367 = arith.constant 80 : index
        %parallel_loop3A_368 = tpu.vector_load %arg7[%parallel_loop3A_366, %parallel_loop3A_367] {strides = array<i32>} : memref<96x384xf32, #tpu.memory_space<vmem>>, vector<1x16xf32>,
        %parallel_loop3A_369 = vector.shape_cast %parallel_loop3A_368 : vector<1x16xf32> to vector<16xf32>
        %parallel_loop3A_370 = arith.addf %parallel_loop3A_361, %parallel_loop3A_369 : vector<16xf32>
        %parallel_loop3A_371 = arith.constant 6 : i32
        %parallel_loop3A_372 = arith.muli %parallel_loop3A_75, %parallel_loop3A_371 : i32
        %parallel_loop3A_373 = arith.constant 2 : i32
        %parallel_loop3A_374 = arith.addi %parallel_loop3A_372, %parallel_loop3A_373 : i32
        %parallel_loop3A_375 = arith.index_cast %parallel_loop3A_374 : i32 to index
        %parallel_loop3A_376 = arith.constant 80 : index
        %parallel_loop3A_377 = tpu.vector_load %arg7[%parallel_loop3A_375, %parallel_loop3A_376] {strides = array<i32>} : memref<96x384xf32, #tpu.memory_space<vmem>>, vector<1x16xf32>,
        %parallel_loop3A_378 = vector.shape_cast %parallel_loop3A_377 : vector<1x16xf32> to vector<16xf32>
        %parallel_loop3A_379 = arith.addf %parallel_loop3A_370, %parallel_loop3A_378 : vector<16xf32>
        %parallel_loop3A_380 = arith.constant 6 : i32
        %parallel_loop3A_381 = arith.muli %parallel_loop3A_75, %parallel_loop3A_380 : i32
        %parallel_loop3A_382 = arith.constant 3 : i32
        %parallel_loop3A_383 = arith.addi %parallel_loop3A_381, %parallel_loop3A_382 : i32
        %parallel_loop3A_384 = arith.index_cast %parallel_loop3A_383 : i32 to index
        %parallel_loop3A_385 = arith.constant 80 : index
        %parallel_loop3A_386 = tpu.vector_load %arg7[%parallel_loop3A_384, %parallel_loop3A_385] {strides = array<i32>} : memref<96x384xf32, #tpu.memory_space<vmem>>, vector<1x16xf32>,
        %parallel_loop3A_387 = vector.shape_cast %parallel_loop3A_386 : vector<1x16xf32> to vector<16xf32>
        %parallel_loop3A_388 = arith.addf %parallel_loop3A_379, %parallel_loop3A_387 : vector<16xf32>
        %parallel_loop3A_389 = arith.constant 6 : i32
        %parallel_loop3A_390 = arith.muli %parallel_loop3A_75, %parallel_loop3A_389 : i32
        %parallel_loop3A_391 = arith.constant 4 : i32
        %parallel_loop3A_392 = arith.addi %parallel_loop3A_390, %parallel_loop3A_391 : i32
        %parallel_loop3A_393 = arith.index_cast %parallel_loop3A_392 : i32 to index
        %parallel_loop3A_394 = arith.constant 80 : index
        %parallel_loop3A_395 = tpu.vector_load %arg7[%parallel_loop3A_393, %parallel_loop3A_394] {strides = array<i32>} : memref<96x384xf32, #tpu.memory_space<vmem>>, vector<1x16xf32>,
        %parallel_loop3A_396 = vector.shape_cast %parallel_loop3A_395 : vector<1x16xf32> to vector<16xf32>
        %parallel_loop3A_397 = arith.addf %parallel_loop3A_388, %parallel_loop3A_396 : vector<16xf32>
        %parallel_loop3A_398 = arith.constant 6 : i32
        %parallel_loop3A_399 = arith.muli %parallel_loop3A_75, %parallel_loop3A_398 : i32
        %parallel_loop3A_400 = arith.constant 5 : i32
        %parallel_loop3A_401 = arith.addi %parallel_loop3A_399, %parallel_loop3A_400 : i32
        %parallel_loop3A_402 = arith.index_cast %parallel_loop3A_401 : i32 to index
        %parallel_loop3A_403 = arith.constant 80 : index
        %parallel_loop3A_404 = tpu.vector_load %arg7[%parallel_loop3A_402, %parallel_loop3A_403] {strides = array<i32>} : memref<96x384xf32, #tpu.memory_space<vmem>>, vector<1x16xf32>,
        %parallel_loop3A_405 = vector.shape_cast %parallel_loop3A_404 : vector<1x16xf32> to vector<16xf32>
        %parallel_loop3A_406 = arith.addf %parallel_loop3A_397, %parallel_loop3A_405 : vector<16xf32>
        %parallel_loop3A_407 = arith.index_cast %parallel_loop3A_75 : i32 to index
        %parallel_loop3A_408 = arith.constant 80 : index
        %parallel_loop3A_409 = tpu.vector_load %arg9[%parallel_loop3A_407, %parallel_loop3A_408] {strides = array<i32>} : memref<16x384xf32, #tpu.memory_space<vmem>>, vector<1x16xf32>,
        %parallel_loop3A_410 = vector.shape_cast %parallel_loop3A_409 : vector<1x16xf32> to vector<16xf32>
        %parallel_loop3A_411 = vector.shape_cast %parallel_loop3A_406 : vector<16xf32> to vector<1x16xf32>
        tpu.vector_store %arg9[%parallel_loop3A_407, %parallel_loop3A_408], %parallel_loop3A_411 {strides = array<i32>} : memref<16x384xf32, #tpu.memory_space<vmem>>, vector<1x16xf32>,
        %parallel_loop3A_412 = arith.constant 6 : i32
        %parallel_loop3A_413 = arith.muli %parallel_loop3A_75, %parallel_loop3A_412 : i32
        %parallel_loop3A_414 = arith.index_cast %parallel_loop3A_413 : i32 to index
        %parallel_loop3A_415 = arith.constant 96 : index
        %parallel_loop3A_416 = tpu.vector_load %arg7[%parallel_loop3A_414, %parallel_loop3A_415] {strides = array<i32>} : memref<96x384xf32, #tpu.memory_space<vmem>>, vector<1x16xf32>,
        %parallel_loop3A_417 = vector.shape_cast %parallel_loop3A_416 : vector<1x16xf32> to vector<16xf32>
        %parallel_loop3A_418 = arith.constant 6 : i32
        %parallel_loop3A_419 = arith.muli %parallel_loop3A_75, %parallel_loop3A_418 : i32
        %parallel_loop3A_420 = arith.constant 1 : i32
        %parallel_loop3A_421 = arith.addi %parallel_loop3A_419, %parallel_loop3A_420 : i32
        %parallel_loop3A_422 = arith.index_cast %parallel_loop3A_421 : i32 to index
        %parallel_loop3A_423 = arith.constant 96 : index
        %parallel_loop3A_424 = tpu.vector_load %arg7[%parallel_loop3A_422, %parallel_loop3A_423] {strides = array<i32>} : memref<96x384xf32, #tpu.memory_space<vmem>>, vector<1x16xf32>,
        %parallel_loop3A_425 = vector.shape_cast %parallel_loop3A_424 : vector<1x16xf32> to vector<16xf32>
        %parallel_loop3A_426 = arith.addf %parallel_loop3A_417, %parallel_loop3A_425 : vector<16xf32>
        %parallel_loop3A_427 = arith.constant 6 : i32
        %parallel_loop3A_428 = arith.muli %parallel_loop3A_75, %parallel_loop3A_427 : i32
        %parallel_loop3A_429 = arith.constant 2 : i32
        %parallel_loop3A_430 = arith.addi %parallel_loop3A_428, %parallel_loop3A_429 : i32
        %parallel_loop3A_431 = arith.index_cast %parallel_loop3A_430 : i32 to index
        %parallel_loop3A_432 = arith.constant 96 : index
        %parallel_loop3A_433 = tpu.vector_load %arg7[%parallel_loop3A_431, %parallel_loop3A_432] {strides = array<i32>} : memref<96x384xf32, #tpu.memory_space<vmem>>, vector<1x16xf32>,
        %parallel_loop3A_434 = vector.shape_cast %parallel_loop3A_433 : vector<1x16xf32> to vector<16xf32>
        %parallel_loop3A_435 = arith.addf %parallel_loop3A_426, %parallel_loop3A_434 : vector<16xf32>
        %parallel_loop3A_436 = arith.constant 6 : i32
        %parallel_loop3A_437 = arith.muli %parallel_loop3A_75, %parallel_loop3A_436 : i32
        %parallel_loop3A_438 = arith.constant 3 : i32
        %parallel_loop3A_439 = arith.addi %parallel_loop3A_437, %parallel_loop3A_438 : i32
        %parallel_loop3A_440 = arith.index_cast %parallel_loop3A_439 : i32 to index
        %parallel_loop3A_441 = arith.constant 96 : index
        %parallel_loop3A_442 = tpu.vector_load %arg7[%parallel_loop3A_440, %parallel_loop3A_441] {strides = array<i32>} : memref<96x384xf32, #tpu.memory_space<vmem>>, vector<1x16xf32>,
        %parallel_loop3A_443 = vector.shape_cast %parallel_loop3A_442 : vector<1x16xf32> to vector<16xf32>
        %parallel_loop3A_444 = arith.addf %parallel_loop3A_435, %parallel_loop3A_443 : vector<16xf32>
        %parallel_loop3A_445 = arith.constant 6 : i32
        %parallel_loop3A_446 = arith.muli %parallel_loop3A_75, %parallel_loop3A_445 : i32
        %parallel_loop3A_447 = arith.constant 4 : i32
        %parallel_loop3A_448 = arith.addi %parallel_loop3A_446, %parallel_loop3A_447 : i32
        %parallel_loop3A_449 = arith.index_cast %parallel_loop3A_448 : i32 to index
        %parallel_loop3A_450 = arith.constant 96 : index
        %parallel_loop3A_451 = tpu.vector_load %arg7[%parallel_loop3A_449, %parallel_loop3A_450] {strides = array<i32>} : memref<96x384xf32, #tpu.memory_space<vmem>>, vector<1x16xf32>,
        %parallel_loop3A_452 = vector.shape_cast %parallel_loop3A_451 : vector<1x16xf32> to vector<16xf32>
        %parallel_loop3A_453 = arith.addf %parallel_loop3A_444, %parallel_loop3A_452 : vector<16xf32>
        %parallel_loop3A_454 = arith.constant 6 : i32
        %parallel_loop3A_455 = arith.muli %parallel_loop3A_75, %parallel_loop3A_454 : i32
        %parallel_loop3A_456 = arith.constant 5 : i32
        %parallel_loop3A_457 = arith.addi %parallel_loop3A_455, %parallel_loop3A_456 : i32
        %parallel_loop3A_458 = arith.index_cast %parallel_loop3A_457 : i32 to index
        %parallel_loop3A_459 = arith.constant 96 : index
        %parallel_loop3A_460 = tpu.vector_load %arg7[%parallel_loop3A_458, %parallel_loop3A_459] {strides = array<i32>} : memref<96x384xf32, #tpu.memory_space<vmem>>, vector<1x16xf32>,
        %parallel_loop3A_461 = vector.shape_cast %parallel_loop3A_460 : vector<1x16xf32> to vector<16xf32>
        %parallel_loop3A_462 = arith.addf %parallel_loop3A_453, %parallel_loop3A_461 : vector<16xf32>
        %parallel_loop3A_463 = arith.index_cast %parallel_loop3A_75 : i32 to index
        %parallel_loop3A_464 = arith.constant 96 : index
        %parallel_loop3A_465 = tpu.vector_load %arg9[%parallel_loop3A_463, %parallel_loop3A_464] {strides = array<i32>} : memref<16x384xf32, #tpu.memory_space<vmem>>, vector<1x16xf32>,
        %parallel_loop3A_466 = vector.shape_cast %parallel_loop3A_465 : vector<1x16xf32> to vector<16xf32>
        %parallel_loop3A_467 = vector.shape_cast %parallel_loop3A_462 : vector<16xf32> to vector<1x16xf32>
        tpu.vector_store %arg9[%parallel_loop3A_463, %parallel_loop3A_464], %parallel_loop3A_467 {strides = array<i32>} : memref<16x384xf32, #tpu.memory_space<vmem>>, vector<1x16xf32>,
        %parallel_loop3A_468 = arith.constant 6 : i32
        %parallel_loop3A_469 = arith.muli %parallel_loop3A_75, %parallel_loop3A_468 : i32
        %parallel_loop3A_470 = arith.index_cast %parallel_loop3A_469 : i32 to index
        %parallel_loop3A_471 = arith.constant 112 : index
        %parallel_loop3A_472 = tpu.vector_load %arg7[%parallel_loop3A_470, %parallel_loop3A_471] {strides = array<i32>} : memref<96x384xf32, #tpu.memory_space<vmem>>, vector<1x16xf32>,
        %parallel_loop3A_473 = vector.shape_cast %parallel_loop3A_472 : vector<1x16xf32> to vector<16xf32>
        %parallel_loop3A_474 = arith.constant 6 : i32
        %parallel_loop3A_475 = arith.muli %parallel_loop3A_75, %parallel_loop3A_474 : i32
        %parallel_loop3A_476 = arith.constant 1 : i32
        %parallel_loop3A_477 = arith.addi %parallel_loop3A_475, %parallel_loop3A_476 : i32
        %parallel_loop3A_478 = arith.index_cast %parallel_loop3A_477 : i32 to index
        %parallel_loop3A_479 = arith.constant 112 : index
        %parallel_loop3A_480 = tpu.vector_load %arg7[%parallel_loop3A_478, %parallel_loop3A_479] {strides = array<i32>} : memref<96x384xf32, #tpu.memory_space<vmem>>, vector<1x16xf32>,
        %parallel_loop3A_481 = vector.shape_cast %parallel_loop3A_480 : vector<1x16xf32> to vector<16xf32>
        %parallel_loop3A_482 = arith.addf %parallel_loop3A_473, %parallel_loop3A_481 : vector<16xf32>
        %parallel_loop3A_483 = arith.constant 6 : i32
        %parallel_loop3A_484 = arith.muli %parallel_loop3A_75, %parallel_loop3A_483 : i32
        %parallel_loop3A_485 = arith.constant 2 : i32
        %parallel_loop3A_486 = arith.addi %parallel_loop3A_484, %parallel_loop3A_485 : i32
        %parallel_loop3A_487 = arith.index_cast %parallel_loop3A_486 : i32 to index
        %parallel_loop3A_488 = arith.constant 112 : index
        %parallel_loop3A_489 = tpu.vector_load %arg7[%parallel_loop3A_487, %parallel_loop3A_488] {strides = array<i32>} : memref<96x384xf32, #tpu.memory_space<vmem>>, vector<1x16xf32>,
        %parallel_loop3A_490 = vector.shape_cast %parallel_loop3A_489 : vector<1x16xf32> to vector<16xf32>
        %parallel_loop3A_491 = arith.addf %parallel_loop3A_482, %parallel_loop3A_490 : vector<16xf32>
        %parallel_loop3A_492 = arith.constant 6 : i32
        %parallel_loop3A_493 = arith.muli %parallel_loop3A_75, %parallel_loop3A_492 : i32
        %parallel_loop3A_494 = arith.constant 3 : i32
        %parallel_loop3A_495 = arith.addi %parallel_loop3A_493, %parallel_loop3A_494 : i32
        %parallel_loop3A_496 = arith.index_cast %parallel_loop3A_495 : i32 to index
        %parallel_loop3A_497 = arith.constant 112 : index
        %parallel_loop3A_498 = tpu.vector_load %arg7[%parallel_loop3A_496, %parallel_loop3A_497] {strides = array<i32>} : memref<96x384xf32, #tpu.memory_space<vmem>>, vector<1x16xf32>,
        %parallel_loop3A_499 = vector.shape_cast %parallel_loop3A_498 : vector<1x16xf32> to vector<16xf32>
        %parallel_loop3A_500 = arith.addf %parallel_loop3A_491, %parallel_loop3A_499 : vector<16xf32>
        %parallel_loop3A_501 = arith.constant 6 : i32
        %parallel_loop3A_502 = arith.muli %parallel_loop3A_75, %parallel_loop3A_501 : i32
        %parallel_loop3A_503 = arith.constant 4 : i32
        %parallel_loop3A_504 = arith.addi %parallel_loop3A_502, %parallel_loop3A_503 : i32
        %parallel_loop3A_505 = arith.index_cast %parallel_loop3A_504 : i32 to index
        %parallel_loop3A_506 = arith.constant 112 : index
        %parallel_loop3A_507 = tpu.vector_load %arg7[%parallel_loop3A_505, %parallel_loop3A_506] {strides = array<i32>} : memref<96x384xf32, #tpu.memory_space<vmem>>, vector<1x16xf32>,
        %parallel_loop3A_508 = vector.shape_cast %parallel_loop3A_507 : vector<1x16xf32> to vector<16xf32>
        %parallel_loop3A_509 = arith.addf %parallel_loop3A_500, %parallel_loop3A_508 : vector<16xf32>
        %parallel_loop3A_510 = arith.constant 6 : i32
        %parallel_loop3A_511 = arith.muli %parallel_loop3A_75, %parallel_loop3A_510 : i32
        %parallel_loop3A_512 = arith.constant 5 : i32
        %parallel_loop3A_513 = arith.addi %parallel_loop3A_511, %parallel_loop3A_512 : i32
        %parallel_loop3A_514 = arith.index_cast %parallel_loop3A_513 : i32 to index
        %parallel_loop3A_515 = arith.constant 112 : index
        %parallel_loop3A_516 = tpu.vector_load %arg7[%parallel_loop3A_514, %parallel_loop3A_515] {strides = array<i32>} : memref<96x384xf32, #tpu.memory_space<vmem>>, vector<1x16xf32>,
        %parallel_loop3A_517 = vector.shape_cast %parallel_loop3A_516 : vector<1x16xf32> to vector<16xf32>
        %parallel_loop3A_518 = arith.addf %parallel_loop3A_509, %parallel_loop3A_517 : vector<16xf32>
        %parallel_loop3A_519 = arith.index_cast %parallel_loop3A_75 : i32 to index
        %parallel_loop3A_520 = arith.constant 112 : index
        %parallel_loop3A_521 = tpu.vector_load %arg9[%parallel_loop3A_519, %parallel_loop3A_520] {strides = array<i32>} : memref<16x384xf32, #tpu.memory_space<vmem>>, vector<1x16xf32>,
        %parallel_loop3A_522 = vector.shape_cast %parallel_loop3A_521 : vector<1x16xf32> to vector<16xf32>
        %parallel_loop3A_523 = vector.shape_cast %parallel_loop3A_518 : vector<16xf32> to vector<1x16xf32>
        tpu.vector_store %arg9[%parallel_loop3A_519, %parallel_loop3A_520], %parallel_loop3A_523 {strides = array<i32>} : memref<16x384xf32, #tpu.memory_space<vmem>>, vector<1x16xf32>,
        %parallel_loop3A_524 = arith.constant 6 : i32
        %parallel_loop3A_525 = arith.muli %parallel_loop3A_75, %parallel_loop3A_524 : i32
        %parallel_loop3A_526 = arith.index_cast %parallel_loop3A_525 : i32 to index
        %parallel_loop3A_527 = arith.constant 128 : index
        %parallel_loop3A_528 = tpu.vector_load %arg7[%parallel_loop3A_526, %parallel_loop3A_527] {strides = array<i32>} : memref<96x384xf32, #tpu.memory_space<vmem>>, vector<1x16xf32>,
        %parallel_loop3A_529 = vector.shape_cast %parallel_loop3A_528 : vector<1x16xf32> to vector<16xf32>
        %parallel_loop3A_530 = arith.constant 6 : i32
        %parallel_loop3A_531 = arith.muli %parallel_loop3A_75, %parallel_loop3A_530 : i32
        %parallel_loop3A_532 = arith.constant 1 : i32
        %parallel_loop3A_533 = arith.addi %parallel_loop3A_531, %parallel_loop3A_532 : i32
        %parallel_loop3A_534 = arith.index_cast %parallel_loop3A_533 : i32 to index
        %parallel_loop3A_535 = arith.constant 128 : index
        %parallel_loop3A_536 = tpu.vector_load %arg7[%parallel_loop3A_534, %parallel_loop3A_535] {strides = array<i32>} : memref<96x384xf32, #tpu.memory_space<vmem>>, vector<1x16xf32>,
        %parallel_loop3A_537 = vector.shape_cast %parallel_loop3A_536 : vector<1x16xf32> to vector<16xf32>
        %parallel_loop3A_538 = arith.addf %parallel_loop3A_529, %parallel_loop3A_537 : vector<16xf32>
        %parallel_loop3A_539 = arith.constant 6 : i32
        %parallel_loop3A_540 = arith.muli %parallel_loop3A_75, %parallel_loop3A_539 : i32
        %parallel_loop3A_541 = arith.constant 2 : i32
        %parallel_loop3A_542 = arith.addi %parallel_loop3A_540, %parallel_loop3A_541 : i32
        %parallel_loop3A_543 = arith.index_cast %parallel_loop3A_542 : i32 to index
        %parallel_loop3A_544 = arith.constant 128 : index
        %parallel_loop3A_545 = tpu.vector_load %arg7[%parallel_loop3A_543, %parallel_loop3A_544] {strides = array<i32>} : memref<96x384xf32, #tpu.memory_space<vmem>>, vector<1x16xf32>,
        %parallel_loop3A_546 = vector.shape_cast %parallel_loop3A_545 : vector<1x16xf32> to vector<16xf32>
        %parallel_loop3A_547 = arith.addf %parallel_loop3A_538, %parallel_loop3A_546 : vector<16xf32>
        %parallel_loop3A_548 = arith.constant 6 : i32
        %parallel_loop3A_549 = arith.muli %parallel_loop3A_75, %parallel_loop3A_548 : i32
        %parallel_loop3A_550 = arith.constant 3 : i32
        %parallel_loop3A_551 = arith.addi %parallel_loop3A_549, %parallel_loop3A_550 : i32
        %parallel_loop3A_552 = arith.index_cast %parallel_loop3A_551 : i32 to index
        %parallel_loop3A_553 = arith.constant 128 : index
        %parallel_loop3A_554 = tpu.vector_load %arg7[%parallel_loop3A_552, %parallel_loop3A_553] {strides = array<i32>} : memref<96x384xf32, #tpu.memory_space<vmem>>, vector<1x16xf32>,
        %parallel_loop3A_555 = vector.shape_cast %parallel_loop3A_554 : vector<1x16xf32> to vector<16xf32>
        %parallel_loop3A_556 = arith.addf %parallel_loop3A_547, %parallel_loop3A_555 : vector<16xf32>
        %parallel_loop3A_557 = arith.constant 6 : i32
        %parallel_loop3A_558 = arith.muli %parallel_loop3A_75, %parallel_loop3A_557 : i32
        %parallel_loop3A_559 = arith.constant 4 : i32
        %parallel_loop3A_560 = arith.addi %parallel_loop3A_558, %parallel_loop3A_559 : i32
        %parallel_loop3A_561 = arith.index_cast %parallel_loop3A_560 : i32 to index
        %parallel_loop3A_562 = arith.constant 128 : index
        %parallel_loop3A_563 = tpu.vector_load %arg7[%parallel_loop3A_561, %parallel_loop3A_562] {strides = array<i32>} : memref<96x384xf32, #tpu.memory_space<vmem>>, vector<1x16xf32>,
        %parallel_loop3A_564 = vector.shape_cast %parallel_loop3A_563 : vector<1x16xf32> to vector<16xf32>
        %parallel_loop3A_565 = arith.addf %parallel_loop3A_556, %parallel_loop3A_564 : vector<16xf32>
        %parallel_loop3A_566 = arith.constant 6 : i32
        %parallel_loop3A_567 = arith.muli %parallel_loop3A_75, %parallel_loop3A_566 : i32
        %parallel_loop3A_568 = arith.constant 5 : i32
        %parallel_loop3A_569 = arith.addi %parallel_loop3A_567, %parallel_loop3A_568 : i32
        %parallel_loop3A_570 = arith.index_cast %parallel_loop3A_569 : i32 to index
        %parallel_loop3A_571 = arith.constant 128 : index
        %parallel_loop3A_572 = tpu.vector_load %arg7[%parallel_loop3A_570, %parallel_loop3A_571] {strides = array<i32>} : memref<96x384xf32, #tpu.memory_space<vmem>>, vector<1x16xf32>,
        %parallel_loop3A_573 = vector.shape_cast %parallel_loop3A_572 : vector<1x16xf32> to vector<16xf32>
        %parallel_loop3A_574 = arith.addf %parallel_loop3A_565, %parallel_loop3A_573 : vector<16xf32>
        %parallel_loop3A_575 = arith.index_cast %parallel_loop3A_75 : i32 to index
        %parallel_loop3A_576 = arith.constant 128 : index
        %parallel_loop3A_577 = tpu.vector_load %arg9[%parallel_loop3A_575, %parallel_loop3A_576] {strides = array<i32>} : memref<16x384xf32, #tpu.memory_space<vmem>>, vector<1x16xf32>,
        %parallel_loop3A_578 = vector.shape_cast %parallel_loop3A_577 : vector<1x16xf32> to vector<16xf32>
        %parallel_loop3A_579 = vector.shape_cast %parallel_loop3A_574 : vector<16xf32> to vector<1x16xf32>
        tpu.vector_store %arg9[%parallel_loop3A_575, %parallel_loop3A_576], %parallel_loop3A_579 {strides = array<i32>} : memref<16x384xf32, #tpu.memory_space<vmem>>, vector<1x16xf32>,
        %parallel_loop3A_580 = arith.constant 6 : i32
        %parallel_loop3A_581 = arith.muli %parallel_loop3A_75, %parallel_loop3A_580 : i32
        %parallel_loop3A_582 = arith.index_cast %parallel_loop3A_581 : i32 to index
        %parallel_loop3A_583 = arith.constant 144 : index
        %parallel_loop3A_584 = tpu.vector_load %arg7[%parallel_loop3A_582, %parallel_loop3A_583] {strides = array<i32>} : memref<96x384xf32, #tpu.memory_space<vmem>>, vector<1x16xf32>,
        %parallel_loop3A_585 = vector.shape_cast %parallel_loop3A_584 : vector<1x16xf32> to vector<16xf32>
        %parallel_loop3A_586 = arith.constant 6 : i32
        %parallel_loop3A_587 = arith.muli %parallel_loop3A_75, %parallel_loop3A_586 : i32
        %parallel_loop3A_588 = arith.constant 1 : i32
        %parallel_loop3A_589 = arith.addi %parallel_loop3A_587, %parallel_loop3A_588 : i32
        %parallel_loop3A_590 = arith.index_cast %parallel_loop3A_589 : i32 to index
        %parallel_loop3A_591 = arith.constant 144 : index
        %parallel_loop3A_592 = tpu.vector_load %arg7[%parallel_loop3A_590, %parallel_loop3A_591] {strides = array<i32>} : memref<96x384xf32, #tpu.memory_space<vmem>>, vector<1x16xf32>,
        %parallel_loop3A_593 = vector.shape_cast %parallel_loop3A_592 : vector<1x16xf32> to vector<16xf32>
        %parallel_loop3A_594 = arith.addf %parallel_loop3A_585, %parallel_loop3A_593 : vector<16xf32>
        %parallel_loop3A_595 = arith.constant 6 : i32
        %parallel_loop3A_596 = arith.muli %parallel_loop3A_75, %parallel_loop3A_595 : i32
        %parallel_loop3A_597 = arith.constant 2 : i32
        %parallel_loop3A_598 = arith.addi %parallel_loop3A_596, %parallel_loop3A_597 : i32
        %parallel_loop3A_599 = arith.index_cast %parallel_loop3A_598 : i32 to index
        %parallel_loop3A_600 = arith.constant 144 : index
        %parallel_loop3A_601 = tpu.vector_load %arg7[%parallel_loop3A_599, %parallel_loop3A_600] {strides = array<i32>} : memref<96x384xf32, #tpu.memory_space<vmem>>, vector<1x16xf32>,
        %parallel_loop3A_602 = vector.shape_cast %parallel_loop3A_601 : vector<1x16xf32> to vector<16xf32>
        %parallel_loop3A_603 = arith.addf %parallel_loop3A_594, %parallel_loop3A_602 : vector<16xf32>
        %parallel_loop3A_604 = arith.constant 6 : i32
        %parallel_loop3A_605 = arith.muli %parallel_loop3A_75, %parallel_loop3A_604 : i32
        %parallel_loop3A_606 = arith.constant 3 : i32
        %parallel_loop3A_607 = arith.addi %parallel_loop3A_605, %parallel_loop3A_606 : i32
        %parallel_loop3A_608 = arith.index_cast %parallel_loop3A_607 : i32 to index
        %parallel_loop3A_609 = arith.constant 144 : index
        %parallel_loop3A_610 = tpu.vector_load %arg7[%parallel_loop3A_608, %parallel_loop3A_609] {strides = array<i32>} : memref<96x384xf32, #tpu.memory_space<vmem>>, vector<1x16xf32>,
        %parallel_loop3A_611 = vector.shape_cast %parallel_loop3A_610 : vector<1x16xf32> to vector<16xf32>
        %parallel_loop3A_612 = arith.addf %parallel_loop3A_603, %parallel_loop3A_611 : vector<16xf32>
        %parallel_loop3A_613 = arith.constant 6 : i32
        %parallel_loop3A_614 = arith.muli %parallel_loop3A_75, %parallel_loop3A_613 : i32
        %parallel_loop3A_615 = arith.constant 4 : i32
        %parallel_loop3A_616 = arith.addi %parallel_loop3A_614, %parallel_loop3A_615 : i32
        %parallel_loop3A_617 = arith.index_cast %parallel_loop3A_616 : i32 to index
        %parallel_loop3A_618 = arith.constant 144 : index
        %parallel_loop3A_619 = tpu.vector_load %arg7[%parallel_loop3A_617, %parallel_loop3A_618] {strides = array<i32>} : memref<96x384xf32, #tpu.memory_space<vmem>>, vector<1x16xf32>,
        %parallel_loop3A_620 = vector.shape_cast %parallel_loop3A_619 : vector<1x16xf32> to vector<16xf32>
        %parallel_loop3A_621 = arith.addf %parallel_loop3A_612, %parallel_loop3A_620 : vector<16xf32>
        %parallel_loop3A_622 = arith.constant 6 : i32
        %parallel_loop3A_623 = arith.muli %parallel_loop3A_75, %parallel_loop3A_622 : i32
        %parallel_loop3A_624 = arith.constant 5 : i32
        %parallel_loop3A_625 = arith.addi %parallel_loop3A_623, %parallel_loop3A_624 : i32
        %parallel_loop3A_626 = arith.index_cast %parallel_loop3A_625 : i32 to index
        %parallel_loop3A_627 = arith.constant 144 : index
        %parallel_loop3A_628 = tpu.vector_load %arg7[%parallel_loop3A_626, %parallel_loop3A_627] {strides = array<i32>} : memref<96x384xf32, #tpu.memory_space<vmem>>, vector<1x16xf32>,
        %parallel_loop3A_629 = vector.shape_cast %parallel_loop3A_628 : vector<1x16xf32> to vector<16xf32>
        %parallel_loop3A_630 = arith.addf %parallel_loop3A_621, %parallel_loop3A_629 : vector<16xf32>
        %parallel_loop3A_631 = arith.index_cast %parallel_loop3A_75 : i32 to index
        %parallel_loop3A_632 = arith.constant 144 : index
        %parallel_loop3A_633 = tpu.vector_load %arg9[%parallel_loop3A_631, %parallel_loop3A_632] {strides = array<i32>} : memref<16x384xf32, #tpu.memory_space<vmem>>, vector<1x16xf32>,
        %parallel_loop3A_634 = vector.shape_cast %parallel_loop3A_633 : vector<1x16xf32> to vector<16xf32>
        %parallel_loop3A_635 = vector.shape_cast %parallel_loop3A_630 : vector<16xf32> to vector<1x16xf32>
        tpu.vector_store %arg9[%parallel_loop3A_631, %parallel_loop3A_632], %parallel_loop3A_635 {strides = array<i32>} : memref<16x384xf32, #tpu.memory_space<vmem>>, vector<1x16xf32>,
        %parallel_loop3A_636 = arith.constant 6 : i32
        %parallel_loop3A_637 = arith.muli %parallel_loop3A_75, %parallel_loop3A_636 : i32
        %parallel_loop3A_638 = arith.index_cast %parallel_loop3A_637 : i32 to index
        %parallel_loop3A_639 = arith.constant 160 : index
        %parallel_loop3A_640 = tpu.vector_load %arg7[%parallel_loop3A_638, %parallel_loop3A_639] {strides = array<i32>} : memref<96x384xf32, #tpu.memory_space<vmem>>, vector<1x16xf32>,
        %parallel_loop3A_641 = vector.shape_cast %parallel_loop3A_640 : vector<1x16xf32> to vector<16xf32>
        %parallel_loop3A_642 = arith.constant 6 : i32
        %parallel_loop3A_643 = arith.muli %parallel_loop3A_75, %parallel_loop3A_642 : i32
        %parallel_loop3A_644 = arith.constant 1 : i32
        %parallel_loop3A_645 = arith.addi %parallel_loop3A_643, %parallel_loop3A_644 : i32
        %parallel_loop3A_646 = arith.index_cast %parallel_loop3A_645 : i32 to index
        %parallel_loop3A_647 = arith.constant 160 : index
        %parallel_loop3A_648 = tpu.vector_load %arg7[%parallel_loop3A_646, %parallel_loop3A_647] {strides = array<i32>} : memref<96x384xf32, #tpu.memory_space<vmem>>, vector<1x16xf32>,
        %parallel_loop3A_649 = vector.shape_cast %parallel_loop3A_648 : vector<1x16xf32> to vector<16xf32>
        %parallel_loop3A_650 = arith.addf %parallel_loop3A_641, %parallel_loop3A_649 : vector<16xf32>
        %parallel_loop3A_651 = arith.constant 6 : i32
        %parallel_loop3A_652 = arith.muli %parallel_loop3A_75, %parallel_loop3A_651 : i32
        %parallel_loop3A_653 = arith.constant 2 : i32
        %parallel_loop3A_654 = arith.addi %parallel_loop3A_652, %parallel_loop3A_653 : i32
        %parallel_loop3A_655 = arith.index_cast %parallel_loop3A_654 : i32 to index
        %parallel_loop3A_656 = arith.constant 160 : index
        %parallel_loop3A_657 = tpu.vector_load %arg7[%parallel_loop3A_655, %parallel_loop3A_656] {strides = array<i32>} : memref<96x384xf32, #tpu.memory_space<vmem>>, vector<1x16xf32>,
        %parallel_loop3A_658 = vector.shape_cast %parallel_loop3A_657 : vector<1x16xf32> to vector<16xf32>
        %parallel_loop3A_659 = arith.addf %parallel_loop3A_650, %parallel_loop3A_658 : vector<16xf32>
        %parallel_loop3A_660 = arith.constant 6 : i32
        %parallel_loop3A_661 = arith.muli %parallel_loop3A_75, %parallel_loop3A_660 : i32
        %parallel_loop3A_662 = arith.constant 3 : i32
        %parallel_loop3A_663 = arith.addi %parallel_loop3A_661, %parallel_loop3A_662 : i32
        %parallel_loop3A_664 = arith.index_cast %parallel_loop3A_663 : i32 to index
        %parallel_loop3A_665 = arith.constant 160 : index
        %parallel_loop3A_666 = tpu.vector_load %arg7[%parallel_loop3A_664, %parallel_loop3A_665] {strides = array<i32>} : memref<96x384xf32, #tpu.memory_space<vmem>>, vector<1x16xf32>,
        %parallel_loop3A_667 = vector.shape_cast %parallel_loop3A_666 : vector<1x16xf32> to vector<16xf32>
        %parallel_loop3A_668 = arith.addf %parallel_loop3A_659, %parallel_loop3A_667 : vector<16xf32>
        %parallel_loop3A_669 = arith.constant 6 : i32
        %parallel_loop3A_670 = arith.muli %parallel_loop3A_75, %parallel_loop3A_669 : i32
        %parallel_loop3A_671 = arith.constant 4 : i32
        %parallel_loop3A_672 = arith.addi %parallel_loop3A_670, %parallel_loop3A_671 : i32
        %parallel_loop3A_673 = arith.index_cast %parallel_loop3A_672 : i32 to index
        %parallel_loop3A_674 = arith.constant 160 : index
        %parallel_loop3A_675 = tpu.vector_load %arg7[%parallel_loop3A_673, %parallel_loop3A_674] {strides = array<i32>} : memref<96x384xf32, #tpu.memory_space<vmem>>, vector<1x16xf32>,
        %parallel_loop3A_676 = vector.shape_cast %parallel_loop3A_675 : vector<1x16xf32> to vector<16xf32>
        %parallel_loop3A_677 = arith.addf %parallel_loop3A_668, %parallel_loop3A_676 : vector<16xf32>
        %parallel_loop3A_678 = arith.constant 6 : i32
        %parallel_loop3A_679 = arith.muli %parallel_loop3A_75, %parallel_loop3A_678 : i32
        %parallel_loop3A_680 = arith.constant 5 : i32
        %parallel_loop3A_681 = arith.addi %parallel_loop3A_679, %parallel_loop3A_680 : i32
        %parallel_loop3A_682 = arith.index_cast %parallel_loop3A_681 : i32 to index
        %parallel_loop3A_683 = arith.constant 160 : index
        %parallel_loop3A_684 = tpu.vector_load %arg7[%parallel_loop3A_682, %parallel_loop3A_683] {strides = array<i32>} : memref<96x384xf32, #tpu.memory_space<vmem>>, vector<1x16xf32>,
        %parallel_loop3A_685 = vector.shape_cast %parallel_loop3A_684 : vector<1x16xf32> to vector<16xf32>
        %parallel_loop3A_686 = arith.addf %parallel_loop3A_677, %parallel_loop3A_685 : vector<16xf32>
        %parallel_loop3A_687 = arith.index_cast %parallel_loop3A_75 : i32 to index
        %parallel_loop3A_688 = arith.constant 160 : index
        %parallel_loop3A_689 = tpu.vector_load %arg9[%parallel_loop3A_687, %parallel_loop3A_688] {strides = array<i32>} : memref<16x384xf32, #tpu.memory_space<vmem>>, vector<1x16xf32>,
        %parallel_loop3A_690 = vector.shape_cast %parallel_loop3A_689 : vector<1x16xf32> to vector<16xf32>
        %parallel_loop3A_691 = vector.shape_cast %parallel_loop3A_686 : vector<16xf32> to vector<1x16xf32>
        tpu.vector_store %arg9[%parallel_loop3A_687, %parallel_loop3A_688], %parallel_loop3A_691 {strides = array<i32>} : memref<16x384xf32, #tpu.memory_space<vmem>>, vector<1x16xf32>,
        %parallel_loop3A_692 = arith.constant 6 : i32
        %parallel_loop3A_693 = arith.muli %parallel_loop3A_75, %parallel_loop3A_692 : i32
        %parallel_loop3A_694 = arith.index_cast %parallel_loop3A_693 : i32 to index
        %parallel_loop3A_695 = arith.constant 176 : index
        %parallel_loop3A_696 = tpu.vector_load %arg7[%parallel_loop3A_694, %parallel_loop3A_695] {strides = array<i32>} : memref<96x384xf32, #tpu.memory_space<vmem>>, vector<1x16xf32>,
        %parallel_loop3A_697 = vector.shape_cast %parallel_loop3A_696 : vector<1x16xf32> to vector<16xf32>
        %parallel_loop3A_698 = arith.constant 6 : i32
        %parallel_loop3A_699 = arith.muli %parallel_loop3A_75, %parallel_loop3A_698 : i32
        %parallel_loop3A_700 = arith.constant 1 : i32
        %parallel_loop3A_701 = arith.addi %parallel_loop3A_699, %parallel_loop3A_700 : i32
        %parallel_loop3A_702 = arith.index_cast %parallel_loop3A_701 : i32 to index
        %parallel_loop3A_703 = arith.constant 176 : index
        %parallel_loop3A_704 = tpu.vector_load %arg7[%parallel_loop3A_702, %parallel_loop3A_703] {strides = array<i32>} : memref<96x384xf32, #tpu.memory_space<vmem>>, vector<1x16xf32>,
        %parallel_loop3A_705 = vector.shape_cast %parallel_loop3A_704 : vector<1x16xf32> to vector<16xf32>
        %parallel_loop3A_706 = arith.addf %parallel_loop3A_697, %parallel_loop3A_705 : vector<16xf32>
        %parallel_loop3A_707 = arith.constant 6 : i32
        %parallel_loop3A_708 = arith.muli %parallel_loop3A_75, %parallel_loop3A_707 : i32
        %parallel_loop3A_709 = arith.constant 2 : i32
        %parallel_loop3A_710 = arith.addi %parallel_loop3A_708, %parallel_loop3A_709 : i32
        %parallel_loop3A_711 = arith.index_cast %parallel_loop3A_710 : i32 to index
        %parallel_loop3A_712 = arith.constant 176 : index
        %parallel_loop3A_713 = tpu.vector_load %arg7[%parallel_loop3A_711, %parallel_loop3A_712] {strides = array<i32>} : memref<96x384xf32, #tpu.memory_space<vmem>>, vector<1x16xf32>,
        %parallel_loop3A_714 = vector.shape_cast %parallel_loop3A_713 : vector<1x16xf32> to vector<16xf32>
        %parallel_loop3A_715 = arith.addf %parallel_loop3A_706, %parallel_loop3A_714 : vector<16xf32>
        %parallel_loop3A_716 = arith.constant 6 : i32
        %parallel_loop3A_717 = arith.muli %parallel_loop3A_75, %parallel_loop3A_716 : i32
        %parallel_loop3A_718 = arith.constant 3 : i32
        %parallel_loop3A_719 = arith.addi %parallel_loop3A_717, %parallel_loop3A_718 : i32
        %parallel_loop3A_720 = arith.index_cast %parallel_loop3A_719 : i32 to index
        %parallel_loop3A_721 = arith.constant 176 : index
        %parallel_loop3A_722 = tpu.vector_load %arg7[%parallel_loop3A_720, %parallel_loop3A_721] {strides = array<i32>} : memref<96x384xf32, #tpu.memory_space<vmem>>, vector<1x16xf32>,
        %parallel_loop3A_723 = vector.shape_cast %parallel_loop3A_722 : vector<1x16xf32> to vector<16xf32>
        %parallel_loop3A_724 = arith.addf %parallel_loop3A_715, %parallel_loop3A_723 : vector<16xf32>
        %parallel_loop3A_725 = arith.constant 6 : i32
        %parallel_loop3A_726 = arith.muli %parallel_loop3A_75, %parallel_loop3A_725 : i32
        %parallel_loop3A_727 = arith.constant 4 : i32
        %parallel_loop3A_728 = arith.addi %parallel_loop3A_726, %parallel_loop3A_727 : i32
        %parallel_loop3A_729 = arith.index_cast %parallel_loop3A_728 : i32 to index
        %parallel_loop3A_730 = arith.constant 176 : index
        %parallel_loop3A_731 = tpu.vector_load %arg7[%parallel_loop3A_729, %parallel_loop3A_730] {strides = array<i32>} : memref<96x384xf32, #tpu.memory_space<vmem>>, vector<1x16xf32>,
        %parallel_loop3A_732 = vector.shape_cast %parallel_loop3A_731 : vector<1x16xf32> to vector<16xf32>
        %parallel_loop3A_733 = arith.addf %parallel_loop3A_724, %parallel_loop3A_732 : vector<16xf32>
        %parallel_loop3A_734 = arith.constant 6 : i32
        %parallel_loop3A_735 = arith.muli %parallel_loop3A_75, %parallel_loop3A_734 : i32
        %parallel_loop3A_736 = arith.constant 5 : i32
        %parallel_loop3A_737 = arith.addi %parallel_loop3A_735, %parallel_loop3A_736 : i32
        %parallel_loop3A_738 = arith.index_cast %parallel_loop3A_737 : i32 to index
        %parallel_loop3A_739 = arith.constant 176 : index
        %parallel_loop3A_740 = tpu.vector_load %arg7[%parallel_loop3A_738, %parallel_loop3A_739] {strides = array<i32>} : memref<96x384xf32, #tpu.memory_space<vmem>>, vector<1x16xf32>,
        %parallel_loop3A_741 = vector.shape_cast %parallel_loop3A_740 : vector<1x16xf32> to vector<16xf32>
        %parallel_loop3A_742 = arith.addf %parallel_loop3A_733, %parallel_loop3A_741 : vector<16xf32>
        %parallel_loop3A_743 = arith.index_cast %parallel_loop3A_75 : i32 to index
        %parallel_loop3A_744 = arith.constant 176 : index
        %parallel_loop3A_745 = tpu.vector_load %arg9[%parallel_loop3A_743, %parallel_loop3A_744] {strides = array<i32>} : memref<16x384xf32, #tpu.memory_space<vmem>>, vector<1x16xf32>,
        %parallel_loop3A_746 = vector.shape_cast %parallel_loop3A_745 : vector<1x16xf32> to vector<16xf32>
        %parallel_loop3A_747 = vector.shape_cast %parallel_loop3A_742 : vector<16xf32> to vector<1x16xf32>
        tpu.vector_store %arg9[%parallel_loop3A_743, %parallel_loop3A_744], %parallel_loop3A_747 {strides = array<i32>} : memref<16x384xf32, #tpu.memory_space<vmem>>, vector<1x16xf32>,
        %parallel_loop3A_748 = arith.constant 6 : i32
        %parallel_loop3A_749 = arith.muli %parallel_loop3A_75, %parallel_loop3A_748 : i32
        %parallel_loop3A_750 = arith.index_cast %parallel_loop3A_749 : i32 to index
        %parallel_loop3A_751 = arith.constant 192 : index
        %parallel_loop3A_752 = tpu.vector_load %arg7[%parallel_loop3A_750, %parallel_loop3A_751] {strides = array<i32>} : memref<96x384xf32, #tpu.memory_space<vmem>>, vector<1x16xf32>,
        %parallel_loop3A_753 = vector.shape_cast %parallel_loop3A_752 : vector<1x16xf32> to vector<16xf32>
        %parallel_loop3A_754 = arith.constant 6 : i32
        %parallel_loop3A_755 = arith.muli %parallel_loop3A_75, %parallel_loop3A_754 : i32
        %parallel_loop3A_756 = arith.constant 1 : i32
        %parallel_loop3A_757 = arith.addi %parallel_loop3A_755, %parallel_loop3A_756 : i32
        %parallel_loop3A_758 = arith.index_cast %parallel_loop3A_757 : i32 to index
        %parallel_loop3A_759 = arith.constant 192 : index
        %parallel_loop3A_760 = tpu.vector_load %arg7[%parallel_loop3A_758, %parallel_loop3A_759] {strides = array<i32>} : memref<96x384xf32, #tpu.memory_space<vmem>>, vector<1x16xf32>,
        %parallel_loop3A_761 = vector.shape_cast %parallel_loop3A_760 : vector<1x16xf32> to vector<16xf32>
        %parallel_loop3A_762 = arith.addf %parallel_loop3A_753, %parallel_loop3A_761 : vector<16xf32>
        %parallel_loop3A_763 = arith.constant 6 : i32
        %parallel_loop3A_764 = arith.muli %parallel_loop3A_75, %parallel_loop3A_763 : i32
        %parallel_loop3A_765 = arith.constant 2 : i32
        %parallel_loop3A_766 = arith.addi %parallel_loop3A_764, %parallel_loop3A_765 : i32
        %parallel_loop3A_767 = arith.index_cast %parallel_loop3A_766 : i32 to index
        %parallel_loop3A_768 = arith.constant 192 : index
        %parallel_loop3A_769 = tpu.vector_load %arg7[%parallel_loop3A_767, %parallel_loop3A_768] {strides = array<i32>} : memref<96x384xf32, #tpu.memory_space<vmem>>, vector<1x16xf32>,
        %parallel_loop3A_770 = vector.shape_cast %parallel_loop3A_769 : vector<1x16xf32> to vector<16xf32>
        %parallel_loop3A_771 = arith.addf %parallel_loop3A_762, %parallel_loop3A_770 : vector<16xf32>
        %parallel_loop3A_772 = arith.constant 6 : i32
        %parallel_loop3A_773 = arith.muli %parallel_loop3A_75, %parallel_loop3A_772 : i32
        %parallel_loop3A_774 = arith.constant 3 : i32
        %parallel_loop3A_775 = arith.addi %parallel_loop3A_773, %parallel_loop3A_774 : i32
        %parallel_loop3A_776 = arith.index_cast %parallel_loop3A_775 : i32 to index
        %parallel_loop3A_777 = arith.constant 192 : index
        %parallel_loop3A_778 = tpu.vector_load %arg7[%parallel_loop3A_776, %parallel_loop3A_777] {strides = array<i32>} : memref<96x384xf32, #tpu.memory_space<vmem>>, vector<1x16xf32>,
        %parallel_loop3A_779 = vector.shape_cast %parallel_loop3A_778 : vector<1x16xf32> to vector<16xf32>
        %parallel_loop3A_780 = arith.addf %parallel_loop3A_771, %parallel_loop3A_779 : vector<16xf32>
        %parallel_loop3A_781 = arith.constant 6 : i32
        %parallel_loop3A_782 = arith.muli %parallel_loop3A_75, %parallel_loop3A_781 : i32
        %parallel_loop3A_783 = arith.constant 4 : i32
        %parallel_loop3A_784 = arith.addi %parallel_loop3A_782, %parallel_loop3A_783 : i32
        %parallel_loop3A_785 = arith.index_cast %parallel_loop3A_784 : i32 to index
        %parallel_loop3A_786 = arith.constant 192 : index
        %parallel_loop3A_787 = tpu.vector_load %arg7[%parallel_loop3A_785, %parallel_loop3A_786] {strides = array<i32>} : memref<96x384xf32, #tpu.memory_space<vmem>>, vector<1x16xf32>,
        %parallel_loop3A_788 = vector.shape_cast %parallel_loop3A_787 : vector<1x16xf32> to vector<16xf32>
        %parallel_loop3A_789 = arith.addf %parallel_loop3A_780, %parallel_loop3A_788 : vector<16xf32>
        %parallel_loop3A_790 = arith.constant 6 : i32
        %parallel_loop3A_791 = arith.muli %parallel_loop3A_75, %parallel_loop3A_790 : i32
        %parallel_loop3A_792 = arith.constant 5 : i32
        %parallel_loop3A_793 = arith.addi %parallel_loop3A_791, %parallel_loop3A_792 : i32
        %parallel_loop3A_794 = arith.index_cast %parallel_loop3A_793 : i32 to index
        %parallel_loop3A_795 = arith.constant 192 : index
        %parallel_loop3A_796 = tpu.vector_load %arg7[%parallel_loop3A_794, %parallel_loop3A_795] {strides = array<i32>} : memref<96x384xf32, #tpu.memory_space<vmem>>, vector<1x16xf32>,
        %parallel_loop3A_797 = vector.shape_cast %parallel_loop3A_796 : vector<1x16xf32> to vector<16xf32>
        %parallel_loop3A_798 = arith.addf %parallel_loop3A_789, %parallel_loop3A_797 : vector<16xf32>
        %parallel_loop3A_799 = arith.index_cast %parallel_loop3A_75 : i32 to index
        %parallel_loop3A_800 = arith.constant 192 : index
        %parallel_loop3A_801 = tpu.vector_load %arg9[%parallel_loop3A_799, %parallel_loop3A_800] {strides = array<i32>} : memref<16x384xf32, #tpu.memory_space<vmem>>, vector<1x16xf32>,
        %parallel_loop3A_802 = vector.shape_cast %parallel_loop3A_801 : vector<1x16xf32> to vector<16xf32>
        %parallel_loop3A_803 = vector.shape_cast %parallel_loop3A_798 : vector<16xf32> to vector<1x16xf32>
        tpu.vector_store %arg9[%parallel_loop3A_799, %parallel_loop3A_800], %parallel_loop3A_803 {strides = array<i32>} : memref<16x384xf32, #tpu.memory_space<vmem>>, vector<1x16xf32>,
        %parallel_loop3A_804 = arith.constant 6 : i32
        %parallel_loop3A_805 = arith.muli %parallel_loop3A_75, %parallel_loop3A_804 : i32
        %parallel_loop3A_806 = arith.index_cast %parallel_loop3A_805 : i32 to index
        %parallel_loop3A_807 = arith.constant 208 : index
        %parallel_loop3A_808 = tpu.vector_load %arg7[%parallel_loop3A_806, %parallel_loop3A_807] {strides = array<i32>} : memref<96x384xf32, #tpu.memory_space<vmem>>, vector<1x16xf32>,
        %parallel_loop3A_809 = vector.shape_cast %parallel_loop3A_808 : vector<1x16xf32> to vector<16xf32>
        %parallel_loop3A_810 = arith.constant 6 : i32
        %parallel_loop3A_811 = arith.muli %parallel_loop3A_75, %parallel_loop3A_810 : i32
        %parallel_loop3A_812 = arith.constant 1 : i32
        %parallel_loop3A_813 = arith.addi %parallel_loop3A_811, %parallel_loop3A_812 : i32
        %parallel_loop3A_814 = arith.index_cast %parallel_loop3A_813 : i32 to index
        %parallel_loop3A_815 = arith.constant 208 : index
        %parallel_loop3A_816 = tpu.vector_load %arg7[%parallel_loop3A_814, %parallel_loop3A_815] {strides = array<i32>} : memref<96x384xf32, #tpu.memory_space<vmem>>, vector<1x16xf32>,
        %parallel_loop3A_817 = vector.shape_cast %parallel_loop3A_816 : vector<1x16xf32> to vector<16xf32>
        %parallel_loop3A_818 = arith.addf %parallel_loop3A_809, %parallel_loop3A_817 : vector<16xf32>
        %parallel_loop3A_819 = arith.constant 6 : i32
        %parallel_loop3A_820 = arith.muli %parallel_loop3A_75, %parallel_loop3A_819 : i32
        %parallel_loop3A_821 = arith.constant 2 : i32
        %parallel_loop3A_822 = arith.addi %parallel_loop3A_820, %parallel_loop3A_821 : i32
        %parallel_loop3A_823 = arith.index_cast %parallel_loop3A_822 : i32 to index
        %parallel_loop3A_824 = arith.constant 208 : index
        %parallel_loop3A_825 = tpu.vector_load %arg7[%parallel_loop3A_823, %parallel_loop3A_824] {strides = array<i32>} : memref<96x384xf32, #tpu.memory_space<vmem>>, vector<1x16xf32>,
        %parallel_loop3A_826 = vector.shape_cast %parallel_loop3A_825 : vector<1x16xf32> to vector<16xf32>
        %parallel_loop3A_827 = arith.addf %parallel_loop3A_818, %parallel_loop3A_826 : vector<16xf32>
        %parallel_loop3A_828 = arith.constant 6 : i32
        %parallel_loop3A_829 = arith.muli %parallel_loop3A_75, %parallel_loop3A_828 : i32
        %parallel_loop3A_830 = arith.constant 3 : i32
        %parallel_loop3A_831 = arith.addi %parallel_loop3A_829, %parallel_loop3A_830 : i32
        %parallel_loop3A_832 = arith.index_cast %parallel_loop3A_831 : i32 to index
        %parallel_loop3A_833 = arith.constant 208 : index
        %parallel_loop3A_834 = tpu.vector_load %arg7[%parallel_loop3A_832, %parallel_loop3A_833] {strides = array<i32>} : memref<96x384xf32, #tpu.memory_space<vmem>>, vector<1x16xf32>,
        %parallel_loop3A_835 = vector.shape_cast %parallel_loop3A_834 : vector<1x16xf32> to vector<16xf32>
        %parallel_loop3A_836 = arith.addf %parallel_loop3A_827, %parallel_loop3A_835 : vector<16xf32>
        %parallel_loop3A_837 = arith.constant 6 : i32
        %parallel_loop3A_838 = arith.muli %parallel_loop3A_75, %parallel_loop3A_837 : i32
        %parallel_loop3A_839 = arith.constant 4 : i32
        %parallel_loop3A_840 = arith.addi %parallel_loop3A_838, %parallel_loop3A_839 : i32
        %parallel_loop3A_841 = arith.index_cast %parallel_loop3A_840 : i32 to index
        %parallel_loop3A_842 = arith.constant 208 : index
        %parallel_loop3A_843 = tpu.vector_load %arg7[%parallel_loop3A_841, %parallel_loop3A_842] {strides = array<i32>} : memref<96x384xf32, #tpu.memory_space<vmem>>, vector<1x16xf32>,
        %parallel_loop3A_844 = vector.shape_cast %parallel_loop3A_843 : vector<1x16xf32> to vector<16xf32>
        %parallel_loop3A_845 = arith.addf %parallel_loop3A_836, %parallel_loop3A_844 : vector<16xf32>
        %parallel_loop3A_846 = arith.constant 6 : i32
        %parallel_loop3A_847 = arith.muli %parallel_loop3A_75, %parallel_loop3A_846 : i32
        %parallel_loop3A_848 = arith.constant 5 : i32
        %parallel_loop3A_849 = arith.addi %parallel_loop3A_847, %parallel_loop3A_848 : i32
        %parallel_loop3A_850 = arith.index_cast %parallel_loop3A_849 : i32 to index
        %parallel_loop3A_851 = arith.constant 208 : index
        %parallel_loop3A_852 = tpu.vector_load %arg7[%parallel_loop3A_850, %parallel_loop3A_851] {strides = array<i32>} : memref<96x384xf32, #tpu.memory_space<vmem>>, vector<1x16xf32>,
        %parallel_loop3A_853 = vector.shape_cast %parallel_loop3A_852 : vector<1x16xf32> to vector<16xf32>
        %parallel_loop3A_854 = arith.addf %parallel_loop3A_845, %parallel_loop3A_853 : vector<16xf32>
        %parallel_loop3A_855 = arith.index_cast %parallel_loop3A_75 : i32 to index
        %parallel_loop3A_856 = arith.constant 208 : index
        %parallel_loop3A_857 = tpu.vector_load %arg9[%parallel_loop3A_855, %parallel_loop3A_856] {strides = array<i32>} : memref<16x384xf32, #tpu.memory_space<vmem>>, vector<1x16xf32>,
        %parallel_loop3A_858 = vector.shape_cast %parallel_loop3A_857 : vector<1x16xf32> to vector<16xf32>
        %parallel_loop3A_859 = vector.shape_cast %parallel_loop3A_854 : vector<16xf32> to vector<1x16xf32>
        tpu.vector_store %arg9[%parallel_loop3A_855, %parallel_loop3A_856], %parallel_loop3A_859 {strides = array<i32>} : memref<16x384xf32, #tpu.memory_space<vmem>>, vector<1x16xf32>,
        %parallel_loop3A_860 = arith.constant 6 : i32
        %parallel_loop3A_861 = arith.muli %parallel_loop3A_75, %parallel_loop3A_860 : i32
        %parallel_loop3A_862 = arith.index_cast %parallel_loop3A_861 : i32 to index
        %parallel_loop3A_863 = arith.constant 224 : index
        %parallel_loop3A_864 = tpu.vector_load %arg7[%parallel_loop3A_862, %parallel_loop3A_863] {strides = array<i32>} : memref<96x384xf32, #tpu.memory_space<vmem>>, vector<1x16xf32>,
        %parallel_loop3A_865 = vector.shape_cast %parallel_loop3A_864 : vector<1x16xf32> to vector<16xf32>
        %parallel_loop3A_866 = arith.constant 6 : i32
        %parallel_loop3A_867 = arith.muli %parallel_loop3A_75, %parallel_loop3A_866 : i32
        %parallel_loop3A_868 = arith.constant 1 : i32
        %parallel_loop3A_869 = arith.addi %parallel_loop3A_867, %parallel_loop3A_868 : i32
        %parallel_loop3A_870 = arith.index_cast %parallel_loop3A_869 : i32 to index
        %parallel_loop3A_871 = arith.constant 224 : index
        %parallel_loop3A_872 = tpu.vector_load %arg7[%parallel_loop3A_870, %parallel_loop3A_871] {strides = array<i32>} : memref<96x384xf32, #tpu.memory_space<vmem>>, vector<1x16xf32>,
        %parallel_loop3A_873 = vector.shape_cast %parallel_loop3A_872 : vector<1x16xf32> to vector<16xf32>
        %parallel_loop3A_874 = arith.addf %parallel_loop3A_865, %parallel_loop3A_873 : vector<16xf32>
        %parallel_loop3A_875 = arith.constant 6 : i32
        %parallel_loop3A_876 = arith.muli %parallel_loop3A_75, %parallel_loop3A_875 : i32
        %parallel_loop3A_877 = arith.constant 2 : i32
        %parallel_loop3A_878 = arith.addi %parallel_loop3A_876, %parallel_loop3A_877 : i32
        %parallel_loop3A_879 = arith.index_cast %parallel_loop3A_878 : i32 to index
        %parallel_loop3A_880 = arith.constant 224 : index
        %parallel_loop3A_881 = tpu.vector_load %arg7[%parallel_loop3A_879, %parallel_loop3A_880] {strides = array<i32>} : memref<96x384xf32, #tpu.memory_space<vmem>>, vector<1x16xf32>,
        %parallel_loop3A_882 = vector.shape_cast %parallel_loop3A_881 : vector<1x16xf32> to vector<16xf32>
        %parallel_loop3A_883 = arith.addf %parallel_loop3A_874, %parallel_loop3A_882 : vector<16xf32>
        %parallel_loop3A_884 = arith.constant 6 : i32
        %parallel_loop3A_885 = arith.muli %parallel_loop3A_75, %parallel_loop3A_884 : i32
        %parallel_loop3A_886 = arith.constant 3 : i32
        %parallel_loop3A_887 = arith.addi %parallel_loop3A_885, %parallel_loop3A_886 : i32
        %parallel_loop3A_888 = arith.index_cast %parallel_loop3A_887 : i32 to index
        %parallel_loop3A_889 = arith.constant 224 : index
        %parallel_loop3A_890 = tpu.vector_load %arg7[%parallel_loop3A_888, %parallel_loop3A_889] {strides = array<i32>} : memref<96x384xf32, #tpu.memory_space<vmem>>, vector<1x16xf32>,
        %parallel_loop3A_891 = vector.shape_cast %parallel_loop3A_890 : vector<1x16xf32> to vector<16xf32>
        %parallel_loop3A_892 = arith.addf %parallel_loop3A_883, %parallel_loop3A_891 : vector<16xf32>
        %parallel_loop3A_893 = arith.constant 6 : i32
        %parallel_loop3A_894 = arith.muli %parallel_loop3A_75, %parallel_loop3A_893 : i32
        %parallel_loop3A_895 = arith.constant 4 : i32
        %parallel_loop3A_896 = arith.addi %parallel_loop3A_894, %parallel_loop3A_895 : i32
        %parallel_loop3A_897 = arith.index_cast %parallel_loop3A_896 : i32 to index
        %parallel_loop3A_898 = arith.constant 224 : index
        %parallel_loop3A_899 = tpu.vector_load %arg7[%parallel_loop3A_897, %parallel_loop3A_898] {strides = array<i32>} : memref<96x384xf32, #tpu.memory_space<vmem>>, vector<1x16xf32>,
        %parallel_loop3A_900 = vector.shape_cast %parallel_loop3A_899 : vector<1x16xf32> to vector<16xf32>
        %parallel_loop3A_901 = arith.addf %parallel_loop3A_892, %parallel_loop3A_900 : vector<16xf32>
        %parallel_loop3A_902 = arith.constant 6 : i32
        %parallel_loop3A_903 = arith.muli %parallel_loop3A_75, %parallel_loop3A_902 : i32
        %parallel_loop3A_904 = arith.constant 5 : i32
        %parallel_loop3A_905 = arith.addi %parallel_loop3A_903, %parallel_loop3A_904 : i32
        %parallel_loop3A_906 = arith.index_cast %parallel_loop3A_905 : i32 to index
        %parallel_loop3A_907 = arith.constant 224 : index
        %parallel_loop3A_908 = tpu.vector_load %arg7[%parallel_loop3A_906, %parallel_loop3A_907] {strides = array<i32>} : memref<96x384xf32, #tpu.memory_space<vmem>>, vector<1x16xf32>,
        %parallel_loop3A_909 = vector.shape_cast %parallel_loop3A_908 : vector<1x16xf32> to vector<16xf32>
        %parallel_loop3A_910 = arith.addf %parallel_loop3A_901, %parallel_loop3A_909 : vector<16xf32>
        %parallel_loop3A_911 = arith.index_cast %parallel_loop3A_75 : i32 to index
        %parallel_loop3A_912 = arith.constant 224 : index
        %parallel_loop3A_913 = tpu.vector_load %arg9[%parallel_loop3A_911, %parallel_loop3A_912] {strides = array<i32>} : memref<16x384xf32, #tpu.memory_space<vmem>>, vector<1x16xf32>,
        %parallel_loop3A_914 = vector.shape_cast %parallel_loop3A_913 : vector<1x16xf32> to vector<16xf32>
        %parallel_loop3A_915 = vector.shape_cast %parallel_loop3A_910 : vector<16xf32> to vector<1x16xf32>
        tpu.vector_store %arg9[%parallel_loop3A_911, %parallel_loop3A_912], %parallel_loop3A_915 {strides = array<i32>} : memref<16x384xf32, #tpu.memory_space<vmem>>, vector<1x16xf32>,
        %parallel_loop3A_916 = arith.constant 6 : i32
        %parallel_loop3A_917 = arith.muli %parallel_loop3A_75, %parallel_loop3A_916 : i32
        %parallel_loop3A_918 = arith.index_cast %parallel_loop3A_917 : i32 to index
        %parallel_loop3A_919 = arith.constant 240 : index
        %parallel_loop3A_920 = tpu.vector_load %arg7[%parallel_loop3A_918, %parallel_loop3A_919] {strides = array<i32>} : memref<96x384xf32, #tpu.memory_space<vmem>>, vector<1x16xf32>,
        %parallel_loop3A_921 = vector.shape_cast %parallel_loop3A_920 : vector<1x16xf32> to vector<16xf32>
        %parallel_loop3A_922 = arith.constant 6 : i32
        %parallel_loop3A_923 = arith.muli %parallel_loop3A_75, %parallel_loop3A_922 : i32
        %parallel_loop3A_924 = arith.constant 1 : i32
        %parallel_loop3A_925 = arith.addi %parallel_loop3A_923, %parallel_loop3A_924 : i32
        %parallel_loop3A_926 = arith.index_cast %parallel_loop3A_925 : i32 to index
        %parallel_loop3A_927 = arith.constant 240 : index
        %parallel_loop3A_928 = tpu.vector_load %arg7[%parallel_loop3A_926, %parallel_loop3A_927] {strides = array<i32>} : memref<96x384xf32, #tpu.memory_space<vmem>>, vector<1x16xf32>,
        %parallel_loop3A_929 = vector.shape_cast %parallel_loop3A_928 : vector<1x16xf32> to vector<16xf32>
        %parallel_loop3A_930 = arith.addf %parallel_loop3A_921, %parallel_loop3A_929 : vector<16xf32>
        %parallel_loop3A_931 = arith.constant 6 : i32
        %parallel_loop3A_932 = arith.muli %parallel_loop3A_75, %parallel_loop3A_931 : i32
        %parallel_loop3A_933 = arith.constant 2 : i32
        %parallel_loop3A_934 = arith.addi %parallel_loop3A_932, %parallel_loop3A_933 : i32
        %parallel_loop3A_935 = arith.index_cast %parallel_loop3A_934 : i32 to index
        %parallel_loop3A_936 = arith.constant 240 : index
        %parallel_loop3A_937 = tpu.vector_load %arg7[%parallel_loop3A_935, %parallel_loop3A_936] {strides = array<i32>} : memref<96x384xf32, #tpu.memory_space<vmem>>, vector<1x16xf32>,
        %parallel_loop3A_938 = vector.shape_cast %parallel_loop3A_937 : vector<1x16xf32> to vector<16xf32>
        %parallel_loop3A_939 = arith.addf %parallel_loop3A_930, %parallel_loop3A_938 : vector<16xf32>
        %parallel_loop3A_940 = arith.constant 6 : i32
        %parallel_loop3A_941 = arith.muli %parallel_loop3A_75, %parallel_loop3A_940 : i32
        %parallel_loop3A_942 = arith.constant 3 : i32
        %parallel_loop3A_943 = arith.addi %parallel_loop3A_941, %parallel_loop3A_942 : i32
        %parallel_loop3A_944 = arith.index_cast %parallel_loop3A_943 : i32 to index
        %parallel_loop3A_945 = arith.constant 240 : index
        %parallel_loop3A_946 = tpu.vector_load %arg7[%parallel_loop3A_944, %parallel_loop3A_945] {strides = array<i32>} : memref<96x384xf32, #tpu.memory_space<vmem>>, vector<1x16xf32>,
        %parallel_loop3A_947 = vector.shape_cast %parallel_loop3A_946 : vector<1x16xf32> to vector<16xf32>
        %parallel_loop3A_948 = arith.addf %parallel_loop3A_939, %parallel_loop3A_947 : vector<16xf32>
        %parallel_loop3A_949 = arith.constant 6 : i32
        %parallel_loop3A_950 = arith.muli %parallel_loop3A_75, %parallel_loop3A_949 : i32
        %parallel_loop3A_951 = arith.constant 4 : i32
        %parallel_loop3A_952 = arith.addi %parallel_loop3A_950, %parallel_loop3A_951 : i32
        %parallel_loop3A_953 = arith.index_cast %parallel_loop3A_952 : i32 to index
        %parallel_loop3A_954 = arith.constant 240 : index
        %parallel_loop3A_955 = tpu.vector_load %arg7[%parallel_loop3A_953, %parallel_loop3A_954] {strides = array<i32>} : memref<96x384xf32, #tpu.memory_space<vmem>>, vector<1x16xf32>,
        %parallel_loop3A_956 = vector.shape_cast %parallel_loop3A_955 : vector<1x16xf32> to vector<16xf32>
        %parallel_loop3A_957 = arith.addf %parallel_loop3A_948, %parallel_loop3A_956 : vector<16xf32>
        %parallel_loop3A_958 = arith.constant 6 : i32
        %parallel_loop3A_959 = arith.muli %parallel_loop3A_75, %parallel_loop3A_958 : i32
        %parallel_loop3A_960 = arith.constant 5 : i32
        %parallel_loop3A_961 = arith.addi %parallel_loop3A_959, %parallel_loop3A_960 : i32
        %parallel_loop3A_962 = arith.index_cast %parallel_loop3A_961 : i32 to index
        %parallel_loop3A_963 = arith.constant 240 : index
        %parallel_loop3A_964 = tpu.vector_load %arg7[%parallel_loop3A_962, %parallel_loop3A_963] {strides = array<i32>} : memref<96x384xf32, #tpu.memory_space<vmem>>, vector<1x16xf32>,
        %parallel_loop3A_965 = vector.shape_cast %parallel_loop3A_964 : vector<1x16xf32> to vector<16xf32>
        %parallel_loop3A_966 = arith.addf %parallel_loop3A_957, %parallel_loop3A_965 : vector<16xf32>
        %parallel_loop3A_967 = arith.index_cast %parallel_loop3A_75 : i32 to index
        %parallel_loop3A_968 = arith.constant 240 : index
        %parallel_loop3A_969 = tpu.vector_load %arg9[%parallel_loop3A_967, %parallel_loop3A_968] {strides = array<i32>} : memref<16x384xf32, #tpu.memory_space<vmem>>, vector<1x16xf32>,
        %parallel_loop3A_970 = vector.shape_cast %parallel_loop3A_969 : vector<1x16xf32> to vector<16xf32>
        %parallel_loop3A_971 = vector.shape_cast %parallel_loop3A_966 : vector<16xf32> to vector<1x16xf32>
        tpu.vector_store %arg9[%parallel_loop3A_967, %parallel_loop3A_968], %parallel_loop3A_971 {strides = array<i32>} : memref<16x384xf32, #tpu.memory_space<vmem>>, vector<1x16xf32>,
        %parallel_loop3A_972 = arith.constant 6 : i32
        %parallel_loop3A_973 = arith.muli %parallel_loop3A_75, %parallel_loop3A_972 : i32
        %parallel_loop3A_974 = arith.index_cast %parallel_loop3A_973 : i32 to index
        %parallel_loop3A_975 = arith.constant 256 : index
        %parallel_loop3A_976 = tpu.vector_load %arg7[%parallel_loop3A_974, %parallel_loop3A_975] {strides = array<i32>} : memref<96x384xf32, #tpu.memory_space<vmem>>, vector<1x16xf32>,
        %parallel_loop3A_977 = vector.shape_cast %parallel_loop3A_976 : vector<1x16xf32> to vector<16xf32>
        %parallel_loop3A_978 = arith.constant 6 : i32
        %parallel_loop3A_979 = arith.muli %parallel_loop3A_75, %parallel_loop3A_978 : i32
        %parallel_loop3A_980 = arith.constant 1 : i32
        %parallel_loop3A_981 = arith.addi %parallel_loop3A_979, %parallel_loop3A_980 : i32
        %parallel_loop3A_982 = arith.index_cast %parallel_loop3A_981 : i32 to index
        %parallel_loop3A_983 = arith.constant 256 : index
        %parallel_loop3A_984 = tpu.vector_load %arg7[%parallel_loop3A_982, %parallel_loop3A_983] {strides = array<i32>} : memref<96x384xf32, #tpu.memory_space<vmem>>, vector<1x16xf32>,
        %parallel_loop3A_985 = vector.shape_cast %parallel_loop3A_984 : vector<1x16xf32> to vector<16xf32>
        %parallel_loop3A_986 = arith.addf %parallel_loop3A_977, %parallel_loop3A_985 : vector<16xf32>
        %parallel_loop3A_987 = arith.constant 6 : i32
        %parallel_loop3A_988 = arith.muli %parallel_loop3A_75, %parallel_loop3A_987 : i32
        %parallel_loop3A_989 = arith.constant 2 : i32
        %parallel_loop3A_990 = arith.addi %parallel_loop3A_988, %parallel_loop3A_989 : i32
        %parallel_loop3A_991 = arith.index_cast %parallel_loop3A_990 : i32 to index
        %parallel_loop3A_992 = arith.constant 256 : index
        %parallel_loop3A_993 = tpu.vector_load %arg7[%parallel_loop3A_991, %parallel_loop3A_992] {strides = array<i32>} : memref<96x384xf32, #tpu.memory_space<vmem>>, vector<1x16xf32>,
        %parallel_loop3A_994 = vector.shape_cast %parallel_loop3A_993 : vector<1x16xf32> to vector<16xf32>
        %parallel_loop3A_995 = arith.addf %parallel_loop3A_986, %parallel_loop3A_994 : vector<16xf32>
        %parallel_loop3A_996 = arith.constant 6 : i32
        %parallel_loop3A_997 = arith.muli %parallel_loop3A_75, %parallel_loop3A_996 : i32
        %parallel_loop3A_998 = arith.constant 3 : i32
        %parallel_loop3A_999 = arith.addi %parallel_loop3A_997, %parallel_loop3A_998 : i32
        %parallel_loop3A_1000 = arith.index_cast %parallel_loop3A_999 : i32 to index
        %parallel_loop3A_1001 = arith.constant 256 : index
        %parallel_loop3A_1002 = tpu.vector_load %arg7[%parallel_loop3A_1000, %parallel_loop3A_1001] {strides = array<i32>} : memref<96x384xf32, #tpu.memory_space<vmem>>, vector<1x16xf32>,
        %parallel_loop3A_1003 = vector.shape_cast %parallel_loop3A_1002 : vector<1x16xf32> to vector<16xf32>
        %parallel_loop3A_1004 = arith.addf %parallel_loop3A_995, %parallel_loop3A_1003 : vector<16xf32>
        %parallel_loop3A_1005 = arith.constant 6 : i32
        %parallel_loop3A_1006 = arith.muli %parallel_loop3A_75, %parallel_loop3A_1005 : i32
        %parallel_loop3A_1007 = arith.constant 4 : i32
        %parallel_loop3A_1008 = arith.addi %parallel_loop3A_1006, %parallel_loop3A_1007 : i32
        %parallel_loop3A_1009 = arith.index_cast %parallel_loop3A_1008 : i32 to index
        %parallel_loop3A_1010 = arith.constant 256 : index
        %parallel_loop3A_1011 = tpu.vector_load %arg7[%parallel_loop3A_1009, %parallel_loop3A_1010] {strides = array<i32>} : memref<96x384xf32, #tpu.memory_space<vmem>>, vector<1x16xf32>,
        %parallel_loop3A_1012 = vector.shape_cast %parallel_loop3A_1011 : vector<1x16xf32> to vector<16xf32>
        %parallel_loop3A_1013 = arith.addf %parallel_loop3A_1004, %parallel_loop3A_1012 : vector<16xf32>
        %parallel_loop3A_1014 = arith.constant 6 : i32
        %parallel_loop3A_1015 = arith.muli %parallel_loop3A_75, %parallel_loop3A_1014 : i32
        %parallel_loop3A_1016 = arith.constant 5 : i32
        %parallel_loop3A_1017 = arith.addi %parallel_loop3A_1015, %parallel_loop3A_1016 : i32
        %parallel_loop3A_1018 = arith.index_cast %parallel_loop3A_1017 : i32 to index
        %parallel_loop3A_1019 = arith.constant 256 : index
        %parallel_loop3A_1020 = tpu.vector_load %arg7[%parallel_loop3A_1018, %parallel_loop3A_1019] {strides = array<i32>} : memref<96x384xf32, #tpu.memory_space<vmem>>, vector<1x16xf32>,
        %parallel_loop3A_1021 = vector.shape_cast %parallel_loop3A_1020 : vector<1x16xf32> to vector<16xf32>
        %parallel_loop3A_1022 = arith.addf %parallel_loop3A_1013, %parallel_loop3A_1021 : vector<16xf32>
        %parallel_loop3A_1023 = arith.index_cast %parallel_loop3A_75 : i32 to index
        %parallel_loop3A_1024 = arith.constant 256 : index
        %parallel_loop3A_1025 = tpu.vector_load %arg9[%parallel_loop3A_1023, %parallel_loop3A_1024] {strides = array<i32>} : memref<16x384xf32, #tpu.memory_space<vmem>>, vector<1x16xf32>,
        %parallel_loop3A_1026 = vector.shape_cast %parallel_loop3A_1025 : vector<1x16xf32> to vector<16xf32>
        %parallel_loop3A_1027 = vector.shape_cast %parallel_loop3A_1022 : vector<16xf32> to vector<1x16xf32>
        tpu.vector_store %arg9[%parallel_loop3A_1023, %parallel_loop3A_1024], %parallel_loop3A_1027 {strides = array<i32>} : memref<16x384xf32, #tpu.memory_space<vmem>>, vector<1x16xf32>,
        %parallel_loop3A_1028 = arith.constant 6 : i32
        %parallel_loop3A_1029 = arith.muli %parallel_loop3A_75, %parallel_loop3A_1028 : i32
        %parallel_loop3A_1030 = arith.index_cast %parallel_loop3A_1029 : i32 to index
        %parallel_loop3A_1031 = arith.constant 272 : index
        %parallel_loop3A_1032 = tpu.vector_load %arg7[%parallel_loop3A_1030, %parallel_loop3A_1031] {strides = array<i32>} : memref<96x384xf32, #tpu.memory_space<vmem>>, vector<1x16xf32>,
        %parallel_loop3A_1033 = vector.shape_cast %parallel_loop3A_1032 : vector<1x16xf32> to vector<16xf32>
        %parallel_loop3A_1034 = arith.constant 6 : i32
        %parallel_loop3A_1035 = arith.muli %parallel_loop3A_75, %parallel_loop3A_1034 : i32
        %parallel_loop3A_1036 = arith.constant 1 : i32
        %parallel_loop3A_1037 = arith.addi %parallel_loop3A_1035, %parallel_loop3A_1036 : i32
        %parallel_loop3A_1038 = arith.index_cast %parallel_loop3A_1037 : i32 to index
        %parallel_loop3A_1039 = arith.constant 272 : index
        %parallel_loop3A_1040 = tpu.vector_load %arg7[%parallel_loop3A_1038, %parallel_loop3A_1039] {strides = array<i32>} : memref<96x384xf32, #tpu.memory_space<vmem>>, vector<1x16xf32>,
        %parallel_loop3A_1041 = vector.shape_cast %parallel_loop3A_1040 : vector<1x16xf32> to vector<16xf32>
        %parallel_loop3A_1042 = arith.addf %parallel_loop3A_1033, %parallel_loop3A_1041 : vector<16xf32>
        %parallel_loop3A_1043 = arith.constant 6 : i32
        %parallel_loop3A_1044 = arith.muli %parallel_loop3A_75, %parallel_loop3A_1043 : i32
        %parallel_loop3A_1045 = arith.constant 2 : i32
        %parallel_loop3A_1046 = arith.addi %parallel_loop3A_1044, %parallel_loop3A_1045 : i32
        %parallel_loop3A_1047 = arith.index_cast %parallel_loop3A_1046 : i32 to index
        %parallel_loop3A_1048 = arith.constant 272 : index
        %parallel_loop3A_1049 = tpu.vector_load %arg7[%parallel_loop3A_1047, %parallel_loop3A_1048] {strides = array<i32>} : memref<96x384xf32, #tpu.memory_space<vmem>>, vector<1x16xf32>,
        %parallel_loop3A_1050 = vector.shape_cast %parallel_loop3A_1049 : vector<1x16xf32> to vector<16xf32>
        %parallel_loop3A_1051 = arith.addf %parallel_loop3A_1042, %parallel_loop3A_1050 : vector<16xf32>
        %parallel_loop3A_1052 = arith.constant 6 : i32
        %parallel_loop3A_1053 = arith.muli %parallel_loop3A_75, %parallel_loop3A_1052 : i32
        %parallel_loop3A_1054 = arith.constant 3 : i32
        %parallel_loop3A_1055 = arith.addi %parallel_loop3A_1053, %parallel_loop3A_1054 : i32
        %parallel_loop3A_1056 = arith.index_cast %parallel_loop3A_1055 : i32 to index
        %parallel_loop3A_1057 = arith.constant 272 : index
        %parallel_loop3A_1058 = tpu.vector_load %arg7[%parallel_loop3A_1056, %parallel_loop3A_1057] {strides = array<i32>} : memref<96x384xf32, #tpu.memory_space<vmem>>, vector<1x16xf32>,
        %parallel_loop3A_1059 = vector.shape_cast %parallel_loop3A_1058 : vector<1x16xf32> to vector<16xf32>
        %parallel_loop3A_1060 = arith.addf %parallel_loop3A_1051, %parallel_loop3A_1059 : vector<16xf32>
        %parallel_loop3A_1061 = arith.constant 6 : i32
        %parallel_loop3A_1062 = arith.muli %parallel_loop3A_75, %parallel_loop3A_1061 : i32
        %parallel_loop3A_1063 = arith.constant 4 : i32
        %parallel_loop3A_1064 = arith.addi %parallel_loop3A_1062, %parallel_loop3A_1063 : i32
        %parallel_loop3A_1065 = arith.index_cast %parallel_loop3A_1064 : i32 to index
        %parallel_loop3A_1066 = arith.constant 272 : index
        %parallel_loop3A_1067 = tpu.vector_load %arg7[%parallel_loop3A_1065, %parallel_loop3A_1066] {strides = array<i32>} : memref<96x384xf32, #tpu.memory_space<vmem>>, vector<1x16xf32>,
        %parallel_loop3A_1068 = vector.shape_cast %parallel_loop3A_1067 : vector<1x16xf32> to vector<16xf32>
        %parallel_loop3A_1069 = arith.addf %parallel_loop3A_1060, %parallel_loop3A_1068 : vector<16xf32>
        %parallel_loop3A_1070 = arith.constant 6 : i32
        %parallel_loop3A_1071 = arith.muli %parallel_loop3A_75, %parallel_loop3A_1070 : i32
        %parallel_loop3A_1072 = arith.constant 5 : i32
        %parallel_loop3A_1073 = arith.addi %parallel_loop3A_1071, %parallel_loop3A_1072 : i32
        %parallel_loop3A_1074 = arith.index_cast %parallel_loop3A_1073 : i32 to index
        %parallel_loop3A_1075 = arith.constant 272 : index
        %parallel_loop3A_1076 = tpu.vector_load %arg7[%parallel_loop3A_1074, %parallel_loop3A_1075] {strides = array<i32>} : memref<96x384xf32, #tpu.memory_space<vmem>>, vector<1x16xf32>,
        %parallel_loop3A_1077 = vector.shape_cast %parallel_loop3A_1076 : vector<1x16xf32> to vector<16xf32>
        %parallel_loop3A_1078 = arith.addf %parallel_loop3A_1069, %parallel_loop3A_1077 : vector<16xf32>
        %parallel_loop3A_1079 = arith.index_cast %parallel_loop3A_75 : i32 to index
        %parallel_loop3A_1080 = arith.constant 272 : index
        %parallel_loop3A_1081 = tpu.vector_load %arg9[%parallel_loop3A_1079, %parallel_loop3A_1080] {strides = array<i32>} : memref<16x384xf32, #tpu.memory_space<vmem>>, vector<1x16xf32>,
        %parallel_loop3A_1082 = vector.shape_cast %parallel_loop3A_1081 : vector<1x16xf32> to vector<16xf32>
        %parallel_loop3A_1083 = vector.shape_cast %parallel_loop3A_1078 : vector<16xf32> to vector<1x16xf32>
        tpu.vector_store %arg9[%parallel_loop3A_1079, %parallel_loop3A_1080], %parallel_loop3A_1083 {strides = array<i32>} : memref<16x384xf32, #tpu.memory_space<vmem>>, vector<1x16xf32>,
        %parallel_loop3A_1084 = arith.constant 6 : i32
        %parallel_loop3A_1085 = arith.muli %parallel_loop3A_75, %parallel_loop3A_1084 : i32
        %parallel_loop3A_1086 = arith.index_cast %parallel_loop3A_1085 : i32 to index
        %parallel_loop3A_1087 = arith.constant 288 : index
        %parallel_loop3A_1088 = tpu.vector_load %arg7[%parallel_loop3A_1086, %parallel_loop3A_1087] {strides = array<i32>} : memref<96x384xf32, #tpu.memory_space<vmem>>, vector<1x16xf32>,
        %parallel_loop3A_1089 = vector.shape_cast %parallel_loop3A_1088 : vector<1x16xf32> to vector<16xf32>
        %parallel_loop3A_1090 = arith.constant 6 : i32
        %parallel_loop3A_1091 = arith.muli %parallel_loop3A_75, %parallel_loop3A_1090 : i32
        %parallel_loop3A_1092 = arith.constant 1 : i32
        %parallel_loop3A_1093 = arith.addi %parallel_loop3A_1091, %parallel_loop3A_1092 : i32
        %parallel_loop3A_1094 = arith.index_cast %parallel_loop3A_1093 : i32 to index
        %parallel_loop3A_1095 = arith.constant 288 : index
        %parallel_loop3A_1096 = tpu.vector_load %arg7[%parallel_loop3A_1094, %parallel_loop3A_1095] {strides = array<i32>} : memref<96x384xf32, #tpu.memory_space<vmem>>, vector<1x16xf32>,
        %parallel_loop3A_1097 = vector.shape_cast %parallel_loop3A_1096 : vector<1x16xf32> to vector<16xf32>
        %parallel_loop3A_1098 = arith.addf %parallel_loop3A_1089, %parallel_loop3A_1097 : vector<16xf32>
        %parallel_loop3A_1099 = arith.constant 6 : i32
        %parallel_loop3A_1100 = arith.muli %parallel_loop3A_75, %parallel_loop3A_1099 : i32
        %parallel_loop3A_1101 = arith.constant 2 : i32
        %parallel_loop3A_1102 = arith.addi %parallel_loop3A_1100, %parallel_loop3A_1101 : i32
        %parallel_loop3A_1103 = arith.index_cast %parallel_loop3A_1102 : i32 to index
        %parallel_loop3A_1104 = arith.constant 288 : index
        %parallel_loop3A_1105 = tpu.vector_load %arg7[%parallel_loop3A_1103, %parallel_loop3A_1104] {strides = array<i32>} : memref<96x384xf32, #tpu.memory_space<vmem>>, vector<1x16xf32>,
        %parallel_loop3A_1106 = vector.shape_cast %parallel_loop3A_1105 : vector<1x16xf32> to vector<16xf32>
        %parallel_loop3A_1107 = arith.addf %parallel_loop3A_1098, %parallel_loop3A_1106 : vector<16xf32>
        %parallel_loop3A_1108 = arith.constant 6 : i32
        %parallel_loop3A_1109 = arith.muli %parallel_loop3A_75, %parallel_loop3A_1108 : i32
        %parallel_loop3A_1110 = arith.constant 3 : i32
        %parallel_loop3A_1111 = arith.addi %parallel_loop3A_1109, %parallel_loop3A_1110 : i32
        %parallel_loop3A_1112 = arith.index_cast %parallel_loop3A_1111 : i32 to index
        %parallel_loop3A_1113 = arith.constant 288 : index
        %parallel_loop3A_1114 = tpu.vector_load %arg7[%parallel_loop3A_1112, %parallel_loop3A_1113] {strides = array<i32>} : memref<96x384xf32, #tpu.memory_space<vmem>>, vector<1x16xf32>,
        %parallel_loop3A_1115 = vector.shape_cast %parallel_loop3A_1114 : vector<1x16xf32> to vector<16xf32>
        %parallel_loop3A_1116 = arith.addf %parallel_loop3A_1107, %parallel_loop3A_1115 : vector<16xf32>
        %parallel_loop3A_1117 = arith.constant 6 : i32
        %parallel_loop3A_1118 = arith.muli %parallel_loop3A_75, %parallel_loop3A_1117 : i32
        %parallel_loop3A_1119 = arith.constant 4 : i32
        %parallel_loop3A_1120 = arith.addi %parallel_loop3A_1118, %parallel_loop3A_1119 : i32
        %parallel_loop3A_1121 = arith.index_cast %parallel_loop3A_1120 : i32 to index
        %parallel_loop3A_1122 = arith.constant 288 : index
        %parallel_loop3A_1123 = tpu.vector_load %arg7[%parallel_loop3A_1121, %parallel_loop3A_1122] {strides = array<i32>} : memref<96x384xf32, #tpu.memory_space<vmem>>, vector<1x16xf32>,
        %parallel_loop3A_1124 = vector.shape_cast %parallel_loop3A_1123 : vector<1x16xf32> to vector<16xf32>
        %parallel_loop3A_1125 = arith.addf %parallel_loop3A_1116, %parallel_loop3A_1124 : vector<16xf32>
        %parallel_loop3A_1126 = arith.constant 6 : i32
        %parallel_loop3A_1127 = arith.muli %parallel_loop3A_75, %parallel_loop3A_1126 : i32
        %parallel_loop3A_1128 = arith.constant 5 : i32
        %parallel_loop3A_1129 = arith.addi %parallel_loop3A_1127, %parallel_loop3A_1128 : i32
        %parallel_loop3A_1130 = arith.index_cast %parallel_loop3A_1129 : i32 to index
        %parallel_loop3A_1131 = arith.constant 288 : index
        %parallel_loop3A_1132 = tpu.vector_load %arg7[%parallel_loop3A_1130, %parallel_loop3A_1131] {strides = array<i32>} : memref<96x384xf32, #tpu.memory_space<vmem>>, vector<1x16xf32>,
        %parallel_loop3A_1133 = vector.shape_cast %parallel_loop3A_1132 : vector<1x16xf32> to vector<16xf32>
        %parallel_loop3A_1134 = arith.addf %parallel_loop3A_1125, %parallel_loop3A_1133 : vector<16xf32>
        %parallel_loop3A_1135 = arith.index_cast %parallel_loop3A_75 : i32 to index
        %parallel_loop3A_1136 = arith.constant 288 : index
        %parallel_loop3A_1137 = tpu.vector_load %arg9[%parallel_loop3A_1135, %parallel_loop3A_1136] {strides = array<i32>} : memref<16x384xf32, #tpu.memory_space<vmem>>, vector<1x16xf32>,
        %parallel_loop3A_1138 = vector.shape_cast %parallel_loop3A_1137 : vector<1x16xf32> to vector<16xf32>
        %parallel_loop3A_1139 = vector.shape_cast %parallel_loop3A_1134 : vector<16xf32> to vector<1x16xf32>
        tpu.vector_store %arg9[%parallel_loop3A_1135, %parallel_loop3A_1136], %parallel_loop3A_1139 {strides = array<i32>} : memref<16x384xf32, #tpu.memory_space<vmem>>, vector<1x16xf32>,
        %parallel_loop3A_1140 = arith.constant 6 : i32
        %parallel_loop3A_1141 = arith.muli %parallel_loop3A_75, %parallel_loop3A_1140 : i32
        %parallel_loop3A_1142 = arith.index_cast %parallel_loop3A_1141 : i32 to index
        %parallel_loop3A_1143 = arith.constant 304 : index
        %parallel_loop3A_1144 = tpu.vector_load %arg7[%parallel_loop3A_1142, %parallel_loop3A_1143] {strides = array<i32>} : memref<96x384xf32, #tpu.memory_space<vmem>>, vector<1x16xf32>,
        %parallel_loop3A_1145 = vector.shape_cast %parallel_loop3A_1144 : vector<1x16xf32> to vector<16xf32>
        %parallel_loop3A_1146 = arith.constant 6 : i32
        %parallel_loop3A_1147 = arith.muli %parallel_loop3A_75, %parallel_loop3A_1146 : i32
        %parallel_loop3A_1148 = arith.constant 1 : i32
        %parallel_loop3A_1149 = arith.addi %parallel_loop3A_1147, %parallel_loop3A_1148 : i32
        %parallel_loop3A_1150 = arith.index_cast %parallel_loop3A_1149 : i32 to index
        %parallel_loop3A_1151 = arith.constant 304 : index
        %parallel_loop3A_1152 = tpu.vector_load %arg7[%parallel_loop3A_1150, %parallel_loop3A_1151] {strides = array<i32>} : memref<96x384xf32, #tpu.memory_space<vmem>>, vector<1x16xf32>,
        %parallel_loop3A_1153 = vector.shape_cast %parallel_loop3A_1152 : vector<1x16xf32> to vector<16xf32>
        %parallel_loop3A_1154 = arith.addf %parallel_loop3A_1145, %parallel_loop3A_1153 : vector<16xf32>
        %parallel_loop3A_1155 = arith.constant 6 : i32
        %parallel_loop3A_1156 = arith.muli %parallel_loop3A_75, %parallel_loop3A_1155 : i32
        %parallel_loop3A_1157 = arith.constant 2 : i32
        %parallel_loop3A_1158 = arith.addi %parallel_loop3A_1156, %parallel_loop3A_1157 : i32
        %parallel_loop3A_1159 = arith.index_cast %parallel_loop3A_1158 : i32 to index
        %parallel_loop3A_1160 = arith.constant 304 : index
        %parallel_loop3A_1161 = tpu.vector_load %arg7[%parallel_loop3A_1159, %parallel_loop3A_1160] {strides = array<i32>} : memref<96x384xf32, #tpu.memory_space<vmem>>, vector<1x16xf32>,
        %parallel_loop3A_1162 = vector.shape_cast %parallel_loop3A_1161 : vector<1x16xf32> to vector<16xf32>
        %parallel_loop3A_1163 = arith.addf %parallel_loop3A_1154, %parallel_loop3A_1162 : vector<16xf32>
        %parallel_loop3A_1164 = arith.constant 6 : i32
        %parallel_loop3A_1165 = arith.muli %parallel_loop3A_75, %parallel_loop3A_1164 : i32
        %parallel_loop3A_1166 = arith.constant 3 : i32
        %parallel_loop3A_1167 = arith.addi %parallel_loop3A_1165, %parallel_loop3A_1166 : i32
        %parallel_loop3A_1168 = arith.index_cast %parallel_loop3A_1167 : i32 to index
        %parallel_loop3A_1169 = arith.constant 304 : index
        %parallel_loop3A_1170 = tpu.vector_load %arg7[%parallel_loop3A_1168, %parallel_loop3A_1169] {strides = array<i32>} : memref<96x384xf32, #tpu.memory_space<vmem>>, vector<1x16xf32>,
        %parallel_loop3A_1171 = vector.shape_cast %parallel_loop3A_1170 : vector<1x16xf32> to vector<16xf32>
        %parallel_loop3A_1172 = arith.addf %parallel_loop3A_1163, %parallel_loop3A_1171 : vector<16xf32>
        %parallel_loop3A_1173 = arith.constant 6 : i32
        %parallel_loop3A_1174 = arith.muli %parallel_loop3A_75, %parallel_loop3A_1173 : i32
        %parallel_loop3A_1175 = arith.constant 4 : i32
        %parallel_loop3A_1176 = arith.addi %parallel_loop3A_1174, %parallel_loop3A_1175 : i32
        %parallel_loop3A_1177 = arith.index_cast %parallel_loop3A_1176 : i32 to index
        %parallel_loop3A_1178 = arith.constant 304 : index
        %parallel_loop3A_1179 = tpu.vector_load %arg7[%parallel_loop3A_1177, %parallel_loop3A_1178] {strides = array<i32>} : memref<96x384xf32, #tpu.memory_space<vmem>>, vector<1x16xf32>,
        %parallel_loop3A_1180 = vector.shape_cast %parallel_loop3A_1179 : vector<1x16xf32> to vector<16xf32>
        %parallel_loop3A_1181 = arith.addf %parallel_loop3A_1172, %parallel_loop3A_1180 : vector<16xf32>
        %parallel_loop3A_1182 = arith.constant 6 : i32
        %parallel_loop3A_1183 = arith.muli %parallel_loop3A_75, %parallel_loop3A_1182 : i32
        %parallel_loop3A_1184 = arith.constant 5 : i32
        %parallel_loop3A_1185 = arith.addi %parallel_loop3A_1183, %parallel_loop3A_1184 : i32
        %parallel_loop3A_1186 = arith.index_cast %parallel_loop3A_1185 : i32 to index
        %parallel_loop3A_1187 = arith.constant 304 : index
        %parallel_loop3A_1188 = tpu.vector_load %arg7[%parallel_loop3A_1186, %parallel_loop3A_1187] {strides = array<i32>} : memref<96x384xf32, #tpu.memory_space<vmem>>, vector<1x16xf32>,
        %parallel_loop3A_1189 = vector.shape_cast %parallel_loop3A_1188 : vector<1x16xf32> to vector<16xf32>
        %parallel_loop3A_1190 = arith.addf %parallel_loop3A_1181, %parallel_loop3A_1189 : vector<16xf32>
        %parallel_loop3A_1191 = arith.index_cast %parallel_loop3A_75 : i32 to index
        %parallel_loop3A_1192 = arith.constant 304 : index
        %parallel_loop3A_1193 = tpu.vector_load %arg9[%parallel_loop3A_1191, %parallel_loop3A_1192] {strides = array<i32>} : memref<16x384xf32, #tpu.memory_space<vmem>>, vector<1x16xf32>,
        %parallel_loop3A_1194 = vector.shape_cast %parallel_loop3A_1193 : vector<1x16xf32> to vector<16xf32>
        %parallel_loop3A_1195 = vector.shape_cast %parallel_loop3A_1190 : vector<16xf32> to vector<1x16xf32>
        tpu.vector_store %arg9[%parallel_loop3A_1191, %parallel_loop3A_1192], %parallel_loop3A_1195 {strides = array<i32>} : memref<16x384xf32, #tpu.memory_space<vmem>>, vector<1x16xf32>,
        %parallel_loop3A_1196 = arith.constant 6 : i32
        %parallel_loop3A_1197 = arith.muli %parallel_loop3A_75, %parallel_loop3A_1196 : i32
        %parallel_loop3A_1198 = arith.index_cast %parallel_loop3A_1197 : i32 to index
        %parallel_loop3A_1199 = arith.constant 320 : index
        %parallel_loop3A_1200 = tpu.vector_load %arg7[%parallel_loop3A_1198, %parallel_loop3A_1199] {strides = array<i32>} : memref<96x384xf32, #tpu.memory_space<vmem>>, vector<1x16xf32>,
        %parallel_loop3A_1201 = vector.shape_cast %parallel_loop3A_1200 : vector<1x16xf32> to vector<16xf32>
        %parallel_loop3A_1202 = arith.constant 6 : i32
        %parallel_loop3A_1203 = arith.muli %parallel_loop3A_75, %parallel_loop3A_1202 : i32
        %parallel_loop3A_1204 = arith.constant 1 : i32
        %parallel_loop3A_1205 = arith.addi %parallel_loop3A_1203, %parallel_loop3A_1204 : i32
        %parallel_loop3A_1206 = arith.index_cast %parallel_loop3A_1205 : i32 to index
        %parallel_loop3A_1207 = arith.constant 320 : index
        %parallel_loop3A_1208 = tpu.vector_load %arg7[%parallel_loop3A_1206, %parallel_loop3A_1207] {strides = array<i32>} : memref<96x384xf32, #tpu.memory_space<vmem>>, vector<1x16xf32>,
        %parallel_loop3A_1209 = vector.shape_cast %parallel_loop3A_1208 : vector<1x16xf32> to vector<16xf32>
        %parallel_loop3A_1210 = arith.addf %parallel_loop3A_1201, %parallel_loop3A_1209 : vector<16xf32>
        %parallel_loop3A_1211 = arith.constant 6 : i32
        %parallel_loop3A_1212 = arith.muli %parallel_loop3A_75, %parallel_loop3A_1211 : i32
        %parallel_loop3A_1213 = arith.constant 2 : i32
        %parallel_loop3A_1214 = arith.addi %parallel_loop3A_1212, %parallel_loop3A_1213 : i32
        %parallel_loop3A_1215 = arith.index_cast %parallel_loop3A_1214 : i32 to index
        %parallel_loop3A_1216 = arith.constant 320 : index
        %parallel_loop3A_1217 = tpu.vector_load %arg7[%parallel_loop3A_1215, %parallel_loop3A_1216] {strides = array<i32>} : memref<96x384xf32, #tpu.memory_space<vmem>>, vector<1x16xf32>,
        %parallel_loop3A_1218 = vector.shape_cast %parallel_loop3A_1217 : vector<1x16xf32> to vector<16xf32>
        %parallel_loop3A_1219 = arith.addf %parallel_loop3A_1210, %parallel_loop3A_1218 : vector<16xf32>
        %parallel_loop3A_1220 = arith.constant 6 : i32
        %parallel_loop3A_1221 = arith.muli %parallel_loop3A_75, %parallel_loop3A_1220 : i32
        %parallel_loop3A_1222 = arith.constant 3 : i32
        %parallel_loop3A_1223 = arith.addi %parallel_loop3A_1221, %parallel_loop3A_1222 : i32
        %parallel_loop3A_1224 = arith.index_cast %parallel_loop3A_1223 : i32 to index
        %parallel_loop3A_1225 = arith.constant 320 : index
        %parallel_loop3A_1226 = tpu.vector_load %arg7[%parallel_loop3A_1224, %parallel_loop3A_1225] {strides = array<i32>} : memref<96x384xf32, #tpu.memory_space<vmem>>, vector<1x16xf32>,
        %parallel_loop3A_1227 = vector.shape_cast %parallel_loop3A_1226 : vector<1x16xf32> to vector<16xf32>
        %parallel_loop3A_1228 = arith.addf %parallel_loop3A_1219, %parallel_loop3A_1227 : vector<16xf32>
        %parallel_loop3A_1229 = arith.constant 6 : i32
        %parallel_loop3A_1230 = arith.muli %parallel_loop3A_75, %parallel_loop3A_1229 : i32
        %parallel_loop3A_1231 = arith.constant 4 : i32
        %parallel_loop3A_1232 = arith.addi %parallel_loop3A_1230, %parallel_loop3A_1231 : i32
        %parallel_loop3A_1233 = arith.index_cast %parallel_loop3A_1232 : i32 to index
        %parallel_loop3A_1234 = arith.constant 320 : index
        %parallel_loop3A_1235 = tpu.vector_load %arg7[%parallel_loop3A_1233, %parallel_loop3A_1234] {strides = array<i32>} : memref<96x384xf32, #tpu.memory_space<vmem>>, vector<1x16xf32>,
        %parallel_loop3A_1236 = vector.shape_cast %parallel_loop3A_1235 : vector<1x16xf32> to vector<16xf32>
        %parallel_loop3A_1237 = arith.addf %parallel_loop3A_1228, %parallel_loop3A_1236 : vector<16xf32>
        %parallel_loop3A_1238 = arith.constant 6 : i32
        %parallel_loop3A_1239 = arith.muli %parallel_loop3A_75, %parallel_loop3A_1238 : i32
        %parallel_loop3A_1240 = arith.constant 5 : i32
        %parallel_loop3A_1241 = arith.addi %parallel_loop3A_1239, %parallel_loop3A_1240 : i32
        %parallel_loop3A_1242 = arith.index_cast %parallel_loop3A_1241 : i32 to index
        %parallel_loop3A_1243 = arith.constant 320 : index
        %parallel_loop3A_1244 = tpu.vector_load %arg7[%parallel_loop3A_1242, %parallel_loop3A_1243] {strides = array<i32>} : memref<96x384xf32, #tpu.memory_space<vmem>>, vector<1x16xf32>,
        %parallel_loop3A_1245 = vector.shape_cast %parallel_loop3A_1244 : vector<1x16xf32> to vector<16xf32>
        %parallel_loop3A_1246 = arith.addf %parallel_loop3A_1237, %parallel_loop3A_1245 : vector<16xf32>
        %parallel_loop3A_1247 = arith.index_cast %parallel_loop3A_75 : i32 to index
        %parallel_loop3A_1248 = arith.constant 320 : index
        %parallel_loop3A_1249 = tpu.vector_load %arg9[%parallel_loop3A_1247, %parallel_loop3A_1248] {strides = array<i32>} : memref<16x384xf32, #tpu.memory_space<vmem>>, vector<1x16xf32>,
        %parallel_loop3A_1250 = vector.shape_cast %parallel_loop3A_1249 : vector<1x16xf32> to vector<16xf32>
        %parallel_loop3A_1251 = vector.shape_cast %parallel_loop3A_1246 : vector<16xf32> to vector<1x16xf32>
        tpu.vector_store %arg9[%parallel_loop3A_1247, %parallel_loop3A_1248], %parallel_loop3A_1251 {strides = array<i32>} : memref<16x384xf32, #tpu.memory_space<vmem>>, vector<1x16xf32>,
        %parallel_loop3A_1252 = arith.constant 6 : i32
        %parallel_loop3A_1253 = arith.muli %parallel_loop3A_75, %parallel_loop3A_1252 : i32
        %parallel_loop3A_1254 = arith.index_cast %parallel_loop3A_1253 : i32 to index
        %parallel_loop3A_1255 = arith.constant 336 : index
        %parallel_loop3A_1256 = tpu.vector_load %arg7[%parallel_loop3A_1254, %parallel_loop3A_1255] {strides = array<i32>} : memref<96x384xf32, #tpu.memory_space<vmem>>, vector<1x16xf32>,
        %parallel_loop3A_1257 = vector.shape_cast %parallel_loop3A_1256 : vector<1x16xf32> to vector<16xf32>
        %parallel_loop3A_1258 = arith.constant 6 : i32
        %parallel_loop3A_1259 = arith.muli %parallel_loop3A_75, %parallel_loop3A_1258 : i32
        %parallel_loop3A_1260 = arith.constant 1 : i32
        %parallel_loop3A_1261 = arith.addi %parallel_loop3A_1259, %parallel_loop3A_1260 : i32
        %parallel_loop3A_1262 = arith.index_cast %parallel_loop3A_1261 : i32 to index
        %parallel_loop3A_1263 = arith.constant 336 : index
        %parallel_loop3A_1264 = tpu.vector_load %arg7[%parallel_loop3A_1262, %parallel_loop3A_1263] {strides = array<i32>} : memref<96x384xf32, #tpu.memory_space<vmem>>, vector<1x16xf32>,
        %parallel_loop3A_1265 = vector.shape_cast %parallel_loop3A_1264 : vector<1x16xf32> to vector<16xf32>
        %parallel_loop3A_1266 = arith.addf %parallel_loop3A_1257, %parallel_loop3A_1265 : vector<16xf32>
        %parallel_loop3A_1267 = arith.constant 6 : i32
        %parallel_loop3A_1268 = arith.muli %parallel_loop3A_75, %parallel_loop3A_1267 : i32
        %parallel_loop3A_1269 = arith.constant 2 : i32
        %parallel_loop3A_1270 = arith.addi %parallel_loop3A_1268, %parallel_loop3A_1269 : i32
        %parallel_loop3A_1271 = arith.index_cast %parallel_loop3A_1270 : i32 to index
        %parallel_loop3A_1272 = arith.constant 336 : index
        %parallel_loop3A_1273 = tpu.vector_load %arg7[%parallel_loop3A_1271, %parallel_loop3A_1272] {strides = array<i32>} : memref<96x384xf32, #tpu.memory_space<vmem>>, vector<1x16xf32>,
        %parallel_loop3A_1274 = vector.shape_cast %parallel_loop3A_1273 : vector<1x16xf32> to vector<16xf32>
        %parallel_loop3A_1275 = arith.addf %parallel_loop3A_1266, %parallel_loop3A_1274 : vector<16xf32>
        %parallel_loop3A_1276 = arith.constant 6 : i32
        %parallel_loop3A_1277 = arith.muli %parallel_loop3A_75, %parallel_loop3A_1276 : i32
        %parallel_loop3A_1278 = arith.constant 3 : i32
        %parallel_loop3A_1279 = arith.addi %parallel_loop3A_1277, %parallel_loop3A_1278 : i32
        %parallel_loop3A_1280 = arith.index_cast %parallel_loop3A_1279 : i32 to index
        %parallel_loop3A_1281 = arith.constant 336 : index
        %parallel_loop3A_1282 = tpu.vector_load %arg7[%parallel_loop3A_1280, %parallel_loop3A_1281] {strides = array<i32>} : memref<96x384xf32, #tpu.memory_space<vmem>>, vector<1x16xf32>,
        %parallel_loop3A_1283 = vector.shape_cast %parallel_loop3A_1282 : vector<1x16xf32> to vector<16xf32>
        %parallel_loop3A_1284 = arith.addf %parallel_loop3A_1275, %parallel_loop3A_1283 : vector<16xf32>
        %parallel_loop3A_1285 = arith.constant 6 : i32
        %parallel_loop3A_1286 = arith.muli %parallel_loop3A_75, %parallel_loop3A_1285 : i32
        %parallel_loop3A_1287 = arith.constant 4 : i32
        %parallel_loop3A_1288 = arith.addi %parallel_loop3A_1286, %parallel_loop3A_1287 : i32
        %parallel_loop3A_1289 = arith.index_cast %parallel_loop3A_1288 : i32 to index
        %parallel_loop3A_1290 = arith.constant 336 : index
        %parallel_loop3A_1291 = tpu.vector_load %arg7[%parallel_loop3A_1289, %parallel_loop3A_1290] {strides = array<i32>} : memref<96x384xf32, #tpu.memory_space<vmem>>, vector<1x16xf32>,
        %parallel_loop3A_1292 = vector.shape_cast %parallel_loop3A_1291 : vector<1x16xf32> to vector<16xf32>
        %parallel_loop3A_1293 = arith.addf %parallel_loop3A_1284, %parallel_loop3A_1292 : vector<16xf32>
        %parallel_loop3A_1294 = arith.constant 6 : i32
        %parallel_loop3A_1295 = arith.muli %parallel_loop3A_75, %parallel_loop3A_1294 : i32
        %parallel_loop3A_1296 = arith.constant 5 : i32
        %parallel_loop3A_1297 = arith.addi %parallel_loop3A_1295, %parallel_loop3A_1296 : i32
        %parallel_loop3A_1298 = arith.index_cast %parallel_loop3A_1297 : i32 to index
        %parallel_loop3A_1299 = arith.constant 336 : index
        %parallel_loop3A_1300 = tpu.vector_load %arg7[%parallel_loop3A_1298, %parallel_loop3A_1299] {strides = array<i32>} : memref<96x384xf32, #tpu.memory_space<vmem>>, vector<1x16xf32>,
        %parallel_loop3A_1301 = vector.shape_cast %parallel_loop3A_1300 : vector<1x16xf32> to vector<16xf32>
        %parallel_loop3A_1302 = arith.addf %parallel_loop3A_1293, %parallel_loop3A_1301 : vector<16xf32>
        %parallel_loop3A_1303 = arith.index_cast %parallel_loop3A_75 : i32 to index
        %parallel_loop3A_1304 = arith.constant 336 : index
        %parallel_loop3A_1305 = tpu.vector_load %arg9[%parallel_loop3A_1303, %parallel_loop3A_1304] {strides = array<i32>} : memref<16x384xf32, #tpu.memory_space<vmem>>, vector<1x16xf32>,
        %parallel_loop3A_1306 = vector.shape_cast %parallel_loop3A_1305 : vector<1x16xf32> to vector<16xf32>
        %parallel_loop3A_1307 = vector.shape_cast %parallel_loop3A_1302 : vector<16xf32> to vector<1x16xf32>
        tpu.vector_store %arg9[%parallel_loop3A_1303, %parallel_loop3A_1304], %parallel_loop3A_1307 {strides = array<i32>} : memref<16x384xf32, #tpu.memory_space<vmem>>, vector<1x16xf32>,
        %parallel_loop3A_1308 = arith.constant 6 : i32
        %parallel_loop3A_1309 = arith.muli %parallel_loop3A_75, %parallel_loop3A_1308 : i32
        %parallel_loop3A_1310 = arith.index_cast %parallel_loop3A_1309 : i32 to index
        %parallel_loop3A_1311 = arith.constant 352 : index
        %parallel_loop3A_1312 = tpu.vector_load %arg7[%parallel_loop3A_1310, %parallel_loop3A_1311] {strides = array<i32>} : memref<96x384xf32, #tpu.memory_space<vmem>>, vector<1x16xf32>,
        %parallel_loop3A_1313 = vector.shape_cast %parallel_loop3A_1312 : vector<1x16xf32> to vector<16xf32>
        %parallel_loop3A_1314 = arith.constant 6 : i32
        %parallel_loop3A_1315 = arith.muli %parallel_loop3A_75, %parallel_loop3A_1314 : i32
        %parallel_loop3A_1316 = arith.constant 1 : i32
        %parallel_loop3A_1317 = arith.addi %parallel_loop3A_1315, %parallel_loop3A_1316 : i32
        %parallel_loop3A_1318 = arith.index_cast %parallel_loop3A_1317 : i32 to index
        %parallel_loop3A_1319 = arith.constant 352 : index
        %parallel_loop3A_1320 = tpu.vector_load %arg7[%parallel_loop3A_1318, %parallel_loop3A_1319] {strides = array<i32>} : memref<96x384xf32, #tpu.memory_space<vmem>>, vector<1x16xf32>,
        %parallel_loop3A_1321 = vector.shape_cast %parallel_loop3A_1320 : vector<1x16xf32> to vector<16xf32>
        %parallel_loop3A_1322 = arith.addf %parallel_loop3A_1313, %parallel_loop3A_1321 : vector<16xf32>
        %parallel_loop3A_1323 = arith.constant 6 : i32
        %parallel_loop3A_1324 = arith.muli %parallel_loop3A_75, %parallel_loop3A_1323 : i32
        %parallel_loop3A_1325 = arith.constant 2 : i32
        %parallel_loop3A_1326 = arith.addi %parallel_loop3A_1324, %parallel_loop3A_1325 : i32
        %parallel_loop3A_1327 = arith.index_cast %parallel_loop3A_1326 : i32 to index
        %parallel_loop3A_1328 = arith.constant 352 : index
        %parallel_loop3A_1329 = tpu.vector_load %arg7[%parallel_loop3A_1327, %parallel_loop3A_1328] {strides = array<i32>} : memref<96x384xf32, #tpu.memory_space<vmem>>, vector<1x16xf32>,
        %parallel_loop3A_1330 = vector.shape_cast %parallel_loop3A_1329 : vector<1x16xf32> to vector<16xf32>
        %parallel_loop3A_1331 = arith.addf %parallel_loop3A_1322, %parallel_loop3A_1330 : vector<16xf32>
        %parallel_loop3A_1332 = arith.constant 6 : i32
        %parallel_loop3A_1333 = arith.muli %parallel_loop3A_75, %parallel_loop3A_1332 : i32
        %parallel_loop3A_1334 = arith.constant 3 : i32
        %parallel_loop3A_1335 = arith.addi %parallel_loop3A_1333, %parallel_loop3A_1334 : i32
        %parallel_loop3A_1336 = arith.index_cast %parallel_loop3A_1335 : i32 to index
        %parallel_loop3A_1337 = arith.constant 352 : index
        %parallel_loop3A_1338 = tpu.vector_load %arg7[%parallel_loop3A_1336, %parallel_loop3A_1337] {strides = array<i32>} : memref<96x384xf32, #tpu.memory_space<vmem>>, vector<1x16xf32>,
        %parallel_loop3A_1339 = vector.shape_cast %parallel_loop3A_1338 : vector<1x16xf32> to vector<16xf32>
        %parallel_loop3A_1340 = arith.addf %parallel_loop3A_1331, %parallel_loop3A_1339 : vector<16xf32>
        %parallel_loop3A_1341 = arith.constant 6 : i32
        %parallel_loop3A_1342 = arith.muli %parallel_loop3A_75, %parallel_loop3A_1341 : i32
        %parallel_loop3A_1343 = arith.constant 4 : i32
        %parallel_loop3A_1344 = arith.addi %parallel_loop3A_1342, %parallel_loop3A_1343 : i32
        %parallel_loop3A_1345 = arith.index_cast %parallel_loop3A_1344 : i32 to index
        %parallel_loop3A_1346 = arith.constant 352 : index
        %parallel_loop3A_1347 = tpu.vector_load %arg7[%parallel_loop3A_1345, %parallel_loop3A_1346] {strides = array<i32>} : memref<96x384xf32, #tpu.memory_space<vmem>>, vector<1x16xf32>,
        %parallel_loop3A_1348 = vector.shape_cast %parallel_loop3A_1347 : vector<1x16xf32> to vector<16xf32>
        %parallel_loop3A_1349 = arith.addf %parallel_loop3A_1340, %parallel_loop3A_1348 : vector<16xf32>
        %parallel_loop3A_1350 = arith.constant 6 : i32
        %parallel_loop3A_1351 = arith.muli %parallel_loop3A_75, %parallel_loop3A_1350 : i32
        %parallel_loop3A_1352 = arith.constant 5 : i32
        %parallel_loop3A_1353 = arith.addi %parallel_loop3A_1351, %parallel_loop3A_1352 : i32
        %parallel_loop3A_1354 = arith.index_cast %parallel_loop3A_1353 : i32 to index
        %parallel_loop3A_1355 = arith.constant 352 : index
        %parallel_loop3A_1356 = tpu.vector_load %arg7[%parallel_loop3A_1354, %parallel_loop3A_1355] {strides = array<i32>} : memref<96x384xf32, #tpu.memory_space<vmem>>, vector<1x16xf32>,
        %parallel_loop3A_1357 = vector.shape_cast %parallel_loop3A_1356 : vector<1x16xf32> to vector<16xf32>
        %parallel_loop3A_1358 = arith.addf %parallel_loop3A_1349, %parallel_loop3A_1357 : vector<16xf32>
        %parallel_loop3A_1359 = arith.index_cast %parallel_loop3A_75 : i32 to index
        %parallel_loop3A_1360 = arith.constant 352 : index
        %parallel_loop3A_1361 = tpu.vector_load %arg9[%parallel_loop3A_1359, %parallel_loop3A_1360] {strides = array<i32>} : memref<16x384xf32, #tpu.memory_space<vmem>>, vector<1x16xf32>,
        %parallel_loop3A_1362 = vector.shape_cast %parallel_loop3A_1361 : vector<1x16xf32> to vector<16xf32>
        %parallel_loop3A_1363 = vector.shape_cast %parallel_loop3A_1358 : vector<16xf32> to vector<1x16xf32>
        tpu.vector_store %arg9[%parallel_loop3A_1359, %parallel_loop3A_1360], %parallel_loop3A_1363 {strides = array<i32>} : memref<16x384xf32, #tpu.memory_space<vmem>>, vector<1x16xf32>,
        %parallel_loop3A_1364 = arith.constant 6 : i32
        %parallel_loop3A_1365 = arith.muli %parallel_loop3A_75, %parallel_loop3A_1364 : i32
        %parallel_loop3A_1366 = arith.index_cast %parallel_loop3A_1365 : i32 to index
        %parallel_loop3A_1367 = arith.constant 368 : index
        %parallel_loop3A_1368 = tpu.vector_load %arg7[%parallel_loop3A_1366, %parallel_loop3A_1367] {strides = array<i32>} : memref<96x384xf32, #tpu.memory_space<vmem>>, vector<1x16xf32>,
        %parallel_loop3A_1369 = vector.shape_cast %parallel_loop3A_1368 : vector<1x16xf32> to vector<16xf32>
        %parallel_loop3A_1370 = arith.constant 6 : i32
        %parallel_loop3A_1371 = arith.muli %parallel_loop3A_75, %parallel_loop3A_1370 : i32
        %parallel_loop3A_1372 = arith.constant 1 : i32
        %parallel_loop3A_1373 = arith.addi %parallel_loop3A_1371, %parallel_loop3A_1372 : i32
        %parallel_loop3A_1374 = arith.index_cast %parallel_loop3A_1373 : i32 to index
        %parallel_loop3A_1375 = arith.constant 368 : index
        %parallel_loop3A_1376 = tpu.vector_load %arg7[%parallel_loop3A_1374, %parallel_loop3A_1375] {strides = array<i32>} : memref<96x384xf32, #tpu.memory_space<vmem>>, vector<1x16xf32>,
        %parallel_loop3A_1377 = vector.shape_cast %parallel_loop3A_1376 : vector<1x16xf32> to vector<16xf32>
        %parallel_loop3A_1378 = arith.addf %parallel_loop3A_1369, %parallel_loop3A_1377 : vector<16xf32>
        %parallel_loop3A_1379 = arith.constant 6 : i32
        %parallel_loop3A_1380 = arith.muli %parallel_loop3A_75, %parallel_loop3A_1379 : i32
        %parallel_loop3A_1381 = arith.constant 2 : i32
        %parallel_loop3A_1382 = arith.addi %parallel_loop3A_1380, %parallel_loop3A_1381 : i32
        %parallel_loop3A_1383 = arith.index_cast %parallel_loop3A_1382 : i32 to index
        %parallel_loop3A_1384 = arith.constant 368 : index
        %parallel_loop3A_1385 = tpu.vector_load %arg7[%parallel_loop3A_1383, %parallel_loop3A_1384] {strides = array<i32>} : memref<96x384xf32, #tpu.memory_space<vmem>>, vector<1x16xf32>,
        %parallel_loop3A_1386 = vector.shape_cast %parallel_loop3A_1385 : vector<1x16xf32> to vector<16xf32>
        %parallel_loop3A_1387 = arith.addf %parallel_loop3A_1378, %parallel_loop3A_1386 : vector<16xf32>
        %parallel_loop3A_1388 = arith.constant 6 : i32
        %parallel_loop3A_1389 = arith.muli %parallel_loop3A_75, %parallel_loop3A_1388 : i32
        %parallel_loop3A_1390 = arith.constant 3 : i32
        %parallel_loop3A_1391 = arith.addi %parallel_loop3A_1389, %parallel_loop3A_1390 : i32
        %parallel_loop3A_1392 = arith.index_cast %parallel_loop3A_1391 : i32 to index
        %parallel_loop3A_1393 = arith.constant 368 : index
        %parallel_loop3A_1394 = tpu.vector_load %arg7[%parallel_loop3A_1392, %parallel_loop3A_1393] {strides = array<i32>} : memref<96x384xf32, #tpu.memory_space<vmem>>, vector<1x16xf32>,
        %parallel_loop3A_1395 = vector.shape_cast %parallel_loop3A_1394 : vector<1x16xf32> to vector<16xf32>
        %parallel_loop3A_1396 = arith.addf %parallel_loop3A_1387, %parallel_loop3A_1395 : vector<16xf32>
        %parallel_loop3A_1397 = arith.constant 6 : i32
        %parallel_loop3A_1398 = arith.muli %parallel_loop3A_75, %parallel_loop3A_1397 : i32
        %parallel_loop3A_1399 = arith.constant 4 : i32
        %parallel_loop3A_1400 = arith.addi %parallel_loop3A_1398, %parallel_loop3A_1399 : i32
        %parallel_loop3A_1401 = arith.index_cast %parallel_loop3A_1400 : i32 to index
        %parallel_loop3A_1402 = arith.constant 368 : index
        %parallel_loop3A_1403 = tpu.vector_load %arg7[%parallel_loop3A_1401, %parallel_loop3A_1402] {strides = array<i32>} : memref<96x384xf32, #tpu.memory_space<vmem>>, vector<1x16xf32>,
        %parallel_loop3A_1404 = vector.shape_cast %parallel_loop3A_1403 : vector<1x16xf32> to vector<16xf32>
        %parallel_loop3A_1405 = arith.addf %parallel_loop3A_1396, %parallel_loop3A_1404 : vector<16xf32>
        %parallel_loop3A_1406 = arith.constant 6 : i32
        %parallel_loop3A_1407 = arith.muli %parallel_loop3A_75, %parallel_loop3A_1406 : i32
        %parallel_loop3A_1408 = arith.constant 5 : i32
        %parallel_loop3A_1409 = arith.addi %parallel_loop3A_1407, %parallel_loop3A_1408 : i32
        %parallel_loop3A_1410 = arith.index_cast %parallel_loop3A_1409 : i32 to index
        %parallel_loop3A_1411 = arith.constant 368 : index
        %parallel_loop3A_1412 = tpu.vector_load %arg7[%parallel_loop3A_1410, %parallel_loop3A_1411] {strides = array<i32>} : memref<96x384xf32, #tpu.memory_space<vmem>>, vector<1x16xf32>,
        %parallel_loop3A_1413 = vector.shape_cast %parallel_loop3A_1412 : vector<1x16xf32> to vector<16xf32>
        %parallel_loop3A_1414 = arith.addf %parallel_loop3A_1405, %parallel_loop3A_1413 : vector<16xf32>
        %parallel_loop3A_1415 = arith.index_cast %parallel_loop3A_75 : i32 to index
        %parallel_loop3A_1416 = arith.constant 368 : index
        %parallel_loop3A_1417 = tpu.vector_load %arg9[%parallel_loop3A_1415, %parallel_loop3A_1416] {strides = array<i32>} : memref<16x384xf32, #tpu.memory_space<vmem>>, vector<1x16xf32>,
        %parallel_loop3A_1418 = vector.shape_cast %parallel_loop3A_1417 : vector<1x16xf32> to vector<16xf32>
        %parallel_loop3A_1419 = vector.shape_cast %parallel_loop3A_1414 : vector<16xf32> to vector<1x16xf32>
        tpu.vector_store %arg9[%parallel_loop3A_1415, %parallel_loop3A_1416], %parallel_loop3A_1419 {strides = array<i32>} : memref<16x384xf32, #tpu.memory_space<vmem>>, vector<1x16xf32>,
      } {sc.loop_unroll_factor = 4 : i64, sc.parallel_access}
      %mul3A_39 = arith.constant 16 : i32
      %mul3A_40 = arith.muli %add3A_25, %mul3A_39 : i32
      %add3A_41 = arith.addi %mul3A_2, %mul3A_40 : i32
      %dma_start3A_42 = arith.constant 0 : i32
      %dma_start3A_43 = tpu.memref_slice %arg4[%add3A_41, %dma_start3A_42] : memref<20480x384xf32, #tpu.memory_space<hbm>> -> memref<16x384xf32, #tpu.memory_space<hbm>>
      %dma_start3A_44 = arith.constant 0 : i32
      %dma_start3A_45 = tpu.memref_slice %arg4[%add3A_41, %dma_start3A_44] : memref<20480x384xf32, #tpu.memory_space<hbm>> -> memref<16x384xf32, #tpu.memory_space<hbm>>
      tpu.enqueue_dma source(%arg9 : memref<16x384xf32, #tpu.memory_space<vmem>>) target(%dma_start3A_45 : memref<16x384xf32, #tpu.memory_space<hbm>>) target_semaphore(%arg13 : memref<!tpu.dma_semaphore, #tpu.memory_space<semaphore_mem>>)
      %mul3A_46 = arith.constant 2 : i32
      %mul3A_47 = arith.muli %mul3A_46, %scan3A_21 : i32
      %add3A_48 = arith.constant 1 : i32
      %add3A_49 = arith.addi %mul3A_47, %add3A_48 : i32
      %add3A_50 = arith.constant 1 : i32
      %add3A_51 = arith.addi %add3A_49, %add3A_50 : i32
      %lt3A_52 = arith.constant 40 : i32
      %lt3A_53 = arith.cmpi slt, %add3A_51, %lt3A_52 : i32
      %convert_element_type3A_54 = arith.extui %lt3A_53 : i1 to i32
      %cond3A_55 = arith.constant 0 : i32
      %cond3A_56 = arith.cmpi ne, %convert_element_type3A_54, %cond3A_55 : i32
      scf.if %cond3A_56 {
        %mul3A_75 = arith.constant 16 : i32
        %mul3A_76 = arith.muli %add3A_51, %mul3A_75 : i32
        %add3A_77 = arith.addi %mul3A_2, %mul3A_76 : i32
        %mul3A_78 = arith.constant 6 : i32
        %mul3A_79 = arith.muli %add3A_77, %mul3A_78 : i32
        "tpu.region"() ({
          %run_scoped3A = tpu.sem_alloc : memref<!tpu.dma_semaphore, #tpu.memory_space<semaphore_mem>>
          %dma_start3A_83 = tpu.memref_slice %arg3[%mul3A_79] : memref<122880xi32, #tpu.memory_space<hbm>> -> memref<96xi32, #tpu.memory_space<hbm>>
          %dma_start3A_84 = tpu.memref_slice %arg3[%mul3A_79] : memref<122880xi32, #tpu.memory_space<hbm>> -> memref<96xi32, #tpu.memory_space<hbm>>
          tpu.enqueue_dma source(%dma_start3A_84 : memref<96xi32, #tpu.memory_space<hbm>>) target(%arg5 : memref<96xi32, #tpu.memory_space<vmem>>) target_semaphore(%run_scoped3A : memref<!tpu.dma_semaphore, #tpu.memory_space<semaphore_mem>>)
          %dma_wait3A_85 = tpu.memref_slice %arg3[%mul3A_79] : memref<122880xi32, #tpu.memory_space<hbm>> -> memref<96xi32, #tpu.memory_space<hbm>>
          %dma_wait3A_86 = tpu.memref_slice %arg3[%mul3A_79] : memref<122880xi32, #tpu.memory_space<hbm>> -> memref<96xi32, #tpu.memory_space<hbm>>
          tpu.wait_dma2 semaphore(%run_scoped3A : memref<!tpu.dma_semaphore, #tpu.memory_space<semaphore_mem>>) src(%dma_wait3A_86 : memref<96xi32, #tpu.memory_space<hbm>>) dst(%arg5 : memref<96xi32, #tpu.memory_space<vmem>>)
          tpu.yield
        }) : () -> ()
        %dma_start3A_80 = arith.constant 0 : i32
        %dma_start3A_81 = arith.constant 0 : i32
        %dma_start3A_82 = tpu.memref_slice %arg2[%dma_start3A_80, %dma_start3A_81] : memref<16436x384xf32, #tpu.memory_space<hbm>> -> memref<16436x384xf32, #tpu.memory_space<hbm>>
        tpu.enqueue_indirect_dma source(%dma_start3A_82 : memref<16436x384xf32, #tpu.memory_space<hbm>>) target(%arg7 : memref<96x384xf32, #tpu.memory_space<vmem>>) offsets(%arg5 : memref<96xi32, #tpu.memory_space<vmem>>) semaphore(%arg11 : memref<!tpu.dma_semaphore, #tpu.memory_space<semaphore_mem>>)
      } else {
      }
      %dma_wait3A_57 = arith.constant 0 : i32
      %dma_wait3A_58 = arith.constant 0 : i32
      %dma_wait3A_59 = tpu.memref_slice %arg2[%dma_wait3A_57, %dma_wait3A_58] : memref<16436x384xf32, #tpu.memory_space<hbm>> -> memref<16436x384xf32, #tpu.memory_space<hbm>>
      tpu.wait_indirect_dma semaphore(%arg12 : memref<!tpu.dma_semaphore, #tpu.memory_space<semaphore_mem>>) src(%dma_wait3A_59 : memref<16436x384xf32, #tpu.memory_space<hbm>>) dst(%arg8 : memref<96x384xf32, #tpu.memory_space<vmem>>)
      %gt3A_60 = arith.constant 0 : i32
      %gt3A_61 = arith.cmpi sgt, %scan3A_21, %gt3A_60 : i32
      %convert_element_type3A_62 = arith.extui %gt3A_61 : i1 to i32
      %cond3A_63 = arith.constant 0 : i32
      %cond3A_64 = arith.cmpi ne, %convert_element_type3A_62, %cond3A_63 : i32
      scf.if %cond3A_64 {
        %dma_wait3A_75 = arith.constant 0 : i32
        %dma_wait3A_76 = tpu.memref_slice %arg4[%mul3A_2, %dma_wait3A_75] : memref<20480x384xf32, #tpu.memory_space<hbm>> -> memref<16x384xf32, #tpu.memory_space<hbm>>
        %dma_wait3A_77 = arith.constant 0 : i32
        %dma_wait3A_78 = tpu.memref_slice %arg4[%mul3A_2, %dma_wait3A_77] : memref<20480x384xf32, #tpu.memory_space<hbm>> -> memref<16x384xf32, #tpu.memory_space<hbm>>
        tpu.wait_dma2 semaphore(%arg14 : memref<!tpu.dma_semaphore, #tpu.memory_space<semaphore_mem>>) src(%arg10 : memref<16x384xf32, #tpu.memory_space<vmem>>) dst(%dma_wait3A_78 : memref<16x384xf32, #tpu.memory_space<hbm>>)
      } else {
      }
      %parallel_loop3A_65 = arith.constant 0 : i32
      %parallel_loop3A_66 = arith.constant 16 : i32
      %parallel_loop3A_67 = arith.constant 1 : i32
      scf.for %parallel_loop3A_75 = %parallel_loop3A_65 to %parallel_loop3A_66 step %parallel_loop3A_67  : i32 {
        %parallel_loop3A_76 = arith.constant 6 : i32
        %parallel_loop3A_77 = arith.muli %parallel_loop3A_75, %parallel_loop3A_76 : i32
        %parallel_loop3A_78 = arith.index_cast %parallel_loop3A_77 : i32 to index
        %parallel_loop3A_79 = arith.constant 0 : index
        %parallel_loop3A_80 = tpu.vector_load %arg8[%parallel_loop3A_78, %parallel_loop3A_79] {strides = array<i32>} : memref<96x384xf32, #tpu.memory_space<vmem>>, vector<1x16xf32>,
        %parallel_loop3A_81 = vector.shape_cast %parallel_loop3A_80 : vector<1x16xf32> to vector<16xf32>
        %parallel_loop3A_82 = arith.constant 6 : i32
        %parallel_loop3A_83 = arith.muli %parallel_loop3A_75, %parallel_loop3A_82 : i32
        %parallel_loop3A_84 = arith.constant 1 : i32
        %parallel_loop3A_85 = arith.addi %parallel_loop3A_83, %parallel_loop3A_84 : i32
        %parallel_loop3A_86 = arith.index_cast %parallel_loop3A_85 : i32 to index
        %parallel_loop3A_87 = arith.constant 0 : index
        %parallel_loop3A_88 = tpu.vector_load %arg8[%parallel_loop3A_86, %parallel_loop3A_87] {strides = array<i32>} : memref<96x384xf32, #tpu.memory_space<vmem>>, vector<1x16xf32>,
        %parallel_loop3A_89 = vector.shape_cast %parallel_loop3A_88 : vector<1x16xf32> to vector<16xf32>
        %parallel_loop3A_90 = arith.addf %parallel_loop3A_81, %parallel_loop3A_89 : vector<16xf32>
        %parallel_loop3A_91 = arith.constant 6 : i32
        %parallel_loop3A_92 = arith.muli %parallel_loop3A_75, %parallel_loop3A_91 : i32
        %parallel_loop3A_93 = arith.constant 2 : i32
        %parallel_loop3A_94 = arith.addi %parallel_loop3A_92, %parallel_loop3A_93 : i32
        %parallel_loop3A_95 = arith.index_cast %parallel_loop3A_94 : i32 to index
        %parallel_loop3A_96 = arith.constant 0 : index
        %parallel_loop3A_97 = tpu.vector_load %arg8[%parallel_loop3A_95, %parallel_loop3A_96] {strides = array<i32>} : memref<96x384xf32, #tpu.memory_space<vmem>>, vector<1x16xf32>,
        %parallel_loop3A_98 = vector.shape_cast %parallel_loop3A_97 : vector<1x16xf32> to vector<16xf32>
        %parallel_loop3A_99 = arith.addf %parallel_loop3A_90, %parallel_loop3A_98 : vector<16xf32>
        %parallel_loop3A_100 = arith.constant 6 : i32
        %parallel_loop3A_101 = arith.muli %parallel_loop3A_75, %parallel_loop3A_100 : i32
        %parallel_loop3A_102 = arith.constant 3 : i32
        %parallel_loop3A_103 = arith.addi %parallel_loop3A_101, %parallel_loop3A_102 : i32
        %parallel_loop3A_104 = arith.index_cast %parallel_loop3A_103 : i32 to index
        %parallel_loop3A_105 = arith.constant 0 : index
        %parallel_loop3A_106 = tpu.vector_load %arg8[%parallel_loop3A_104, %parallel_loop3A_105] {strides = array<i32>} : memref<96x384xf32, #tpu.memory_space<vmem>>, vector<1x16xf32>,
        %parallel_loop3A_107 = vector.shape_cast %parallel_loop3A_106 : vector<1x16xf32> to vector<16xf32>
        %parallel_loop3A_108 = arith.addf %parallel_loop3A_99, %parallel_loop3A_107 : vector<16xf32>
        %parallel_loop3A_109 = arith.constant 6 : i32
        %parallel_loop3A_110 = arith.muli %parallel_loop3A_75, %parallel_loop3A_109 : i32
        %parallel_loop3A_111 = arith.constant 4 : i32
        %parallel_loop3A_112 = arith.addi %parallel_loop3A_110, %parallel_loop3A_111 : i32
        %parallel_loop3A_113 = arith.index_cast %parallel_loop3A_112 : i32 to index
        %parallel_loop3A_114 = arith.constant 0 : index
        %parallel_loop3A_115 = tpu.vector_load %arg8[%parallel_loop3A_113, %parallel_loop3A_114] {strides = array<i32>} : memref<96x384xf32, #tpu.memory_space<vmem>>, vector<1x16xf32>,
        %parallel_loop3A_116 = vector.shape_cast %parallel_loop3A_115 : vector<1x16xf32> to vector<16xf32>
        %parallel_loop3A_117 = arith.addf %parallel_loop3A_108, %parallel_loop3A_116 : vector<16xf32>
        %parallel_loop3A_118 = arith.constant 6 : i32
        %parallel_loop3A_119 = arith.muli %parallel_loop3A_75, %parallel_loop3A_118 : i32
        %parallel_loop3A_120 = arith.constant 5 : i32
        %parallel_loop3A_121 = arith.addi %parallel_loop3A_119, %parallel_loop3A_120 : i32
        %parallel_loop3A_122 = arith.index_cast %parallel_loop3A_121 : i32 to index
        %parallel_loop3A_123 = arith.constant 0 : index
        %parallel_loop3A_124 = tpu.vector_load %arg8[%parallel_loop3A_122, %parallel_loop3A_123] {strides = array<i32>} : memref<96x384xf32, #tpu.memory_space<vmem>>, vector<1x16xf32>,
        %parallel_loop3A_125 = vector.shape_cast %parallel_loop3A_124 : vector<1x16xf32> to vector<16xf32>
        %parallel_loop3A_126 = arith.addf %parallel_loop3A_117, %parallel_loop3A_125 : vector<16xf32>
        %parallel_loop3A_127 = arith.index_cast %parallel_loop3A_75 : i32 to index
        %parallel_loop3A_128 = arith.constant 0 : index
        %parallel_loop3A_129 = tpu.vector_load %arg10[%parallel_loop3A_127, %parallel_loop3A_128] {strides = array<i32>} : memref<16x384xf32, #tpu.memory_space<vmem>>, vector<1x16xf32>,
        %parallel_loop3A_130 = vector.shape_cast %parallel_loop3A_129 : vector<1x16xf32> to vector<16xf32>
        %parallel_loop3A_131 = vector.shape_cast %parallel_loop3A_126 : vector<16xf32> to vector<1x16xf32>
        tpu.vector_store %arg10[%parallel_loop3A_127, %parallel_loop3A_128], %parallel_loop3A_131 {strides = array<i32>} : memref<16x384xf32, #tpu.memory_space<vmem>>, vector<1x16xf32>,
        %parallel_loop3A_132 = arith.constant 6 : i32
        %parallel_loop3A_133 = arith.muli %parallel_loop3A_75, %parallel_loop3A_132 : i32
        %parallel_loop3A_134 = arith.index_cast %parallel_loop3A_133 : i32 to index
        %parallel_loop3A_135 = arith.constant 16 : index
        %parallel_loop3A_136 = tpu.vector_load %arg8[%parallel_loop3A_134, %parallel_loop3A_135] {strides = array<i32>} : memref<96x384xf32, #tpu.memory_space<vmem>>, vector<1x16xf32>,
        %parallel_loop3A_137 = vector.shape_cast %parallel_loop3A_136 : vector<1x16xf32> to vector<16xf32>
        %parallel_loop3A_138 = arith.constant 6 : i32
        %parallel_loop3A_139 = arith.muli %parallel_loop3A_75, %parallel_loop3A_138 : i32
        %parallel_loop3A_140 = arith.constant 1 : i32
        %parallel_loop3A_141 = arith.addi %parallel_loop3A_139, %parallel_loop3A_140 : i32
        %parallel_loop3A_142 = arith.index_cast %parallel_loop3A_141 : i32 to index
        %parallel_loop3A_143 = arith.constant 16 : index
        %parallel_loop3A_144 = tpu.vector_load %arg8[%parallel_loop3A_142, %parallel_loop3A_143] {strides = array<i32>} : memref<96x384xf32, #tpu.memory_space<vmem>>, vector<1x16xf32>,
        %parallel_loop3A_145 = vector.shape_cast %parallel_loop3A_144 : vector<1x16xf32> to vector<16xf32>
        %parallel_loop3A_146 = arith.addf %parallel_loop3A_137, %parallel_loop3A_145 : vector<16xf32>
        %parallel_loop3A_147 = arith.constant 6 : i32
        %parallel_loop3A_148 = arith.muli %parallel_loop3A_75, %parallel_loop3A_147 : i32
        %parallel_loop3A_149 = arith.constant 2 : i32
        %parallel_loop3A_150 = arith.addi %parallel_loop3A_148, %parallel_loop3A_149 : i32
        %parallel_loop3A_151 = arith.index_cast %parallel_loop3A_150 : i32 to index
        %parallel_loop3A_152 = arith.constant 16 : index
        %parallel_loop3A_153 = tpu.vector_load %arg8[%parallel_loop3A_151, %parallel_loop3A_152] {strides = array<i32>} : memref<96x384xf32, #tpu.memory_space<vmem>>, vector<1x16xf32>,
        %parallel_loop3A_154 = vector.shape_cast %parallel_loop3A_153 : vector<1x16xf32> to vector<16xf32>
        %parallel_loop3A_155 = arith.addf %parallel_loop3A_146, %parallel_loop3A_154 : vector<16xf32>
        %parallel_loop3A_156 = arith.constant 6 : i32
        %parallel_loop3A_157 = arith.muli %parallel_loop3A_75, %parallel_loop3A_156 : i32
        %parallel_loop3A_158 = arith.constant 3 : i32
        %parallel_loop3A_159 = arith.addi %parallel_loop3A_157, %parallel_loop3A_158 : i32
        %parallel_loop3A_160 = arith.index_cast %parallel_loop3A_159 : i32 to index
        %parallel_loop3A_161 = arith.constant 16 : index
        %parallel_loop3A_162 = tpu.vector_load %arg8[%parallel_loop3A_160, %parallel_loop3A_161] {strides = array<i32>} : memref<96x384xf32, #tpu.memory_space<vmem>>, vector<1x16xf32>,
        %parallel_loop3A_163 = vector.shape_cast %parallel_loop3A_162 : vector<1x16xf32> to vector<16xf32>
        %parallel_loop3A_164 = arith.addf %parallel_loop3A_155, %parallel_loop3A_163 : vector<16xf32>
        %parallel_loop3A_165 = arith.constant 6 : i32
        %parallel_loop3A_166 = arith.muli %parallel_loop3A_75, %parallel_loop3A_165 : i32
        %parallel_loop3A_167 = arith.constant 4 : i32
        %parallel_loop3A_168 = arith.addi %parallel_loop3A_166, %parallel_loop3A_167 : i32
        %parallel_loop3A_169 = arith.index_cast %parallel_loop3A_168 : i32 to index
        %parallel_loop3A_170 = arith.constant 16 : index
        %parallel_loop3A_171 = tpu.vector_load %arg8[%parallel_loop3A_169, %parallel_loop3A_170] {strides = array<i32>} : memref<96x384xf32, #tpu.memory_space<vmem>>, vector<1x16xf32>,
        %parallel_loop3A_172 = vector.shape_cast %parallel_loop3A_171 : vector<1x16xf32> to vector<16xf32>
        %parallel_loop3A_173 = arith.addf %parallel_loop3A_164, %parallel_loop3A_172 : vector<16xf32>
        %parallel_loop3A_174 = arith.constant 6 : i32
        %parallel_loop3A_175 = arith.muli %parallel_loop3A_75, %parallel_loop3A_174 : i32
        %parallel_loop3A_176 = arith.constant 5 : i32
        %parallel_loop3A_177 = arith.addi %parallel_loop3A_175, %parallel_loop3A_176 : i32
        %parallel_loop3A_178 = arith.index_cast %parallel_loop3A_177 : i32 to index
        %parallel_loop3A_179 = arith.constant 16 : index
        %parallel_loop3A_180 = tpu.vector_load %arg8[%parallel_loop3A_178, %parallel_loop3A_179] {strides = array<i32>} : memref<96x384xf32, #tpu.memory_space<vmem>>, vector<1x16xf32>,
        %parallel_loop3A_181 = vector.shape_cast %parallel_loop3A_180 : vector<1x16xf32> to vector<16xf32>
        %parallel_loop3A_182 = arith.addf %parallel_loop3A_173, %parallel_loop3A_181 : vector<16xf32>
        %parallel_loop3A_183 = arith.index_cast %parallel_loop3A_75 : i32 to index
        %parallel_loop3A_184 = arith.constant 16 : index
        %parallel_loop3A_185 = tpu.vector_load %arg10[%parallel_loop3A_183, %parallel_loop3A_184] {strides = array<i32>} : memref<16x384xf32, #tpu.memory_space<vmem>>, vector<1x16xf32>,
        %parallel_loop3A_186 = vector.shape_cast %parallel_loop3A_185 : vector<1x16xf32> to vector<16xf32>
        %parallel_loop3A_187 = vector.shape_cast %parallel_loop3A_182 : vector<16xf32> to vector<1x16xf32>
        tpu.vector_store %arg10[%parallel_loop3A_183, %parallel_loop3A_184], %parallel_loop3A_187 {strides = array<i32>} : memref<16x384xf32, #tpu.memory_space<vmem>>, vector<1x16xf32>,
        %parallel_loop3A_188 = arith.constant 6 : i32
        %parallel_loop3A_189 = arith.muli %parallel_loop3A_75, %parallel_loop3A_188 : i32
        %parallel_loop3A_190 = arith.index_cast %parallel_loop3A_189 : i32 to index
        %parallel_loop3A_191 = arith.constant 32 : index
        %parallel_loop3A_192 = tpu.vector_load %arg8[%parallel_loop3A_190, %parallel_loop3A_191] {strides = array<i32>} : memref<96x384xf32, #tpu.memory_space<vmem>>, vector<1x16xf32>,
        %parallel_loop3A_193 = vector.shape_cast %parallel_loop3A_192 : vector<1x16xf32> to vector<16xf32>
        %parallel_loop3A_194 = arith.constant 6 : i32
        %parallel_loop3A_195 = arith.muli %parallel_loop3A_75, %parallel_loop3A_194 : i32
        %parallel_loop3A_196 = arith.constant 1 : i32
        %parallel_loop3A_197 = arith.addi %parallel_loop3A_195, %parallel_loop3A_196 : i32
        %parallel_loop3A_198 = arith.index_cast %parallel_loop3A_197 : i32 to index
        %parallel_loop3A_199 = arith.constant 32 : index
        %parallel_loop3A_200 = tpu.vector_load %arg8[%parallel_loop3A_198, %parallel_loop3A_199] {strides = array<i32>} : memref<96x384xf32, #tpu.memory_space<vmem>>, vector<1x16xf32>,
        %parallel_loop3A_201 = vector.shape_cast %parallel_loop3A_200 : vector<1x16xf32> to vector<16xf32>
        %parallel_loop3A_202 = arith.addf %parallel_loop3A_193, %parallel_loop3A_201 : vector<16xf32>
        %parallel_loop3A_203 = arith.constant 6 : i32
        %parallel_loop3A_204 = arith.muli %parallel_loop3A_75, %parallel_loop3A_203 : i32
        %parallel_loop3A_205 = arith.constant 2 : i32
        %parallel_loop3A_206 = arith.addi %parallel_loop3A_204, %parallel_loop3A_205 : i32
        %parallel_loop3A_207 = arith.index_cast %parallel_loop3A_206 : i32 to index
        %parallel_loop3A_208 = arith.constant 32 : index
        %parallel_loop3A_209 = tpu.vector_load %arg8[%parallel_loop3A_207, %parallel_loop3A_208] {strides = array<i32>} : memref<96x384xf32, #tpu.memory_space<vmem>>, vector<1x16xf32>,
        %parallel_loop3A_210 = vector.shape_cast %parallel_loop3A_209 : vector<1x16xf32> to vector<16xf32>
        %parallel_loop3A_211 = arith.addf %parallel_loop3A_202, %parallel_loop3A_210 : vector<16xf32>
        %parallel_loop3A_212 = arith.constant 6 : i32
        %parallel_loop3A_213 = arith.muli %parallel_loop3A_75, %parallel_loop3A_212 : i32
        %parallel_loop3A_214 = arith.constant 3 : i32
        %parallel_loop3A_215 = arith.addi %parallel_loop3A_213, %parallel_loop3A_214 : i32
        %parallel_loop3A_216 = arith.index_cast %parallel_loop3A_215 : i32 to index
        %parallel_loop3A_217 = arith.constant 32 : index
        %parallel_loop3A_218 = tpu.vector_load %arg8[%parallel_loop3A_216, %parallel_loop3A_217] {strides = array<i32>} : memref<96x384xf32, #tpu.memory_space<vmem>>, vector<1x16xf32>,
        %parallel_loop3A_219 = vector.shape_cast %parallel_loop3A_218 : vector<1x16xf32> to vector<16xf32>
        %parallel_loop3A_220 = arith.addf %parallel_loop3A_211, %parallel_loop3A_219 : vector<16xf32>
        %parallel_loop3A_221 = arith.constant 6 : i32
        %parallel_loop3A_222 = arith.muli %parallel_loop3A_75, %parallel_loop3A_221 : i32
        %parallel_loop3A_223 = arith.constant 4 : i32
        %parallel_loop3A_224 = arith.addi %parallel_loop3A_222, %parallel_loop3A_223 : i32
        %parallel_loop3A_225 = arith.index_cast %parallel_loop3A_224 : i32 to index
        %parallel_loop3A_226 = arith.constant 32 : index
        %parallel_loop3A_227 = tpu.vector_load %arg8[%parallel_loop3A_225, %parallel_loop3A_226] {strides = array<i32>} : memref<96x384xf32, #tpu.memory_space<vmem>>, vector<1x16xf32>,
        %parallel_loop3A_228 = vector.shape_cast %parallel_loop3A_227 : vector<1x16xf32> to vector<16xf32>
        %parallel_loop3A_229 = arith.addf %parallel_loop3A_220, %parallel_loop3A_228 : vector<16xf32>
        %parallel_loop3A_230 = arith.constant 6 : i32
        %parallel_loop3A_231 = arith.muli %parallel_loop3A_75, %parallel_loop3A_230 : i32
        %parallel_loop3A_232 = arith.constant 5 : i32
        %parallel_loop3A_233 = arith.addi %parallel_loop3A_231, %parallel_loop3A_232 : i32
        %parallel_loop3A_234 = arith.index_cast %parallel_loop3A_233 : i32 to index
        %parallel_loop3A_235 = arith.constant 32 : index
        %parallel_loop3A_236 = tpu.vector_load %arg8[%parallel_loop3A_234, %parallel_loop3A_235] {strides = array<i32>} : memref<96x384xf32, #tpu.memory_space<vmem>>, vector<1x16xf32>,
        %parallel_loop3A_237 = vector.shape_cast %parallel_loop3A_236 : vector<1x16xf32> to vector<16xf32>
        %parallel_loop3A_238 = arith.addf %parallel_loop3A_229, %parallel_loop3A_237 : vector<16xf32>
        %parallel_loop3A_239 = arith.index_cast %parallel_loop3A_75 : i32 to index
        %parallel_loop3A_240 = arith.constant 32 : index
        %parallel_loop3A_241 = tpu.vector_load %arg10[%parallel_loop3A_239, %parallel_loop3A_240] {strides = array<i32>} : memref<16x384xf32, #tpu.memory_space<vmem>>, vector<1x16xf32>,
        %parallel_loop3A_242 = vector.shape_cast %parallel_loop3A_241 : vector<1x16xf32> to vector<16xf32>
        %parallel_loop3A_243 = vector.shape_cast %parallel_loop3A_238 : vector<16xf32> to vector<1x16xf32>
        tpu.vector_store %arg10[%parallel_loop3A_239, %parallel_loop3A_240], %parallel_loop3A_243 {strides = array<i32>} : memref<16x384xf32, #tpu.memory_space<vmem>>, vector<1x16xf32>,
        %parallel_loop3A_244 = arith.constant 6 : i32
        %parallel_loop3A_245 = arith.muli %parallel_loop3A_75, %parallel_loop3A_244 : i32
        %parallel_loop3A_246 = arith.index_cast %parallel_loop3A_245 : i32 to index
        %parallel_loop3A_247 = arith.constant 48 : index
        %parallel_loop3A_248 = tpu.vector_load %arg8[%parallel_loop3A_246, %parallel_loop3A_247] {strides = array<i32>} : memref<96x384xf32, #tpu.memory_space<vmem>>, vector<1x16xf32>,
        %parallel_loop3A_249 = vector.shape_cast %parallel_loop3A_248 : vector<1x16xf32> to vector<16xf32>
        %parallel_loop3A_250 = arith.constant 6 : i32
        %parallel_loop3A_251 = arith.muli %parallel_loop3A_75, %parallel_loop3A_250 : i32
        %parallel_loop3A_252 = arith.constant 1 : i32
        %parallel_loop3A_253 = arith.addi %parallel_loop3A_251, %parallel_loop3A_252 : i32
        %parallel_loop3A_254 = arith.index_cast %parallel_loop3A_253 : i32 to index
        %parallel_loop3A_255 = arith.constant 48 : index
        %parallel_loop3A_256 = tpu.vector_load %arg8[%parallel_loop3A_254, %parallel_loop3A_255] {strides = array<i32>} : memref<96x384xf32, #tpu.memory_space<vmem>>, vector<1x16xf32>,
        %parallel_loop3A_257 = vector.shape_cast %parallel_loop3A_256 : vector<1x16xf32> to vector<16xf32>
        %parallel_loop3A_258 = arith.addf %parallel_loop3A_249, %parallel_loop3A_257 : vector<16xf32>
        %parallel_loop3A_259 = arith.constant 6 : i32
        %parallel_loop3A_260 = arith.muli %parallel_loop3A_75, %parallel_loop3A_259 : i32
        %parallel_loop3A_261 = arith.constant 2 : i32
        %parallel_loop3A_262 = arith.addi %parallel_loop3A_260, %parallel_loop3A_261 : i32
        %parallel_loop3A_263 = arith.index_cast %parallel_loop3A_262 : i32 to index
        %parallel_loop3A_264 = arith.constant 48 : index
        %parallel_loop3A_265 = tpu.vector_load %arg8[%parallel_loop3A_263, %parallel_loop3A_264] {strides = array<i32>} : memref<96x384xf32, #tpu.memory_space<vmem>>, vector<1x16xf32>,
        %parallel_loop3A_266 = vector.shape_cast %parallel_loop3A_265 : vector<1x16xf32> to vector<16xf32>
        %parallel_loop3A_267 = arith.addf %parallel_loop3A_258, %parallel_loop3A_266 : vector<16xf32>
        %parallel_loop3A_268 = arith.constant 6 : i32
        %parallel_loop3A_269 = arith.muli %parallel_loop3A_75, %parallel_loop3A_268 : i32
        %parallel_loop3A_270 = arith.constant 3 : i32
        %parallel_loop3A_271 = arith.addi %parallel_loop3A_269, %parallel_loop3A_270 : i32
        %parallel_loop3A_272 = arith.index_cast %parallel_loop3A_271 : i32 to index
        %parallel_loop3A_273 = arith.constant 48 : index
        %parallel_loop3A_274 = tpu.vector_load %arg8[%parallel_loop3A_272, %parallel_loop3A_273] {strides = array<i32>} : memref<96x384xf32, #tpu.memory_space<vmem>>, vector<1x16xf32>,
        %parallel_loop3A_275 = vector.shape_cast %parallel_loop3A_274 : vector<1x16xf32> to vector<16xf32>
        %parallel_loop3A_276 = arith.addf %parallel_loop3A_267, %parallel_loop3A_275 : vector<16xf32>
        %parallel_loop3A_277 = arith.constant 6 : i32
        %parallel_loop3A_278 = arith.muli %parallel_loop3A_75, %parallel_loop3A_277 : i32
        %parallel_loop3A_279 = arith.constant 4 : i32
        %parallel_loop3A_280 = arith.addi %parallel_loop3A_278, %parallel_loop3A_279 : i32
        %parallel_loop3A_281 = arith.index_cast %parallel_loop3A_280 : i32 to index
        %parallel_loop3A_282 = arith.constant 48 : index
        %parallel_loop3A_283 = tpu.vector_load %arg8[%parallel_loop3A_281, %parallel_loop3A_282] {strides = array<i32>} : memref<96x384xf32, #tpu.memory_space<vmem>>, vector<1x16xf32>,
        %parallel_loop3A_284 = vector.shape_cast %parallel_loop3A_283 : vector<1x16xf32> to vector<16xf32>
        %parallel_loop3A_285 = arith.addf %parallel_loop3A_276, %parallel_loop3A_284 : vector<16xf32>
        %parallel_loop3A_286 = arith.constant 6 : i32
        %parallel_loop3A_287 = arith.muli %parallel_loop3A_75, %parallel_loop3A_286 : i32
        %parallel_loop3A_288 = arith.constant 5 : i32
        %parallel_loop3A_289 = arith.addi %parallel_loop3A_287, %parallel_loop3A_288 : i32
        %parallel_loop3A_290 = arith.index_cast %parallel_loop3A_289 : i32 to index
        %parallel_loop3A_291 = arith.constant 48 : index
        %parallel_loop3A_292 = tpu.vector_load %arg8[%parallel_loop3A_290, %parallel_loop3A_291] {strides = array<i32>} : memref<96x384xf32, #tpu.memory_space<vmem>>, vector<1x16xf32>,
        %parallel_loop3A_293 = vector.shape_cast %parallel_loop3A_292 : vector<1x16xf32> to vector<16xf32>
        %parallel_loop3A_294 = arith.addf %parallel_loop3A_285, %parallel_loop3A_293 : vector<16xf32>
        %parallel_loop3A_295 = arith.index_cast %parallel_loop3A_75 : i32 to index
        %parallel_loop3A_296 = arith.constant 48 : index
        %parallel_loop3A_297 = tpu.vector_load %arg10[%parallel_loop3A_295, %parallel_loop3A_296] {strides = array<i32>} : memref<16x384xf32, #tpu.memory_space<vmem>>, vector<1x16xf32>,
        %parallel_loop3A_298 = vector.shape_cast %parallel_loop3A_297 : vector<1x16xf32> to vector<16xf32>
        %parallel_loop3A_299 = vector.shape_cast %parallel_loop3A_294 : vector<16xf32> to vector<1x16xf32>
        tpu.vector_store %arg10[%parallel_loop3A_295, %parallel_loop3A_296], %parallel_loop3A_299 {strides = array<i32>} : memref<16x384xf32, #tpu.memory_space<vmem>>, vector<1x16xf32>,
        %parallel_loop3A_300 = arith.constant 6 : i32
        %parallel_loop3A_301 = arith.muli %parallel_loop3A_75, %parallel_loop3A_300 : i32
        %parallel_loop3A_302 = arith.index_cast %parallel_loop3A_301 : i32 to index
        %parallel_loop3A_303 = arith.constant 64 : index
        %parallel_loop3A_304 = tpu.vector_load %arg8[%parallel_loop3A_302, %parallel_loop3A_303] {strides = array<i32>} : memref<96x384xf32, #tpu.memory_space<vmem>>, vector<1x16xf32>,
        %parallel_loop3A_305 = vector.shape_cast %parallel_loop3A_304 : vector<1x16xf32> to vector<16xf32>
        %parallel_loop3A_306 = arith.constant 6 : i32
        %parallel_loop3A_307 = arith.muli %parallel_loop3A_75, %parallel_loop3A_306 : i32
        %parallel_loop3A_308 = arith.constant 1 : i32
        %parallel_loop3A_309 = arith.addi %parallel_loop3A_307, %parallel_loop3A_308 : i32
        %parallel_loop3A_310 = arith.index_cast %parallel_loop3A_309 : i32 to index
        %parallel_loop3A_311 = arith.constant 64 : index
        %parallel_loop3A_312 = tpu.vector_load %arg8[%parallel_loop3A_310, %parallel_loop3A_311] {strides = array<i32>} : memref<96x384xf32, #tpu.memory_space<vmem>>, vector<1x16xf32>,
        %parallel_loop3A_313 = vector.shape_cast %parallel_loop3A_312 : vector<1x16xf32> to vector<16xf32>
        %parallel_loop3A_314 = arith.addf %parallel_loop3A_305, %parallel_loop3A_313 : vector<16xf32>
        %parallel_loop3A_315 = arith.constant 6 : i32
        %parallel_loop3A_316 = arith.muli %parallel_loop3A_75, %parallel_loop3A_315 : i32
        %parallel_loop3A_317 = arith.constant 2 : i32
        %parallel_loop3A_318 = arith.addi %parallel_loop3A_316, %parallel_loop3A_317 : i32
        %parallel_loop3A_319 = arith.index_cast %parallel_loop3A_318 : i32 to index
        %parallel_loop3A_320 = arith.constant 64 : index
        %parallel_loop3A_321 = tpu.vector_load %arg8[%parallel_loop3A_319, %parallel_loop3A_320] {strides = array<i32>} : memref<96x384xf32, #tpu.memory_space<vmem>>, vector<1x16xf32>,
        %parallel_loop3A_322 = vector.shape_cast %parallel_loop3A_321 : vector<1x16xf32> to vector<16xf32>
        %parallel_loop3A_323 = arith.addf %parallel_loop3A_314, %parallel_loop3A_322 : vector<16xf32>
        %parallel_loop3A_324 = arith.constant 6 : i32
        %parallel_loop3A_325 = arith.muli %parallel_loop3A_75, %parallel_loop3A_324 : i32
        %parallel_loop3A_326 = arith.constant 3 : i32
        %parallel_loop3A_327 = arith.addi %parallel_loop3A_325, %parallel_loop3A_326 : i32
        %parallel_loop3A_328 = arith.index_cast %parallel_loop3A_327 : i32 to index
        %parallel_loop3A_329 = arith.constant 64 : index
        %parallel_loop3A_330 = tpu.vector_load %arg8[%parallel_loop3A_328, %parallel_loop3A_329] {strides = array<i32>} : memref<96x384xf32, #tpu.memory_space<vmem>>, vector<1x16xf32>,
        %parallel_loop3A_331 = vector.shape_cast %parallel_loop3A_330 : vector<1x16xf32> to vector<16xf32>
        %parallel_loop3A_332 = arith.addf %parallel_loop3A_323, %parallel_loop3A_331 : vector<16xf32>
        %parallel_loop3A_333 = arith.constant 6 : i32
        %parallel_loop3A_334 = arith.muli %parallel_loop3A_75, %parallel_loop3A_333 : i32
        %parallel_loop3A_335 = arith.constant 4 : i32
        %parallel_loop3A_336 = arith.addi %parallel_loop3A_334, %parallel_loop3A_335 : i32
        %parallel_loop3A_337 = arith.index_cast %parallel_loop3A_336 : i32 to index
        %parallel_loop3A_338 = arith.constant 64 : index
        %parallel_loop3A_339 = tpu.vector_load %arg8[%parallel_loop3A_337, %parallel_loop3A_338] {strides = array<i32>} : memref<96x384xf32, #tpu.memory_space<vmem>>, vector<1x16xf32>,
        %parallel_loop3A_340 = vector.shape_cast %parallel_loop3A_339 : vector<1x16xf32> to vector<16xf32>
        %parallel_loop3A_341 = arith.addf %parallel_loop3A_332, %parallel_loop3A_340 : vector<16xf32>
        %parallel_loop3A_342 = arith.constant 6 : i32
        %parallel_loop3A_343 = arith.muli %parallel_loop3A_75, %parallel_loop3A_342 : i32
        %parallel_loop3A_344 = arith.constant 5 : i32
        %parallel_loop3A_345 = arith.addi %parallel_loop3A_343, %parallel_loop3A_344 : i32
        %parallel_loop3A_346 = arith.index_cast %parallel_loop3A_345 : i32 to index
        %parallel_loop3A_347 = arith.constant 64 : index
        %parallel_loop3A_348 = tpu.vector_load %arg8[%parallel_loop3A_346, %parallel_loop3A_347] {strides = array<i32>} : memref<96x384xf32, #tpu.memory_space<vmem>>, vector<1x16xf32>,
        %parallel_loop3A_349 = vector.shape_cast %parallel_loop3A_348 : vector<1x16xf32> to vector<16xf32>
        %parallel_loop3A_350 = arith.addf %parallel_loop3A_341, %parallel_loop3A_349 : vector<16xf32>
        %parallel_loop3A_351 = arith.index_cast %parallel_loop3A_75 : i32 to index
        %parallel_loop3A_352 = arith.constant 64 : index
        %parallel_loop3A_353 = tpu.vector_load %arg10[%parallel_loop3A_351, %parallel_loop3A_352] {strides = array<i32>} : memref<16x384xf32, #tpu.memory_space<vmem>>, vector<1x16xf32>,
        %parallel_loop3A_354 = vector.shape_cast %parallel_loop3A_353 : vector<1x16xf32> to vector<16xf32>
        %parallel_loop3A_355 = vector.shape_cast %parallel_loop3A_350 : vector<16xf32> to vector<1x16xf32>
        tpu.vector_store %arg10[%parallel_loop3A_351, %parallel_loop3A_352], %parallel_loop3A_355 {strides = array<i32>} : memref<16x384xf32, #tpu.memory_space<vmem>>, vector<1x16xf32>,
        %parallel_loop3A_356 = arith.constant 6 : i32
        %parallel_loop3A_357 = arith.muli %parallel_loop3A_75, %parallel_loop3A_356 : i32
        %parallel_loop3A_358 = arith.index_cast %parallel_loop3A_357 : i32 to index
        %parallel_loop3A_359 = arith.constant 80 : index
        %parallel_loop3A_360 = tpu.vector_load %arg8[%parallel_loop3A_358, %parallel_loop3A_359] {strides = array<i32>} : memref<96x384xf32, #tpu.memory_space<vmem>>, vector<1x16xf32>,
        %parallel_loop3A_361 = vector.shape_cast %parallel_loop3A_360 : vector<1x16xf32> to vector<16xf32>
        %parallel_loop3A_362 = arith.constant 6 : i32
        %parallel_loop3A_363 = arith.muli %parallel_loop3A_75, %parallel_loop3A_362 : i32
        %parallel_loop3A_364 = arith.constant 1 : i32
        %parallel_loop3A_365 = arith.addi %parallel_loop3A_363, %parallel_loop3A_364 : i32
        %parallel_loop3A_366 = arith.index_cast %parallel_loop3A_365 : i32 to index
        %parallel_loop3A_367 = arith.constant 80 : index
        %parallel_loop3A_368 = tpu.vector_load %arg8[%parallel_loop3A_366, %parallel_loop3A_367] {strides = array<i32>} : memref<96x384xf32, #tpu.memory_space<vmem>>, vector<1x16xf32>,
        %parallel_loop3A_369 = vector.shape_cast %parallel_loop3A_368 : vector<1x16xf32> to vector<16xf32>
        %parallel_loop3A_370 = arith.addf %parallel_loop3A_361, %parallel_loop3A_369 : vector<16xf32>
        %parallel_loop3A_371 = arith.constant 6 : i32
        %parallel_loop3A_372 = arith.muli %parallel_loop3A_75, %parallel_loop3A_371 : i32
        %parallel_loop3A_373 = arith.constant 2 : i32
        %parallel_loop3A_374 = arith.addi %parallel_loop3A_372, %parallel_loop3A_373 : i32
        %parallel_loop3A_375 = arith.index_cast %parallel_loop3A_374 : i32 to index
        %parallel_loop3A_376 = arith.constant 80 : index
        %parallel_loop3A_377 = tpu.vector_load %arg8[%parallel_loop3A_375, %parallel_loop3A_376] {strides = array<i32>} : memref<96x384xf32, #tpu.memory_space<vmem>>, vector<1x16xf32>,
        %parallel_loop3A_378 = vector.shape_cast %parallel_loop3A_377 : vector<1x16xf32> to vector<16xf32>
        %parallel_loop3A_379 = arith.addf %parallel_loop3A_370, %parallel_loop3A_378 : vector<16xf32>
        %parallel_loop3A_380 = arith.constant 6 : i32
        %parallel_loop3A_381 = arith.muli %parallel_loop3A_75, %parallel_loop3A_380 : i32
        %parallel_loop3A_382 = arith.constant 3 : i32
        %parallel_loop3A_383 = arith.addi %parallel_loop3A_381, %parallel_loop3A_382 : i32
        %parallel_loop3A_384 = arith.index_cast %parallel_loop3A_383 : i32 to index
        %parallel_loop3A_385 = arith.constant 80 : index
        %parallel_loop3A_386 = tpu.vector_load %arg8[%parallel_loop3A_384, %parallel_loop3A_385] {strides = array<i32>} : memref<96x384xf32, #tpu.memory_space<vmem>>, vector<1x16xf32>,
        %parallel_loop3A_387 = vector.shape_cast %parallel_loop3A_386 : vector<1x16xf32> to vector<16xf32>
        %parallel_loop3A_388 = arith.addf %parallel_loop3A_379, %parallel_loop3A_387 : vector<16xf32>
        %parallel_loop3A_389 = arith.constant 6 : i32
        %parallel_loop3A_390 = arith.muli %parallel_loop3A_75, %parallel_loop3A_389 : i32
        %parallel_loop3A_391 = arith.constant 4 : i32
        %parallel_loop3A_392 = arith.addi %parallel_loop3A_390, %parallel_loop3A_391 : i32
        %parallel_loop3A_393 = arith.index_cast %parallel_loop3A_392 : i32 to index
        %parallel_loop3A_394 = arith.constant 80 : index
        %parallel_loop3A_395 = tpu.vector_load %arg8[%parallel_loop3A_393, %parallel_loop3A_394] {strides = array<i32>} : memref<96x384xf32, #tpu.memory_space<vmem>>, vector<1x16xf32>,
        %parallel_loop3A_396 = vector.shape_cast %parallel_loop3A_395 : vector<1x16xf32> to vector<16xf32>
        %parallel_loop3A_397 = arith.addf %parallel_loop3A_388, %parallel_loop3A_396 : vector<16xf32>
        %parallel_loop3A_398 = arith.constant 6 : i32
        %parallel_loop3A_399 = arith.muli %parallel_loop3A_75, %parallel_loop3A_398 : i32
        %parallel_loop3A_400 = arith.constant 5 : i32
        %parallel_loop3A_401 = arith.addi %parallel_loop3A_399, %parallel_loop3A_400 : i32
        %parallel_loop3A_402 = arith.index_cast %parallel_loop3A_401 : i32 to index
        %parallel_loop3A_403 = arith.constant 80 : index
        %parallel_loop3A_404 = tpu.vector_load %arg8[%parallel_loop3A_402, %parallel_loop3A_403] {strides = array<i32>} : memref<96x384xf32, #tpu.memory_space<vmem>>, vector<1x16xf32>,
        %parallel_loop3A_405 = vector.shape_cast %parallel_loop3A_404 : vector<1x16xf32> to vector<16xf32>
        %parallel_loop3A_406 = arith.addf %parallel_loop3A_397, %parallel_loop3A_405 : vector<16xf32>
        %parallel_loop3A_407 = arith.index_cast %parallel_loop3A_75 : i32 to index
        %parallel_loop3A_408 = arith.constant 80 : index
        %parallel_loop3A_409 = tpu.vector_load %arg10[%parallel_loop3A_407, %parallel_loop3A_408] {strides = array<i32>} : memref<16x384xf32, #tpu.memory_space<vmem>>, vector<1x16xf32>,
        %parallel_loop3A_410 = vector.shape_cast %parallel_loop3A_409 : vector<1x16xf32> to vector<16xf32>
        %parallel_loop3A_411 = vector.shape_cast %parallel_loop3A_406 : vector<16xf32> to vector<1x16xf32>
        tpu.vector_store %arg10[%parallel_loop3A_407, %parallel_loop3A_408], %parallel_loop3A_411 {strides = array<i32>} : memref<16x384xf32, #tpu.memory_space<vmem>>, vector<1x16xf32>,
        %parallel_loop3A_412 = arith.constant 6 : i32
        %parallel_loop3A_413 = arith.muli %parallel_loop3A_75, %parallel_loop3A_412 : i32
        %parallel_loop3A_414 = arith.index_cast %parallel_loop3A_413 : i32 to index
        %parallel_loop3A_415 = arith.constant 96 : index
        %parallel_loop3A_416 = tpu.vector_load %arg8[%parallel_loop3A_414, %parallel_loop3A_415] {strides = array<i32>} : memref<96x384xf32, #tpu.memory_space<vmem>>, vector<1x16xf32>,
        %parallel_loop3A_417 = vector.shape_cast %parallel_loop3A_416 : vector<1x16xf32> to vector<16xf32>
        %parallel_loop3A_418 = arith.constant 6 : i32
        %parallel_loop3A_419 = arith.muli %parallel_loop3A_75, %parallel_loop3A_418 : i32
        %parallel_loop3A_420 = arith.constant 1 : i32
        %parallel_loop3A_421 = arith.addi %parallel_loop3A_419, %parallel_loop3A_420 : i32
        %parallel_loop3A_422 = arith.index_cast %parallel_loop3A_421 : i32 to index
        %parallel_loop3A_423 = arith.constant 96 : index
        %parallel_loop3A_424 = tpu.vector_load %arg8[%parallel_loop3A_422, %parallel_loop3A_423] {strides = array<i32>} : memref<96x384xf32, #tpu.memory_space<vmem>>, vector<1x16xf32>,
        %parallel_loop3A_425 = vector.shape_cast %parallel_loop3A_424 : vector<1x16xf32> to vector<16xf32>
        %parallel_loop3A_426 = arith.addf %parallel_loop3A_417, %parallel_loop3A_425 : vector<16xf32>
        %parallel_loop3A_427 = arith.constant 6 : i32
        %parallel_loop3A_428 = arith.muli %parallel_loop3A_75, %parallel_loop3A_427 : i32
        %parallel_loop3A_429 = arith.constant 2 : i32
        %parallel_loop3A_430 = arith.addi %parallel_loop3A_428, %parallel_loop3A_429 : i32
        %parallel_loop3A_431 = arith.index_cast %parallel_loop3A_430 : i32 to index
        %parallel_loop3A_432 = arith.constant 96 : index
        %parallel_loop3A_433 = tpu.vector_load %arg8[%parallel_loop3A_431, %parallel_loop3A_432] {strides = array<i32>} : memref<96x384xf32, #tpu.memory_space<vmem>>, vector<1x16xf32>,
        %parallel_loop3A_434 = vector.shape_cast %parallel_loop3A_433 : vector<1x16xf32> to vector<16xf32>
        %parallel_loop3A_435 = arith.addf %parallel_loop3A_426, %parallel_loop3A_434 : vector<16xf32>
        %parallel_loop3A_436 = arith.constant 6 : i32
        %parallel_loop3A_437 = arith.muli %parallel_loop3A_75, %parallel_loop3A_436 : i32
        %parallel_loop3A_438 = arith.constant 3 : i32
        %parallel_loop3A_439 = arith.addi %parallel_loop3A_437, %parallel_loop3A_438 : i32
        %parallel_loop3A_440 = arith.index_cast %parallel_loop3A_439 : i32 to index
        %parallel_loop3A_441 = arith.constant 96 : index
        %parallel_loop3A_442 = tpu.vector_load %arg8[%parallel_loop3A_440, %parallel_loop3A_441] {strides = array<i32>} : memref<96x384xf32, #tpu.memory_space<vmem>>, vector<1x16xf32>,
        %parallel_loop3A_443 = vector.shape_cast %parallel_loop3A_442 : vector<1x16xf32> to vector<16xf32>
        %parallel_loop3A_444 = arith.addf %parallel_loop3A_435, %parallel_loop3A_443 : vector<16xf32>
        %parallel_loop3A_445 = arith.constant 6 : i32
        %parallel_loop3A_446 = arith.muli %parallel_loop3A_75, %parallel_loop3A_445 : i32
        %parallel_loop3A_447 = arith.constant 4 : i32
        %parallel_loop3A_448 = arith.addi %parallel_loop3A_446, %parallel_loop3A_447 : i32
        %parallel_loop3A_449 = arith.index_cast %parallel_loop3A_448 : i32 to index
        %parallel_loop3A_450 = arith.constant 96 : index
        %parallel_loop3A_451 = tpu.vector_load %arg8[%parallel_loop3A_449, %parallel_loop3A_450] {strides = array<i32>} : memref<96x384xf32, #tpu.memory_space<vmem>>, vector<1x16xf32>,
        %parallel_loop3A_452 = vector.shape_cast %parallel_loop3A_451 : vector<1x16xf32> to vector<16xf32>
        %parallel_loop3A_453 = arith.addf %parallel_loop3A_444, %parallel_loop3A_452 : vector<16xf32>
        %parallel_loop3A_454 = arith.constant 6 : i32
        %parallel_loop3A_455 = arith.muli %parallel_loop3A_75, %parallel_loop3A_454 : i32
        %parallel_loop3A_456 = arith.constant 5 : i32
        %parallel_loop3A_457 = arith.addi %parallel_loop3A_455, %parallel_loop3A_456 : i32
        %parallel_loop3A_458 = arith.index_cast %parallel_loop3A_457 : i32 to index
        %parallel_loop3A_459 = arith.constant 96 : index
        %parallel_loop3A_460 = tpu.vector_load %arg8[%parallel_loop3A_458, %parallel_loop3A_459] {strides = array<i32>} : memref<96x384xf32, #tpu.memory_space<vmem>>, vector<1x16xf32>,
        %parallel_loop3A_461 = vector.shape_cast %parallel_loop3A_460 : vector<1x16xf32> to vector<16xf32>
        %parallel_loop3A_462 = arith.addf %parallel_loop3A_453, %parallel_loop3A_461 : vector<16xf32>
        %parallel_loop3A_463 = arith.index_cast %parallel_loop3A_75 : i32 to index
        %parallel_loop3A_464 = arith.constant 96 : index
        %parallel_loop3A_465 = tpu.vector_load %arg10[%parallel_loop3A_463, %parallel_loop3A_464] {strides = array<i32>} : memref<16x384xf32, #tpu.memory_space<vmem>>, vector<1x16xf32>,
        %parallel_loop3A_466 = vector.shape_cast %parallel_loop3A_465 : vector<1x16xf32> to vector<16xf32>
        %parallel_loop3A_467 = vector.shape_cast %parallel_loop3A_462 : vector<16xf32> to vector<1x16xf32>
        tpu.vector_store %arg10[%parallel_loop3A_463, %parallel_loop3A_464], %parallel_loop3A_467 {strides = array<i32>} : memref<16x384xf32, #tpu.memory_space<vmem>>, vector<1x16xf32>,
        %parallel_loop3A_468 = arith.constant 6 : i32
        %parallel_loop3A_469 = arith.muli %parallel_loop3A_75, %parallel_loop3A_468 : i32
        %parallel_loop3A_470 = arith.index_cast %parallel_loop3A_469 : i32 to index
        %parallel_loop3A_471 = arith.constant 112 : index
        %parallel_loop3A_472 = tpu.vector_load %arg8[%parallel_loop3A_470, %parallel_loop3A_471] {strides = array<i32>} : memref<96x384xf32, #tpu.memory_space<vmem>>, vector<1x16xf32>,
        %parallel_loop3A_473 = vector.shape_cast %parallel_loop3A_472 : vector<1x16xf32> to vector<16xf32>
        %parallel_loop3A_474 = arith.constant 6 : i32
        %parallel_loop3A_475 = arith.muli %parallel_loop3A_75, %parallel_loop3A_474 : i32
        %parallel_loop3A_476 = arith.constant 1 : i32
        %parallel_loop3A_477 = arith.addi %parallel_loop3A_475, %parallel_loop3A_476 : i32
        %parallel_loop3A_478 = arith.index_cast %parallel_loop3A_477 : i32 to index
        %parallel_loop3A_479 = arith.constant 112 : index
        %parallel_loop3A_480 = tpu.vector_load %arg8[%parallel_loop3A_478, %parallel_loop3A_479] {strides = array<i32>} : memref<96x384xf32, #tpu.memory_space<vmem>>, vector<1x16xf32>,
        %parallel_loop3A_481 = vector.shape_cast %parallel_loop3A_480 : vector<1x16xf32> to vector<16xf32>
        %parallel_loop3A_482 = arith.addf %parallel_loop3A_473, %parallel_loop3A_481 : vector<16xf32>
        %parallel_loop3A_483 = arith.constant 6 : i32
        %parallel_loop3A_484 = arith.muli %parallel_loop3A_75, %parallel_loop3A_483 : i32
        %parallel_loop3A_485 = arith.constant 2 : i32
        %parallel_loop3A_486 = arith.addi %parallel_loop3A_484, %parallel_loop3A_485 : i32
        %parallel_loop3A_487 = arith.index_cast %parallel_loop3A_486 : i32 to index
        %parallel_loop3A_488 = arith.constant 112 : index
        %parallel_loop3A_489 = tpu.vector_load %arg8[%parallel_loop3A_487, %parallel_loop3A_488] {strides = array<i32>} : memref<96x384xf32, #tpu.memory_space<vmem>>, vector<1x16xf32>,
        %parallel_loop3A_490 = vector.shape_cast %parallel_loop3A_489 : vector<1x16xf32> to vector<16xf32>
        %parallel_loop3A_491 = arith.addf %parallel_loop3A_482, %parallel_loop3A_490 : vector<16xf32>
        %parallel_loop3A_492 = arith.constant 6 : i32
        %parallel_loop3A_493 = arith.muli %parallel_loop3A_75, %parallel_loop3A_492 : i32
        %parallel_loop3A_494 = arith.constant 3 : i32
        %parallel_loop3A_495 = arith.addi %parallel_loop3A_493, %parallel_loop3A_494 : i32
        %parallel_loop3A_496 = arith.index_cast %parallel_loop3A_495 : i32 to index
        %parallel_loop3A_497 = arith.constant 112 : index
        %parallel_loop3A_498 = tpu.vector_load %arg8[%parallel_loop3A_496, %parallel_loop3A_497] {strides = array<i32>} : memref<96x384xf32, #tpu.memory_space<vmem>>, vector<1x16xf32>,
        %parallel_loop3A_499 = vector.shape_cast %parallel_loop3A_498 : vector<1x16xf32> to vector<16xf32>
        %parallel_loop3A_500 = arith.addf %parallel_loop3A_491, %parallel_loop3A_499 : vector<16xf32>
        %parallel_loop3A_501 = arith.constant 6 : i32
        %parallel_loop3A_502 = arith.muli %parallel_loop3A_75, %parallel_loop3A_501 : i32
        %parallel_loop3A_503 = arith.constant 4 : i32
        %parallel_loop3A_504 = arith.addi %parallel_loop3A_502, %parallel_loop3A_503 : i32
        %parallel_loop3A_505 = arith.index_cast %parallel_loop3A_504 : i32 to index
        %parallel_loop3A_506 = arith.constant 112 : index
        %parallel_loop3A_507 = tpu.vector_load %arg8[%parallel_loop3A_505, %parallel_loop3A_506] {strides = array<i32>} : memref<96x384xf32, #tpu.memory_space<vmem>>, vector<1x16xf32>,
        %parallel_loop3A_508 = vector.shape_cast %parallel_loop3A_507 : vector<1x16xf32> to vector<16xf32>
        %parallel_loop3A_509 = arith.addf %parallel_loop3A_500, %parallel_loop3A_508 : vector<16xf32>
        %parallel_loop3A_510 = arith.constant 6 : i32
        %parallel_loop3A_511 = arith.muli %parallel_loop3A_75, %parallel_loop3A_510 : i32
        %parallel_loop3A_512 = arith.constant 5 : i32
        %parallel_loop3A_513 = arith.addi %parallel_loop3A_511, %parallel_loop3A_512 : i32
        %parallel_loop3A_514 = arith.index_cast %parallel_loop3A_513 : i32 to index
        %parallel_loop3A_515 = arith.constant 112 : index
        %parallel_loop3A_516 = tpu.vector_load %arg8[%parallel_loop3A_514, %parallel_loop3A_515] {strides = array<i32>} : memref<96x384xf32, #tpu.memory_space<vmem>>, vector<1x16xf32>,
        %parallel_loop3A_517 = vector.shape_cast %parallel_loop3A_516 : vector<1x16xf32> to vector<16xf32>
        %parallel_loop3A_518 = arith.addf %parallel_loop3A_509, %parallel_loop3A_517 : vector<16xf32>
        %parallel_loop3A_519 = arith.index_cast %parallel_loop3A_75 : i32 to index
        %parallel_loop3A_520 = arith.constant 112 : index
        %parallel_loop3A_521 = tpu.vector_load %arg10[%parallel_loop3A_519, %parallel_loop3A_520] {strides = array<i32>} : memref<16x384xf32, #tpu.memory_space<vmem>>, vector<1x16xf32>,
        %parallel_loop3A_522 = vector.shape_cast %parallel_loop3A_521 : vector<1x16xf32> to vector<16xf32>
        %parallel_loop3A_523 = vector.shape_cast %parallel_loop3A_518 : vector<16xf32> to vector<1x16xf32>
        tpu.vector_store %arg10[%parallel_loop3A_519, %parallel_loop3A_520], %parallel_loop3A_523 {strides = array<i32>} : memref<16x384xf32, #tpu.memory_space<vmem>>, vector<1x16xf32>,
        %parallel_loop3A_524 = arith.constant 6 : i32
        %parallel_loop3A_525 = arith.muli %parallel_loop3A_75, %parallel_loop3A_524 : i32
        %parallel_loop3A_526 = arith.index_cast %parallel_loop3A_525 : i32 to index
        %parallel_loop3A_527 = arith.constant 128 : index
        %parallel_loop3A_528 = tpu.vector_load %arg8[%parallel_loop3A_526, %parallel_loop3A_527] {strides = array<i32>} : memref<96x384xf32, #tpu.memory_space<vmem>>, vector<1x16xf32>,
        %parallel_loop3A_529 = vector.shape_cast %parallel_loop3A_528 : vector<1x16xf32> to vector<16xf32>
        %parallel_loop3A_530 = arith.constant 6 : i32
        %parallel_loop3A_531 = arith.muli %parallel_loop3A_75, %parallel_loop3A_530 : i32
        %parallel_loop3A_532 = arith.constant 1 : i32
        %parallel_loop3A_533 = arith.addi %parallel_loop3A_531, %parallel_loop3A_532 : i32
        %parallel_loop3A_534 = arith.index_cast %parallel_loop3A_533 : i32 to index
        %parallel_loop3A_535 = arith.constant 128 : index
        %parallel_loop3A_536 = tpu.vector_load %arg8[%parallel_loop3A_534, %parallel_loop3A_535] {strides = array<i32>} : memref<96x384xf32, #tpu.memory_space<vmem>>, vector<1x16xf32>,
        %parallel_loop3A_537 = vector.shape_cast %parallel_loop3A_536 : vector<1x16xf32> to vector<16xf32>
        %parallel_loop3A_538 = arith.addf %parallel_loop3A_529, %parallel_loop3A_537 : vector<16xf32>
        %parallel_loop3A_539 = arith.constant 6 : i32
        %parallel_loop3A_540 = arith.muli %parallel_loop3A_75, %parallel_loop3A_539 : i32
        %parallel_loop3A_541 = arith.constant 2 : i32
        %parallel_loop3A_542 = arith.addi %parallel_loop3A_540, %parallel_loop3A_541 : i32
        %parallel_loop3A_543 = arith.index_cast %parallel_loop3A_542 : i32 to index
        %parallel_loop3A_544 = arith.constant 128 : index
        %parallel_loop3A_545 = tpu.vector_load %arg8[%parallel_loop3A_543, %parallel_loop3A_544] {strides = array<i32>} : memref<96x384xf32, #tpu.memory_space<vmem>>, vector<1x16xf32>,
        %parallel_loop3A_546 = vector.shape_cast %parallel_loop3A_545 : vector<1x16xf32> to vector<16xf32>
        %parallel_loop3A_547 = arith.addf %parallel_loop3A_538, %parallel_loop3A_546 : vector<16xf32>
        %parallel_loop3A_548 = arith.constant 6 : i32
        %parallel_loop3A_549 = arith.muli %parallel_loop3A_75, %parallel_loop3A_548 : i32
        %parallel_loop3A_550 = arith.constant 3 : i32
        %parallel_loop3A_551 = arith.addi %parallel_loop3A_549, %parallel_loop3A_550 : i32
        %parallel_loop3A_552 = arith.index_cast %parallel_loop3A_551 : i32 to index
        %parallel_loop3A_553 = arith.constant 128 : index
        %parallel_loop3A_554 = tpu.vector_load %arg8[%parallel_loop3A_552, %parallel_loop3A_553] {strides = array<i32>} : memref<96x384xf32, #tpu.memory_space<vmem>>, vector<1x16xf32>,
        %parallel_loop3A_555 = vector.shape_cast %parallel_loop3A_554 : vector<1x16xf32> to vector<16xf32>
        %parallel_loop3A_556 = arith.addf %parallel_loop3A_547, %parallel_loop3A_555 : vector<16xf32>
        %parallel_loop3A_557 = arith.constant 6 : i32
        %parallel_loop3A_558 = arith.muli %parallel_loop3A_75, %parallel_loop3A_557 : i32
        %parallel_loop3A_559 = arith.constant 4 : i32
        %parallel_loop3A_560 = arith.addi %parallel_loop3A_558, %parallel_loop3A_559 : i32
        %parallel_loop3A_561 = arith.index_cast %parallel_loop3A_560 : i32 to index
        %parallel_loop3A_562 = arith.constant 128 : index
        %parallel_loop3A_563 = tpu.vector_load %arg8[%parallel_loop3A_561, %parallel_loop3A_562] {strides = array<i32>} : memref<96x384xf32, #tpu.memory_space<vmem>>, vector<1x16xf32>,
        %parallel_loop3A_564 = vector.shape_cast %parallel_loop3A_563 : vector<1x16xf32> to vector<16xf32>
        %parallel_loop3A_565 = arith.addf %parallel_loop3A_556, %parallel_loop3A_564 : vector<16xf32>
        %parallel_loop3A_566 = arith.constant 6 : i32
        %parallel_loop3A_567 = arith.muli %parallel_loop3A_75, %parallel_loop3A_566 : i32
        %parallel_loop3A_568 = arith.constant 5 : i32
        %parallel_loop3A_569 = arith.addi %parallel_loop3A_567, %parallel_loop3A_568 : i32
        %parallel_loop3A_570 = arith.index_cast %parallel_loop3A_569 : i32 to index
        %parallel_loop3A_571 = arith.constant 128 : index
        %parallel_loop3A_572 = tpu.vector_load %arg8[%parallel_loop3A_570, %parallel_loop3A_571] {strides = array<i32>} : memref<96x384xf32, #tpu.memory_space<vmem>>, vector<1x16xf32>,
        %parallel_loop3A_573 = vector.shape_cast %parallel_loop3A_572 : vector<1x16xf32> to vector<16xf32>
        %parallel_loop3A_574 = arith.addf %parallel_loop3A_565, %parallel_loop3A_573 : vector<16xf32>
        %parallel_loop3A_575 = arith.index_cast %parallel_loop3A_75 : i32 to index
        %parallel_loop3A_576 = arith.constant 128 : index
        %parallel_loop3A_577 = tpu.vector_load %arg10[%parallel_loop3A_575, %parallel_loop3A_576] {strides = array<i32>} : memref<16x384xf32, #tpu.memory_space<vmem>>, vector<1x16xf32>,
        %parallel_loop3A_578 = vector.shape_cast %parallel_loop3A_577 : vector<1x16xf32> to vector<16xf32>
        %parallel_loop3A_579 = vector.shape_cast %parallel_loop3A_574 : vector<16xf32> to vector<1x16xf32>
        tpu.vector_store %arg10[%parallel_loop3A_575, %parallel_loop3A_576], %parallel_loop3A_579 {strides = array<i32>} : memref<16x384xf32, #tpu.memory_space<vmem>>, vector<1x16xf32>,
        %parallel_loop3A_580 = arith.constant 6 : i32
        %parallel_loop3A_581 = arith.muli %parallel_loop3A_75, %parallel_loop3A_580 : i32
        %parallel_loop3A_582 = arith.index_cast %parallel_loop3A_581 : i32 to index
        %parallel_loop3A_583 = arith.constant 144 : index
        %parallel_loop3A_584 = tpu.vector_load %arg8[%parallel_loop3A_582, %parallel_loop3A_583] {strides = array<i32>} : memref<96x384xf32, #tpu.memory_space<vmem>>, vector<1x16xf32>,
        %parallel_loop3A_585 = vector.shape_cast %parallel_loop3A_584 : vector<1x16xf32> to vector<16xf32>
        %parallel_loop3A_586 = arith.constant 6 : i32
        %parallel_loop3A_587 = arith.muli %parallel_loop3A_75, %parallel_loop3A_586 : i32
        %parallel_loop3A_588 = arith.constant 1 : i32
        %parallel_loop3A_589 = arith.addi %parallel_loop3A_587, %parallel_loop3A_588 : i32
        %parallel_loop3A_590 = arith.index_cast %parallel_loop3A_589 : i32 to index
        %parallel_loop3A_591 = arith.constant 144 : index
        %parallel_loop3A_592 = tpu.vector_load %arg8[%parallel_loop3A_590, %parallel_loop3A_591] {strides = array<i32>} : memref<96x384xf32, #tpu.memory_space<vmem>>, vector<1x16xf32>,
        %parallel_loop3A_593 = vector.shape_cast %parallel_loop3A_592 : vector<1x16xf32> to vector<16xf32>
        %parallel_loop3A_594 = arith.addf %parallel_loop3A_585, %parallel_loop3A_593 : vector<16xf32>
        %parallel_loop3A_595 = arith.constant 6 : i32
        %parallel_loop3A_596 = arith.muli %parallel_loop3A_75, %parallel_loop3A_595 : i32
        %parallel_loop3A_597 = arith.constant 2 : i32
        %parallel_loop3A_598 = arith.addi %parallel_loop3A_596, %parallel_loop3A_597 : i32
        %parallel_loop3A_599 = arith.index_cast %parallel_loop3A_598 : i32 to index
        %parallel_loop3A_600 = arith.constant 144 : index
        %parallel_loop3A_601 = tpu.vector_load %arg8[%parallel_loop3A_599, %parallel_loop3A_600] {strides = array<i32>} : memref<96x384xf32, #tpu.memory_space<vmem>>, vector<1x16xf32>,
        %parallel_loop3A_602 = vector.shape_cast %parallel_loop3A_601 : vector<1x16xf32> to vector<16xf32>
        %parallel_loop3A_603 = arith.addf %parallel_loop3A_594, %parallel_loop3A_602 : vector<16xf32>
        %parallel_loop3A_604 = arith.constant 6 : i32
        %parallel_loop3A_605 = arith.muli %parallel_loop3A_75, %parallel_loop3A_604 : i32
        %parallel_loop3A_606 = arith.constant 3 : i32
        %parallel_loop3A_607 = arith.addi %parallel_loop3A_605, %parallel_loop3A_606 : i32
        %parallel_loop3A_608 = arith.index_cast %parallel_loop3A_607 : i32 to index
        %parallel_loop3A_609 = arith.constant 144 : index
        %parallel_loop3A_610 = tpu.vector_load %arg8[%parallel_loop3A_608, %parallel_loop3A_609] {strides = array<i32>} : memref<96x384xf32, #tpu.memory_space<vmem>>, vector<1x16xf32>,
        %parallel_loop3A_611 = vector.shape_cast %parallel_loop3A_610 : vector<1x16xf32> to vector<16xf32>
        %parallel_loop3A_612 = arith.addf %parallel_loop3A_603, %parallel_loop3A_611 : vector<16xf32>
        %parallel_loop3A_613 = arith.constant 6 : i32
        %parallel_loop3A_614 = arith.muli %parallel_loop3A_75, %parallel_loop3A_613 : i32
        %parallel_loop3A_615 = arith.constant 4 : i32
        %parallel_loop3A_616 = arith.addi %parallel_loop3A_614, %parallel_loop3A_615 : i32
        %parallel_loop3A_617 = arith.index_cast %parallel_loop3A_616 : i32 to index
        %parallel_loop3A_618 = arith.constant 144 : index
        %parallel_loop3A_619 = tpu.vector_load %arg8[%parallel_loop3A_617, %parallel_loop3A_618] {strides = array<i32>} : memref<96x384xf32, #tpu.memory_space<vmem>>, vector<1x16xf32>,
        %parallel_loop3A_620 = vector.shape_cast %parallel_loop3A_619 : vector<1x16xf32> to vector<16xf32>
        %parallel_loop3A_621 = arith.addf %parallel_loop3A_612, %parallel_loop3A_620 : vector<16xf32>
        %parallel_loop3A_622 = arith.constant 6 : i32
        %parallel_loop3A_623 = arith.muli %parallel_loop3A_75, %parallel_loop3A_622 : i32
        %parallel_loop3A_624 = arith.constant 5 : i32
        %parallel_loop3A_625 = arith.addi %parallel_loop3A_623, %parallel_loop3A_624 : i32
        %parallel_loop3A_626 = arith.index_cast %parallel_loop3A_625 : i32 to index
        %parallel_loop3A_627 = arith.constant 144 : index
        %parallel_loop3A_628 = tpu.vector_load %arg8[%parallel_loop3A_626, %parallel_loop3A_627] {strides = array<i32>} : memref<96x384xf32, #tpu.memory_space<vmem>>, vector<1x16xf32>,
        %parallel_loop3A_629 = vector.shape_cast %parallel_loop3A_628 : vector<1x16xf32> to vector<16xf32>
        %parallel_loop3A_630 = arith.addf %parallel_loop3A_621, %parallel_loop3A_629 : vector<16xf32>
        %parallel_loop3A_631 = arith.index_cast %parallel_loop3A_75 : i32 to index
        %parallel_loop3A_632 = arith.constant 144 : index
        %parallel_loop3A_633 = tpu.vector_load %arg10[%parallel_loop3A_631, %parallel_loop3A_632] {strides = array<i32>} : memref<16x384xf32, #tpu.memory_space<vmem>>, vector<1x16xf32>,
        %parallel_loop3A_634 = vector.shape_cast %parallel_loop3A_633 : vector<1x16xf32> to vector<16xf32>
        %parallel_loop3A_635 = vector.shape_cast %parallel_loop3A_630 : vector<16xf32> to vector<1x16xf32>
        tpu.vector_store %arg10[%parallel_loop3A_631, %parallel_loop3A_632], %parallel_loop3A_635 {strides = array<i32>} : memref<16x384xf32, #tpu.memory_space<vmem>>, vector<1x16xf32>,
        %parallel_loop3A_636 = arith.constant 6 : i32
        %parallel_loop3A_637 = arith.muli %parallel_loop3A_75, %parallel_loop3A_636 : i32
        %parallel_loop3A_638 = arith.index_cast %parallel_loop3A_637 : i32 to index
        %parallel_loop3A_639 = arith.constant 160 : index
        %parallel_loop3A_640 = tpu.vector_load %arg8[%parallel_loop3A_638, %parallel_loop3A_639] {strides = array<i32>} : memref<96x384xf32, #tpu.memory_space<vmem>>, vector<1x16xf32>,
        %parallel_loop3A_641 = vector.shape_cast %parallel_loop3A_640 : vector<1x16xf32> to vector<16xf32>
        %parallel_loop3A_642 = arith.constant 6 : i32
        %parallel_loop3A_643 = arith.muli %parallel_loop3A_75, %parallel_loop3A_642 : i32
        %parallel_loop3A_644 = arith.constant 1 : i32
        %parallel_loop3A_645 = arith.addi %parallel_loop3A_643, %parallel_loop3A_644 : i32
        %parallel_loop3A_646 = arith.index_cast %parallel_loop3A_645 : i32 to index
        %parallel_loop3A_647 = arith.constant 160 : index
        %parallel_loop3A_648 = tpu.vector_load %arg8[%parallel_loop3A_646, %parallel_loop3A_647] {strides = array<i32>} : memref<96x384xf32, #tpu.memory_space<vmem>>, vector<1x16xf32>,
        %parallel_loop3A_649 = vector.shape_cast %parallel_loop3A_648 : vector<1x16xf32> to vector<16xf32>
        %parallel_loop3A_650 = arith.addf %parallel_loop3A_641, %parallel_loop3A_649 : vector<16xf32>
        %parallel_loop3A_651 = arith.constant 6 : i32
        %parallel_loop3A_652 = arith.muli %parallel_loop3A_75, %parallel_loop3A_651 : i32
        %parallel_loop3A_653 = arith.constant 2 : i32
        %parallel_loop3A_654 = arith.addi %parallel_loop3A_652, %parallel_loop3A_653 : i32
        %parallel_loop3A_655 = arith.index_cast %parallel_loop3A_654 : i32 to index
        %parallel_loop3A_656 = arith.constant 160 : index
        %parallel_loop3A_657 = tpu.vector_load %arg8[%parallel_loop3A_655, %parallel_loop3A_656] {strides = array<i32>} : memref<96x384xf32, #tpu.memory_space<vmem>>, vector<1x16xf32>,
        %parallel_loop3A_658 = vector.shape_cast %parallel_loop3A_657 : vector<1x16xf32> to vector<16xf32>
        %parallel_loop3A_659 = arith.addf %parallel_loop3A_650, %parallel_loop3A_658 : vector<16xf32>
        %parallel_loop3A_660 = arith.constant 6 : i32
        %parallel_loop3A_661 = arith.muli %parallel_loop3A_75, %parallel_loop3A_660 : i32
        %parallel_loop3A_662 = arith.constant 3 : i32
        %parallel_loop3A_663 = arith.addi %parallel_loop3A_661, %parallel_loop3A_662 : i32
        %parallel_loop3A_664 = arith.index_cast %parallel_loop3A_663 : i32 to index
        %parallel_loop3A_665 = arith.constant 160 : index
        %parallel_loop3A_666 = tpu.vector_load %arg8[%parallel_loop3A_664, %parallel_loop3A_665] {strides = array<i32>} : memref<96x384xf32, #tpu.memory_space<vmem>>, vector<1x16xf32>,
        %parallel_loop3A_667 = vector.shape_cast %parallel_loop3A_666 : vector<1x16xf32> to vector<16xf32>
        %parallel_loop3A_668 = arith.addf %parallel_loop3A_659, %parallel_loop3A_667 : vector<16xf32>
        %parallel_loop3A_669 = arith.constant 6 : i32
        %parallel_loop3A_670 = arith.muli %parallel_loop3A_75, %parallel_loop3A_669 : i32
        %parallel_loop3A_671 = arith.constant 4 : i32
        %parallel_loop3A_672 = arith.addi %parallel_loop3A_670, %parallel_loop3A_671 : i32
        %parallel_loop3A_673 = arith.index_cast %parallel_loop3A_672 : i32 to index
        %parallel_loop3A_674 = arith.constant 160 : index
        %parallel_loop3A_675 = tpu.vector_load %arg8[%parallel_loop3A_673, %parallel_loop3A_674] {strides = array<i32>} : memref<96x384xf32, #tpu.memory_space<vmem>>, vector<1x16xf32>,
        %parallel_loop3A_676 = vector.shape_cast %parallel_loop3A_675 : vector<1x16xf32> to vector<16xf32>
        %parallel_loop3A_677 = arith.addf %parallel_loop3A_668, %parallel_loop3A_676 : vector<16xf32>
        %parallel_loop3A_678 = arith.constant 6 : i32
        %parallel_loop3A_679 = arith.muli %parallel_loop3A_75, %parallel_loop3A_678 : i32
        %parallel_loop3A_680 = arith.constant 5 : i32
        %parallel_loop3A_681 = arith.addi %parallel_loop3A_679, %parallel_loop3A_680 : i32
        %parallel_loop3A_682 = arith.index_cast %parallel_loop3A_681 : i32 to index
        %parallel_loop3A_683 = arith.constant 160 : index
        %parallel_loop3A_684 = tpu.vector_load %arg8[%parallel_loop3A_682, %parallel_loop3A_683] {strides = array<i32>} : memref<96x384xf32, #tpu.memory_space<vmem>>, vector<1x16xf32>,
        %parallel_loop3A_685 = vector.shape_cast %parallel_loop3A_684 : vector<1x16xf32> to vector<16xf32>
        %parallel_loop3A_686 = arith.addf %parallel_loop3A_677, %parallel_loop3A_685 : vector<16xf32>
        %parallel_loop3A_687 = arith.index_cast %parallel_loop3A_75 : i32 to index
        %parallel_loop3A_688 = arith.constant 160 : index
        %parallel_loop3A_689 = tpu.vector_load %arg10[%parallel_loop3A_687, %parallel_loop3A_688] {strides = array<i32>} : memref<16x384xf32, #tpu.memory_space<vmem>>, vector<1x16xf32>,
        %parallel_loop3A_690 = vector.shape_cast %parallel_loop3A_689 : vector<1x16xf32> to vector<16xf32>
        %parallel_loop3A_691 = vector.shape_cast %parallel_loop3A_686 : vector<16xf32> to vector<1x16xf32>
        tpu.vector_store %arg10[%parallel_loop3A_687, %parallel_loop3A_688], %parallel_loop3A_691 {strides = array<i32>} : memref<16x384xf32, #tpu.memory_space<vmem>>, vector<1x16xf32>,
        %parallel_loop3A_692 = arith.constant 6 : i32
        %parallel_loop3A_693 = arith.muli %parallel_loop3A_75, %parallel_loop3A_692 : i32
        %parallel_loop3A_694 = arith.index_cast %parallel_loop3A_693 : i32 to index
        %parallel_loop3A_695 = arith.constant 176 : index
        %parallel_loop3A_696 = tpu.vector_load %arg8[%parallel_loop3A_694, %parallel_loop3A_695] {strides = array<i32>} : memref<96x384xf32, #tpu.memory_space<vmem>>, vector<1x16xf32>,
        %parallel_loop3A_697 = vector.shape_cast %parallel_loop3A_696 : vector<1x16xf32> to vector<16xf32>
        %parallel_loop3A_698 = arith.constant 6 : i32
        %parallel_loop3A_699 = arith.muli %parallel_loop3A_75, %parallel_loop3A_698 : i32
        %parallel_loop3A_700 = arith.constant 1 : i32
        %parallel_loop3A_701 = arith.addi %parallel_loop3A_699, %parallel_loop3A_700 : i32
        %parallel_loop3A_702 = arith.index_cast %parallel_loop3A_701 : i32 to index
        %parallel_loop3A_703 = arith.constant 176 : index
        %parallel_loop3A_704 = tpu.vector_load %arg8[%parallel_loop3A_702, %parallel_loop3A_703] {strides = array<i32>} : memref<96x384xf32, #tpu.memory_space<vmem>>, vector<1x16xf32>,
        %parallel_loop3A_705 = vector.shape_cast %parallel_loop3A_704 : vector<1x16xf32> to vector<16xf32>
        %parallel_loop3A_706 = arith.addf %parallel_loop3A_697, %parallel_loop3A_705 : vector<16xf32>
        %parallel_loop3A_707 = arith.constant 6 : i32
        %parallel_loop3A_708 = arith.muli %parallel_loop3A_75, %parallel_loop3A_707 : i32
        %parallel_loop3A_709 = arith.constant 2 : i32
        %parallel_loop3A_710 = arith.addi %parallel_loop3A_708, %parallel_loop3A_709 : i32
        %parallel_loop3A_711 = arith.index_cast %parallel_loop3A_710 : i32 to index
        %parallel_loop3A_712 = arith.constant 176 : index
        %parallel_loop3A_713 = tpu.vector_load %arg8[%parallel_loop3A_711, %parallel_loop3A_712] {strides = array<i32>} : memref<96x384xf32, #tpu.memory_space<vmem>>, vector<1x16xf32>,
        %parallel_loop3A_714 = vector.shape_cast %parallel_loop3A_713 : vector<1x16xf32> to vector<16xf32>
        %parallel_loop3A_715 = arith.addf %parallel_loop3A_706, %parallel_loop3A_714 : vector<16xf32>
        %parallel_loop3A_716 = arith.constant 6 : i32
        %parallel_loop3A_717 = arith.muli %parallel_loop3A_75, %parallel_loop3A_716 : i32
        %parallel_loop3A_718 = arith.constant 3 : i32
        %parallel_loop3A_719 = arith.addi %parallel_loop3A_717, %parallel_loop3A_718 : i32
        %parallel_loop3A_720 = arith.index_cast %parallel_loop3A_719 : i32 to index
        %parallel_loop3A_721 = arith.constant 176 : index
        %parallel_loop3A_722 = tpu.vector_load %arg8[%parallel_loop3A_720, %parallel_loop3A_721] {strides = array<i32>} : memref<96x384xf32, #tpu.memory_space<vmem>>, vector<1x16xf32>,
        %parallel_loop3A_723 = vector.shape_cast %parallel_loop3A_722 : vector<1x16xf32> to vector<16xf32>
        %parallel_loop3A_724 = arith.addf %parallel_loop3A_715, %parallel_loop3A_723 : vector<16xf32>
        %parallel_loop3A_725 = arith.constant 6 : i32
        %parallel_loop3A_726 = arith.muli %parallel_loop3A_75, %parallel_loop3A_725 : i32
        %parallel_loop3A_727 = arith.constant 4 : i32
        %parallel_loop3A_728 = arith.addi %parallel_loop3A_726, %parallel_loop3A_727 : i32
        %parallel_loop3A_729 = arith.index_cast %parallel_loop3A_728 : i32 to index
        %parallel_loop3A_730 = arith.constant 176 : index
        %parallel_loop3A_731 = tpu.vector_load %arg8[%parallel_loop3A_729, %parallel_loop3A_730] {strides = array<i32>} : memref<96x384xf32, #tpu.memory_space<vmem>>, vector<1x16xf32>,
        %parallel_loop3A_732 = vector.shape_cast %parallel_loop3A_731 : vector<1x16xf32> to vector<16xf32>
        %parallel_loop3A_733 = arith.addf %parallel_loop3A_724, %parallel_loop3A_732 : vector<16xf32>
        %parallel_loop3A_734 = arith.constant 6 : i32
        %parallel_loop3A_735 = arith.muli %parallel_loop3A_75, %parallel_loop3A_734 : i32
        %parallel_loop3A_736 = arith.constant 5 : i32
        %parallel_loop3A_737 = arith.addi %parallel_loop3A_735, %parallel_loop3A_736 : i32
        %parallel_loop3A_738 = arith.index_cast %parallel_loop3A_737 : i32 to index
        %parallel_loop3A_739 = arith.constant 176 : index
        %parallel_loop3A_740 = tpu.vector_load %arg8[%parallel_loop3A_738, %parallel_loop3A_739] {strides = array<i32>} : memref<96x384xf32, #tpu.memory_space<vmem>>, vector<1x16xf32>,
        %parallel_loop3A_741 = vector.shape_cast %parallel_loop3A_740 : vector<1x16xf32> to vector<16xf32>
        %parallel_loop3A_742 = arith.addf %parallel_loop3A_733, %parallel_loop3A_741 : vector<16xf32>
        %parallel_loop3A_743 = arith.index_cast %parallel_loop3A_75 : i32 to index
        %parallel_loop3A_744 = arith.constant 176 : index
        %parallel_loop3A_745 = tpu.vector_load %arg10[%parallel_loop3A_743, %parallel_loop3A_744] {strides = array<i32>} : memref<16x384xf32, #tpu.memory_space<vmem>>, vector<1x16xf32>,
        %parallel_loop3A_746 = vector.shape_cast %parallel_loop3A_745 : vector<1x16xf32> to vector<16xf32>
        %parallel_loop3A_747 = vector.shape_cast %parallel_loop3A_742 : vector<16xf32> to vector<1x16xf32>
        tpu.vector_store %arg10[%parallel_loop3A_743, %parallel_loop3A_744], %parallel_loop3A_747 {strides = array<i32>} : memref<16x384xf32, #tpu.memory_space<vmem>>, vector<1x16xf32>,
        %parallel_loop3A_748 = arith.constant 6 : i32
        %parallel_loop3A_749 = arith.muli %parallel_loop3A_75, %parallel_loop3A_748 : i32
        %parallel_loop3A_750 = arith.index_cast %parallel_loop3A_749 : i32 to index
        %parallel_loop3A_751 = arith.constant 192 : index
        %parallel_loop3A_752 = tpu.vector_load %arg8[%parallel_loop3A_750, %parallel_loop3A_751] {strides = array<i32>} : memref<96x384xf32, #tpu.memory_space<vmem>>, vector<1x16xf32>,
        %parallel_loop3A_753 = vector.shape_cast %parallel_loop3A_752 : vector<1x16xf32> to vector<16xf32>
        %parallel_loop3A_754 = arith.constant 6 : i32
        %parallel_loop3A_755 = arith.muli %parallel_loop3A_75, %parallel_loop3A_754 : i32
        %parallel_loop3A_756 = arith.constant 1 : i32
        %parallel_loop3A_757 = arith.addi %parallel_loop3A_755, %parallel_loop3A_756 : i32
        %parallel_loop3A_758 = arith.index_cast %parallel_loop3A_757 : i32 to index
        %parallel_loop3A_759 = arith.constant 192 : index
        %parallel_loop3A_760 = tpu.vector_load %arg8[%parallel_loop3A_758, %parallel_loop3A_759] {strides = array<i32>} : memref<96x384xf32, #tpu.memory_space<vmem>>, vector<1x16xf32>,
        %parallel_loop3A_761 = vector.shape_cast %parallel_loop3A_760 : vector<1x16xf32> to vector<16xf32>
        %parallel_loop3A_762 = arith.addf %parallel_loop3A_753, %parallel_loop3A_761 : vector<16xf32>
        %parallel_loop3A_763 = arith.constant 6 : i32
        %parallel_loop3A_764 = arith.muli %parallel_loop3A_75, %parallel_loop3A_763 : i32
        %parallel_loop3A_765 = arith.constant 2 : i32
        %parallel_loop3A_766 = arith.addi %parallel_loop3A_764, %parallel_loop3A_765 : i32
        %parallel_loop3A_767 = arith.index_cast %parallel_loop3A_766 : i32 to index
        %parallel_loop3A_768 = arith.constant 192 : index
        %parallel_loop3A_769 = tpu.vector_load %arg8[%parallel_loop3A_767, %parallel_loop3A_768] {strides = array<i32>} : memref<96x384xf32, #tpu.memory_space<vmem>>, vector<1x16xf32>,
        %parallel_loop3A_770 = vector.shape_cast %parallel_loop3A_769 : vector<1x16xf32> to vector<16xf32>
        %parallel_loop3A_771 = arith.addf %parallel_loop3A_762, %parallel_loop3A_770 : vector<16xf32>
        %parallel_loop3A_772 = arith.constant 6 : i32
        %parallel_loop3A_773 = arith.muli %parallel_loop3A_75, %parallel_loop3A_772 : i32
        %parallel_loop3A_774 = arith.constant 3 : i32
        %parallel_loop3A_775 = arith.addi %parallel_loop3A_773, %parallel_loop3A_774 : i32
        %parallel_loop3A_776 = arith.index_cast %parallel_loop3A_775 : i32 to index
        %parallel_loop3A_777 = arith.constant 192 : index
        %parallel_loop3A_778 = tpu.vector_load %arg8[%parallel_loop3A_776, %parallel_loop3A_777] {strides = array<i32>} : memref<96x384xf32, #tpu.memory_space<vmem>>, vector<1x16xf32>,
        %parallel_loop3A_779 = vector.shape_cast %parallel_loop3A_778 : vector<1x16xf32> to vector<16xf32>
        %parallel_loop3A_780 = arith.addf %parallel_loop3A_771, %parallel_loop3A_779 : vector<16xf32>
        %parallel_loop3A_781 = arith.constant 6 : i32
        %parallel_loop3A_782 = arith.muli %parallel_loop3A_75, %parallel_loop3A_781 : i32
        %parallel_loop3A_783 = arith.constant 4 : i32
        %parallel_loop3A_784 = arith.addi %parallel_loop3A_782, %parallel_loop3A_783 : i32
        %parallel_loop3A_785 = arith.index_cast %parallel_loop3A_784 : i32 to index
        %parallel_loop3A_786 = arith.constant 192 : index
        %parallel_loop3A_787 = tpu.vector_load %arg8[%parallel_loop3A_785, %parallel_loop3A_786] {strides = array<i32>} : memref<96x384xf32, #tpu.memory_space<vmem>>, vector<1x16xf32>,
        %parallel_loop3A_788 = vector.shape_cast %parallel_loop3A_787 : vector<1x16xf32> to vector<16xf32>
        %parallel_loop3A_789 = arith.addf %parallel_loop3A_780, %parallel_loop3A_788 : vector<16xf32>
        %parallel_loop3A_790 = arith.constant 6 : i32
        %parallel_loop3A_791 = arith.muli %parallel_loop3A_75, %parallel_loop3A_790 : i32
        %parallel_loop3A_792 = arith.constant 5 : i32
        %parallel_loop3A_793 = arith.addi %parallel_loop3A_791, %parallel_loop3A_792 : i32
        %parallel_loop3A_794 = arith.index_cast %parallel_loop3A_793 : i32 to index
        %parallel_loop3A_795 = arith.constant 192 : index
        %parallel_loop3A_796 = tpu.vector_load %arg8[%parallel_loop3A_794, %parallel_loop3A_795] {strides = array<i32>} : memref<96x384xf32, #tpu.memory_space<vmem>>, vector<1x16xf32>,
        %parallel_loop3A_797 = vector.shape_cast %parallel_loop3A_796 : vector<1x16xf32> to vector<16xf32>
        %parallel_loop3A_798 = arith.addf %parallel_loop3A_789, %parallel_loop3A_797 : vector<16xf32>
        %parallel_loop3A_799 = arith.index_cast %parallel_loop3A_75 : i32 to index
        %parallel_loop3A_800 = arith.constant 192 : index
        %parallel_loop3A_801 = tpu.vector_load %arg10[%parallel_loop3A_799, %parallel_loop3A_800] {strides = array<i32>} : memref<16x384xf32, #tpu.memory_space<vmem>>, vector<1x16xf32>,
        %parallel_loop3A_802 = vector.shape_cast %parallel_loop3A_801 : vector<1x16xf32> to vector<16xf32>
        %parallel_loop3A_803 = vector.shape_cast %parallel_loop3A_798 : vector<16xf32> to vector<1x16xf32>
        tpu.vector_store %arg10[%parallel_loop3A_799, %parallel_loop3A_800], %parallel_loop3A_803 {strides = array<i32>} : memref<16x384xf32, #tpu.memory_space<vmem>>, vector<1x16xf32>,
        %parallel_loop3A_804 = arith.constant 6 : i32
        %parallel_loop3A_805 = arith.muli %parallel_loop3A_75, %parallel_loop3A_804 : i32
        %parallel_loop3A_806 = arith.index_cast %parallel_loop3A_805 : i32 to index
        %parallel_loop3A_807 = arith.constant 208 : index
        %parallel_loop3A_808 = tpu.vector_load %arg8[%parallel_loop3A_806, %parallel_loop3A_807] {strides = array<i32>} : memref<96x384xf32, #tpu.memory_space<vmem>>, vector<1x16xf32>,
        %parallel_loop3A_809 = vector.shape_cast %parallel_loop3A_808 : vector<1x16xf32> to vector<16xf32>
        %parallel_loop3A_810 = arith.constant 6 : i32
        %parallel_loop3A_811 = arith.muli %parallel_loop3A_75, %parallel_loop3A_810 : i32
        %parallel_loop3A_812 = arith.constant 1 : i32
        %parallel_loop3A_813 = arith.addi %parallel_loop3A_811, %parallel_loop3A_812 : i32
        %parallel_loop3A_814 = arith.index_cast %parallel_loop3A_813 : i32 to index
        %parallel_loop3A_815 = arith.constant 208 : index
        %parallel_loop3A_816 = tpu.vector_load %arg8[%parallel_loop3A_814, %parallel_loop3A_815] {strides = array<i32>} : memref<96x384xf32, #tpu.memory_space<vmem>>, vector<1x16xf32>,
        %parallel_loop3A_817 = vector.shape_cast %parallel_loop3A_816 : vector<1x16xf32> to vector<16xf32>
        %parallel_loop3A_818 = arith.addf %parallel_loop3A_809, %parallel_loop3A_817 : vector<16xf32>
        %parallel_loop3A_819 = arith.constant 6 : i32
        %parallel_loop3A_820 = arith.muli %parallel_loop3A_75, %parallel_loop3A_819 : i32
        %parallel_loop3A_821 = arith.constant 2 : i32
        %parallel_loop3A_822 = arith.addi %parallel_loop3A_820, %parallel_loop3A_821 : i32
        %parallel_loop3A_823 = arith.index_cast %parallel_loop3A_822 : i32 to index
        %parallel_loop3A_824 = arith.constant 208 : index
        %parallel_loop3A_825 = tpu.vector_load %arg8[%parallel_loop3A_823, %parallel_loop3A_824] {strides = array<i32>} : memref<96x384xf32, #tpu.memory_space<vmem>>, vector<1x16xf32>,
        %parallel_loop3A_826 = vector.shape_cast %parallel_loop3A_825 : vector<1x16xf32> to vector<16xf32>
        %parallel_loop3A_827 = arith.addf %parallel_loop3A_818, %parallel_loop3A_826 : vector<16xf32>
        %parallel_loop3A_828 = arith.constant 6 : i32
        %parallel_loop3A_829 = arith.muli %parallel_loop3A_75, %parallel_loop3A_828 : i32
        %parallel_loop3A_830 = arith.constant 3 : i32
        %parallel_loop3A_831 = arith.addi %parallel_loop3A_829, %parallel_loop3A_830 : i32
        %parallel_loop3A_832 = arith.index_cast %parallel_loop3A_831 : i32 to index
        %parallel_loop3A_833 = arith.constant 208 : index
        %parallel_loop3A_834 = tpu.vector_load %arg8[%parallel_loop3A_832, %parallel_loop3A_833] {strides = array<i32>} : memref<96x384xf32, #tpu.memory_space<vmem>>, vector<1x16xf32>,
        %parallel_loop3A_835 = vector.shape_cast %parallel_loop3A_834 : vector<1x16xf32> to vector<16xf32>
        %parallel_loop3A_836 = arith.addf %parallel_loop3A_827, %parallel_loop3A_835 : vector<16xf32>
        %parallel_loop3A_837 = arith.constant 6 : i32
        %parallel_loop3A_838 = arith.muli %parallel_loop3A_75, %parallel_loop3A_837 : i32
        %parallel_loop3A_839 = arith.constant 4 : i32
        %parallel_loop3A_840 = arith.addi %parallel_loop3A_838, %parallel_loop3A_839 : i32
        %parallel_loop3A_841 = arith.index_cast %parallel_loop3A_840 : i32 to index
        %parallel_loop3A_842 = arith.constant 208 : index
        %parallel_loop3A_843 = tpu.vector_load %arg8[%parallel_loop3A_841, %parallel_loop3A_842] {strides = array<i32>} : memref<96x384xf32, #tpu.memory_space<vmem>>, vector<1x16xf32>,
        %parallel_loop3A_844 = vector.shape_cast %parallel_loop3A_843 : vector<1x16xf32> to vector<16xf32>
        %parallel_loop3A_845 = arith.addf %parallel_loop3A_836, %parallel_loop3A_844 : vector<16xf32>
        %parallel_loop3A_846 = arith.constant 6 : i32
        %parallel_loop3A_847 = arith.muli %parallel_loop3A_75, %parallel_loop3A_846 : i32
        %parallel_loop3A_848 = arith.constant 5 : i32
        %parallel_loop3A_849 = arith.addi %parallel_loop3A_847, %parallel_loop3A_848 : i32
        %parallel_loop3A_850 = arith.index_cast %parallel_loop3A_849 : i32 to index
        %parallel_loop3A_851 = arith.constant 208 : index
        %parallel_loop3A_852 = tpu.vector_load %arg8[%parallel_loop3A_850, %parallel_loop3A_851] {strides = array<i32>} : memref<96x384xf32, #tpu.memory_space<vmem>>, vector<1x16xf32>,
        %parallel_loop3A_853 = vector.shape_cast %parallel_loop3A_852 : vector<1x16xf32> to vector<16xf32>
        %parallel_loop3A_854 = arith.addf %parallel_loop3A_845, %parallel_loop3A_853 : vector<16xf32>
        %parallel_loop3A_855 = arith.index_cast %parallel_loop3A_75 : i32 to index
        %parallel_loop3A_856 = arith.constant 208 : index
        %parallel_loop3A_857 = tpu.vector_load %arg10[%parallel_loop3A_855, %parallel_loop3A_856] {strides = array<i32>} : memref<16x384xf32, #tpu.memory_space<vmem>>, vector<1x16xf32>,
        %parallel_loop3A_858 = vector.shape_cast %parallel_loop3A_857 : vector<1x16xf32> to vector<16xf32>
        %parallel_loop3A_859 = vector.shape_cast %parallel_loop3A_854 : vector<16xf32> to vector<1x16xf32>
        tpu.vector_store %arg10[%parallel_loop3A_855, %parallel_loop3A_856], %parallel_loop3A_859 {strides = array<i32>} : memref<16x384xf32, #tpu.memory_space<vmem>>, vector<1x16xf32>,
        %parallel_loop3A_860 = arith.constant 6 : i32
        %parallel_loop3A_861 = arith.muli %parallel_loop3A_75, %parallel_loop3A_860 : i32
        %parallel_loop3A_862 = arith.index_cast %parallel_loop3A_861 : i32 to index
        %parallel_loop3A_863 = arith.constant 224 : index
        %parallel_loop3A_864 = tpu.vector_load %arg8[%parallel_loop3A_862, %parallel_loop3A_863] {strides = array<i32>} : memref<96x384xf32, #tpu.memory_space<vmem>>, vector<1x16xf32>,
        %parallel_loop3A_865 = vector.shape_cast %parallel_loop3A_864 : vector<1x16xf32> to vector<16xf32>
        %parallel_loop3A_866 = arith.constant 6 : i32
        %parallel_loop3A_867 = arith.muli %parallel_loop3A_75, %parallel_loop3A_866 : i32
        %parallel_loop3A_868 = arith.constant 1 : i32
        %parallel_loop3A_869 = arith.addi %parallel_loop3A_867, %parallel_loop3A_868 : i32
        %parallel_loop3A_870 = arith.index_cast %parallel_loop3A_869 : i32 to index
        %parallel_loop3A_871 = arith.constant 224 : index
        %parallel_loop3A_872 = tpu.vector_load %arg8[%parallel_loop3A_870, %parallel_loop3A_871] {strides = array<i32>} : memref<96x384xf32, #tpu.memory_space<vmem>>, vector<1x16xf32>,
        %parallel_loop3A_873 = vector.shape_cast %parallel_loop3A_872 : vector<1x16xf32> to vector<16xf32>
        %parallel_loop3A_874 = arith.addf %parallel_loop3A_865, %parallel_loop3A_873 : vector<16xf32>
        %parallel_loop3A_875 = arith.constant 6 : i32
        %parallel_loop3A_876 = arith.muli %parallel_loop3A_75, %parallel_loop3A_875 : i32
        %parallel_loop3A_877 = arith.constant 2 : i32
        %parallel_loop3A_878 = arith.addi %parallel_loop3A_876, %parallel_loop3A_877 : i32
        %parallel_loop3A_879 = arith.index_cast %parallel_loop3A_878 : i32 to index
        %parallel_loop3A_880 = arith.constant 224 : index
        %parallel_loop3A_881 = tpu.vector_load %arg8[%parallel_loop3A_879, %parallel_loop3A_880] {strides = array<i32>} : memref<96x384xf32, #tpu.memory_space<vmem>>, vector<1x16xf32>,
        %parallel_loop3A_882 = vector.shape_cast %parallel_loop3A_881 : vector<1x16xf32> to vector<16xf32>
        %parallel_loop3A_883 = arith.addf %parallel_loop3A_874, %parallel_loop3A_882 : vector<16xf32>
        %parallel_loop3A_884 = arith.constant 6 : i32
        %parallel_loop3A_885 = arith.muli %parallel_loop3A_75, %parallel_loop3A_884 : i32
        %parallel_loop3A_886 = arith.constant 3 : i32
        %parallel_loop3A_887 = arith.addi %parallel_loop3A_885, %parallel_loop3A_886 : i32
        %parallel_loop3A_888 = arith.index_cast %parallel_loop3A_887 : i32 to index
        %parallel_loop3A_889 = arith.constant 224 : index
        %parallel_loop3A_890 = tpu.vector_load %arg8[%parallel_loop3A_888, %parallel_loop3A_889] {strides = array<i32>} : memref<96x384xf32, #tpu.memory_space<vmem>>, vector<1x16xf32>,
        %parallel_loop3A_891 = vector.shape_cast %parallel_loop3A_890 : vector<1x16xf32> to vector<16xf32>
        %parallel_loop3A_892 = arith.addf %parallel_loop3A_883, %parallel_loop3A_891 : vector<16xf32>
        %parallel_loop3A_893 = arith.constant 6 : i32
        %parallel_loop3A_894 = arith.muli %parallel_loop3A_75, %parallel_loop3A_893 : i32
        %parallel_loop3A_895 = arith.constant 4 : i32
        %parallel_loop3A_896 = arith.addi %parallel_loop3A_894, %parallel_loop3A_895 : i32
        %parallel_loop3A_897 = arith.index_cast %parallel_loop3A_896 : i32 to index
        %parallel_loop3A_898 = arith.constant 224 : index
        %parallel_loop3A_899 = tpu.vector_load %arg8[%parallel_loop3A_897, %parallel_loop3A_898] {strides = array<i32>} : memref<96x384xf32, #tpu.memory_space<vmem>>, vector<1x16xf32>,
        %parallel_loop3A_900 = vector.shape_cast %parallel_loop3A_899 : vector<1x16xf32> to vector<16xf32>
        %parallel_loop3A_901 = arith.addf %parallel_loop3A_892, %parallel_loop3A_900 : vector<16xf32>
        %parallel_loop3A_902 = arith.constant 6 : i32
        %parallel_loop3A_903 = arith.muli %parallel_loop3A_75, %parallel_loop3A_902 : i32
        %parallel_loop3A_904 = arith.constant 5 : i32
        %parallel_loop3A_905 = arith.addi %parallel_loop3A_903, %parallel_loop3A_904 : i32
        %parallel_loop3A_906 = arith.index_cast %parallel_loop3A_905 : i32 to index
        %parallel_loop3A_907 = arith.constant 224 : index
        %parallel_loop3A_908 = tpu.vector_load %arg8[%parallel_loop3A_906, %parallel_loop3A_907] {strides = array<i32>} : memref<96x384xf32, #tpu.memory_space<vmem>>, vector<1x16xf32>,
        %parallel_loop3A_909 = vector.shape_cast %parallel_loop3A_908 : vector<1x16xf32> to vector<16xf32>
        %parallel_loop3A_910 = arith.addf %parallel_loop3A_901, %parallel_loop3A_909 : vector<16xf32>
        %parallel_loop3A_911 = arith.index_cast %parallel_loop3A_75 : i32 to index
        %parallel_loop3A_912 = arith.constant 224 : index
        %parallel_loop3A_913 = tpu.vector_load %arg10[%parallel_loop3A_911, %parallel_loop3A_912] {strides = array<i32>} : memref<16x384xf32, #tpu.memory_space<vmem>>, vector<1x16xf32>,
        %parallel_loop3A_914 = vector.shape_cast %parallel_loop3A_913 : vector<1x16xf32> to vector<16xf32>
        %parallel_loop3A_915 = vector.shape_cast %parallel_loop3A_910 : vector<16xf32> to vector<1x16xf32>
        tpu.vector_store %arg10[%parallel_loop3A_911, %parallel_loop3A_912], %parallel_loop3A_915 {strides = array<i32>} : memref<16x384xf32, #tpu.memory_space<vmem>>, vector<1x16xf32>,
        %parallel_loop3A_916 = arith.constant 6 : i32
        %parallel_loop3A_917 = arith.muli %parallel_loop3A_75, %parallel_loop3A_916 : i32
        %parallel_loop3A_918 = arith.index_cast %parallel_loop3A_917 : i32 to index
        %parallel_loop3A_919 = arith.constant 240 : index
        %parallel_loop3A_920 = tpu.vector_load %arg8[%parallel_loop3A_918, %parallel_loop3A_919] {strides = array<i32>} : memref<96x384xf32, #tpu.memory_space<vmem>>, vector<1x16xf32>,
        %parallel_loop3A_921 = vector.shape_cast %parallel_loop3A_920 : vector<1x16xf32> to vector<16xf32>
        %parallel_loop3A_922 = arith.constant 6 : i32
        %parallel_loop3A_923 = arith.muli %parallel_loop3A_75, %parallel_loop3A_922 : i32
        %parallel_loop3A_924 = arith.constant 1 : i32
        %parallel_loop3A_925 = arith.addi %parallel_loop3A_923, %parallel_loop3A_924 : i32
        %parallel_loop3A_926 = arith.index_cast %parallel_loop3A_925 : i32 to index
        %parallel_loop3A_927 = arith.constant 240 : index
        %parallel_loop3A_928 = tpu.vector_load %arg8[%parallel_loop3A_926, %parallel_loop3A_927] {strides = array<i32>} : memref<96x384xf32, #tpu.memory_space<vmem>>, vector<1x16xf32>,
        %parallel_loop3A_929 = vector.shape_cast %parallel_loop3A_928 : vector<1x16xf32> to vector<16xf32>
        %parallel_loop3A_930 = arith.addf %parallel_loop3A_921, %parallel_loop3A_929 : vector<16xf32>
        %parallel_loop3A_931 = arith.constant 6 : i32
        %parallel_loop3A_932 = arith.muli %parallel_loop3A_75, %parallel_loop3A_931 : i32
        %parallel_loop3A_933 = arith.constant 2 : i32
        %parallel_loop3A_934 = arith.addi %parallel_loop3A_932, %parallel_loop3A_933 : i32
        %parallel_loop3A_935 = arith.index_cast %parallel_loop3A_934 : i32 to index
        %parallel_loop3A_936 = arith.constant 240 : index
        %parallel_loop3A_937 = tpu.vector_load %arg8[%parallel_loop3A_935, %parallel_loop3A_936] {strides = array<i32>} : memref<96x384xf32, #tpu.memory_space<vmem>>, vector<1x16xf32>,
        %parallel_loop3A_938 = vector.shape_cast %parallel_loop3A_937 : vector<1x16xf32> to vector<16xf32>
        %parallel_loop3A_939 = arith.addf %parallel_loop3A_930, %parallel_loop3A_938 : vector<16xf32>
        %parallel_loop3A_940 = arith.constant 6 : i32
        %parallel_loop3A_941 = arith.muli %parallel_loop3A_75, %parallel_loop3A_940 : i32
        %parallel_loop3A_942 = arith.constant 3 : i32
        %parallel_loop3A_943 = arith.addi %parallel_loop3A_941, %parallel_loop3A_942 : i32
        %parallel_loop3A_944 = arith.index_cast %parallel_loop3A_943 : i32 to index
        %parallel_loop3A_945 = arith.constant 240 : index
        %parallel_loop3A_946 = tpu.vector_load %arg8[%parallel_loop3A_944, %parallel_loop3A_945] {strides = array<i32>} : memref<96x384xf32, #tpu.memory_space<vmem>>, vector<1x16xf32>,
        %parallel_loop3A_947 = vector.shape_cast %parallel_loop3A_946 : vector<1x16xf32> to vector<16xf32>
        %parallel_loop3A_948 = arith.addf %parallel_loop3A_939, %parallel_loop3A_947 : vector<16xf32>
        %parallel_loop3A_949 = arith.constant 6 : i32
        %parallel_loop3A_950 = arith.muli %parallel_loop3A_75, %parallel_loop3A_949 : i32
        %parallel_loop3A_951 = arith.constant 4 : i32
        %parallel_loop3A_952 = arith.addi %parallel_loop3A_950, %parallel_loop3A_951 : i32
        %parallel_loop3A_953 = arith.index_cast %parallel_loop3A_952 : i32 to index
        %parallel_loop3A_954 = arith.constant 240 : index
        %parallel_loop3A_955 = tpu.vector_load %arg8[%parallel_loop3A_953, %parallel_loop3A_954] {strides = array<i32>} : memref<96x384xf32, #tpu.memory_space<vmem>>, vector<1x16xf32>,
        %parallel_loop3A_956 = vector.shape_cast %parallel_loop3A_955 : vector<1x16xf32> to vector<16xf32>
        %parallel_loop3A_957 = arith.addf %parallel_loop3A_948, %parallel_loop3A_956 : vector<16xf32>
        %parallel_loop3A_958 = arith.constant 6 : i32
        %parallel_loop3A_959 = arith.muli %parallel_loop3A_75, %parallel_loop3A_958 : i32
        %parallel_loop3A_960 = arith.constant 5 : i32
        %parallel_loop3A_961 = arith.addi %parallel_loop3A_959, %parallel_loop3A_960 : i32
        %parallel_loop3A_962 = arith.index_cast %parallel_loop3A_961 : i32 to index
        %parallel_loop3A_963 = arith.constant 240 : index
        %parallel_loop3A_964 = tpu.vector_load %arg8[%parallel_loop3A_962, %parallel_loop3A_963] {strides = array<i32>} : memref<96x384xf32, #tpu.memory_space<vmem>>, vector<1x16xf32>,
        %parallel_loop3A_965 = vector.shape_cast %parallel_loop3A_964 : vector<1x16xf32> to vector<16xf32>
        %parallel_loop3A_966 = arith.addf %parallel_loop3A_957, %parallel_loop3A_965 : vector<16xf32>
        %parallel_loop3A_967 = arith.index_cast %parallel_loop3A_75 : i32 to index
        %parallel_loop3A_968 = arith.constant 240 : index
        %parallel_loop3A_969 = tpu.vector_load %arg10[%parallel_loop3A_967, %parallel_loop3A_968] {strides = array<i32>} : memref<16x384xf32, #tpu.memory_space<vmem>>, vector<1x16xf32>,
        %parallel_loop3A_970 = vector.shape_cast %parallel_loop3A_969 : vector<1x16xf32> to vector<16xf32>
        %parallel_loop3A_971 = vector.shape_cast %parallel_loop3A_966 : vector<16xf32> to vector<1x16xf32>
        tpu.vector_store %arg10[%parallel_loop3A_967, %parallel_loop3A_968], %parallel_loop3A_971 {strides = array<i32>} : memref<16x384xf32, #tpu.memory_space<vmem>>, vector<1x16xf32>,
        %parallel_loop3A_972 = arith.constant 6 : i32
        %parallel_loop3A_973 = arith.muli %parallel_loop3A_75, %parallel_loop3A_972 : i32
        %parallel_loop3A_974 = arith.index_cast %parallel_loop3A_973 : i32 to index
        %parallel_loop3A_975 = arith.constant 256 : index
        %parallel_loop3A_976 = tpu.vector_load %arg8[%parallel_loop3A_974, %parallel_loop3A_975] {strides = array<i32>} : memref<96x384xf32, #tpu.memory_space<vmem>>, vector<1x16xf32>,
        %parallel_loop3A_977 = vector.shape_cast %parallel_loop3A_976 : vector<1x16xf32> to vector<16xf32>
        %parallel_loop3A_978 = arith.constant 6 : i32
        %parallel_loop3A_979 = arith.muli %parallel_loop3A_75, %parallel_loop3A_978 : i32
        %parallel_loop3A_980 = arith.constant 1 : i32
        %parallel_loop3A_981 = arith.addi %parallel_loop3A_979, %parallel_loop3A_980 : i32
        %parallel_loop3A_982 = arith.index_cast %parallel_loop3A_981 : i32 to index
        %parallel_loop3A_983 = arith.constant 256 : index
        %parallel_loop3A_984 = tpu.vector_load %arg8[%parallel_loop3A_982, %parallel_loop3A_983] {strides = array<i32>} : memref<96x384xf32, #tpu.memory_space<vmem>>, vector<1x16xf32>,
        %parallel_loop3A_985 = vector.shape_cast %parallel_loop3A_984 : vector<1x16xf32> to vector<16xf32>
        %parallel_loop3A_986 = arith.addf %parallel_loop3A_977, %parallel_loop3A_985 : vector<16xf32>
        %parallel_loop3A_987 = arith.constant 6 : i32
        %parallel_loop3A_988 = arith.muli %parallel_loop3A_75, %parallel_loop3A_987 : i32
        %parallel_loop3A_989 = arith.constant 2 : i32
        %parallel_loop3A_990 = arith.addi %parallel_loop3A_988, %parallel_loop3A_989 : i32
        %parallel_loop3A_991 = arith.index_cast %parallel_loop3A_990 : i32 to index
        %parallel_loop3A_992 = arith.constant 256 : index
        %parallel_loop3A_993 = tpu.vector_load %arg8[%parallel_loop3A_991, %parallel_loop3A_992] {strides = array<i32>} : memref<96x384xf32, #tpu.memory_space<vmem>>, vector<1x16xf32>,
        %parallel_loop3A_994 = vector.shape_cast %parallel_loop3A_993 : vector<1x16xf32> to vector<16xf32>
        %parallel_loop3A_995 = arith.addf %parallel_loop3A_986, %parallel_loop3A_994 : vector<16xf32>
        %parallel_loop3A_996 = arith.constant 6 : i32
        %parallel_loop3A_997 = arith.muli %parallel_loop3A_75, %parallel_loop3A_996 : i32
        %parallel_loop3A_998 = arith.constant 3 : i32
        %parallel_loop3A_999 = arith.addi %parallel_loop3A_997, %parallel_loop3A_998 : i32
        %parallel_loop3A_1000 = arith.index_cast %parallel_loop3A_999 : i32 to index
        %parallel_loop3A_1001 = arith.constant 256 : index
        %parallel_loop3A_1002 = tpu.vector_load %arg8[%parallel_loop3A_1000, %parallel_loop3A_1001] {strides = array<i32>} : memref<96x384xf32, #tpu.memory_space<vmem>>, vector<1x16xf32>,
        %parallel_loop3A_1003 = vector.shape_cast %parallel_loop3A_1002 : vector<1x16xf32> to vector<16xf32>
        %parallel_loop3A_1004 = arith.addf %parallel_loop3A_995, %parallel_loop3A_1003 : vector<16xf32>
        %parallel_loop3A_1005 = arith.constant 6 : i32
        %parallel_loop3A_1006 = arith.muli %parallel_loop3A_75, %parallel_loop3A_1005 : i32
        %parallel_loop3A_1007 = arith.constant 4 : i32
        %parallel_loop3A_1008 = arith.addi %parallel_loop3A_1006, %parallel_loop3A_1007 : i32
        %parallel_loop3A_1009 = arith.index_cast %parallel_loop3A_1008 : i32 to index
        %parallel_loop3A_1010 = arith.constant 256 : index
        %parallel_loop3A_1011 = tpu.vector_load %arg8[%parallel_loop3A_1009, %parallel_loop3A_1010] {strides = array<i32>} : memref<96x384xf32, #tpu.memory_space<vmem>>, vector<1x16xf32>,
        %parallel_loop3A_1012 = vector.shape_cast %parallel_loop3A_1011 : vector<1x16xf32> to vector<16xf32>
        %parallel_loop3A_1013 = arith.addf %parallel_loop3A_1004, %parallel_loop3A_1012 : vector<16xf32>
        %parallel_loop3A_1014 = arith.constant 6 : i32
        %parallel_loop3A_1015 = arith.muli %parallel_loop3A_75, %parallel_loop3A_1014 : i32
        %parallel_loop3A_1016 = arith.constant 5 : i32
        %parallel_loop3A_1017 = arith.addi %parallel_loop3A_1015, %parallel_loop3A_1016 : i32
        %parallel_loop3A_1018 = arith.index_cast %parallel_loop3A_1017 : i32 to index
        %parallel_loop3A_1019 = arith.constant 256 : index
        %parallel_loop3A_1020 = tpu.vector_load %arg8[%parallel_loop3A_1018, %parallel_loop3A_1019] {strides = array<i32>} : memref<96x384xf32, #tpu.memory_space<vmem>>, vector<1x16xf32>,
        %parallel_loop3A_1021 = vector.shape_cast %parallel_loop3A_1020 : vector<1x16xf32> to vector<16xf32>
        %parallel_loop3A_1022 = arith.addf %parallel_loop3A_1013, %parallel_loop3A_1021 : vector<16xf32>
        %parallel_loop3A_1023 = arith.index_cast %parallel_loop3A_75 : i32 to index
        %parallel_loop3A_1024 = arith.constant 256 : index
        %parallel_loop3A_1025 = tpu.vector_load %arg10[%parallel_loop3A_1023, %parallel_loop3A_1024] {strides = array<i32>} : memref<16x384xf32, #tpu.memory_space<vmem>>, vector<1x16xf32>,
        %parallel_loop3A_1026 = vector.shape_cast %parallel_loop3A_1025 : vector<1x16xf32> to vector<16xf32>
        %parallel_loop3A_1027 = vector.shape_cast %parallel_loop3A_1022 : vector<16xf32> to vector<1x16xf32>
        tpu.vector_store %arg10[%parallel_loop3A_1023, %parallel_loop3A_1024], %parallel_loop3A_1027 {strides = array<i32>} : memref<16x384xf32, #tpu.memory_space<vmem>>, vector<1x16xf32>,
        %parallel_loop3A_1028 = arith.constant 6 : i32
        %parallel_loop3A_1029 = arith.muli %parallel_loop3A_75, %parallel_loop3A_1028 : i32
        %parallel_loop3A_1030 = arith.index_cast %parallel_loop3A_1029 : i32 to index
        %parallel_loop3A_1031 = arith.constant 272 : index
        %parallel_loop3A_1032 = tpu.vector_load %arg8[%parallel_loop3A_1030, %parallel_loop3A_1031] {strides = array<i32>} : memref<96x384xf32, #tpu.memory_space<vmem>>, vector<1x16xf32>,
        %parallel_loop3A_1033 = vector.shape_cast %parallel_loop3A_1032 : vector<1x16xf32> to vector<16xf32>
        %parallel_loop3A_1034 = arith.constant 6 : i32
        %parallel_loop3A_1035 = arith.muli %parallel_loop3A_75, %parallel_loop3A_1034 : i32
        %parallel_loop3A_1036 = arith.constant 1 : i32
        %parallel_loop3A_1037 = arith.addi %parallel_loop3A_1035, %parallel_loop3A_1036 : i32
        %parallel_loop3A_1038 = arith.index_cast %parallel_loop3A_1037 : i32 to index
        %parallel_loop3A_1039 = arith.constant 272 : index
        %parallel_loop3A_1040 = tpu.vector_load %arg8[%parallel_loop3A_1038, %parallel_loop3A_1039] {strides = array<i32>} : memref<96x384xf32, #tpu.memory_space<vmem>>, vector<1x16xf32>,
        %parallel_loop3A_1041 = vector.shape_cast %parallel_loop3A_1040 : vector<1x16xf32> to vector<16xf32>
        %parallel_loop3A_1042 = arith.addf %parallel_loop3A_1033, %parallel_loop3A_1041 : vector<16xf32>
        %parallel_loop3A_1043 = arith.constant 6 : i32
        %parallel_loop3A_1044 = arith.muli %parallel_loop3A_75, %parallel_loop3A_1043 : i32
        %parallel_loop3A_1045 = arith.constant 2 : i32
        %parallel_loop3A_1046 = arith.addi %parallel_loop3A_1044, %parallel_loop3A_1045 : i32
        %parallel_loop3A_1047 = arith.index_cast %parallel_loop3A_1046 : i32 to index
        %parallel_loop3A_1048 = arith.constant 272 : index
        %parallel_loop3A_1049 = tpu.vector_load %arg8[%parallel_loop3A_1047, %parallel_loop3A_1048] {strides = array<i32>} : memref<96x384xf32, #tpu.memory_space<vmem>>, vector<1x16xf32>,
        %parallel_loop3A_1050 = vector.shape_cast %parallel_loop3A_1049 : vector<1x16xf32> to vector<16xf32>
        %parallel_loop3A_1051 = arith.addf %parallel_loop3A_1042, %parallel_loop3A_1050 : vector<16xf32>
        %parallel_loop3A_1052 = arith.constant 6 : i32
        %parallel_loop3A_1053 = arith.muli %parallel_loop3A_75, %parallel_loop3A_1052 : i32
        %parallel_loop3A_1054 = arith.constant 3 : i32
        %parallel_loop3A_1055 = arith.addi %parallel_loop3A_1053, %parallel_loop3A_1054 : i32
        %parallel_loop3A_1056 = arith.index_cast %parallel_loop3A_1055 : i32 to index
        %parallel_loop3A_1057 = arith.constant 272 : index
        %parallel_loop3A_1058 = tpu.vector_load %arg8[%parallel_loop3A_1056, %parallel_loop3A_1057] {strides = array<i32>} : memref<96x384xf32, #tpu.memory_space<vmem>>, vector<1x16xf32>,
        %parallel_loop3A_1059 = vector.shape_cast %parallel_loop3A_1058 : vector<1x16xf32> to vector<16xf32>
        %parallel_loop3A_1060 = arith.addf %parallel_loop3A_1051, %parallel_loop3A_1059 : vector<16xf32>
        %parallel_loop3A_1061 = arith.constant 6 : i32
        %parallel_loop3A_1062 = arith.muli %parallel_loop3A_75, %parallel_loop3A_1061 : i32
        %parallel_loop3A_1063 = arith.constant 4 : i32
        %parallel_loop3A_1064 = arith.addi %parallel_loop3A_1062, %parallel_loop3A_1063 : i32
        %parallel_loop3A_1065 = arith.index_cast %parallel_loop3A_1064 : i32 to index
        %parallel_loop3A_1066 = arith.constant 272 : index
        %parallel_loop3A_1067 = tpu.vector_load %arg8[%parallel_loop3A_1065, %parallel_loop3A_1066] {strides = array<i32>} : memref<96x384xf32, #tpu.memory_space<vmem>>, vector<1x16xf32>,
        %parallel_loop3A_1068 = vector.shape_cast %parallel_loop3A_1067 : vector<1x16xf32> to vector<16xf32>
        %parallel_loop3A_1069 = arith.addf %parallel_loop3A_1060, %parallel_loop3A_1068 : vector<16xf32>
        %parallel_loop3A_1070 = arith.constant 6 : i32
        %parallel_loop3A_1071 = arith.muli %parallel_loop3A_75, %parallel_loop3A_1070 : i32
        %parallel_loop3A_1072 = arith.constant 5 : i32
        %parallel_loop3A_1073 = arith.addi %parallel_loop3A_1071, %parallel_loop3A_1072 : i32
        %parallel_loop3A_1074 = arith.index_cast %parallel_loop3A_1073 : i32 to index
        %parallel_loop3A_1075 = arith.constant 272 : index
        %parallel_loop3A_1076 = tpu.vector_load %arg8[%parallel_loop3A_1074, %parallel_loop3A_1075] {strides = array<i32>} : memref<96x384xf32, #tpu.memory_space<vmem>>, vector<1x16xf32>,
        %parallel_loop3A_1077 = vector.shape_cast %parallel_loop3A_1076 : vector<1x16xf32> to vector<16xf32>
        %parallel_loop3A_1078 = arith.addf %parallel_loop3A_1069, %parallel_loop3A_1077 : vector<16xf32>
        %parallel_loop3A_1079 = arith.index_cast %parallel_loop3A_75 : i32 to index
        %parallel_loop3A_1080 = arith.constant 272 : index
        %parallel_loop3A_1081 = tpu.vector_load %arg10[%parallel_loop3A_1079, %parallel_loop3A_1080] {strides = array<i32>} : memref<16x384xf32, #tpu.memory_space<vmem>>, vector<1x16xf32>,
        %parallel_loop3A_1082 = vector.shape_cast %parallel_loop3A_1081 : vector<1x16xf32> to vector<16xf32>
        %parallel_loop3A_1083 = vector.shape_cast %parallel_loop3A_1078 : vector<16xf32> to vector<1x16xf32>
        tpu.vector_store %arg10[%parallel_loop3A_1079, %parallel_loop3A_1080], %parallel_loop3A_1083 {strides = array<i32>} : memref<16x384xf32, #tpu.memory_space<vmem>>, vector<1x16xf32>,
        %parallel_loop3A_1084 = arith.constant 6 : i32
        %parallel_loop3A_1085 = arith.muli %parallel_loop3A_75, %parallel_loop3A_1084 : i32
        %parallel_loop3A_1086 = arith.index_cast %parallel_loop3A_1085 : i32 to index
        %parallel_loop3A_1087 = arith.constant 288 : index
        %parallel_loop3A_1088 = tpu.vector_load %arg8[%parallel_loop3A_1086, %parallel_loop3A_1087] {strides = array<i32>} : memref<96x384xf32, #tpu.memory_space<vmem>>, vector<1x16xf32>,
        %parallel_loop3A_1089 = vector.shape_cast %parallel_loop3A_1088 : vector<1x16xf32> to vector<16xf32>
        %parallel_loop3A_1090 = arith.constant 6 : i32
        %parallel_loop3A_1091 = arith.muli %parallel_loop3A_75, %parallel_loop3A_1090 : i32
        %parallel_loop3A_1092 = arith.constant 1 : i32
        %parallel_loop3A_1093 = arith.addi %parallel_loop3A_1091, %parallel_loop3A_1092 : i32
        %parallel_loop3A_1094 = arith.index_cast %parallel_loop3A_1093 : i32 to index
        %parallel_loop3A_1095 = arith.constant 288 : index
        %parallel_loop3A_1096 = tpu.vector_load %arg8[%parallel_loop3A_1094, %parallel_loop3A_1095] {strides = array<i32>} : memref<96x384xf32, #tpu.memory_space<vmem>>, vector<1x16xf32>,
        %parallel_loop3A_1097 = vector.shape_cast %parallel_loop3A_1096 : vector<1x16xf32> to vector<16xf32>
        %parallel_loop3A_1098 = arith.addf %parallel_loop3A_1089, %parallel_loop3A_1097 : vector<16xf32>
        %parallel_loop3A_1099 = arith.constant 6 : i32
        %parallel_loop3A_1100 = arith.muli %parallel_loop3A_75, %parallel_loop3A_1099 : i32
        %parallel_loop3A_1101 = arith.constant 2 : i32
        %parallel_loop3A_1102 = arith.addi %parallel_loop3A_1100, %parallel_loop3A_1101 : i32
        %parallel_loop3A_1103 = arith.index_cast %parallel_loop3A_1102 : i32 to index
        %parallel_loop3A_1104 = arith.constant 288 : index
        %parallel_loop3A_1105 = tpu.vector_load %arg8[%parallel_loop3A_1103, %parallel_loop3A_1104] {strides = array<i32>} : memref<96x384xf32, #tpu.memory_space<vmem>>, vector<1x16xf32>,
        %parallel_loop3A_1106 = vector.shape_cast %parallel_loop3A_1105 : vector<1x16xf32> to vector<16xf32>
        %parallel_loop3A_1107 = arith.addf %parallel_loop3A_1098, %parallel_loop3A_1106 : vector<16xf32>
        %parallel_loop3A_1108 = arith.constant 6 : i32
        %parallel_loop3A_1109 = arith.muli %parallel_loop3A_75, %parallel_loop3A_1108 : i32
        %parallel_loop3A_1110 = arith.constant 3 : i32
        %parallel_loop3A_1111 = arith.addi %parallel_loop3A_1109, %parallel_loop3A_1110 : i32
        %parallel_loop3A_1112 = arith.index_cast %parallel_loop3A_1111 : i32 to index
        %parallel_loop3A_1113 = arith.constant 288 : index
        %parallel_loop3A_1114 = tpu.vector_load %arg8[%parallel_loop3A_1112, %parallel_loop3A_1113] {strides = array<i32>} : memref<96x384xf32, #tpu.memory_space<vmem>>, vector<1x16xf32>,
        %parallel_loop3A_1115 = vector.shape_cast %parallel_loop3A_1114 : vector<1x16xf32> to vector<16xf32>
        %parallel_loop3A_1116 = arith.addf %parallel_loop3A_1107, %parallel_loop3A_1115 : vector<16xf32>
        %parallel_loop3A_1117 = arith.constant 6 : i32
        %parallel_loop3A_1118 = arith.muli %parallel_loop3A_75, %parallel_loop3A_1117 : i32
        %parallel_loop3A_1119 = arith.constant 4 : i32
        %parallel_loop3A_1120 = arith.addi %parallel_loop3A_1118, %parallel_loop3A_1119 : i32
        %parallel_loop3A_1121 = arith.index_cast %parallel_loop3A_1120 : i32 to index
        %parallel_loop3A_1122 = arith.constant 288 : index
        %parallel_loop3A_1123 = tpu.vector_load %arg8[%parallel_loop3A_1121, %parallel_loop3A_1122] {strides = array<i32>} : memref<96x384xf32, #tpu.memory_space<vmem>>, vector<1x16xf32>,
        %parallel_loop3A_1124 = vector.shape_cast %parallel_loop3A_1123 : vector<1x16xf32> to vector<16xf32>
        %parallel_loop3A_1125 = arith.addf %parallel_loop3A_1116, %parallel_loop3A_1124 : vector<16xf32>
        %parallel_loop3A_1126 = arith.constant 6 : i32
        %parallel_loop3A_1127 = arith.muli %parallel_loop3A_75, %parallel_loop3A_1126 : i32
        %parallel_loop3A_1128 = arith.constant 5 : i32
        %parallel_loop3A_1129 = arith.addi %parallel_loop3A_1127, %parallel_loop3A_1128 : i32
        %parallel_loop3A_1130 = arith.index_cast %parallel_loop3A_1129 : i32 to index
        %parallel_loop3A_1131 = arith.constant 288 : index
        %parallel_loop3A_1132 = tpu.vector_load %arg8[%parallel_loop3A_1130, %parallel_loop3A_1131] {strides = array<i32>} : memref<96x384xf32, #tpu.memory_space<vmem>>, vector<1x16xf32>,
        %parallel_loop3A_1133 = vector.shape_cast %parallel_loop3A_1132 : vector<1x16xf32> to vector<16xf32>
        %parallel_loop3A_1134 = arith.addf %parallel_loop3A_1125, %parallel_loop3A_1133 : vector<16xf32>
        %parallel_loop3A_1135 = arith.index_cast %parallel_loop3A_75 : i32 to index
        %parallel_loop3A_1136 = arith.constant 288 : index
        %parallel_loop3A_1137 = tpu.vector_load %arg10[%parallel_loop3A_1135, %parallel_loop3A_1136] {strides = array<i32>} : memref<16x384xf32, #tpu.memory_space<vmem>>, vector<1x16xf32>,
        %parallel_loop3A_1138 = vector.shape_cast %parallel_loop3A_1137 : vector<1x16xf32> to vector<16xf32>
        %parallel_loop3A_1139 = vector.shape_cast %parallel_loop3A_1134 : vector<16xf32> to vector<1x16xf32>
        tpu.vector_store %arg10[%parallel_loop3A_1135, %parallel_loop3A_1136], %parallel_loop3A_1139 {strides = array<i32>} : memref<16x384xf32, #tpu.memory_space<vmem>>, vector<1x16xf32>,
        %parallel_loop3A_1140 = arith.constant 6 : i32
        %parallel_loop3A_1141 = arith.muli %parallel_loop3A_75, %parallel_loop3A_1140 : i32
        %parallel_loop3A_1142 = arith.index_cast %parallel_loop3A_1141 : i32 to index
        %parallel_loop3A_1143 = arith.constant 304 : index
        %parallel_loop3A_1144 = tpu.vector_load %arg8[%parallel_loop3A_1142, %parallel_loop3A_1143] {strides = array<i32>} : memref<96x384xf32, #tpu.memory_space<vmem>>, vector<1x16xf32>,
        %parallel_loop3A_1145 = vector.shape_cast %parallel_loop3A_1144 : vector<1x16xf32> to vector<16xf32>
        %parallel_loop3A_1146 = arith.constant 6 : i32
        %parallel_loop3A_1147 = arith.muli %parallel_loop3A_75, %parallel_loop3A_1146 : i32
        %parallel_loop3A_1148 = arith.constant 1 : i32
        %parallel_loop3A_1149 = arith.addi %parallel_loop3A_1147, %parallel_loop3A_1148 : i32
        %parallel_loop3A_1150 = arith.index_cast %parallel_loop3A_1149 : i32 to index
        %parallel_loop3A_1151 = arith.constant 304 : index
        %parallel_loop3A_1152 = tpu.vector_load %arg8[%parallel_loop3A_1150, %parallel_loop3A_1151] {strides = array<i32>} : memref<96x384xf32, #tpu.memory_space<vmem>>, vector<1x16xf32>,
        %parallel_loop3A_1153 = vector.shape_cast %parallel_loop3A_1152 : vector<1x16xf32> to vector<16xf32>
        %parallel_loop3A_1154 = arith.addf %parallel_loop3A_1145, %parallel_loop3A_1153 : vector<16xf32>
        %parallel_loop3A_1155 = arith.constant 6 : i32
        %parallel_loop3A_1156 = arith.muli %parallel_loop3A_75, %parallel_loop3A_1155 : i32
        %parallel_loop3A_1157 = arith.constant 2 : i32
        %parallel_loop3A_1158 = arith.addi %parallel_loop3A_1156, %parallel_loop3A_1157 : i32
        %parallel_loop3A_1159 = arith.index_cast %parallel_loop3A_1158 : i32 to index
        %parallel_loop3A_1160 = arith.constant 304 : index
        %parallel_loop3A_1161 = tpu.vector_load %arg8[%parallel_loop3A_1159, %parallel_loop3A_1160] {strides = array<i32>} : memref<96x384xf32, #tpu.memory_space<vmem>>, vector<1x16xf32>,
        %parallel_loop3A_1162 = vector.shape_cast %parallel_loop3A_1161 : vector<1x16xf32> to vector<16xf32>
        %parallel_loop3A_1163 = arith.addf %parallel_loop3A_1154, %parallel_loop3A_1162 : vector<16xf32>
        %parallel_loop3A_1164 = arith.constant 6 : i32
        %parallel_loop3A_1165 = arith.muli %parallel_loop3A_75, %parallel_loop3A_1164 : i32
        %parallel_loop3A_1166 = arith.constant 3 : i32
        %parallel_loop3A_1167 = arith.addi %parallel_loop3A_1165, %parallel_loop3A_1166 : i32
        %parallel_loop3A_1168 = arith.index_cast %parallel_loop3A_1167 : i32 to index
        %parallel_loop3A_1169 = arith.constant 304 : index
        %parallel_loop3A_1170 = tpu.vector_load %arg8[%parallel_loop3A_1168, %parallel_loop3A_1169] {strides = array<i32>} : memref<96x384xf32, #tpu.memory_space<vmem>>, vector<1x16xf32>,
        %parallel_loop3A_1171 = vector.shape_cast %parallel_loop3A_1170 : vector<1x16xf32> to vector<16xf32>
        %parallel_loop3A_1172 = arith.addf %parallel_loop3A_1163, %parallel_loop3A_1171 : vector<16xf32>
        %parallel_loop3A_1173 = arith.constant 6 : i32
        %parallel_loop3A_1174 = arith.muli %parallel_loop3A_75, %parallel_loop3A_1173 : i32
        %parallel_loop3A_1175 = arith.constant 4 : i32
        %parallel_loop3A_1176 = arith.addi %parallel_loop3A_1174, %parallel_loop3A_1175 : i32
        %parallel_loop3A_1177 = arith.index_cast %parallel_loop3A_1176 : i32 to index
        %parallel_loop3A_1178 = arith.constant 304 : index
        %parallel_loop3A_1179 = tpu.vector_load %arg8[%parallel_loop3A_1177, %parallel_loop3A_1178] {strides = array<i32>} : memref<96x384xf32, #tpu.memory_space<vmem>>, vector<1x16xf32>,
        %parallel_loop3A_1180 = vector.shape_cast %parallel_loop3A_1179 : vector<1x16xf32> to vector<16xf32>
        %parallel_loop3A_1181 = arith.addf %parallel_loop3A_1172, %parallel_loop3A_1180 : vector<16xf32>
        %parallel_loop3A_1182 = arith.constant 6 : i32
        %parallel_loop3A_1183 = arith.muli %parallel_loop3A_75, %parallel_loop3A_1182 : i32
        %parallel_loop3A_1184 = arith.constant 5 : i32
        %parallel_loop3A_1185 = arith.addi %parallel_loop3A_1183, %parallel_loop3A_1184 : i32
        %parallel_loop3A_1186 = arith.index_cast %parallel_loop3A_1185 : i32 to index
        %parallel_loop3A_1187 = arith.constant 304 : index
        %parallel_loop3A_1188 = tpu.vector_load %arg8[%parallel_loop3A_1186, %parallel_loop3A_1187] {strides = array<i32>} : memref<96x384xf32, #tpu.memory_space<vmem>>, vector<1x16xf32>,
        %parallel_loop3A_1189 = vector.shape_cast %parallel_loop3A_1188 : vector<1x16xf32> to vector<16xf32>
        %parallel_loop3A_1190 = arith.addf %parallel_loop3A_1181, %parallel_loop3A_1189 : vector<16xf32>
        %parallel_loop3A_1191 = arith.index_cast %parallel_loop3A_75 : i32 to index
        %parallel_loop3A_1192 = arith.constant 304 : index
        %parallel_loop3A_1193 = tpu.vector_load %arg10[%parallel_loop3A_1191, %parallel_loop3A_1192] {strides = array<i32>} : memref<16x384xf32, #tpu.memory_space<vmem>>, vector<1x16xf32>,
        %parallel_loop3A_1194 = vector.shape_cast %parallel_loop3A_1193 : vector<1x16xf32> to vector<16xf32>
        %parallel_loop3A_1195 = vector.shape_cast %parallel_loop3A_1190 : vector<16xf32> to vector<1x16xf32>
        tpu.vector_store %arg10[%parallel_loop3A_1191, %parallel_loop3A_1192], %parallel_loop3A_1195 {strides = array<i32>} : memref<16x384xf32, #tpu.memory_space<vmem>>, vector<1x16xf32>,
        %parallel_loop3A_1196 = arith.constant 6 : i32
        %parallel_loop3A_1197 = arith.muli %parallel_loop3A_75, %parallel_loop3A_1196 : i32
        %parallel_loop3A_1198 = arith.index_cast %parallel_loop3A_1197 : i32 to index
        %parallel_loop3A_1199 = arith.constant 320 : index
        %parallel_loop3A_1200 = tpu.vector_load %arg8[%parallel_loop3A_1198, %parallel_loop3A_1199] {strides = array<i32>} : memref<96x384xf32, #tpu.memory_space<vmem>>, vector<1x16xf32>,
        %parallel_loop3A_1201 = vector.shape_cast %parallel_loop3A_1200 : vector<1x16xf32> to vector<16xf32>
        %parallel_loop3A_1202 = arith.constant 6 : i32
        %parallel_loop3A_1203 = arith.muli %parallel_loop3A_75, %parallel_loop3A_1202 : i32
        %parallel_loop3A_1204 = arith.constant 1 : i32
        %parallel_loop3A_1205 = arith.addi %parallel_loop3A_1203, %parallel_loop3A_1204 : i32
        %parallel_loop3A_1206 = arith.index_cast %parallel_loop3A_1205 : i32 to index
        %parallel_loop3A_1207 = arith.constant 320 : index
        %parallel_loop3A_1208 = tpu.vector_load %arg8[%parallel_loop3A_1206, %parallel_loop3A_1207] {strides = array<i32>} : memref<96x384xf32, #tpu.memory_space<vmem>>, vector<1x16xf32>,
        %parallel_loop3A_1209 = vector.shape_cast %parallel_loop3A_1208 : vector<1x16xf32> to vector<16xf32>
        %parallel_loop3A_1210 = arith.addf %parallel_loop3A_1201, %parallel_loop3A_1209 : vector<16xf32>
        %parallel_loop3A_1211 = arith.constant 6 : i32
        %parallel_loop3A_1212 = arith.muli %parallel_loop3A_75, %parallel_loop3A_1211 : i32
        %parallel_loop3A_1213 = arith.constant 2 : i32
        %parallel_loop3A_1214 = arith.addi %parallel_loop3A_1212, %parallel_loop3A_1213 : i32
        %parallel_loop3A_1215 = arith.index_cast %parallel_loop3A_1214 : i32 to index
        %parallel_loop3A_1216 = arith.constant 320 : index
        %parallel_loop3A_1217 = tpu.vector_load %arg8[%parallel_loop3A_1215, %parallel_loop3A_1216] {strides = array<i32>} : memref<96x384xf32, #tpu.memory_space<vmem>>, vector<1x16xf32>,
        %parallel_loop3A_1218 = vector.shape_cast %parallel_loop3A_1217 : vector<1x16xf32> to vector<16xf32>
        %parallel_loop3A_1219 = arith.addf %parallel_loop3A_1210, %parallel_loop3A_1218 : vector<16xf32>
        %parallel_loop3A_1220 = arith.constant 6 : i32
        %parallel_loop3A_1221 = arith.muli %parallel_loop3A_75, %parallel_loop3A_1220 : i32
        %parallel_loop3A_1222 = arith.constant 3 : i32
        %parallel_loop3A_1223 = arith.addi %parallel_loop3A_1221, %parallel_loop3A_1222 : i32
        %parallel_loop3A_1224 = arith.index_cast %parallel_loop3A_1223 : i32 to index
        %parallel_loop3A_1225 = arith.constant 320 : index
        %parallel_loop3A_1226 = tpu.vector_load %arg8[%parallel_loop3A_1224, %parallel_loop3A_1225] {strides = array<i32>} : memref<96x384xf32, #tpu.memory_space<vmem>>, vector<1x16xf32>,
        %parallel_loop3A_1227 = vector.shape_cast %parallel_loop3A_1226 : vector<1x16xf32> to vector<16xf32>
        %parallel_loop3A_1228 = arith.addf %parallel_loop3A_1219, %parallel_loop3A_1227 : vector<16xf32>
        %parallel_loop3A_1229 = arith.constant 6 : i32
        %parallel_loop3A_1230 = arith.muli %parallel_loop3A_75, %parallel_loop3A_1229 : i32
        %parallel_loop3A_1231 = arith.constant 4 : i32
        %parallel_loop3A_1232 = arith.addi %parallel_loop3A_1230, %parallel_loop3A_1231 : i32
        %parallel_loop3A_1233 = arith.index_cast %parallel_loop3A_1232 : i32 to index
        %parallel_loop3A_1234 = arith.constant 320 : index
        %parallel_loop3A_1235 = tpu.vector_load %arg8[%parallel_loop3A_1233, %parallel_loop3A_1234] {strides = array<i32>} : memref<96x384xf32, #tpu.memory_space<vmem>>, vector<1x16xf32>,
        %parallel_loop3A_1236 = vector.shape_cast %parallel_loop3A_1235 : vector<1x16xf32> to vector<16xf32>
        %parallel_loop3A_1237 = arith.addf %parallel_loop3A_1228, %parallel_loop3A_1236 : vector<16xf32>
        %parallel_loop3A_1238 = arith.constant 6 : i32
        %parallel_loop3A_1239 = arith.muli %parallel_loop3A_75, %parallel_loop3A_1238 : i32
        %parallel_loop3A_1240 = arith.constant 5 : i32
        %parallel_loop3A_1241 = arith.addi %parallel_loop3A_1239, %parallel_loop3A_1240 : i32
        %parallel_loop3A_1242 = arith.index_cast %parallel_loop3A_1241 : i32 to index
        %parallel_loop3A_1243 = arith.constant 320 : index
        %parallel_loop3A_1244 = tpu.vector_load %arg8[%parallel_loop3A_1242, %parallel_loop3A_1243] {strides = array<i32>} : memref<96x384xf32, #tpu.memory_space<vmem>>, vector<1x16xf32>,
        %parallel_loop3A_1245 = vector.shape_cast %parallel_loop3A_1244 : vector<1x16xf32> to vector<16xf32>
        %parallel_loop3A_1246 = arith.addf %parallel_loop3A_1237, %parallel_loop3A_1245 : vector<16xf32>
        %parallel_loop3A_1247 = arith.index_cast %parallel_loop3A_75 : i32 to index
        %parallel_loop3A_1248 = arith.constant 320 : index
        %parallel_loop3A_1249 = tpu.vector_load %arg10[%parallel_loop3A_1247, %parallel_loop3A_1248] {strides = array<i32>} : memref<16x384xf32, #tpu.memory_space<vmem>>, vector<1x16xf32>,
        %parallel_loop3A_1250 = vector.shape_cast %parallel_loop3A_1249 : vector<1x16xf32> to vector<16xf32>
        %parallel_loop3A_1251 = vector.shape_cast %parallel_loop3A_1246 : vector<16xf32> to vector<1x16xf32>
        tpu.vector_store %arg10[%parallel_loop3A_1247, %parallel_loop3A_1248], %parallel_loop3A_1251 {strides = array<i32>} : memref<16x384xf32, #tpu.memory_space<vmem>>, vector<1x16xf32>,
        %parallel_loop3A_1252 = arith.constant 6 : i32
        %parallel_loop3A_1253 = arith.muli %parallel_loop3A_75, %parallel_loop3A_1252 : i32
        %parallel_loop3A_1254 = arith.index_cast %parallel_loop3A_1253 : i32 to index
        %parallel_loop3A_1255 = arith.constant 336 : index
        %parallel_loop3A_1256 = tpu.vector_load %arg8[%parallel_loop3A_1254, %parallel_loop3A_1255] {strides = array<i32>} : memref<96x384xf32, #tpu.memory_space<vmem>>, vector<1x16xf32>,
        %parallel_loop3A_1257 = vector.shape_cast %parallel_loop3A_1256 : vector<1x16xf32> to vector<16xf32>
        %parallel_loop3A_1258 = arith.constant 6 : i32
        %parallel_loop3A_1259 = arith.muli %parallel_loop3A_75, %parallel_loop3A_1258 : i32
        %parallel_loop3A_1260 = arith.constant 1 : i32
        %parallel_loop3A_1261 = arith.addi %parallel_loop3A_1259, %parallel_loop3A_1260 : i32
        %parallel_loop3A_1262 = arith.index_cast %parallel_loop3A_1261 : i32 to index
        %parallel_loop3A_1263 = arith.constant 336 : index
        %parallel_loop3A_1264 = tpu.vector_load %arg8[%parallel_loop3A_1262, %parallel_loop3A_1263] {strides = array<i32>} : memref<96x384xf32, #tpu.memory_space<vmem>>, vector<1x16xf32>,
        %parallel_loop3A_1265 = vector.shape_cast %parallel_loop3A_1264 : vector<1x16xf32> to vector<16xf32>
        %parallel_loop3A_1266 = arith.addf %parallel_loop3A_1257, %parallel_loop3A_1265 : vector<16xf32>
        %parallel_loop3A_1267 = arith.constant 6 : i32
        %parallel_loop3A_1268 = arith.muli %parallel_loop3A_75, %parallel_loop3A_1267 : i32
        %parallel_loop3A_1269 = arith.constant 2 : i32
        %parallel_loop3A_1270 = arith.addi %parallel_loop3A_1268, %parallel_loop3A_1269 : i32
        %parallel_loop3A_1271 = arith.index_cast %parallel_loop3A_1270 : i32 to index
        %parallel_loop3A_1272 = arith.constant 336 : index
        %parallel_loop3A_1273 = tpu.vector_load %arg8[%parallel_loop3A_1271, %parallel_loop3A_1272] {strides = array<i32>} : memref<96x384xf32, #tpu.memory_space<vmem>>, vector<1x16xf32>,
        %parallel_loop3A_1274 = vector.shape_cast %parallel_loop3A_1273 : vector<1x16xf32> to vector<16xf32>
        %parallel_loop3A_1275 = arith.addf %parallel_loop3A_1266, %parallel_loop3A_1274 : vector<16xf32>
        %parallel_loop3A_1276 = arith.constant 6 : i32
        %parallel_loop3A_1277 = arith.muli %parallel_loop3A_75, %parallel_loop3A_1276 : i32
        %parallel_loop3A_1278 = arith.constant 3 : i32
        %parallel_loop3A_1279 = arith.addi %parallel_loop3A_1277, %parallel_loop3A_1278 : i32
        %parallel_loop3A_1280 = arith.index_cast %parallel_loop3A_1279 : i32 to index
        %parallel_loop3A_1281 = arith.constant 336 : index
        %parallel_loop3A_1282 = tpu.vector_load %arg8[%parallel_loop3A_1280, %parallel_loop3A_1281] {strides = array<i32>} : memref<96x384xf32, #tpu.memory_space<vmem>>, vector<1x16xf32>,
        %parallel_loop3A_1283 = vector.shape_cast %parallel_loop3A_1282 : vector<1x16xf32> to vector<16xf32>
        %parallel_loop3A_1284 = arith.addf %parallel_loop3A_1275, %parallel_loop3A_1283 : vector<16xf32>
        %parallel_loop3A_1285 = arith.constant 6 : i32
        %parallel_loop3A_1286 = arith.muli %parallel_loop3A_75, %parallel_loop3A_1285 : i32
        %parallel_loop3A_1287 = arith.constant 4 : i32
        %parallel_loop3A_1288 = arith.addi %parallel_loop3A_1286, %parallel_loop3A_1287 : i32
        %parallel_loop3A_1289 = arith.index_cast %parallel_loop3A_1288 : i32 to index
        %parallel_loop3A_1290 = arith.constant 336 : index
        %parallel_loop3A_1291 = tpu.vector_load %arg8[%parallel_loop3A_1289, %parallel_loop3A_1290] {strides = array<i32>} : memref<96x384xf32, #tpu.memory_space<vmem>>, vector<1x16xf32>,
        %parallel_loop3A_1292 = vector.shape_cast %parallel_loop3A_1291 : vector<1x16xf32> to vector<16xf32>
        %parallel_loop3A_1293 = arith.addf %parallel_loop3A_1284, %parallel_loop3A_1292 : vector<16xf32>
        %parallel_loop3A_1294 = arith.constant 6 : i32
        %parallel_loop3A_1295 = arith.muli %parallel_loop3A_75, %parallel_loop3A_1294 : i32
        %parallel_loop3A_1296 = arith.constant 5 : i32
        %parallel_loop3A_1297 = arith.addi %parallel_loop3A_1295, %parallel_loop3A_1296 : i32
        %parallel_loop3A_1298 = arith.index_cast %parallel_loop3A_1297 : i32 to index
        %parallel_loop3A_1299 = arith.constant 336 : index
        %parallel_loop3A_1300 = tpu.vector_load %arg8[%parallel_loop3A_1298, %parallel_loop3A_1299] {strides = array<i32>} : memref<96x384xf32, #tpu.memory_space<vmem>>, vector<1x16xf32>,
        %parallel_loop3A_1301 = vector.shape_cast %parallel_loop3A_1300 : vector<1x16xf32> to vector<16xf32>
        %parallel_loop3A_1302 = arith.addf %parallel_loop3A_1293, %parallel_loop3A_1301 : vector<16xf32>
        %parallel_loop3A_1303 = arith.index_cast %parallel_loop3A_75 : i32 to index
        %parallel_loop3A_1304 = arith.constant 336 : index
        %parallel_loop3A_1305 = tpu.vector_load %arg10[%parallel_loop3A_1303, %parallel_loop3A_1304] {strides = array<i32>} : memref<16x384xf32, #tpu.memory_space<vmem>>, vector<1x16xf32>,
        %parallel_loop3A_1306 = vector.shape_cast %parallel_loop3A_1305 : vector<1x16xf32> to vector<16xf32>
        %parallel_loop3A_1307 = vector.shape_cast %parallel_loop3A_1302 : vector<16xf32> to vector<1x16xf32>
        tpu.vector_store %arg10[%parallel_loop3A_1303, %parallel_loop3A_1304], %parallel_loop3A_1307 {strides = array<i32>} : memref<16x384xf32, #tpu.memory_space<vmem>>, vector<1x16xf32>,
        %parallel_loop3A_1308 = arith.constant 6 : i32
        %parallel_loop3A_1309 = arith.muli %parallel_loop3A_75, %parallel_loop3A_1308 : i32
        %parallel_loop3A_1310 = arith.index_cast %parallel_loop3A_1309 : i32 to index
        %parallel_loop3A_1311 = arith.constant 352 : index
        %parallel_loop3A_1312 = tpu.vector_load %arg8[%parallel_loop3A_1310, %parallel_loop3A_1311] {strides = array<i32>} : memref<96x384xf32, #tpu.memory_space<vmem>>, vector<1x16xf32>,
        %parallel_loop3A_1313 = vector.shape_cast %parallel_loop3A_1312 : vector<1x16xf32> to vector<16xf32>
        %parallel_loop3A_1314 = arith.constant 6 : i32
        %parallel_loop3A_1315 = arith.muli %parallel_loop3A_75, %parallel_loop3A_1314 : i32
        %parallel_loop3A_1316 = arith.constant 1 : i32
        %parallel_loop3A_1317 = arith.addi %parallel_loop3A_1315, %parallel_loop3A_1316 : i32
        %parallel_loop3A_1318 = arith.index_cast %parallel_loop3A_1317 : i32 to index
        %parallel_loop3A_1319 = arith.constant 352 : index
        %parallel_loop3A_1320 = tpu.vector_load %arg8[%parallel_loop3A_1318, %parallel_loop3A_1319] {strides = array<i32>} : memref<96x384xf32, #tpu.memory_space<vmem>>, vector<1x16xf32>,
        %parallel_loop3A_1321 = vector.shape_cast %parallel_loop3A_1320 : vector<1x16xf32> to vector<16xf32>
        %parallel_loop3A_1322 = arith.addf %parallel_loop3A_1313, %parallel_loop3A_1321 : vector<16xf32>
        %parallel_loop3A_1323 = arith.constant 6 : i32
        %parallel_loop3A_1324 = arith.muli %parallel_loop3A_75, %parallel_loop3A_1323 : i32
        %parallel_loop3A_1325 = arith.constant 2 : i32
        %parallel_loop3A_1326 = arith.addi %parallel_loop3A_1324, %parallel_loop3A_1325 : i32
        %parallel_loop3A_1327 = arith.index_cast %parallel_loop3A_1326 : i32 to index
        %parallel_loop3A_1328 = arith.constant 352 : index
        %parallel_loop3A_1329 = tpu.vector_load %arg8[%parallel_loop3A_1327, %parallel_loop3A_1328] {strides = array<i32>} : memref<96x384xf32, #tpu.memory_space<vmem>>, vector<1x16xf32>,
        %parallel_loop3A_1330 = vector.shape_cast %parallel_loop3A_1329 : vector<1x16xf32> to vector<16xf32>
        %parallel_loop3A_1331 = arith.addf %parallel_loop3A_1322, %parallel_loop3A_1330 : vector<16xf32>
        %parallel_loop3A_1332 = arith.constant 6 : i32
        %parallel_loop3A_1333 = arith.muli %parallel_loop3A_75, %parallel_loop3A_1332 : i32
        %parallel_loop3A_1334 = arith.constant 3 : i32
        %parallel_loop3A_1335 = arith.addi %parallel_loop3A_1333, %parallel_loop3A_1334 : i32
        %parallel_loop3A_1336 = arith.index_cast %parallel_loop3A_1335 : i32 to index
        %parallel_loop3A_1337 = arith.constant 352 : index
        %parallel_loop3A_1338 = tpu.vector_load %arg8[%parallel_loop3A_1336, %parallel_loop3A_1337] {strides = array<i32>} : memref<96x384xf32, #tpu.memory_space<vmem>>, vector<1x16xf32>,
        %parallel_loop3A_1339 = vector.shape_cast %parallel_loop3A_1338 : vector<1x16xf32> to vector<16xf32>
        %parallel_loop3A_1340 = arith.addf %parallel_loop3A_1331, %parallel_loop3A_1339 : vector<16xf32>
        %parallel_loop3A_1341 = arith.constant 6 : i32
        %parallel_loop3A_1342 = arith.muli %parallel_loop3A_75, %parallel_loop3A_1341 : i32
        %parallel_loop3A_1343 = arith.constant 4 : i32
        %parallel_loop3A_1344 = arith.addi %parallel_loop3A_1342, %parallel_loop3A_1343 : i32
        %parallel_loop3A_1345 = arith.index_cast %parallel_loop3A_1344 : i32 to index
        %parallel_loop3A_1346 = arith.constant 352 : index
        %parallel_loop3A_1347 = tpu.vector_load %arg8[%parallel_loop3A_1345, %parallel_loop3A_1346] {strides = array<i32>} : memref<96x384xf32, #tpu.memory_space<vmem>>, vector<1x16xf32>,
        %parallel_loop3A_1348 = vector.shape_cast %parallel_loop3A_1347 : vector<1x16xf32> to vector<16xf32>
        %parallel_loop3A_1349 = arith.addf %parallel_loop3A_1340, %parallel_loop3A_1348 : vector<16xf32>
        %parallel_loop3A_1350 = arith.constant 6 : i32
        %parallel_loop3A_1351 = arith.muli %parallel_loop3A_75, %parallel_loop3A_1350 : i32
        %parallel_loop3A_1352 = arith.constant 5 : i32
        %parallel_loop3A_1353 = arith.addi %parallel_loop3A_1351, %parallel_loop3A_1352 : i32
        %parallel_loop3A_1354 = arith.index_cast %parallel_loop3A_1353 : i32 to index
        %parallel_loop3A_1355 = arith.constant 352 : index
        %parallel_loop3A_1356 = tpu.vector_load %arg8[%parallel_loop3A_1354, %parallel_loop3A_1355] {strides = array<i32>} : memref<96x384xf32, #tpu.memory_space<vmem>>, vector<1x16xf32>,
        %parallel_loop3A_1357 = vector.shape_cast %parallel_loop3A_1356 : vector<1x16xf32> to vector<16xf32>
        %parallel_loop3A_1358 = arith.addf %parallel_loop3A_1349, %parallel_loop3A_1357 : vector<16xf32>
        %parallel_loop3A_1359 = arith.index_cast %parallel_loop3A_75 : i32 to index
        %parallel_loop3A_1360 = arith.constant 352 : index
        %parallel_loop3A_1361 = tpu.vector_load %arg10[%parallel_loop3A_1359, %parallel_loop3A_1360] {strides = array<i32>} : memref<16x384xf32, #tpu.memory_space<vmem>>, vector<1x16xf32>,
        %parallel_loop3A_1362 = vector.shape_cast %parallel_loop3A_1361 : vector<1x16xf32> to vector<16xf32>
        %parallel_loop3A_1363 = vector.shape_cast %parallel_loop3A_1358 : vector<16xf32> to vector<1x16xf32>
        tpu.vector_store %arg10[%parallel_loop3A_1359, %parallel_loop3A_1360], %parallel_loop3A_1363 {strides = array<i32>} : memref<16x384xf32, #tpu.memory_space<vmem>>, vector<1x16xf32>,
        %parallel_loop3A_1364 = arith.constant 6 : i32
        %parallel_loop3A_1365 = arith.muli %parallel_loop3A_75, %parallel_loop3A_1364 : i32
        %parallel_loop3A_1366 = arith.index_cast %parallel_loop3A_1365 : i32 to index
        %parallel_loop3A_1367 = arith.constant 368 : index
        %parallel_loop3A_1368 = tpu.vector_load %arg8[%parallel_loop3A_1366, %parallel_loop3A_1367] {strides = array<i32>} : memref<96x384xf32, #tpu.memory_space<vmem>>, vector<1x16xf32>,
        %parallel_loop3A_1369 = vector.shape_cast %parallel_loop3A_1368 : vector<1x16xf32> to vector<16xf32>
        %parallel_loop3A_1370 = arith.constant 6 : i32
        %parallel_loop3A_1371 = arith.muli %parallel_loop3A_75, %parallel_loop3A_1370 : i32
        %parallel_loop3A_1372 = arith.constant 1 : i32
        %parallel_loop3A_1373 = arith.addi %parallel_loop3A_1371, %parallel_loop3A_1372 : i32
        %parallel_loop3A_1374 = arith.index_cast %parallel_loop3A_1373 : i32 to index
        %parallel_loop3A_1375 = arith.constant 368 : index
        %parallel_loop3A_1376 = tpu.vector_load %arg8[%parallel_loop3A_1374, %parallel_loop3A_1375] {strides = array<i32>} : memref<96x384xf32, #tpu.memory_space<vmem>>, vector<1x16xf32>,
        %parallel_loop3A_1377 = vector.shape_cast %parallel_loop3A_1376 : vector<1x16xf32> to vector<16xf32>
        %parallel_loop3A_1378 = arith.addf %parallel_loop3A_1369, %parallel_loop3A_1377 : vector<16xf32>
        %parallel_loop3A_1379 = arith.constant 6 : i32
        %parallel_loop3A_1380 = arith.muli %parallel_loop3A_75, %parallel_loop3A_1379 : i32
        %parallel_loop3A_1381 = arith.constant 2 : i32
        %parallel_loop3A_1382 = arith.addi %parallel_loop3A_1380, %parallel_loop3A_1381 : i32
        %parallel_loop3A_1383 = arith.index_cast %parallel_loop3A_1382 : i32 to index
        %parallel_loop3A_1384 = arith.constant 368 : index
        %parallel_loop3A_1385 = tpu.vector_load %arg8[%parallel_loop3A_1383, %parallel_loop3A_1384] {strides = array<i32>} : memref<96x384xf32, #tpu.memory_space<vmem>>, vector<1x16xf32>,
        %parallel_loop3A_1386 = vector.shape_cast %parallel_loop3A_1385 : vector<1x16xf32> to vector<16xf32>
        %parallel_loop3A_1387 = arith.addf %parallel_loop3A_1378, %parallel_loop3A_1386 : vector<16xf32>
        %parallel_loop3A_1388 = arith.constant 6 : i32
        %parallel_loop3A_1389 = arith.muli %parallel_loop3A_75, %parallel_loop3A_1388 : i32
        %parallel_loop3A_1390 = arith.constant 3 : i32
        %parallel_loop3A_1391 = arith.addi %parallel_loop3A_1389, %parallel_loop3A_1390 : i32
        %parallel_loop3A_1392 = arith.index_cast %parallel_loop3A_1391 : i32 to index
        %parallel_loop3A_1393 = arith.constant 368 : index
        %parallel_loop3A_1394 = tpu.vector_load %arg8[%parallel_loop3A_1392, %parallel_loop3A_1393] {strides = array<i32>} : memref<96x384xf32, #tpu.memory_space<vmem>>, vector<1x16xf32>,
        %parallel_loop3A_1395 = vector.shape_cast %parallel_loop3A_1394 : vector<1x16xf32> to vector<16xf32>
        %parallel_loop3A_1396 = arith.addf %parallel_loop3A_1387, %parallel_loop3A_1395 : vector<16xf32>
        %parallel_loop3A_1397 = arith.constant 6 : i32
        %parallel_loop3A_1398 = arith.muli %parallel_loop3A_75, %parallel_loop3A_1397 : i32
        %parallel_loop3A_1399 = arith.constant 4 : i32
        %parallel_loop3A_1400 = arith.addi %parallel_loop3A_1398, %parallel_loop3A_1399 : i32
        %parallel_loop3A_1401 = arith.index_cast %parallel_loop3A_1400 : i32 to index
        %parallel_loop3A_1402 = arith.constant 368 : index
        %parallel_loop3A_1403 = tpu.vector_load %arg8[%parallel_loop3A_1401, %parallel_loop3A_1402] {strides = array<i32>} : memref<96x384xf32, #tpu.memory_space<vmem>>, vector<1x16xf32>,
        %parallel_loop3A_1404 = vector.shape_cast %parallel_loop3A_1403 : vector<1x16xf32> to vector<16xf32>
        %parallel_loop3A_1405 = arith.addf %parallel_loop3A_1396, %parallel_loop3A_1404 : vector<16xf32>
        %parallel_loop3A_1406 = arith.constant 6 : i32
        %parallel_loop3A_1407 = arith.muli %parallel_loop3A_75, %parallel_loop3A_1406 : i32
        %parallel_loop3A_1408 = arith.constant 5 : i32
        %parallel_loop3A_1409 = arith.addi %parallel_loop3A_1407, %parallel_loop3A_1408 : i32
        %parallel_loop3A_1410 = arith.index_cast %parallel_loop3A_1409 : i32 to index
        %parallel_loop3A_1411 = arith.constant 368 : index
        %parallel_loop3A_1412 = tpu.vector_load %arg8[%parallel_loop3A_1410, %parallel_loop3A_1411] {strides = array<i32>} : memref<96x384xf32, #tpu.memory_space<vmem>>, vector<1x16xf32>,
        %parallel_loop3A_1413 = vector.shape_cast %parallel_loop3A_1412 : vector<1x16xf32> to vector<16xf32>
        %parallel_loop3A_1414 = arith.addf %parallel_loop3A_1405, %parallel_loop3A_1413 : vector<16xf32>
        %parallel_loop3A_1415 = arith.index_cast %parallel_loop3A_75 : i32 to index
        %parallel_loop3A_1416 = arith.constant 368 : index
        %parallel_loop3A_1417 = tpu.vector_load %arg10[%parallel_loop3A_1415, %parallel_loop3A_1416] {strides = array<i32>} : memref<16x384xf32, #tpu.memory_space<vmem>>, vector<1x16xf32>,
        %parallel_loop3A_1418 = vector.shape_cast %parallel_loop3A_1417 : vector<1x16xf32> to vector<16xf32>
        %parallel_loop3A_1419 = vector.shape_cast %parallel_loop3A_1414 : vector<16xf32> to vector<1x16xf32>
        tpu.vector_store %arg10[%parallel_loop3A_1415, %parallel_loop3A_1416], %parallel_loop3A_1419 {strides = array<i32>} : memref<16x384xf32, #tpu.memory_space<vmem>>, vector<1x16xf32>,
      } {sc.loop_unroll_factor = 4 : i64, sc.parallel_access}
      %mul3A_68 = arith.constant 16 : i32
      %mul3A_69 = arith.muli %add3A_49, %mul3A_68 : i32
      %add3A_70 = arith.addi %mul3A_2, %mul3A_69 : i32
      %dma_start3A_71 = arith.constant 0 : i32
      %dma_start3A_72 = tpu.memref_slice %arg4[%add3A_70, %dma_start3A_71] : memref<20480x384xf32, #tpu.memory_space<hbm>> -> memref<16x384xf32, #tpu.memory_space<hbm>>
      %dma_start3A_73 = arith.constant 0 : i32
      %dma_start3A_74 = tpu.memref_slice %arg4[%add3A_70, %dma_start3A_73] : memref<20480x384xf32, #tpu.memory_space<hbm>> -> memref<16x384xf32, #tpu.memory_space<hbm>>
      tpu.enqueue_dma source(%arg10 : memref<16x384xf32, #tpu.memory_space<vmem>>) target(%dma_start3A_74 : memref<16x384xf32, #tpu.memory_space<hbm>>) target_semaphore(%arg14 : memref<!tpu.dma_semaphore, #tpu.memory_space<semaphore_mem>>)
    }
    %scan3A_13 = arith.constant 20 : i32
    %dma_wait3A = arith.constant 0 : i32
    %dma_wait3A_14 = tpu.memref_slice %arg4[%mul3A_2, %dma_wait3A] : memref<20480x384xf32, #tpu.memory_space<hbm>> -> memref<16x384xf32, #tpu.memory_space<hbm>>
    %dma_wait3A_15 = arith.constant 0 : i32
    %dma_wait3A_16 = tpu.memref_slice %arg4[%mul3A_2, %dma_wait3A_15] : memref<20480x384xf32, #tpu.memory_space<hbm>> -> memref<16x384xf32, #tpu.memory_space<hbm>>
    tpu.wait_dma2 semaphore(%arg13 : memref<!tpu.dma_semaphore, #tpu.memory_space<semaphore_mem>>) src(%arg9 : memref<16x384xf32, #tpu.memory_space<vmem>>) dst(%dma_wait3A_16 : memref<16x384xf32, #tpu.memory_space<hbm>>)
    %dma_wait3A_17 = arith.constant 0 : i32
    %dma_wait3A_18 = tpu.memref_slice %arg4[%mul3A_2, %dma_wait3A_17] : memref<20480x384xf32, #tpu.memory_space<hbm>> -> memref<16x384xf32, #tpu.memory_space<hbm>>
    %dma_wait3A_19 = arith.constant 0 : i32
    %dma_wait3A_20 = tpu.memref_slice %arg4[%mul3A_2, %dma_wait3A_19] : memref<20480x384xf32, #tpu.memory_space<hbm>> -> memref<16x384xf32, #tpu.memory_space<hbm>>
    tpu.wait_dma2 semaphore(%arg14 : memref<!tpu.dma_semaphore, #tpu.memory_space<semaphore_mem>>) src(%arg10 : memref<16x384xf32, #tpu.memory_space<vmem>>) dst(%dma_wait3A_20 : memref<16x384xf32, #tpu.memory_space<hbm>>)
    return
  }
}

module attributes {stable_mosaic.version = 14 : i64} {
  func.func @_proj_body(%arg0: i32, %arg1: i32, %arg2: memref<1x1x1x8xf32, #tpu.memory_space<smem>>, %arg3: memref<1x1x8x8xf32, #tpu.memory_space<vmem>>, %arg4: memref<1x1x8x8xf32, #tpu.memory_space<vmem>>, %arg5: memref<1x8x10240xf32, #tpu.memory_space<vmem>>, %arg6: memref<1x1x1x10240xi32, #tpu.memory_space<vmem>>, %arg7: memref<1x1x1x10240xf32, #tpu.memory_space<vmem>>) attributes {dimension_semantics = [#tpu.dimension_semantics<arbitrary>, #tpu.dimension_semantics<arbitrary>], iteration_bounds = array<i64: 2, 6>, scalar_prefetch = 0 : i64, scratch_operands = 0 : i64, tpu.core_type = #tpu.core_type<tc>, window_params = [{transform_indices = @transform_0, window_bounds = array<i64: 1, 1, 1, 8>}, {transform_indices = @transform_1, window_bounds = array<i64: 1, 1, 8, 8>}, {transform_indices = @transform_2, window_bounds = array<i64: 1, 1, 8, 8>}, {transform_indices = @transform_3, window_bounds = array<i64: 1, 8, 10240>}, {transform_indices = @transform_4, window_bounds = array<i64: 1, 1, 1, 10240>}, {transform_indices = @transform_5, window_bounds = array<i64: 1, 1, 1, 10240>}]} {
    %get3A = arith.constant 0 : index
    %get3A_0 = arith.constant 0 : index
    %get3A_1 = arith.constant 0 : index
    %get3A_2 = arith.constant 0 : index
    %get3A_3 = vector.load %arg3[%get3A, %get3A_0, %get3A_1, %get3A_2] : memref<1x1x8x8xf32, #tpu.memory_space<vmem>>, vector<1x1x8x8xf32>
    %get3A_4 = vector.shape_cast %get3A_3 : vector<1x1x8x8xf32> to vector<8x8xf32>
    %get3A_5 = arith.constant 0 : index
    %get3A_6 = arith.constant 0 : index
    %get3A_7 = arith.constant 0 : index
    %get3A_8 = vector.load %arg5[%get3A_5, %get3A_6, %get3A_7] : memref<1x8x10240xf32, #tpu.memory_space<vmem>>, vector<1x8x10240xf32>
    %get3A_9 = vector.shape_cast %get3A_8 : vector<1x8x10240xf32> to vector<8x10240xf32>
    %dot_general3A = arith.constant dense<0.000000e+00> : vector<8x10240xf32>
    %dot_general3A_10 = tpu.matmul %get3A_4, %get3A_9, %dot_general3A {dimension_numbers = #tpu.dot_dimension_numbers<[1], [0], [0], [1], [0, 0, 1, 1], [], []>, transpose_lhs_hint = false} : vector<8x8xf32>, vector<8x10240xf32>, vector<8x10240xf32> -> vector<8x10240xf32>
    %get3A_11 = arith.constant 0 : index
    %get3A_12 = arith.constant 0 : index
    %get3A_13 = arith.constant 0 : index
    %get3A_14 = arith.constant 0 : index
    %get3A_15 = vector.load %arg4[%get3A_11, %get3A_12, %get3A_13, %get3A_14] : memref<1x1x8x8xf32, #tpu.memory_space<vmem>>, vector<1x1x8x8xf32>
    %get3A_16 = vector.shape_cast %get3A_15 : vector<1x1x8x8xf32> to vector<8x8xf32>
    %dot_general3A_17 = arith.constant dense<0.000000e+00> : vector<8x10240xf32>
    %dot_general3A_18 = tpu.matmul %get3A_16, %dot_general3A_10, %dot_general3A_17 {dimension_numbers = #tpu.dot_dimension_numbers<[1], [0], [0], [1], [0, 0, 1, 1], [], []>, transpose_lhs_hint = false} : vector<8x8xf32>, vector<8x10240xf32>, vector<8x10240xf32> -> vector<8x10240xf32>
    %slice3A = vector.extract_strided_slice %dot_general3A_10 {offsets = [2, 0], sizes = [1, 10240], strides = [1, 1]} : vector<8x10240xf32> to vector<1x10240xf32>
    %slice3A_19 = vector.extract_strided_slice %dot_general3A_18 {offsets = [0, 0], sizes = [1, 10240], strides = [1, 1]} : vector<8x10240xf32> to vector<1x10240xf32>
    %slice3A_20 = vector.extract_strided_slice %dot_general3A_18 {offsets = [1, 0], sizes = [1, 10240], strides = [1, 1]} : vector<8x10240xf32> to vector<1x10240xf32>
    %slice3A_21 = vector.extract_strided_slice %dot_general3A_18 {offsets = [2, 0], sizes = [1, 10240], strides = [1, 1]} : vector<8x10240xf32> to vector<1x10240xf32>
    %max3A = arith.constant 9.99999996E-13 : f32
    %max3A_22 = vector.broadcast %max3A : f32 to vector<1x10240xf32>
    %max3A_23 = arith.maximumf %slice3A_21, %max3A_22 : vector<1x10240xf32>
    %div3A = arith.divf %slice3A_19, %max3A_23 : vector<1x10240xf32>
    %div3A_24 = arith.divf %slice3A_20, %max3A_23 : vector<1x10240xf32>
    %get3A_25 = arith.constant 0 : index
    %get3A_26 = arith.constant 0 : index
    %get3A_27 = arith.constant 0 : index
    %get3A_28 = arith.constant 0 : index
    %get3A_29 = memref.load %arg2[%get3A_25, %get3A_26, %get3A_27, %get3A_28] : memref<1x1x1x8xf32, #tpu.memory_space<smem>>
    %get3A_30 = arith.constant 0 : index
    %get3A_31 = arith.constant 0 : index
    %get3A_32 = arith.constant 0 : index
    %get3A_33 = arith.constant 1 : index
    %get3A_34 = memref.load %arg2[%get3A_30, %get3A_31, %get3A_32, %get3A_33] : memref<1x1x1x8xf32, #tpu.memory_space<smem>>
    %gt3A = arith.constant 0.000000e+00 : f32
    %gt3A_35 = vector.broadcast %gt3A : f32 to vector<1x10240xf32>
    %gt3A_36 = arith.cmpf ogt, %slice3A, %gt3A_35 : vector<1x10240xf32>
    %ge3A = arith.constant 0.000000e+00 : f32
    %ge3A_37 = vector.broadcast %ge3A : f32 to vector<1x10240xf32>
    %ge3A_38 = arith.cmpf oge, %div3A, %ge3A_37 : vector<1x10240xf32>
    %and3A = arith.andi %gt3A_36, %ge3A_38 : vector<1x10240xi1>
    %lt3A = vector.broadcast %get3A_34 : f32 to vector<1x10240xf32>
    %lt3A_39 = arith.cmpf olt, %div3A, %lt3A : vector<1x10240xf32>
    %and3A_40 = arith.andi %and3A, %lt3A_39 : vector<1x10240xi1>
    %ge3A_41 = arith.constant 0.000000e+00 : f32
    %ge3A_42 = vector.broadcast %ge3A_41 : f32 to vector<1x10240xf32>
    %ge3A_43 = arith.cmpf oge, %div3A_24, %ge3A_42 : vector<1x10240xf32>
    %and3A_44 = arith.andi %and3A_40, %ge3A_43 : vector<1x10240xi1>
    %lt3A_45 = vector.broadcast %get3A_29 : f32 to vector<1x10240xf32>
    %lt3A_46 = arith.cmpf olt, %div3A_24, %lt3A_45 : vector<1x10240xf32>
    %and3A_47 = arith.andi %and3A_44, %lt3A_46 : vector<1x10240xi1>
    %jit3A = arith.constant -1.000000e+00 : f32
    %broadcast_in_dim3A = vector.broadcast %jit3A : f32 to vector<1x10240xf32>
    %select_n3A = arith.select %and3A_47, %div3A, %broadcast_in_dim3A : vector<1x10240xi1>, vector<1x10240xf32>
    %get3A_48 = arith.constant 0 : index
    %get3A_49 = arith.constant 0 : index
    %get3A_50 = arith.constant 0 : index
    %get3A_51 = arith.constant 2 : index
    %get3A_52 = memref.load %arg2[%get3A_48, %get3A_49, %get3A_50, %get3A_51] : memref<1x1x1x8xf32, #tpu.memory_space<smem>>
    %mul3A = vector.broadcast %get3A_52 : f32 to vector<1x10240xf32>
    %mul3A_53 = arith.mulf %select_n3A, %mul3A : vector<1x10240xf32>
    %jit3A_54 = arith.constant -1.000000e+00 : f32
    %broadcast_in_dim3A_55 = vector.broadcast %jit3A_54 : f32 to vector<1x10240xf32>
    %select_n3A_56 = arith.select %and3A_47, %div3A_24, %broadcast_in_dim3A_55 : vector<1x10240xi1>, vector<1x10240xf32>
    %get3A_57 = arith.constant 0 : index
    %get3A_58 = arith.constant 0 : index
    %get3A_59 = arith.constant 0 : index
    %get3A_60 = arith.constant 3 : index
    %get3A_61 = memref.load %arg2[%get3A_57, %get3A_58, %get3A_59, %get3A_60] : memref<1x1x1x8xf32, #tpu.memory_space<smem>>
    %mul3A_62 = vector.broadcast %get3A_61 : f32 to vector<1x10240xf32>
    %mul3A_63 = arith.mulf %select_n3A_56, %mul3A_62 : vector<1x10240xf32>
    %div3A_64 = arith.constant 1.400000e+01 : f32
    %div3A_65 = vector.broadcast %div3A_64 : f32 to vector<1x10240xf32>
    %div3A_66 = arith.divf %mul3A_53, %div3A_65 : vector<1x10240xf32>
    %convert_element_type3A = arith.fptosi %div3A_66 : vector<1x10240xf32> to vector<1x10240xi32>
    %jit3A_67 = arith.constant 0 : i32
    %jit3A_68 = arith.constant 36 : i32
    %max3A_69 = vector.broadcast %jit3A_67 : i32 to vector<1x10240xi32>
    %max3A_70 = arith.maxsi %max3A_69, %convert_element_type3A : vector<1x10240xi32>
    %min3A = vector.broadcast %jit3A_68 : i32 to vector<1x10240xi32>
    %min3A_71 = arith.minsi %min3A, %max3A_70 : vector<1x10240xi32>
    %div3A_72 = arith.constant 1.400000e+01 : f32
    %div3A_73 = vector.broadcast %div3A_72 : f32 to vector<1x10240xf32>
    %div3A_74 = arith.divf %mul3A_63, %div3A_73 : vector<1x10240xf32>
    %convert_element_type3A_75 = arith.fptosi %div3A_74 : vector<1x10240xf32> to vector<1x10240xi32>
    %jit3A_76 = arith.constant 0 : i32
    %jit3A_77 = arith.constant 36 : i32
    %max3A_78 = vector.broadcast %jit3A_76 : i32 to vector<1x10240xi32>
    %max3A_79 = arith.maxsi %max3A_78, %convert_element_type3A_75 : vector<1x10240xi32>
    %min3A_80 = vector.broadcast %jit3A_77 : i32 to vector<1x10240xi32>
    %min3A_81 = arith.minsi %min3A_80, %max3A_79 : vector<1x10240xi32>
    %mul3A_82 = arith.constant 37 : i32
    %mul3A_83 = vector.broadcast %mul3A_82 : i32 to vector<1x10240xi32>
    %mul3A_84 = arith.muli %min3A_81, %mul3A_83 : vector<1x10240xi32>
    %add3A = arith.addi %mul3A_84, %min3A_71 : vector<1x10240xi32>
    %jit3A_85 = arith.constant 0 : i32
    %jit3A_86 = arith.constant 1368 : i32
    %max3A_87 = vector.broadcast %jit3A_85 : i32 to vector<1x10240xi32>
    %max3A_88 = arith.maxsi %max3A_87, %add3A : vector<1x10240xi32>
    %min3A_89 = vector.broadcast %jit3A_86 : i32 to vector<1x10240xi32>
    %min3A_90 = arith.minsi %min3A_89, %max3A_88 : vector<1x10240xi32>
    %mul3A_91 = arith.constant 6 : i32
    %mul3A_92 = arith.muli %arg0, %mul3A_91 : i32
    %add3A_93 = arith.addi %mul3A_92, %arg1 : i32
    %mul3A_94 = arith.constant 1369 : i32
    %mul3A_95 = arith.muli %add3A_93, %mul3A_94 : i32
    %add3A_96 = vector.broadcast %mul3A_95 : i32 to vector<1x10240xi32>
    %add3A_97 = arith.addi %min3A_90, %add3A_96 : vector<1x10240xi32>
    %jit3A_98 = arith.constant 16428 : i32
    %broadcast_in_dim3A_99 = vector.broadcast %jit3A_98 : i32 to vector<1x10240xi32>
    %select_n3A_100 = arith.select %and3A_47, %add3A_97, %broadcast_in_dim3A_99 : vector<1x10240xi1>, vector<1x10240xi32>
    %swap3A = arith.constant 0 : index
    %swap3A_101 = arith.constant 0 : index
    %swap3A_102 = arith.constant 0 : index
    %swap3A_103 = arith.constant 0 : index
    %swap3A_104 = vector.load %arg6[%swap3A, %swap3A_101, %swap3A_102, %swap3A_103] : memref<1x1x1x10240xi32, #tpu.memory_space<vmem>>, vector<1x1x1x10240xi32>
    %swap3A_105 = vector.shape_cast %swap3A_104 : vector<1x1x1x10240xi32> to vector<1x10240xi32>
    %swap3A_106 = vector.shape_cast %select_n3A_100 : vector<1x10240xi32> to vector<1x1x1x10240xi32>
    tpu.vector_store %arg6[%swap3A, %swap3A_101, %swap3A_102, %swap3A_103], %swap3A_106 {strides = array<i32>} : memref<1x1x1x10240xi32, #tpu.memory_space<vmem>>, vector<1x1x1x10240xi32>,
    %convert_element_type3A_107 = arith.extui %and3A_47 : vector<1x10240xi1> to vector<1x10240xi32>
    %convert_element_type3A_108 = arith.sitofp %convert_element_type3A_107 : vector<1x10240xi32> to vector<1x10240xf32>
    %swap3A_109 = arith.constant 0 : index
    %swap3A_110 = arith.constant 0 : index
    %swap3A_111 = arith.constant 0 : index
    %swap3A_112 = arith.constant 0 : index
    %swap3A_113 = vector.load %arg7[%swap3A_109, %swap3A_110, %swap3A_111, %swap3A_112] : memref<1x1x1x10240xf32, #tpu.memory_space<vmem>>, vector<1x1x1x10240xf32>
    %swap3A_114 = vector.shape_cast %swap3A_113 : vector<1x1x1x10240xf32> to vector<1x10240xf32>
    %swap3A_115 = vector.shape_cast %convert_element_type3A_108 : vector<1x10240xf32> to vector<1x1x1x10240xf32>
    tpu.vector_store %arg7[%swap3A_109, %swap3A_110, %swap3A_111, %swap3A_112], %swap3A_115 {strides = array<i32>} : memref<1x1x1x10240xf32, #tpu.memory_space<vmem>>, vector<1x1x1x10240xf32>,
    return
  }
  func.func @transform_0(%arg0: i32, %arg1: i32) -> (i32, i32, i32, i32) {
    %c0_i32 = arith.constant 0 : i32
    %c0_i32_0 = arith.constant 0 : i32
    %c0_i32_1 = arith.constant 0 : i32
    return %arg0, %arg1, %c0_i32, %c0_i32_0 : i32, i32, i32, i32
  }
  func.func @transform_1(%arg0: i32, %arg1: i32) -> (i32, i32, i32, i32) {
    %c0_i32 = arith.constant 0 : i32
    %c0_i32_0 = arith.constant 0 : i32
    %c0_i32_1 = arith.constant 0 : i32
    return %arg0, %arg1, %c0_i32, %c0_i32_0 : i32, i32, i32, i32
  }
  func.func @transform_2(%arg0: i32, %arg1: i32) -> (i32, i32, i32, i32) {
    %c0_i32 = arith.constant 0 : i32
    %c0_i32_0 = arith.constant 0 : i32
    %c0_i32_1 = arith.constant 0 : i32
    return %arg0, %arg1, %c0_i32, %c0_i32_0 : i32, i32, i32, i32
  }
  func.func @transform_3(%arg0: i32, %arg1: i32) -> (i32, i32, i32) {
    %c0_i32 = arith.constant 0 : i32
    %c0_i32_0 = arith.constant 0 : i32
    %c0_i32_1 = arith.constant 0 : i32
    return %arg0, %c0_i32, %c0_i32_0 : i32, i32, i32
  }
  func.func @transform_4(%arg0: i32, %arg1: i32) -> (i32, i32, i32, i32) {
    %c0_i32 = arith.constant 0 : i32
    %c0_i32_0 = arith.constant 0 : i32
    %c0_i32_1 = arith.constant 0 : i32
    return %arg1, %arg0, %c0_i32, %c0_i32_0 : i32, i32, i32, i32
  }
  func.func @transform_5(%arg0: i32, %arg1: i32) -> (i32, i32, i32, i32) {
    %c0_i32 = arith.constant 0 : i32
    %c0_i32_0 = arith.constant 0 : i32
    %c0_i32_1 = arith.constant 0 : i32
    return %arg0, %arg1, %c0_i32, %c0_i32_0 : i32, i32, i32, i32
  }
}

module attributes {stable_mosaic.version = 14 : i64} {
  func.func @_mlp_body(%arg0: i32, %arg1: i32, %arg2: memref<1x1024x64xf32, #tpu.memory_space<vmem>>, %arg3: memref<1x1024x384xf32, #tpu.memory_space<vmem>>, %arg4: memref<1x6x1024xf32, #tpu.memory_space<vmem>>, %arg5: memref<64x256xf32, #tpu.memory_space<vmem>>, %arg6: memref<384x256xf32, #tpu.memory_space<vmem>>, %arg7: memref<1x256xf32, #tpu.memory_space<vmem>>, %arg8: memref<256x64xf32, #tpu.memory_space<vmem>>, %arg9: memref<1x64xf32, #tpu.memory_space<vmem>>, %arg10: memref<64x16xf32, #tpu.memory_space<vmem>>, %arg11: memref<1x16xf32, #tpu.memory_space<vmem>>, %arg12: memref<1x1024x16xf32, #tpu.memory_space<vmem>>) attributes {dimension_semantics = [#tpu.dimension_semantics<arbitrary>, #tpu.dimension_semantics<arbitrary>], iteration_bounds = array<i64: 2, 10>, scalar_prefetch = 0 : i64, scratch_operands = 0 : i64, tpu.core_type = #tpu.core_type<tc>, window_params = [{transform_indices = @transform_0, window_bounds = array<i64: 1, 1024, 64>}, {transform_indices = @transform_1, window_bounds = array<i64: 1, 1024, 384>}, {transform_indices = @transform_2, window_bounds = array<i64: 1, 6, 1024>}, {pipeline_mode = #tpu.pipeline_mode<synchronous>, transform_indices = @transform_3, window_bounds = array<i64: 64, 256>}, {pipeline_mode = #tpu.pipeline_mode<synchronous>, transform_indices = @transform_4, window_bounds = array<i64: 384, 256>}, {pipeline_mode = #tpu.pipeline_mode<synchronous>, transform_indices = @transform_5, window_bounds = array<i64: 1, 256>}, {pipeline_mode = #tpu.pipeline_mode<synchronous>, transform_indices = @transform_6, window_bounds = array<i64: 256, 64>}, {pipeline_mode = #tpu.pipeline_mode<synchronous>, transform_indices = @transform_7, window_bounds = array<i64: 1, 64>}, {pipeline_mode = #tpu.pipeline_mode<synchronous>, transform_indices = @transform_8, window_bounds = array<i64: 64, 16>}, {pipeline_mode = #tpu.pipeline_mode<synchronous>, transform_indices = @transform_9, window_bounds = array<i64: 1, 16>}, {transform_indices = @transform_10, window_bounds = array<i64: 1, 1024, 16>}]} {
    %get3A = arith.constant 0 : index
    %get3A_0 = arith.constant 0 : index
    %get3A_1 = arith.constant 0 : index
    %get3A_2 = vector.load %arg4[%get3A, %get3A_0, %get3A_1] : memref<1x6x1024xf32, #tpu.memory_space<vmem>>, vector<1x6x1024xf32>
    %get3A_3 = vector.shape_cast %get3A_2 : vector<1x6x1024xf32> to vector<6x1024xf32>
    %reduce_sum3A = arith.constant dense<0.000000e+00> : vector<1024xf32>
    %reduce_sum3A_4 = vector.multi_reduction <add>, %get3A_3, %reduce_sum3A [0] : vector<6x1024xf32> to vector<1024xf32>
    %max3A = arith.constant 1.000000e+00 : f32
    %max3A_5 = vector.broadcast %max3A : f32 to vector<1024xf32>
    %max3A_6 = arith.maximumf %reduce_sum3A_4, %max3A_5 : vector<1024xf32>
    %get3A_7 = arith.constant 0 : index
    %get3A_8 = arith.constant 0 : index
    %get3A_9 = arith.constant 0 : index
    %get3A_10 = vector.load %arg3[%get3A_7, %get3A_8, %get3A_9] : memref<1x1024x384xf32, #tpu.memory_space<vmem>>, vector<1x1024x384xf32>
    %get3A_11 = vector.shape_cast %get3A_10 : vector<1x1024x384xf32> to vector<1024x384xf32>
    %broadcast_in_dim3A = vector.shape_cast %max3A_6 : vector<1024xf32> to vector<1024x1xf32>
    %div3A = vector.broadcast %broadcast_in_dim3A : vector<1024x1xf32> to vector<1024x384xf32>
    %div3A_12 = arith.divf %get3A_11, %div3A : vector<1024x384xf32>
    %get3A_13 = arith.constant 0 : index
    %get3A_14 = arith.constant 0 : index
    %get3A_15 = arith.constant 0 : index
    %get3A_16 = vector.load %arg2[%get3A_13, %get3A_14, %get3A_15] : memref<1x1024x64xf32, #tpu.memory_space<vmem>>, vector<1x1024x64xf32>
    %get3A_17 = vector.shape_cast %get3A_16 : vector<1x1024x64xf32> to vector<1024x64xf32>
    %get3A_18 = arith.constant 0 : index
    %get3A_19 = arith.constant 0 : index
    %get3A_20 = vector.load %arg5[%get3A_18, %get3A_19] : memref<64x256xf32, #tpu.memory_space<vmem>>, vector<64x256xf32>
    %dot_general3A = arith.constant dense<0.000000e+00> : vector<1024x256xf32>
    %dot_general3A_21 = tpu.matmul %get3A_17, %get3A_20, %dot_general3A {dimension_numbers = #tpu.dot_dimension_numbers<[1], [0], [0], [1], [0, 0, 1, 1], [], []>, transpose_lhs_hint = false} : vector<1024x64xf32>, vector<64x256xf32>, vector<1024x256xf32> -> vector<1024x256xf32>
    %get3A_22 = arith.constant 0 : index
    %get3A_23 = arith.constant 0 : index
    %get3A_24 = vector.load %arg6[%get3A_22, %get3A_23] : memref<384x256xf32, #tpu.memory_space<vmem>>, vector<384x256xf32>
    %dot_general3A_25 = arith.constant dense<0.000000e+00> : vector<1024x256xf32>
    %dot_general3A_26 = tpu.matmul %div3A_12, %get3A_24, %dot_general3A_25 {dimension_numbers = #tpu.dot_dimension_numbers<[1], [0], [0], [1], [0, 0, 1, 1], [], []>, transpose_lhs_hint = false} : vector<1024x384xf32>, vector<384x256xf32>, vector<1024x256xf32> -> vector<1024x256xf32>
    %add3A = arith.addf %dot_general3A_21, %dot_general3A_26 : vector<1024x256xf32>
    %get3A_27 = arith.constant 0 : index
    %get3A_28 = arith.constant 0 : index
    %get3A_29 = vector.load %arg7[%get3A_27, %get3A_28] : memref<1x256xf32, #tpu.memory_space<vmem>>, vector<1x256xf32>
    %add3A_30 = vector.broadcast %get3A_29 : vector<1x256xf32> to vector<1024x256xf32>
    %add3A_31 = arith.addf %add3A, %add3A_30 : vector<1024x256xf32>
    %max3A_32 = arith.constant 0.000000e+00 : f32
    %max3A_33 = vector.broadcast %max3A_32 : f32 to vector<1024x256xf32>
    %max3A_34 = arith.maximumf %add3A_31, %max3A_33 : vector<1024x256xf32>
    %get3A_35 = arith.constant 0 : index
    %get3A_36 = arith.constant 0 : index
    %get3A_37 = vector.load %arg8[%get3A_35, %get3A_36] : memref<256x64xf32, #tpu.memory_space<vmem>>, vector<256x64xf32>
    %dot_general3A_38 = arith.constant dense<0.000000e+00> : vector<1024x64xf32>
    %dot_general3A_39 = tpu.matmul %max3A_34, %get3A_37, %dot_general3A_38 {dimension_numbers = #tpu.dot_dimension_numbers<[1], [0], [0], [1], [0, 0, 1, 1], [], []>, transpose_lhs_hint = false} : vector<1024x256xf32>, vector<256x64xf32>, vector<1024x64xf32> -> vector<1024x64xf32>
    %get3A_40 = arith.constant 0 : index
    %get3A_41 = arith.constant 0 : index
    %get3A_42 = vector.load %arg9[%get3A_40, %get3A_41] : memref<1x64xf32, #tpu.memory_space<vmem>>, vector<1x64xf32>
    %add3A_43 = vector.broadcast %get3A_42 : vector<1x64xf32> to vector<1024x64xf32>
    %add3A_44 = arith.addf %dot_general3A_39, %add3A_43 : vector<1024x64xf32>
    %max3A_45 = arith.constant 0.000000e+00 : f32
    %max3A_46 = vector.broadcast %max3A_45 : f32 to vector<1024x64xf32>
    %max3A_47 = arith.maximumf %add3A_44, %max3A_46 : vector<1024x64xf32>
    %get3A_48 = arith.constant 0 : index
    %get3A_49 = arith.constant 0 : index
    %get3A_50 = vector.load %arg10[%get3A_48, %get3A_49] : memref<64x16xf32, #tpu.memory_space<vmem>>, vector<64x16xf32>
    %dot_general3A_51 = arith.constant dense<0.000000e+00> : vector<1024x16xf32>
    %dot_general3A_52 = tpu.matmul %max3A_47, %get3A_50, %dot_general3A_51 {dimension_numbers = #tpu.dot_dimension_numbers<[1], [0], [0], [1], [0, 0, 1, 1], [], []>, transpose_lhs_hint = false} : vector<1024x64xf32>, vector<64x16xf32>, vector<1024x16xf32> -> vector<1024x16xf32>
    %get3A_53 = arith.constant 0 : index
    %get3A_54 = arith.constant 0 : index
    %get3A_55 = vector.load %arg11[%get3A_53, %get3A_54] : memref<1x16xf32, #tpu.memory_space<vmem>>, vector<1x16xf32>
    %add3A_56 = vector.broadcast %get3A_55 : vector<1x16xf32> to vector<1024x16xf32>
    %add3A_57 = arith.addf %dot_general3A_52, %add3A_56 : vector<1024x16xf32>
    %swap3A = arith.constant 0 : index
    %swap3A_58 = arith.constant 0 : index
    %swap3A_59 = arith.constant 0 : index
    %swap3A_60 = vector.load %arg12[%swap3A, %swap3A_58, %swap3A_59] : memref<1x1024x16xf32, #tpu.memory_space<vmem>>, vector<1x1024x16xf32>
    %swap3A_61 = vector.shape_cast %swap3A_60 : vector<1x1024x16xf32> to vector<1024x16xf32>
    %swap3A_62 = vector.shape_cast %add3A_57 : vector<1024x16xf32> to vector<1x1024x16xf32>
    tpu.vector_store %arg12[%swap3A, %swap3A_58, %swap3A_59], %swap3A_62 {strides = array<i32>} : memref<1x1024x16xf32, #tpu.memory_space<vmem>>, vector<1x1024x16xf32>,
    return
  }
  func.func @transform_0(%arg0: i32, %arg1: i32) -> (i32, i32, i32) {
    %c0_i32 = arith.constant 0 : i32
    %c0_i32_0 = arith.constant 0 : i32
    return %arg0, %arg1, %c0_i32 : i32, i32, i32
  }
  func.func @transform_1(%arg0: i32, %arg1: i32) -> (i32, i32, i32) {
    %c0_i32 = arith.constant 0 : i32
    %c0_i32_0 = arith.constant 0 : i32
    return %arg0, %arg1, %c0_i32 : i32, i32, i32
  }
  func.func @transform_2(%arg0: i32, %arg1: i32) -> (i32, i32, i32) {
    %c0_i32 = arith.constant 0 : i32
    %c0_i32_0 = arith.constant 0 : i32
    return %arg0, %c0_i32, %arg1 : i32, i32, i32
  }
  func.func @transform_3(%arg0: i32, %arg1: i32) -> (i32, i32) {
    %c0_i32 = arith.constant 0 : i32
    %c0_i32_0 = arith.constant 0 : i32
    %c0_i32_1 = arith.constant 0 : i32
    return %c0_i32, %c0_i32_0 : i32, i32
  }
  func.func @transform_4(%arg0: i32, %arg1: i32) -> (i32, i32) {
    %c0_i32 = arith.constant 0 : i32
    %c0_i32_0 = arith.constant 0 : i32
    %c0_i32_1 = arith.constant 0 : i32
    return %c0_i32, %c0_i32_0 : i32, i32
  }
  func.func @transform_5(%arg0: i32, %arg1: i32) -> (i32, i32) {
    %c0_i32 = arith.constant 0 : i32
    %c0_i32_0 = arith.constant 0 : i32
    %c0_i32_1 = arith.constant 0 : i32
    return %c0_i32, %c0_i32_0 : i32, i32
  }
  func.func @transform_6(%arg0: i32, %arg1: i32) -> (i32, i32) {
    %c0_i32 = arith.constant 0 : i32
    %c0_i32_0 = arith.constant 0 : i32
    %c0_i32_1 = arith.constant 0 : i32
    return %c0_i32, %c0_i32_0 : i32, i32
  }
  func.func @transform_7(%arg0: i32, %arg1: i32) -> (i32, i32) {
    %c0_i32 = arith.constant 0 : i32
    %c0_i32_0 = arith.constant 0 : i32
    %c0_i32_1 = arith.constant 0 : i32
    return %c0_i32, %c0_i32_0 : i32, i32
  }
  func.func @transform_8(%arg0: i32, %arg1: i32) -> (i32, i32) {
    %c0_i32 = arith.constant 0 : i32
    %c0_i32_0 = arith.constant 0 : i32
    %c0_i32_1 = arith.constant 0 : i32
    return %c0_i32, %c0_i32_0 : i32, i32
  }
  func.func @transform_9(%arg0: i32, %arg1: i32) -> (i32, i32) {
    %c0_i32 = arith.constant 0 : i32
    %c0_i32_0 = arith.constant 0 : i32
    %c0_i32_1 = arith.constant 0 : i32
    return %c0_i32, %c0_i32_0 : i32, i32
  }
  func.func @transform_10(%arg0: i32, %arg1: i32) -> (i32, i32, i32) {
    %c0_i32 = arith.constant 0 : i32
    %c0_i32_0 = arith.constant 0 : i32
    return %arg0, %arg1, %c0_i32 : i32, i32, i32
  }
}

</mosaic_0001>

<sc_bundles>
// kernel: kernel.5.cloned.1.call-start
scs
__scs_entry_jumppad:
0x0: {  	(pc) =	sbr.rel $0x88, $3  }
0x1: {  	(tag) =	ssettag $0x0;
	lr =	simm.s32 $0x1  }
0x2: {  	[smem:$0x3F95] =	sst lr;
	_ =	strace $0xD0000000  }
0x3: {  	_ = 	snop  }
0x4: {  	_ = 	snop  }
0x5: {  	_ = 	snop  }
0x6: {  	_ = 	snop  }
0x7: {  	_ = 	snop  }
__scs_overlays_trampoline_lowered:
0x8: {  	[smem:$0x3FA4] =	sst s0  }
0x9: {  	[smem:$0x3FA5] =	sst s1  }
0xa: {  	[smem:$0x3FA6] =	sst s2  }
0xb: {  	[smem:$0x3FA7] =	sst s3  }
0xc: {  	[smem:$0x3FA8] =	sst s4  }
0xd: {  	[smem:$0x3FA9] =	sst s5  }
0xe: {  	[smem:$0x3FAA] =	sst s6  }
0xf: {  	[smem:$0x3FAB] =	sst s7  }
0x10: {  	[smem:$0x3FAC] =	sst s8  }
0x11: {  	[smem:$0x3FAD] =	sst s9;
	s0 =	simm.s32 @!p0 $0x0  }
0x12: {  	s1 =	sld [smem:$0x3F93];
	s0 =	simm.s32 @p0 $0x1  }
0x13: {  	[smem:$0x3FAE] =	sst s0;
	s0 =	simm.s32 @!p1 $0x0  }
0x14: {  	s2 =	sld [smem:$0x3F92];
	s0 =	simm.s32 @p1 $0x1  }
0x15: {  	[smem:$0x3FAF] =	sst s0;
	s0 =	simm.s32 @!p2 $0x0  }
0x16: {  	s3 =	sld [smem:$0x3FDB];
	s0 =	simm.s32 @p2 $0x1  }
0x17: {  	s4 =	simm.s32 $0x1BF5;
	[smem:$0x3FB1] =	sst s0  }
0x18: {  	s0 =	sld [smem:$0x3F94];
	_ =	swait.ge [sflag:s4], $0x0  }
0x19: {  	s7 =	sld [smem:$0x3F95]  }
0x1a: {  	s8 =	sadd.s32 $0xFFFFE003, lr  }
0x1b: {  	s9 =	sadd.s32 $0xFFFFFEF7, lr;
	s5 =	simm.s32 $0xFFFFFFFF;
	p2 =	slt.u32 s8, $0xFFFFF086  }
0x1c: {  	p1 =	slt.u32 s9, $0xF7A;
	s5 =	simm.s32 @!p2 $0x0  }
0x1d: {  	s5 =	simm.s32 @p1 $0x1;
	p0 =	seq.s32 s7, s2  }
0x1e: {  	s7 =	smul.u32 @!p0 $0xF7A, s2;
	p2 =	seq.s32 @!p0 s5, $0x0  }
0x1f: {  	s9 =	smul.u32 $0xF7A, s1;
	s8 =	simm.s32 @!p0 $0x1BF5;
	p2 =	por !p2, p0  }
0x20: {  	[sflag:s8] =	ssyncset.s32 @!p0 $0xFFFFF086;
	s6 =	sadd.s32 @!p0 s3, s7;
	s7 =	simm.s32 @!p0 $0x108  }
0x21: {  	s3 =	sadd.s32 s3, s9;
	s6 =	sadd.s32 @!p0 $0x88, s6;
	s7 =	simm.s32 @p2 $0x1082  }
0x22: {  	[simem:s7], [sflag:s8] =	dma.local @!p0 [hbm:s6], $0xF7A  }
0x23: {  	s9 =	sor.u32 $0xD0000000, s2;
	s6 =	simm.s32 $0x108;
	_ =	swait.ge @!p0 [sflag:s8], $0x0  }
0x24: {  	s3 =	sadd.s32 $0x88, s3;
	s6 =	simm.s32 @!p1 $0x1082;
	[sflag:s4] =	ssyncset.s32 $0xFFFFF086  }
0x25: {  	[simem:s6], [sflag:s4] =	dma.local [hbm:s3], $0xF7A  }
0x26: {  	[smem:$0x3F95] =	sst s1;
	(tag) =	ssettag s2;
	_ =	strace s9  }
0x27: {  	s1 =	sld [smem:$0x3FA5]  }
0x28: {  	s2 =	sld [smem:$0x3FA6]  }
0x29: {  	s4 =	sld [smem:$0x3FA8]  }
0x2a: {  	p0 =	seq.s32 s5, $0x0;
	s5 =	sld [smem:$0x3FA9]  }
0x2b: {  	s6 =	sld [smem:$0x3FAA]  }
0x2c: {  	s7 =	sld [smem:$0x3FAB]  }
0x2d: {  	s3 =	simm.s32 $0x108;
	s8 =	sld [smem:$0x3FAC]  }
0x2e: {  	s3 =	simm.s32 @!p0 $0x1082;
	s9 =	sld [smem:$0x3FAD]  }
0x2f: {  	lr =	sadd.s32 s0, s3;
	s0 =	sld [smem:$0x3FA4]  }
0x30: {  	s3 =	sld [smem:$0x3FA7]  }
0x31: {  	[smem:$0x3FB0] =	sst s10  }
0x32: {  	s10 =	sld [smem:$0x3FAE];
	_ =	sdelay $0x3  }
0x33: {  	p0 =	seq.s32 s10, $0x1;
	s10 =	sld [smem:$0x3FB0];
	_ =	sdelay $0x3  }
0x34: {  	[smem:$0x3FB0] =	sst s10  }
0x35: {  	s10 =	sld [smem:$0x3FAF];
	_ =	sdelay $0x3  }
0x36: {  	p1 =	seq.s32 s10, $0x1;
	s10 =	sld [smem:$0x3FB0];
	_ =	sdelay $0x3  }
0x37: {  	[smem:$0x3FB0] =	sst s10  }
0x38: {  	s10 =	sld [smem:$0x3FB1]  }
0x39: {  	_ = 	snop;
	(pc) =	sbr.ind lr, $3  }
0x3a: {  	_ = 	snop  }
0x3b: {  	_ = 	snop  }
0x3c: {  	p2 =	seq.s32 s10, $0x1;
	s10 =	sld [smem:$0x3FB0]  }
0x3d: {  	_ =	shalt  }
0x3e: {  	_ =	shalt  }
0x3f: {  	_ =	shalt  }
0x40: {  	_ =	shalt  }
0x41: {  	_ =	shalt  }
0x42: {  	_ =	shalt  }
0x43: {  	_ =	shalt  }
0x44: {  	_ =	shalt  }
0x45: {  	_ =	shalt  }
0x46: {  	_ =	shalt  }
0x47: {  	_ =	shalt  }
0x48: {  	_ =	shalt  }
0x49: {  	_ =	shalt  }
0x4a: {  	_ =	shalt  }
0x4b: {  	_ =	shalt  }
0x4c: {  	_ =	shalt  }
0x4d: {  	_ =	shalt  }
0x4e: {  	_ =	shalt  }
0x4f: {  	_ =	shalt  }
0x50: {  	_ =	shalt  }
0x51: {  	_ =	shalt  }
0x52: {  	_ =	shalt  }
0x53: {  	_ =	shalt  }
0x54: {  	_ =	shalt  }
0x55: {  	_ =	shalt  }
0x56: {  	_ =	shalt  }
0x57: {  	_ =	shalt  }
0x58: {  	_ =	shalt  }
0x59: {  	_ =	shalt  }
0x5a: {  	_ =	shalt  }
0x5b: {  	_ =	shalt  }
0x5c: {  	_ =	shalt  }
0x5d: {  	_ =	shalt  }
0x5e: {  	_ =	shalt  }
0x5f: {  	_ =	shalt  }
0x60: {  	_ =	shalt  }
0x61: {  	_ =	shalt  }
0x62: {  	_ =	shalt  }
0x63: {  	_ =	shalt  }
0x64: {  	_ =	shalt  }
0x65: {  	_ =	shalt  }
0x66: {  	_ =	shalt  }
0x67: {  	_ =	shalt  }
0x68: {  	_ =	shalt  }
0x69: {  	_ =	shalt  }
0x6a: {  	_ =	shalt  }
0x6b: {  	_ =	shalt  }
0x6c: {  	_ =	shalt  }
0x6d: {  	_ =	shalt  }
0x6e: {  	_ =	shalt  }
0x6f: {  	_ =	shalt  }
0x70: {  	_ =	shalt  }
0x71: {  	_ =	shalt  }
0x72: {  	_ =	shalt  }
0x73: {  	_ =	shalt  }
0x74: {  	_ =	shalt  }
0x75: {  	_ =	shalt  }
0x76: {  	_ =	shalt  }
0x77: {  	_ =	shalt  }
0x78: {  	_ =	shalt  }
0x79: {  	_ =	shalt  }
0x7a: {  	_ =	shalt  }
0x7b: {  	_ =	shalt  }
0x7c: {  	_ =	shalt  }
0x7d: {  	_ =	shalt  }
0x7e: {  	_ =	shalt  }
0x7f: {  	_ =	shalt  }
0x80: {  	_ =	shalt  }
0x81: {  	_ =	shalt  }
0x82: {  	_ =	shalt  }
0x83: {  	_ =	shalt  }
0x84: {  	_ =	shalt  }
0x85: {  	_ =	shalt  }
0x86: {  	_ =	shalt  }
0x87: {  	_ =	shalt  }
.Lfunc_end0:
.L_simem_size_0:
called_computation_lowered:
.L_overlay_start_0:
0x88: {  	s2 =	sld [smem:$0x3FD9]  }
0x89: {  	s3 =	sld [smem:$0x3FFE];
	_ =	sdelay $0x1  }
0x8a: {  	s1 =	srdreg.scid  }
0x8b: {  	s0 =	sand.u32 $0x1, s1  }
0x8c: {  	s17 =	sshll.u32 s0, $0xA;
	s2 =	sadd.s32 s3, s2  }
0x8d: {  	s2 =	sadd.s32 s2, s17  }
0x8e: {  	[smem:$0x3FBC] =	sst s2  }
0x8f: {  	_ = 	snop  }
0x90: {  	s2 =	sld [smem:$0x3FD0];
	(tm) =	ssettm $0x1  }
0x91: {  	s18 =	sld [smem:$0x3FFB];
	_ =	sdelay $0x3  }
0x92: {  	_ =	strace s18  }
0x93: {  	s3 =	sld [smem:$0x3FFC];
	_ =	sdelay $0x3  }
0x94: {  	_ =	strace s3  }
0x95: {  	s3 =	sld [smem:$0x3FFD];
	_ =	sdelay $0x3  }
0x96: {  	_ =	strace s3  }
0x97: {  	_ =	strace $0x8FFFFFFF  }
0x98: {  	s19 =	sld [smem:$0x3FDB];
	_ =	sdelay $0x1  }
0x99: {  	s4 =	simm.s32 $_scs_section_size  }
0x9a: {  	s5 =	simm.s32 $_size__tile_overlayer_lowered;
	s6 =	simm.s32 $_tile_overlayer_lowered  }
0x9b: {  	s22 =	simm.s32 $0x1BFF;
	s21 =	sshll.u32 s6, $0x1;
	s3 =	sadd.s32 s4, s19  }
0x9c: {  	s7 =	simm.s32 $0x0;
	s20 =	sshll.u32 s5, $0x1;
	s5 =	sadd.s32 s21, s3  }
0x9d: {  	[timem:s7], [sflag:s22] =	dma.local [hbm:s5], s20  }
0x9e: {  	_ =	swait.ge [sflag:s22], s20  }
0x9f: {  	s4 =	ssub.s32 $0x0, s20;
	[sflag:s22] =	ssyncset.done $0x0  }
0xa0: {  	[sflag:s22] =	ssyncadd.s32 s4;
	_ =	sdelay $0x1  }
0xa1: {  	s23 =	simm.s32 $0x1B8B  }
0xa2: {  	_ =	swait.ge [sflag:s23], $0x1  }
0xa3: {  	[sflag:s23] =	ssyncset.done $0x0  }
0xa4: {  	s25 =	simm.s32 $0x1B8E;
	s24 =	sld [smem:$0x3FFE];
	[sflag:s23] =	ssyncadd.s32 $0xFFFFFFFF  }
0xa5: {  	s26 =	simm.s32 $execute0_lowered;
	[smem:$0x3FD2] =	sst s25  }
0xa6: {  	s5 =	sshll.u32 s26, $0x1;
	_ =	strace $0x80000046;
	[dreg:$0x1] =	wrdreg $0xFFFFFFFF  }
0xa7: {  	s28 =	simm.s32 $_size_execute0_lowered;
	s3 =	sadd.s32 s3, s5;
	[dreg:$0x0] =	wrdreg $0x0  }
0xa8: {  	s5 =	sshll.u32 s28, $0x1;
	[dreg:$0x2] =	wrdreg s3  }
0xa9: {  	[dreg:$0x3] =	wrdreg s5  }
0xaa: {  	[dreg:$0x4] =	wrdreg $0xC0  }
0xab: {  	_ =	task [dreg:s7], $0x5FFFF  }
0xac: {  	[dreg:$0x1] =	wrdreg $0xFFFFFFFF  }
0xad: {  	[dreg:$0x0] =	wrdreg $0x60  }
0xae: {  	[dreg:$0x2] =	wrdreg s24  }
0xaf: {  	[dreg:$0x3] =	wrdreg s2  }
0xb0: {  	[dreg:$0x4] =	wrdreg $0x9  }
0xb1: {  	_ =	task.clear_ibuf [dreg:s7], $0x5FFFF;
	_ =	strace $0x90000046  }
0xb2: {  	s29 =	simm.s32 $0x9;
	_ =	strace $0x80000048  }
0xb3: {  	_ =	swait.ge [sflag:s29], $0x1  }
0xb4: {  	[sflag:s29] =	ssyncadd.s32 $0xFFFFFFFF  }
0xb5: {  	_ =	strace $0x90000048  }
0xb6: {  	_ =	sfence  }
0xb7: {  	s30 =	sld [smem:$0x0];
	_ =	sdelay $0x2  }
0xb8: {  	s31 =	sshll.u32 s1, $0xD;
	s1 =	sshrl.u32 s1, $0x2  }
0xb9: {  	s3 =	sand.u32 $0x4000, s31;
	s1 =	sadd.s32 s1, s30  }
0xba: {  	s0 =	sor.u32 s3, s0;
	s1 =	sshll.u32 s1, $0x11  }
0xbb: {  	s0 =	sor.u32 s1, s0  }
0xbc: {  	s0 =	sadd.s32 $0x8F2B, s0  }
0xbd: {  	[sflag:s0] =	ssyncadd.remote.s32 $0x1  }
0xbe: {  	_ =	sfence.sel $0xFFFF  }
0xbf: {  	[dreg:$0x0] =	wrdreg $0xFFFFFFFF;
	(pc) =	sbr.abs _section_cstart, $3  }
0xc0: {  	[dreg:$0x1] =	wrdreg $0xFFFFFFFF  }
0xc1: {  	_ =	task.clear_ibuf [dreg:s7], $0x2FFFF;
	_ =	strace $0x9FFFFFFF  }
0xc2: {  	(tm) =	ssettm $0x7FFFFFFF  }
0xc3: {  	_ =	shalt  }
tec
execute0_lowered:
.L_overlay_start_1:
0x0: {  	(tag) =	ssettag $0x1  }
0x1: {  	s0 =	rddreg [dreg:$0x0]  }
0x2: {  	s2 =	rddreg [dreg:$0x1]  }
0x3: {  	s3 =	simm.s32 $0x0;
	s1 =	srdreg.scid;
	s4 =	stileid.u32  }
0x4: {  	s12 =	simm.s32 $0x5;
	s17 =	simm.s32 $0x1;
	s18 =	simm.s32 $0x12100  }
0x5: {  	s19 =	simm.s32 $0x2;
	s1 =	sand.u32 $0x1, s1;
	s4 =	sshll.u32 s4, $0x1  }
0x6: {  	s20 =	simm.s32 $0x4;
	s21 =	simm.s32 $0x13900;
	s6 =	sor.u32 s1, s4  }
0x7: {  	[smem:$0x7FF] =	sst s3;
	s5 =	sadd.s32 $0x182A00, s0;
	s7 =	smul.u32 $0x1E0, s6  }
0x8: {  	_ =	strace $0x80000047;
	s1 =	ssub.s32 $0x2, s1;
	s6 =	smul.u32 $0x280, s6  }
0x9: {  	s4 =	sadd.s32 $0xC1E00, s0;
	s8 =	sshrl.u32 s1, $0x1;
	s7 =	sadd.s32 s2, s7  }
0xa: {  	v2 =	vlaneseq.u32;
	s1 =	ssub.s32 s1, s8;
	s30 =	sor.u32 $0x20, s6;
	[dreg:$0x3] =	wrdreg s7  }
0xb: {  	vm0 =	vmmov $0xffff;
	vm1 =	vmmov $0xff;
	v1 =	vshrl.u32 v2, $0x3;
	s8 =	sadd.s32 $0xC1F00, s0;
	s31 =	smax.u32 s1, $0x1;
	[dreg:$0x4] =	wrdreg s30  }
0xc: {  	v0 =	vand.u32 $0x7, v2;
	v2 =	vor.u32 $0x8, v2;
	v1 =	vmul.u32 $0x8, v1;
	s9 =	sor.u32 $0x10, s6;
	s1 =	simm.s32 $0x0;
	[dreg:$0x5] =	wrdreg s31  }
.LBB2_1:
0xd: {  	[dreg:$0x6] =	wrdreg s1  }
0xe: {  	s0 =	rddreg [dreg:$0x3]  }
0xf: {  	[tilespmem:s3], [sflag:$0x5] =	stream.linear.gather [hbm4b:s0+s3], $0x60, $0x38;
	[tilespmem:$0x15100] =	vst v63  }
0x10: {  	_ =	swait.ge [sflag:s12], $0x60  }
0x11: {  	[sflag:s12] =	ssyncset.done $0x0  }
0x12: {  	[sflag:s12] =	ssyncadd.s32 $0xFFFFFFA0  }
0x13: {  	v3 =	vld [tilespmem:$0x0];
	_ =	sdelay $0x4  }
0x14: {  	v4 =	vshrl.u32 v3, $0x3  }
0x15: {  	v4 =	vmul.u32 $0x18, v4  }
0x16: {  	v3 =	vand.u32 $0x7, v3  }
0x17: {  	v3 =	vor.u32 v3, v4  }
0x18: {  	v4 =	vperm.xlane v3, v0;
	_ =	sdelay $0x1  }
0x19: {  	v4 =	vadd.s32 v1, v4;
	_ =	sdelay $0x1  }
0x1a: {  	v3 =	vperm.xlane v3, v2;
	_ =	sdelay $0x1  }
0x1b: {  	s24 =	simm.s32 $0x100;
	v3 =	vadd.s32 v1, v3  }
0x1c: {  	[tilespmem:s24], [sflag:$0x1] =	stream.indirect_vreg.gather [hbm4b:s4+s3], $0x80, v4, vm0, $0xb8;
	[tilespmem:$0x15100] =	vst v63  }
0x1d: {  	s25 =	simm.s32 $0x900  }
0x1e: {  	[tilespmem:s25], [sflag:$0x1] =	stream.indirect_vreg.gather [hbm4b:s8+s3], $0x80, v4, vm1, $0xb8;
	[tilespmem:$0x15100] =	vst v63  }
0x1f: {  	s26 =	simm.s32 $0xD00  }
0x20: {  	[tilespmem:s26], [sflag:$0x1] =	stream.indirect_vreg.gather [hbm4b:s4+s3], $0x80, v3, vm0, $0xb8;
	[tilespmem:$0x15100] =	vst v63  }
0x21: {  	s28 =	simm.s32 $0x1500  }
0x22: {  	[tilespmem:s28], [sflag:$0x1] =	stream.indirect_vreg.gather [hbm4b:s8+s3], $0x80, v3, vm1, $0xb8;
	[tilespmem:$0x15100] =	vst v63  }
0x23: {  	v3 =	vld [tilespmem:$0x10];
	_ =	sdelay $0x4  }
0x24: {  	v59 =	vshrl.u32 v3, $0x3  }
0x25: {  	v4 =	vmul.u32 $0x18, v59  }
0x26: {  	v3 =	vand.u32 $0x7, v3  }
0x27: {  	v3 =	vor.u32 v3, v4  }
0x28: {  	v4 =	vperm.xlane v3, v0;
	_ =	sdelay $0x1  }
0x29: {  	v4 =	vadd.s32 v1, v4;
	_ =	sdelay $0x1  }
0x2a: {  	v3 =	vperm.xlane v3, v2;
	_ =	sdelay $0x1  }
0x2b: {  	s29 =	simm.s32 $0x1900;
	v3 =	vadd.s32 v1, v3  }
0x2c: {  	[tilespmem:s29], [sflag:$0x1] =	stream.indirect_vreg.gather [hbm4b:s4+s3], $0x80, v4, vm0, $0xb8;
	[tilespmem:$0x15100] =	vst v63  }
0x2d: {  	s30 =	simm.s32 $0x2100  }
0x2e: {  	[tilespmem:s30], [sflag:$0x1] =	stream.indirect_vreg.gather [hbm4b:s8+s3], $0x80, v4, vm1, $0xb8;
	[tilespmem:$0x15100] =	vst v63  }
0x2f: {  	s31 =	simm.s32 $0x2500  }
0x30: {  	[tilespmem:s31], [sflag:$0x1] =	stream.indirect_vreg.gather [hbm4b:s4+s3], $0x80, v3, vm0, $0xb8;
	[tilespmem:$0x15100] =	vst v63  }
0x31: {  	s1 =	simm.s32 $0x2D00  }
0x32: {  	[tilespmem:s1], [sflag:$0x1] =	stream.indirect_vreg.gather [hbm4b:s8+s3], $0x80, v3, vm1, $0xb8;
	[tilespmem:$0x15100] =	vst v63  }
0x33: {  	v3 =	vld [tilespmem:$0x20];
	_ =	sdelay $0x4  }
0x34: {  	v60 =	vshrl.u32 v3, $0x3  }
0x35: {  	v4 =	vmul.u32 $0x18, v60  }
0x36: {  	v3 =	vand.u32 $0x7, v3  }
0x37: {  	v3 =	vor.u32 v3, v4  }
0x38: {  	v4 =	vperm.xlane v3, v0;
	_ =	sdelay $0x1  }
0x39: {  	v4 =	vadd.s32 v1, v4;
	_ =	sdelay $0x1  }
0x3a: {  	v3 =	vperm.xlane v3, v2;
	_ =	sdelay $0x1  }
0x3b: {  	s7 =	simm.s32 $0x3100;
	v3 =	vadd.s32 v1, v3  }
0x3c: {  	[tilespmem:s7], [sflag:$0x1] =	stream.indirect_vreg.gather [hbm4b:s4+s3], $0x80, v4, vm0, $0xb8;
	[tilespmem:$0x15100] =	vst v63  }
0x3d: {  	s10 =	simm.s32 $0x3900  }
0x3e: {  	[tilespmem:s10], [sflag:$0x1] =	stream.indirect_vreg.gather [hbm4b:s8+s3], $0x80, v4, vm1, $0xb8;
	[tilespmem:$0x15100] =	vst v63  }
0x3f: {  	s11 =	simm.s32 $0x3D00  }
0x40: {  	[tilespmem:s11], [sflag:$0x1] =	stream.indirect_vreg.gather [hbm4b:s4+s3], $0x80, v3, vm0, $0xb8;
	[tilespmem:$0x15100] =	vst v63  }
0x41: {  	s13 =	simm.s32 $0x4500  }
0x42: {  	[tilespmem:s13], [sflag:$0x1] =	stream.indirect_vreg.gather [hbm4b:s8+s3], $0x80, v3, vm1, $0xb8;
	[tilespmem:$0x15100] =	vst v63  }
0x43: {  	v3 =	vld [tilespmem:$0x30];
	_ =	sdelay $0x4  }
0x44: {  	v61 =	vshrl.u32 v3, $0x3  }
0x45: {  	v4 =	vmul.u32 $0x18, v61  }
0x46: {  	v3 =	vand.u32 $0x7, v3  }
0x47: {  	v3 =	vor.u32 v3, v4  }
0x48: {  	v4 =	vperm.xlane v3, v0;
	_ =	sdelay $0x1  }
0x49: {  	v4 =	vadd.s32 v1, v4;
	_ =	sdelay $0x1  }
0x4a: {  	v3 =	vperm.xlane v3, v2;
	_ =	sdelay $0x1  }
0x4b: {  	s14 =	simm.s32 $0x4900;
	v3 =	vadd.s32 v1, v3  }
0x4c: {  	[tilespmem:s14], [sflag:$0x1] =	stream.indirect_vreg.gather [hbm4b:s4+s3], $0x80, v4, vm0, $0xb8;
	[tilespmem:$0x15100] =	vst v63  }
0x4d: {  	s15 =	simm.s32 $0x5100  }
0x4e: {  	[tilespmem:s15], [sflag:$0x1] =	stream.indirect_vreg.gather [hbm4b:s8+s3], $0x80, v4, vm1, $0xb8;
	[tilespmem:$0x15100] =	vst v63  }
0x4f: {  	s16 =	simm.s32 $0x5500  }
0x50: {  	[tilespmem:s16], [sflag:$0x1] =	stream.indirect_vreg.gather [hbm4b:s4+s3], $0x80, v3, vm0, $0xb8;
	[tilespmem:$0x15100] =	vst v63  }
0x51: {  	s22 =	simm.s32 $0x5D00  }
0x52: {  	[tilespmem:s22], [sflag:$0x1] =	stream.indirect_vreg.gather [hbm4b:s8+s3], $0x80, v3, vm1, $0xb8;
	[tilespmem:$0x15100] =	vst v63  }
0x53: {  	v3 =	vld [tilespmem:$0x40];
	_ =	sdelay $0x4  }
0x54: {  	v62 =	vshrl.u32 v3, $0x3  }
0x55: {  	v4 =	vmul.u32 $0x18, v62  }
0x56: {  	v3 =	vand.u32 $0x7, v3  }
0x57: {  	v3 =	vor.u32 v3, v4  }
0x58: {  	v4 =	vperm.xlane v3, v0;
	_ =	sdelay $0x1  }
0x59: {  	v4 =	vadd.s32 v1, v4;
	_ =	sdelay $0x1  }
0x5a: {  	v3 =	vperm.xlane v3, v2;
	_ =	sdelay $0x1  }
0x5b: {  	s23 =	simm.s32 $0x6100;
	v3 =	vadd.s32 v1, v3  }
0x5c: {  	[tilespmem:s23], [sflag:$0x1] =	stream.indirect_vreg.gather [hbm4b:s4+s3], $0x80, v4, vm0, $0xb8;
	[tilespmem:$0x15100] =	vst v63  }
0x5d: {  	s24 =	simm.s32 $0x6900  }
0x5e: {  	[tilespmem:s24], [sflag:$0x1] =	stream.indirect_vreg.gather [hbm4b:s8+s3], $0x80, v4, vm1, $0xb8;
	[tilespmem:$0x15100] =	vst v63  }
0x5f: {  	s25 =	simm.s32 $0x6D00  }
0x60: {  	[tilespmem:s25], [sflag:$0x1] =	stream.indirect_vreg.gather [hbm4b:s4+s3], $0x80, v3, vm0, $0xb8;
	[tilespmem:$0x15100] =	vst v63  }
0x61: {  	s26 =	simm.s32 $0x7500  }
0x62: {  	[tilespmem:s26], [sflag:$0x1] =	stream.indirect_vreg.gather [hbm4b:s8+s3], $0x80, v3, vm1, $0xb8;
	[tilespmem:$0x15100] =	vst v63  }
0x63: {  	v3 =	vld [tilespmem:$0x50];
	_ =	sdelay $0x4  }
0x64: {  	v63 =	vshrl.u32 v3, $0x3  }
0x65: {  	v4 =	vmul.u32 $0x18, v63  }
0x66: {  	v3 =	vand.u32 $0x7, v3  }
0x67: {  	v3 =	vor.u32 v3, v4  }
0x68: {  	v4 =	vperm.xlane v3, v0;
	_ =	sdelay $0x1  }
0x69: {  	v4 =	vadd.s32 v1, v4;
	_ =	sdelay $0x1  }
0x6a: {  	v3 =	vperm.xlane v3, v2;
	_ =	sdelay $0x1  }
0x6b: {  	s28 =	simm.s32 $0x7900;
	v3 =	vadd.s32 v1, v3  }
0x6c: {  	[tilespmem:s28], [sflag:$0x1] =	stream.indirect_vreg.gather [hbm4b:s4+s3], $0x80, v4, vm0, $0xb8;
	[tilespmem:$0x15100] =	vst v63  }
0x6d: {  	s29 =	simm.s32 $0x8100  }
0x6e: {  	[tilespmem:s29], [sflag:$0x1] =	stream.indirect_vreg.gather [hbm4b:s8+s3], $0x80, v4, vm1, $0xb8;
	[tilespmem:$0x15100] =	vst v63  }
0x6f: {  	s30 =	simm.s32 $0x8500  }
0x70: {  	[tilespmem:s30], [sflag:$0x1] =	stream.indirect_vreg.gather [hbm4b:s4+s3], $0x80, v3, vm0, $0xb8;
	[tilespmem:$0x15100] =	vst v63  }
0x71: {  	s31 =	simm.s32 $0x8D00;
	s22 =	simm.s32 $0x0  }
0x72: {  	[tilespmem:s31], [sflag:$0x1] =	stream.indirect_vreg.gather [hbm4b:s8+s3], $0x80, v3, vm1, $0xb8;
	[tilespmem:$0x15100] =	vst v63  }
.LBB2_2:
0x73: {  	s24 =	sshll.u32 s22, $0x5  }
0x74: {  	s23 =	sadd.s32 s24, s9  }
0x75: {  	s0 =	smul.u32 $0x6, s23;
	_ =	sdelay $0x1  }
0x76: {  	s0 =	sshrl.u32 s0, $0x3  }
0x77: {  	s1 =	simm.s32 $0x80;
	s0 =	sadd.s32 s2, s0  }
0x78: {  	[tilespmem:s1], [sflag:$0x5] =	stream.linear.gather [hbm4b:s0+s3], $0x60, $0x38;
	[tilespmem:$0x15100] =	vst v63  }
0x79: {  	_ =	swait.ge [sflag:s12], $0x60  }
0x7a: {  	[sflag:s12] =	ssyncset.done $0x0  }
0x7b: {  	[sflag:s12] =	ssyncadd.s32 $0xFFFFFFA0  }
0x7c: {  	v3 =	vld [tilespmem:$0x80];
	_ =	sdelay $0x4  }
0x7d: {  	v4 =	vshrl.u32 v3, $0x3  }
0x7e: {  	v4 =	vmul.u32 $0x18, v4  }
0x7f: {  	v3 =	vand.u32 $0x7, v3  }
0x80: {  	v3 =	vor.u32 v3, v4  }
0x81: {  	v4 =	vperm.xlane v3, v0;
	_ =	sdelay $0x1  }
0x82: {  	v4 =	vadd.s32 v1, v4;
	_ =	sdelay $0x1  }
0x83: {  	v3 =	vperm.xlane v3, v2;
	_ =	sdelay $0x1  }
0x84: {  	s13 =	simm.s32 $0x9100;
	v3 =	vadd.s32 v1, v3  }
0x85: {  	[tilespmem:s13], [sflag:$0x2] =	stream.indirect_vreg.gather [hbm4b:s4+s3], $0x80, v4, vm0, $0xb8;
	[tilespmem:$0x15100] =	vst v63  }
0x86: {  	s14 =	simm.s32 $0x9900  }
0x87: {  	[tilespmem:s14], [sflag:$0x2] =	stream.indirect_vreg.gather [hbm4b:s8+s3], $0x80, v4, vm1, $0xb8;
	[tilespmem:$0x15100] =	vst v63  }
0x88: {  	s15 =	simm.s32 $0x9D00  }
0x89: {  	[tilespmem:s15], [sflag:$0x2] =	stream.indirect_vreg.gather [hbm4b:s4+s3], $0x80, v3, vm0, $0xb8;
	[tilespmem:$0x15100] =	vst v63  }
0x8a: {  	s16 =	simm.s32 $0xA500  }
0x8b: {  	[tilespmem:s16], [sflag:$0x2] =	stream.indirect_vreg.gather [hbm4b:s8+s3], $0x80, v3, vm1, $0xb8;
	[tilespmem:$0x15100] =	vst v63  }
0x8c: {  	v3 =	vld [tilespmem:$0x90];
	_ =	sdelay $0x4  }
0x8d: {  	v59 =	vshrl.u32 v3, $0x3  }
0x8e: {  	v4 =	vmul.u32 $0x18, v59  }
0x8f: {  	v3 =	vand.u32 $0x7, v3  }
0x90: {  	v3 =	vor.u32 v3, v4  }
0x91: {  	v4 =	vperm.xlane v3, v0;
	_ =	sdelay $0x1  }
0x92: {  	v4 =	vadd.s32 v1, v4;
	_ =	sdelay $0x1  }
0x93: {  	v3 =	vperm.xlane v3, v2;
	_ =	sdelay $0x1  }
0x94: {  	s25 =	simm.s32 $0xA900;
	v3 =	vadd.s32 v1, v3  }
0x95: {  	[tilespmem:s25], [sflag:$0x2] =	stream.indirect_vreg.gather [hbm4b:s4+s3], $0x80, v4, vm0, $0xb8;
	[tilespmem:$0x15100] =	vst v63  }
0x96: {  	s26 =	simm.s32 $0xB100  }
0x97: {  	[tilespmem:s26], [sflag:$0x2] =	stream.indirect_vreg.gather [hbm4b:s8+s3], $0x80, v4, vm1, $0xb8;
	[tilespmem:$0x15100] =	vst v63  }
0x98: {  	s28 =	simm.s32 $0xB500  }
0x99: {  	[tilespmem:s28], [sflag:$0x2] =	stream.indirect_vreg.gather [hbm4b:s4+s3], $0x80, v3, vm0, $0xb8;
	[tilespmem:$0x15100] =	vst v63  }
0x9a: {  	s29 =	simm.s32 $0xBD00  }
0x9b: {  	[tilespmem:s29], [sflag:$0x2] =	stream.indirect_vreg.gather [hbm4b:s8+s3], $0x80, v3, vm1, $0xb8;
	[tilespmem:$0x15100] =	vst v63  }
0x9c: {  	v3 =	vld [tilespmem:$0xA0];
	_ =	sdelay $0x4  }
0x9d: {  	v60 =	vshrl.u32 v3, $0x3  }
0x9e: {  	v4 =	vmul.u32 $0x18, v60  }
0x9f: {  	v3 =	vand.u32 $0x7, v3  }
0xa0: {  	v3 =	vor.u32 v3, v4  }
0xa1: {  	v4 =	vperm.xlane v3, v0;
	_ =	sdelay $0x1  }
0xa2: {  	v4 =	vadd.s32 v1, v4;
	_ =	sdelay $0x1  }
0xa3: {  	v3 =	vperm.xlane v3, v2;
	_ =	sdelay $0x1  }
0xa4: {  	s30 =	simm.s32 $0xC100;
	v3 =	vadd.s32 v1, v3  }
0xa5: {  	[tilespmem:s30], [sflag:$0x2] =	stream.indirect_vreg.gather [hbm4b:s4+s3], $0x80, v4, vm0, $0xb8;
	[tilespmem:$0x15100] =	vst v63  }
0xa6: {  	s31 =	simm.s32 $0xC900  }
0xa7: {  	[tilespmem:s31], [sflag:$0x2] =	stream.indirect_vreg.gather [hbm4b:s8+s3], $0x80, v4, vm1, $0xb8;
	[tilespmem:$0x15100] =	vst v63  }
0xa8: {  	s1 =	simm.s32 $0xCD00  }
0xa9: {  	[tilespmem:s1], [sflag:$0x2] =	stream.indirect_vreg.gather [hbm4b:s4+s3], $0x80, v3, vm0, $0xb8;
	[tilespmem:$0x15100] =	vst v63  }
0xaa: {  	s7 =	simm.s32 $0xD500  }
0xab: {  	[tilespmem:s7], [sflag:$0x2] =	stream.indirect_vreg.gather [hbm4b:s8+s3], $0x80, v3, vm1, $0xb8;
	[tilespmem:$0x15100] =	vst v63  }
0xac: {  	v3 =	vld [tilespmem:$0xB0];
	_ =	sdelay $0x4  }
0xad: {  	v61 =	vshrl.u32 v3, $0x3  }
0xae: {  	v4 =	vmul.u32 $0x18, v61  }
0xaf: {  	v3 =	vand.u32 $0x7, v3  }
0xb0: {  	v3 =	vor.u32 v3, v4  }
0xb1: {  	v4 =	vperm.xlane v3, v0;
	_ =	sdelay $0x1  }
0xb2: {  	v4 =	vadd.s32 v1, v4;
	_ =	sdelay $0x1  }
0xb3: {  	v3 =	vperm.xlane v3, v2;
	_ =	sdelay $0x1  }
0xb4: {  	s10 =	simm.s32 $0xD900;
	v3 =	vadd.s32 v1, v3  }
0xb5: {  	[tilespmem:s10], [sflag:$0x2] =	stream.indirect_vreg.gather [hbm4b:s4+s3], $0x80, v4, vm0, $0xb8;
	[tilespmem:$0x15100] =	vst v63  }
0xb6: {  	s11 =	simm.s32 $0xE100  }
0xb7: {  	[tilespmem:s11], [sflag:$0x2] =	stream.indirect_vreg.gather [hbm4b:s8+s3], $0x80, v4, vm1, $0xb8;
	[tilespmem:$0x15100] =	vst v63  }
0xb8: {  	s13 =	simm.s32 $0xE500  }
0xb9: {  	[tilespmem:s13], [sflag:$0x2] =	stream.indirect_vreg.gather [hbm4b:s4+s3], $0x80, v3, vm0, $0xb8;
	[tilespmem:$0x15100] =	vst v63  }
0xba: {  	s14 =	simm.s32 $0xED00  }
0xbb: {  	[tilespmem:s14], [sflag:$0x2] =	stream.indirect_vreg.gather [hbm4b:s8+s3], $0x80, v3, vm1, $0xb8;
	[tilespmem:$0x15100] =	vst v63  }
0xbc: {  	v3 =	vld [tilespmem:$0xC0];
	_ =	sdelay $0x4  }
0xbd: {  	v62 =	vshrl.u32 v3, $0x3  }
0xbe: {  	v4 =	vmul.u32 $0x18, v62  }
0xbf: {  	v3 =	vand.u32 $0x7, v3  }
0xc0: {  	v3 =	vor.u32 v3, v4  }
0xc1: {  	v4 =	vperm.xlane v3, v0;
	_ =	sdelay $0x1  }
0xc2: {  	v4 =	vadd.s32 v1, v4;
	_ =	sdelay $0x1  }
0xc3: {  	v3 =	vperm.xlane v3, v2;
	_ =	sdelay $0x1  }
0xc4: {  	s15 =	simm.s32 $0xF100;
	v3 =	vadd.s32 v1, v3  }
0xc5: {  	[tilespmem:s15], [sflag:$0x2] =	stream.indirect_vreg.gather [hbm4b:s4+s3], $0x80, v4, vm0, $0xb8;
	[tilespmem:$0x15100] =	vst v63  }
0xc6: {  	s16 =	simm.s32 $0xF900  }
0xc7: {  	[tilespmem:s16], [sflag:$0x2] =	stream.indirect_vreg.gather [hbm4b:s8+s3], $0x80, v4, vm1, $0xb8;
	[tilespmem:$0x15100] =	vst v63  }
0xc8: {  	s25 =	simm.s32 $0xFD00  }
0xc9: {  	[tilespmem:s25], [sflag:$0x2] =	stream.indirect_vreg.gather [hbm4b:s4+s3], $0x80, v3, vm0, $0xb8;
	[tilespmem:$0x15100] =	vst v63  }
0xca: {  	s26 =	simm.s32 $0x10500  }
0xcb: {  	[tilespmem:s26], [sflag:$0x2] =	stream.indirect_vreg.gather [hbm4b:s8+s3], $0x80, v3, vm1, $0xb8;
	[tilespmem:$0x15100] =	vst v63  }
0xcc: {  	v3 =	vld [tilespmem:$0xD0];
	_ =	sdelay $0x4  }
0xcd: {  	v63 =	vshrl.u32 v3, $0x3  }
0xce: {  	v4 =	vmul.u32 $0x18, v63  }
0xcf: {  	v3 =	vand.u32 $0x7, v3  }
0xd0: {  	v3 =	vor.u32 v3, v4  }
0xd1: {  	v4 =	vperm.xlane v3, v0;
	_ =	sdelay $0x1  }
0xd2: {  	v4 =	vadd.s32 v1, v4;
	_ =	sdelay $0x1  }
0xd3: {  	v3 =	vperm.xlane v3, v2;
	_ =	sdelay $0x1  }
0xd4: {  	s28 =	simm.s32 $0x10900;
	v3 =	vadd.s32 v1, v3  }
0xd5: {  	[tilespmem:s28], [sflag:$0x2] =	stream.indirect_vreg.gather [hbm4b:s4+s3], $0x80, v4, vm0, $0xb8;
	[tilespmem:$0x15100] =	vst v63  }
0xd6: {  	s29 =	simm.s32 $0x11100  }
0xd7: {  	[tilespmem:s29], [sflag:$0x2] =	stream.indirect_vreg.gather [hbm4b:s8+s3], $0x80, v4, vm1, $0xb8;
	[tilespmem:$0x15100] =	vst v63  }
0xd8: {  	s30 =	simm.s32 $0x11500  }
0xd9: {  	[tilespmem:s30], [sflag:$0x2] =	stream.indirect_vreg.gather [hbm4b:s4+s3], $0x80, v3, vm0, $0xb8;
	[tilespmem:$0x15100] =	vst v63  }
0xda: {  	s31 =	simm.s32 $0x11D00  }
0xdb: {  	[tilespmem:s31], [sflag:$0x2] =	stream.indirect_vreg.gather [hbm4b:s8+s3], $0x80, v3, vm1, $0xb8;
	[tilespmem:$0x15100] =	vst v63  }
0xdc: {  	_ =	swait.ge [sflag:s17], $0x9000  }
0xdd: {  	p0 =	seq.s32 s22, $0x0;
	[sflag:s17] =	ssyncset.done $0x0  }
0xde: {  	s0 =	simm.s32 @!p0 $0x3;
	[sflag:s17] =	ssyncadd.s32 $0xFFFF7000  }
0xdf: {  	_ =	swait.ge @!p0 [sflag:s0], $0x1800  }
0xe0: {  	[sflag:s0] =	ssyncset.done @!p0 $0x0  }
0xe1: {  	s25 =	simm.s32 $0x0;
	[sflag:s0] =	ssyncadd.s32 @!p0 $0xFFFFE800  }
.LBB2_3:
0xe2: {  	s0 =	smul.u32 $0x6, s25;
	_ =	sdelay $0x1  }
0xe3: {  	s0 =	sshrl.u32 s0, $0x3  }
0xe4: {  	s0 =	smul.u32 $0x3000, s0;
	_ =	sdelay $0x1  }
0xe5: {  	s0 =	sshra.s32 s0, $0x2  }
0xe6: {  	v3 =	vld [tilespmem:s0+$0x100]  }
0xe7: {  	v4 =	vld [tilespmem:s0+$0x180];
	_ =	sdelay $0x1  }
0xe8: {  	v5 =	vld [tilespmem:s0+$0x200];
	_ =	sdelay $0x1  }
0xe9: {  	v6 =	vld [tilespmem:s0+$0x280]  }
0xea: {  	v3 =	vadd.f32 v4, v3  }
0xeb: {  	v44 =	vld [tilespmem:s0+$0x300]  }
0xec: {  	v3 =	vadd.f32 v5, v3  }
0xed: {  	v45 =	vld [tilespmem:s0+$0x380]  }
0xee: {  	s1 =	sshrl.u32 s25, $0x3;
	v3 =	vadd.f32 v6, v3  }
0xef: {  	s1 =	smul.u32 $0x3000, s1  }
0xf0: {  	v3 =	vadd.f32 v44, v3  }
0xf1: {  	s7 =	sshll.u32 s25, $0x7;
	s1 =	sshra.s32 s1, $0x2  }
0xf2: {  	s10 =	sand.u32 $0x200, s7;
	s11 =	sadd.s32 $0x12100, s1;
	v3 =	vadd.f32 v45, v3  }
0xf3: {  	s7 =	sor.u32 s10, s11  }
0xf4: {  	[tilespmem:s7+$0x0] =	vst v3  }
0xf5: {  	v3 =	vld [tilespmem:s0+$0x110]  }
0xf6: {  	v46 =	vld [tilespmem:s0+$0x190];
	_ =	sdelay $0x1  }
0xf7: {  	v47 =	vld [tilespmem:s0+$0x210];
	_ =	sdelay $0x1  }
0xf8: {  	v48 =	vld [tilespmem:s0+$0x290]  }
0xf9: {  	v3 =	vadd.f32 v46, v3  }
0xfa: {  	v49 =	vld [tilespmem:s0+$0x310]  }
0xfb: {  	v3 =	vadd.f32 v47, v3  }
0xfc: {  	v50 =	vld [tilespmem:s0+$0x390]  }
0xfd: {  	v3 =	vadd.f32 v48, v3;
	_ =	sdelay $0x1  }
0xfe: {  	v3 =	vadd.f32 v49, v3;
	_ =	sdelay $0x1  }
0xff: {  	v3 =	vadd.f32 v50, v3;
	_ =	sdelay $0x1  }
0x100: {  	[tilespmem:s7+$0x10] =	vst v3  }
0x101: {  	v3 =	vld [tilespmem:s0+$0x120]  }
0x102: {  	v51 =	vld [tilespmem:s0+$0x1A0];
	_ =	sdelay $0x1  }
0x103: {  	v52 =	vld [tilespmem:s0+$0x220];
	_ =	sdelay $0x1  }
0x104: {  	v53 =	vld [tilespmem:s0+$0x2A0]  }
0x105: {  	v3 =	vadd.f32 v51, v3  }
0x106: {  	v54 =	vld [tilespmem:s0+$0x320]  }
0x107: {  	v3 =	vadd.f32 v52, v3  }
0x108: {  	v55 =	vld [tilespmem:s0+$0x3A0]  }
0x109: {  	v3 =	vadd.f32 v53, v3;
	_ =	sdelay $0x1  }
0x10a: {  	v3 =	vadd.f32 v54, v3;
	_ =	sdelay $0x1  }
0x10b: {  	v3 =	vadd.f32 v55, v3;
	_ =	sdelay $0x1  }
0x10c: {  	[tilespmem:s7+$0x20] =	vst v3  }
0x10d: {  	v3 =	vld [tilespmem:s0+$0x130]  }
0x10e: {  	v56 =	vld [tilespmem:s0+$0x1B0];
	_ =	sdelay $0x1  }
0x10f: {  	v57 =	vld [tilespmem:s0+$0x230];
	_ =	sdelay $0x1  }
0x110: {  	v58 =	vld [tilespmem:s0+$0x2B0]  }
0x111: {  	v3 =	vadd.f32 v56, v3  }
0x112: {  	v59 =	vld [tilespmem:s0+$0x330]  }
0x113: {  	v3 =	vadd.f32 v57, v3  }
0x114: {  	v60 =	vld [tilespmem:s0+$0x3B0]  }
0x115: {  	v3 =	vadd.f32 v58, v3;
	_ =	sdelay $0x1  }
0x116: {  	v3 =	vadd.f32 v59, v3;
	_ =	sdelay $0x1  }
0x117: {  	v3 =	vadd.f32 v60, v3;
	_ =	sdelay $0x1  }
0x118: {  	[tilespmem:s7+$0x30] =	vst v3  }
0x119: {  	v3 =	vld [tilespmem:s0+$0x140]  }
0x11a: {  	v61 =	vld [tilespmem:s0+$0x1C0];
	_ =	sdelay $0x1  }
0x11b: {  	v62 =	vld [tilespmem:s0+$0x240];
	_ =	sdelay $0x1  }
0x11c: {  	v63 =	vld [tilespmem:s0+$0x2C0]  }
0x11d: {  	v3 =	vadd.f32 v61, v3  }
0x11e: {  	v9 =	vld [tilespmem:s0+$0x340]  }
0x11f: {  	v3 =	vadd.f32 v62, v3  }
0x120: {  	v10 =	vld [tilespmem:s0+$0x3C0]  }
0x121: {  	v3 =	vadd.f32 v63, v3;
	_ =	sdelay $0x1  }
0x122: {  	v3 =	vadd.f32 v9, v3;
	_ =	sdelay $0x1  }
0x123: {  	v3 =	vadd.f32 v10, v3;
	_ =	sdelay $0x1  }
0x124: {  	[tilespmem:s7+$0x40] =	vst v3  }
0x125: {  	v3 =	vld [tilespmem:s0+$0x150]  }
0x126: {  	v11 =	vld [tilespmem:s0+$0x1D0];
	_ =	sdelay $0x1  }
0x127: {  	v12 =	vld [tilespmem:s0+$0x250];
	_ =	sdelay $0x1  }
0x128: {  	v13 =	vld [tilespmem:s0+$0x2D0]  }
0x129: {  	v3 =	vadd.f32 v11, v3  }
0x12a: {  	v14 =	vld [tilespmem:s0+$0x350]  }
0x12b: {  	v3 =	vadd.f32 v12, v3  }
0x12c: {  	v15 =	vld [tilespmem:s0+$0x3D0]  }
0x12d: {  	v3 =	vadd.f32 v13, v3;
	_ =	sdelay $0x1  }
0x12e: {  	v3 =	vadd.f32 v14, v3;
	_ =	sdelay $0x1  }
0x12f: {  	v3 =	vadd.f32 v15, v3;
	_ =	sdelay $0x1  }
0x130: {  	[tilespmem:s7+$0x50] =	vst v3  }
0x131: {  	v3 =	vld [tilespmem:s0+$0x160]  }
0x132: {  	v16 =	vld [tilespmem:s0+$0x1E0];
	_ =	sdelay $0x1  }
0x133: {  	v17 =	vld [tilespmem:s0+$0x260];
	_ =	sdelay $0x1  }
0x134: {  	v18 =	vld [tilespmem:s0+$0x2E0]  }
0x135: {  	v3 =	vadd.f32 v16, v3  }
0x136: {  	v19 =	vld [tilespmem:s0+$0x360]  }
0x137: {  	v3 =	vadd.f32 v17, v3  }
0x138: {  	v20 =	vld [tilespmem:s0+$0x3E0]  }
0x139: {  	v3 =	vadd.f32 v18, v3;
	_ =	sdelay $0x1  }
0x13a: {  	v3 =	vadd.f32 v19, v3;
	_ =	sdelay $0x1  }
0x13b: {  	v3 =	vadd.f32 v20, v3;
	_ =	sdelay $0x1  }
0x13c: {  	[tilespmem:s7+$0x60] =	vst v3  }
0x13d: {  	v3 =	vld [tilespmem:s0+$0x170]  }
0x13e: {  	v21 =	vld [tilespmem:s0+$0x1F0];
	_ =	sdelay $0x1  }
0x13f: {  	v22 =	vld [tilespmem:s0+$0x270];
	_ =	sdelay $0x1  }
0x140: {  	v23 =	vld [tilespmem:s0+$0x2F0]  }
0x141: {  	v3 =	vadd.f32 v21, v3  }
0x142: {  	v24 =	vld [tilespmem:s0+$0x370]  }
0x143: {  	v3 =	vadd.f32 v22, v3  }
0x144: {  	v25 =	vld [tilespmem:s0+$0x3F0]  }
0x145: {  	v3 =	vadd.f32 v23, v3;
	_ =	sdelay $0x1  }
0x146: {  	v3 =	vadd.f32 v24, v3;
	_ =	sdelay $0x1  }
0x147: {  	v3 =	vadd.f32 v25, v3;
	_ =	sdelay $0x1  }
0x148: {  	[tilespmem:s7+$0x70] =	vst v3  }
0x149: {  	v3 =	vld [tilespmem:s0+$0x500]  }
0x14a: {  	v26 =	vld [tilespmem:s0+$0x580];
	_ =	sdelay $0x1  }
0x14b: {  	v27 =	vld [tilespmem:s0+$0x600];
	_ =	sdelay $0x1  }
0x14c: {  	v28 =	vld [tilespmem:s0+$0x680]  }
0x14d: {  	v3 =	vadd.f32 v26, v3  }
0x14e: {  	v29 =	vld [tilespmem:s0+$0x700]  }
0x14f: {  	v3 =	vadd.f32 v27, v3  }
0x150: {  	v30 =	vld [tilespmem:s0+$0x780]  }
0x151: {  	v3 =	vadd.f32 v28, v3;
	_ =	sdelay $0x1  }
0x152: {  	v3 =	vadd.f32 v29, v3;
	_ =	sdelay $0x1  }
0x153: {  	s7 =	sadd.s32 $0x12500, s1;
	v3 =	vadd.f32 v30, v3  }
0x154: {  	s13 =	sor.u32 s10, s7  }
0x155: {  	[tilespmem:s13+$0x0] =	vst v3  }
0x156: {  	v3 =	vld [tilespmem:s0+$0x510]  }
0x157: {  	v31 =	vld [tilespmem:s0+$0x590];
	_ =	sdelay $0x1  }
0x158: {  	v32 =	vld [tilespmem:s0+$0x610];
	_ =	sdelay $0x1  }
0x159: {  	v33 =	vld [tilespmem:s0+$0x690]  }
0x15a: {  	v3 =	vadd.f32 v31, v3  }
0x15b: {  	v34 =	vld [tilespmem:s0+$0x710]  }
0x15c: {  	v3 =	vadd.f32 v32, v3  }
0x15d: {  	v35 =	vld [tilespmem:s0+$0x790]  }
0x15e: {  	v3 =	vadd.f32 v33, v3;
	_ =	sdelay $0x1  }
0x15f: {  	v3 =	vadd.f32 v34, v3;
	_ =	sdelay $0x1  }
0x160: {  	v3 =	vadd.f32 v35, v3;
	_ =	sdelay $0x1  }
0x161: {  	[tilespmem:s13+$0x10] =	vst v3  }
0x162: {  	v3 =	vld [tilespmem:s0+$0x520]  }
0x163: {  	v36 =	vld [tilespmem:s0+$0x5A0];
	_ =	sdelay $0x1  }
0x164: {  	v37 =	vld [tilespmem:s0+$0x620];
	_ =	sdelay $0x1  }
0x165: {  	v38 =	vld [tilespmem:s0+$0x6A0]  }
0x166: {  	v3 =	vadd.f32 v36, v3  }
0x167: {  	v39 =	vld [tilespmem:s0+$0x720]  }
0x168: {  	v3 =	vadd.f32 v37, v3  }
0x169: {  	v40 =	vld [tilespmem:s0+$0x7A0]  }
0x16a: {  	v3 =	vadd.f32 v38, v3;
	_ =	sdelay $0x1  }
0x16b: {  	v3 =	vadd.f32 v39, v3;
	_ =	sdelay $0x1  }
0x16c: {  	v3 =	vadd.f32 v40, v3;
	_ =	sdelay $0x1  }
0x16d: {  	[tilespmem:s13+$0x20] =	vst v3  }
0x16e: {  	v3 =	vld [tilespmem:s0+$0x530]  }
0x16f: {  	v41 =	vld [tilespmem:s0+$0x5B0];
	_ =	sdelay $0x1  }
0x170: {  	v42 =	vld [tilespmem:s0+$0x630];
	_ =	sdelay $0x1  }
0x171: {  	v43 =	vld [tilespmem:s0+$0x6B0]  }
0x172: {  	v3 =	vadd.f32 v41, v3  }
0x173: {  	v44 =	vld [tilespmem:s0+$0x730]  }
0x174: {  	v3 =	vadd.f32 v42, v3  }
0x175: {  	v45 =	vld [tilespmem:s0+$0x7B0]  }
0x176: {  	v3 =	vadd.f32 v43, v3;
	_ =	sdelay $0x1  }
0x177: {  	v3 =	vadd.f32 v44, v3;
	_ =	sdelay $0x1  }
0x178: {  	v3 =	vadd.f32 v45, v3;
	_ =	sdelay $0x1  }
0x179: {  	[tilespmem:s13+$0x30] =	vst v3  }
0x17a: {  	v3 =	vld [tilespmem:s0+$0x540]  }
0x17b: {  	v46 =	vld [tilespmem:s0+$0x5C0];
	_ =	sdelay $0x1  }
0x17c: {  	v47 =	vld [tilespmem:s0+$0x640];
	_ =	sdelay $0x1  }
0x17d: {  	v48 =	vld [tilespmem:s0+$0x6C0]  }
0x17e: {  	v3 =	vadd.f32 v46, v3  }
0x17f: {  	v49 =	vld [tilespmem:s0+$0x740]  }
0x180: {  	v3 =	vadd.f32 v47, v3  }
0x181: {  	v50 =	vld [tilespmem:s0+$0x7C0]  }
0x182: {  	v3 =	vadd.f32 v48, v3;
	_ =	sdelay $0x1  }
0x183: {  	v3 =	vadd.f32 v49, v3;
	_ =	sdelay $0x1  }
0x184: {  	v3 =	vadd.f32 v50, v3;
	_ =	sdelay $0x1  }
0x185: {  	[tilespmem:s13+$0x40] =	vst v3  }
0x186: {  	v3 =	vld [tilespmem:s0+$0x550]  }
0x187: {  	v51 =	vld [tilespmem:s0+$0x5D0];
	_ =	sdelay $0x1  }
0x188: {  	v52 =	vld [tilespmem:s0+$0x650];
	_ =	sdelay $0x1  }
0x189: {  	v53 =	vld [tilespmem:s0+$0x6D0]  }
0x18a: {  	v3 =	vadd.f32 v51, v3  }
0x18b: {  	v54 =	vld [tilespmem:s0+$0x750]  }
0x18c: {  	v3 =	vadd.f32 v52, v3  }
0x18d: {  	v55 =	vld [tilespmem:s0+$0x7D0]  }
0x18e: {  	v3 =	vadd.f32 v53, v3;
	_ =	sdelay $0x1  }
0x18f: {  	v3 =	vadd.f32 v54, v3;
	_ =	sdelay $0x1  }
0x190: {  	v3 =	vadd.f32 v55, v3;
	_ =	sdelay $0x1  }
0x191: {  	[tilespmem:s13+$0x50] =	vst v3  }
0x192: {  	v3 =	vld [tilespmem:s0+$0x560]  }
0x193: {  	v56 =	vld [tilespmem:s0+$0x5E0];
	_ =	sdelay $0x1  }
0x194: {  	v57 =	vld [tilespmem:s0+$0x660];
	_ =	sdelay $0x1  }
0x195: {  	v58 =	vld [tilespmem:s0+$0x6E0]  }
0x196: {  	v3 =	vadd.f32 v56, v3  }
0x197: {  	v59 =	vld [tilespmem:s0+$0x760]  }
0x198: {  	v3 =	vadd.f32 v57, v3  }
0x199: {  	v60 =	vld [tilespmem:s0+$0x7E0]  }
0x19a: {  	v3 =	vadd.f32 v58, v3;
	_ =	sdelay $0x1  }
0x19b: {  	v3 =	vadd.f32 v59, v3;
	_ =	sdelay $0x1  }
0x19c: {  	v3 =	vadd.f32 v60, v3;
	_ =	sdelay $0x1  }
0x19d: {  	[tilespmem:s13+$0x60] =	vst v3  }
0x19e: {  	v3 =	vld [tilespmem:s0+$0x570]  }
0x19f: {  	v61 =	vld [tilespmem:s0+$0x5F0];
	_ =	sdelay $0x1  }
0x1a0: {  	v62 =	vld [tilespmem:s0+$0x670];
	_ =	sdelay $0x1  }
0x1a1: {  	v63 =	vld [tilespmem:s0+$0x6F0]  }
0x1a2: {  	v3 =	vadd.f32 v61, v3  }
0x1a3: {  	v9 =	vld [tilespmem:s0+$0x770]  }
0x1a4: {  	v3 =	vadd.f32 v62, v3  }
0x1a5: {  	v10 =	vld [tilespmem:s0+$0x7F0]  }
0x1a6: {  	v3 =	vadd.f32 v63, v3;
	_ =	sdelay $0x1  }
0x1a7: {  	v3 =	vadd.f32 v9, v3;
	_ =	sdelay $0x1  }
0x1a8: {  	v3 =	vadd.f32 v10, v3;
	_ =	sdelay $0x1  }
0x1a9: {  	[tilespmem:s13+$0x70] =	vst v3  }
0x1aa: {  	v3 =	vld [tilespmem:s0+$0x900]  }
0x1ab: {  	v11 =	vld [tilespmem:s0+$0x980];
	_ =	sdelay $0x1  }
0x1ac: {  	v12 =	vld [tilespmem:s0+$0xA00];
	_ =	sdelay $0x1  }
0x1ad: {  	v13 =	vld [tilespmem:s0+$0xA80]  }
0x1ae: {  	v3 =	vadd.f32 v11, v3  }
0x1af: {  	v14 =	vld [tilespmem:s0+$0xB00]  }
0x1b0: {  	v3 =	vadd.f32 v12, v3  }
0x1b1: {  	v15 =	vld [tilespmem:s0+$0xB80]  }
0x1b2: {  	v3 =	vadd.f32 v13, v3;
	_ =	sdelay $0x1  }
0x1b3: {  	v3 =	vadd.f32 v14, v3;
	_ =	sdelay $0x1  }
0x1b4: {  	s30 =	sadd.s32 $0x12900, s1;
	v3 =	vadd.f32 v15, v3  }
0x1b5: {  	s1 =	sor.u32 s10, s30  }
0x1b6: {  	[tilespmem:s1+$0x0] =	vst v3  }
0x1b7: {  	v3 =	vld [tilespmem:s0+$0x910]  }
0x1b8: {  	v16 =	vld [tilespmem:s0+$0x990];
	_ =	sdelay $0x1  }
0x1b9: {  	v17 =	vld [tilespmem:s0+$0xA10];
	_ =	sdelay $0x1  }
0x1ba: {  	v18 =	vld [tilespmem:s0+$0xA90]  }
0x1bb: {  	v3 =	vadd.f32 v16, v3  }
0x1bc: {  	v19 =	vld [tilespmem:s0+$0xB10]  }
0x1bd: {  	v3 =	vadd.f32 v17, v3  }
0x1be: {  	v20 =	vld [tilespmem:s0+$0xB90]  }
0x1bf: {  	v3 =	vadd.f32 v18, v3;
	_ =	sdelay $0x1  }
0x1c0: {  	v3 =	vadd.f32 v19, v3;
	_ =	sdelay $0x1  }
0x1c1: {  	v3 =	vadd.f32 v20, v3;
	_ =	sdelay $0x1  }
0x1c2: {  	[tilespmem:s1+$0x10] =	vst v3  }
0x1c3: {  	v3 =	vld [tilespmem:s0+$0x920]  }
0x1c4: {  	v21 =	vld [tilespmem:s0+$0x9A0];
	_ =	sdelay $0x1  }
0x1c5: {  	v22 =	vld [tilespmem:s0+$0xA20];
	_ =	sdelay $0x1  }
0x1c6: {  	v23 =	vld [tilespmem:s0+$0xAA0]  }
0x1c7: {  	v3 =	vadd.f32 v21, v3  }
0x1c8: {  	v24 =	vld [tilespmem:s0+$0xB20]  }
0x1c9: {  	v3 =	vadd.f32 v22, v3  }
0x1ca: {  	v25 =	vld [tilespmem:s0+$0xBA0]  }
0x1cb: {  	v3 =	vadd.f32 v23, v3;
	_ =	sdelay $0x1  }
0x1cc: {  	v3 =	vadd.f32 v24, v3;
	_ =	sdelay $0x1  }
0x1cd: {  	v3 =	vadd.f32 v25, v3;
	_ =	sdelay $0x1  }
0x1ce: {  	[tilespmem:s1+$0x20] =	vst v3  }
0x1cf: {  	v3 =	vld [tilespmem:s0+$0x930]  }
0x1d0: {  	v26 =	vld [tilespmem:s0+$0x9B0];
	_ =	sdelay $0x1  }
0x1d1: {  	v27 =	vld [tilespmem:s0+$0xA30];
	_ =	sdelay $0x1  }
0x1d2: {  	v28 =	vld [tilespmem:s0+$0xAB0]  }
0x1d3: {  	v3 =	vadd.f32 v26, v3  }
0x1d4: {  	v29 =	vld [tilespmem:s0+$0xB30]  }
0x1d5: {  	v3 =	vadd.f32 v27, v3  }
0x1d6: {  	v30 =	vld [tilespmem:s0+$0xBB0]  }
0x1d7: {  	v3 =	vadd.f32 v28, v3;
	_ =	sdelay $0x1  }
0x1d8: {  	v3 =	vadd.f32 v29, v3;
	_ =	sdelay $0x1  }
0x1d9: {  	v3 =	vadd.f32 v30, v3;
	_ =	sdelay $0x1  }
0x1da: {  	[tilespmem:s1+$0x30] =	vst v3  }
0x1db: {  	v3 =	vld [tilespmem:s0+$0x940]  }
0x1dc: {  	v31 =	vld [tilespmem:s0+$0x9C0];
	_ =	sdelay $0x1  }
0x1dd: {  	v32 =	vld [tilespmem:s0+$0xA40];
	_ =	sdelay $0x1  }
0x1de: {  	v33 =	vld [tilespmem:s0+$0xAC0]  }
0x1df: {  	v3 =	vadd.f32 v31, v3  }
0x1e0: {  	v34 =	vld [tilespmem:s0+$0xB40]  }
0x1e1: {  	v3 =	vadd.f32 v32, v3  }
0x1e2: {  	v35 =	vld [tilespmem:s0+$0xBC0]  }
0x1e3: {  	v3 =	vadd.f32 v33, v3;
	_ =	sdelay $0x1  }
0x1e4: {  	v3 =	vadd.f32 v34, v3;
	_ =	sdelay $0x1  }
0x1e5: {  	v3 =	vadd.f32 v35, v3;
	_ =	sdelay $0x1  }
0x1e6: {  	[tilespmem:s1+$0x40] =	vst v3  }
0x1e7: {  	v3 =	vld [tilespmem:s0+$0x950]  }
0x1e8: {  	v36 =	vld [tilespmem:s0+$0x9D0];
	_ =	sdelay $0x1  }
0x1e9: {  	v37 =	vld [tilespmem:s0+$0xA50];
	_ =	sdelay $0x1  }
0x1ea: {  	v38 =	vld [tilespmem:s0+$0xAD0]  }
0x1eb: {  	v3 =	vadd.f32 v36, v3  }
0x1ec: {  	v39 =	vld [tilespmem:s0+$0xB50]  }
0x1ed: {  	v3 =	vadd.f32 v37, v3  }
0x1ee: {  	v40 =	vld [tilespmem:s0+$0xBD0]  }
0x1ef: {  	v3 =	vadd.f32 v38, v3;
	_ =	sdelay $0x1  }
0x1f0: {  	v3 =	vadd.f32 v39, v3;
	_ =	sdelay $0x1  }
0x1f1: {  	v3 =	vadd.f32 v40, v3;
	_ =	sdelay $0x1  }
0x1f2: {  	[tilespmem:s1+$0x50] =	vst v3  }
0x1f3: {  	v3 =	vld [tilespmem:s0+$0x960]  }
0x1f4: {  	v41 =	vld [tilespmem:s0+$0x9E0];
	_ =	sdelay $0x1  }
0x1f5: {  	v42 =	vld [tilespmem:s0+$0xA60];
	_ =	sdelay $0x1  }
0x1f6: {  	v43 =	vld [tilespmem:s0+$0xAE0]  }
0x1f7: {  	v3 =	vadd.f32 v41, v3  }
0x1f8: {  	v44 =	vld [tilespmem:s0+$0xB60]  }
0x1f9: {  	v3 =	vadd.f32 v42, v3  }
0x1fa: {  	v45 =	vld [tilespmem:s0+$0xBE0]  }
0x1fb: {  	v3 =	vadd.f32 v43, v3;
	_ =	sdelay $0x1  }
0x1fc: {  	v3 =	vadd.f32 v44, v3;
	_ =	sdelay $0x1  }
0x1fd: {  	v3 =	vadd.f32 v45, v3;
	_ =	sdelay $0x1  }
0x1fe: {  	[tilespmem:s1+$0x60] =	vst v3  }
0x1ff: {  	v3 =	vld [tilespmem:s0+$0x970]  }
0x200: {  	v46 =	vld [tilespmem:s0+$0x9F0];
	_ =	sdelay $0x1  }
0x201: {  	s16 =	sor.u32 $0x1, s25;
	v47 =	vld [tilespmem:s0+$0xA70]  }
0x202: {  	s31 =	smul.u32 $0x6, s16  }
0x203: {  	v48 =	vld [tilespmem:s0+$0xAF0]  }
0x204: {  	s14 =	sshrl.u32 s31, $0x3;
	v3 =	vadd.f32 v46, v3  }
0x205: {  	s14 =	smul.u32 $0x3000, s14;
	v49 =	vld [tilespmem:s0+$0xB70]  }
0x206: {  	s15 =	sadd.s32 $0x2, s31;
	v3 =	vadd.f32 v47, v3  }
0x207: {  	s26 =	sshra.s32 s14, $0x2;
	s14 =	sshrl.u32 s15, $0x3;
	v50 =	vld [tilespmem:s0+$0xBF0]  }
0x208: {  	v7 =	vld [tilespmem:s26+$0x480];
	s0 =	smul.u32 $0x3000, s14;
	v3 =	vadd.f32 v48, v3  }
0x209: {  	v51 =	vld [tilespmem:s26+$0x400]  }
0x20a: {  	s15 =	sadd.s32 $0x4, s31;
	s28 =	sshra.s32 s0, $0x2;
	v3 =	vadd.f32 v49, v3  }
0x20b: {  	s0 =	sshrl.u32 s15, $0x3;
	v52 =	vld [tilespmem:s28+$0x100]  }
0x20c: {  	s0 =	smul.u32 $0x3000, s0;
	v3 =	vadd.f32 v50, v3  }
0x20d: {  	v53 =	vld [tilespmem:s28+$0x180]  }
0x20e: {  	s29 =	sshra.s32 s0, $0x2;
	[tilespmem:s1+$0x70] =	vst v3;
	v3 =	vadd.f32 v7, v51  }
0x20f: {  	v54 =	vld [tilespmem:s29+$0x200]  }
0x210: {  	v3 =	vadd.f32 v52, v3  }
0x211: {  	v55 =	vld [tilespmem:s29+$0x280]  }
0x212: {  	v3 =	vadd.f32 v53, v3;
	_ =	sdelay $0x1  }
0x213: {  	v3 =	vadd.f32 v54, v3  }
0x214: {  	s16 =	sshll.u32 s16, $0x7  }
0x215: {  	s10 =	sand.u32 $0x280, s16;
	v3 =	vadd.f32 v55, v3  }
0x216: {  	s0 =	sor.u32 s10, s11  }
0x217: {  	[tilespmem:s0+$0x0] =	vst v3  }
0x218: {  	v3 =	vld [tilespmem:s26+$0x410]  }
0x219: {  	v56 =	vld [tilespmem:s26+$0x490];
	_ =	sdelay $0x1  }
0x21a: {  	v57 =	vld [tilespmem:s28+$0x110];
	_ =	sdelay $0x1  }
0x21b: {  	v58 =	vld [tilespmem:s28+$0x190]  }
0x21c: {  	v3 =	vadd.f32 v56, v3  }
0x21d: {  	v59 =	vld [tilespmem:s29+$0x210]  }
0x21e: {  	v3 =	vadd.f32 v57, v3  }
0x21f: {  	v60 =	vld [tilespmem:s29+$0x290]  }
0x220: {  	v3 =	vadd.f32 v58, v3;
	_ =	sdelay $0x1  }
0x221: {  	v3 =	vadd.f32 v59, v3;
	_ =	sdelay $0x1  }
0x222: {  	v3 =	vadd.f32 v60, v3;
	_ =	sdelay $0x1  }
0x223: {  	[tilespmem:s0+$0x10] =	vst v3  }
0x224: {  	v3 =	vld [tilespmem:s26+$0x420]  }
0x225: {  	v61 =	vld [tilespmem:s26+$0x4A0];
	_ =	sdelay $0x1  }
0x226: {  	v62 =	vld [tilespmem:s28+$0x120];
	_ =	sdelay $0x1  }
0x227: {  	v63 =	vld [tilespmem:s28+$0x1A0]  }
0x228: {  	v3 =	vadd.f32 v61, v3  }
0x229: {  	v9 =	vld [tilespmem:s29+$0x220]  }
0x22a: {  	v3 =	vadd.f32 v62, v3  }
0x22b: {  	v10 =	vld [tilespmem:s29+$0x2A0]  }
0x22c: {  	v3 =	vadd.f32 v63, v3;
	_ =	sdelay $0x1  }
0x22d: {  	v3 =	vadd.f32 v9, v3;
	_ =	sdelay $0x1  }
0x22e: {  	v3 =	vadd.f32 v10, v3;
	_ =	sdelay $0x1  }
0x22f: {  	[tilespmem:s0+$0x20] =	vst v3  }
0x230: {  	v3 =	vld [tilespmem:s26+$0x430]  }
0x231: {  	v11 =	vld [tilespmem:s26+$0x4B0];
	_ =	sdelay $0x1  }
0x232: {  	v12 =	vld [tilespmem:s28+$0x130];
	_ =	sdelay $0x1  }
0x233: {  	v13 =	vld [tilespmem:s28+$0x1B0]  }
0x234: {  	v3 =	vadd.f32 v11, v3  }
0x235: {  	v14 =	vld [tilespmem:s29+$0x230]  }
0x236: {  	v3 =	vadd.f32 v12, v3  }
0x237: {  	v15 =	vld [tilespmem:s29+$0x2B0]  }
0x238: {  	v3 =	vadd.f32 v13, v3;
	_ =	sdelay $0x1  }
0x239: {  	v3 =	vadd.f32 v14, v3;
	_ =	sdelay $0x1  }
0x23a: {  	v3 =	vadd.f32 v15, v3;
	_ =	sdelay $0x1  }
0x23b: {  	[tilespmem:s0+$0x30] =	vst v3  }
0x23c: {  	v3 =	vld [tilespmem:s26+$0x440]  }
0x23d: {  	v16 =	vld [tilespmem:s26+$0x4C0];
	_ =	sdelay $0x1  }
0x23e: {  	v17 =	vld [tilespmem:s28+$0x140];
	_ =	sdelay $0x1  }
0x23f: {  	v18 =	vld [tilespmem:s28+$0x1C0]  }
0x240: {  	v3 =	vadd.f32 v16, v3  }
0x241: {  	v19 =	vld [tilespmem:s29+$0x240]  }
0x242: {  	v3 =	vadd.f32 v17, v3  }
0x243: {  	v20 =	vld [tilespmem:s29+$0x2C0]  }
0x244: {  	v3 =	vadd.f32 v18, v3;
	_ =	sdelay $0x1  }
0x245: {  	v3 =	vadd.f32 v19, v3;
	_ =	sdelay $0x1  }
0x246: {  	v3 =	vadd.f32 v20, v3;
	_ =	sdelay $0x1  }
0x247: {  	[tilespmem:s0+$0x40] =	vst v3  }
0x248: {  	v3 =	vld [tilespmem:s26+$0x450]  }
0x249: {  	v21 =	vld [tilespmem:s26+$0x4D0];
	_ =	sdelay $0x1  }
0x24a: {  	v22 =	vld [tilespmem:s28+$0x150];
	_ =	sdelay $0x1  }
0x24b: {  	v23 =	vld [tilespmem:s28+$0x1D0]  }
0x24c: {  	v3 =	vadd.f32 v21, v3  }
0x24d: {  	v24 =	vld [tilespmem:s29+$0x250]  }
0x24e: {  	v3 =	vadd.f32 v22, v3  }
0x24f: {  	v25 =	vld [tilespmem:s29+$0x2D0]  }
0x250: {  	v3 =	vadd.f32 v23, v3;
	_ =	sdelay $0x1  }
0x251: {  	v3 =	vadd.f32 v24, v3;
	_ =	sdelay $0x1  }
0x252: {  	v3 =	vadd.f32 v25, v3;
	_ =	sdelay $0x1  }
0x253: {  	[tilespmem:s0+$0x50] =	vst v3  }
0x254: {  	v3 =	vld [tilespmem:s26+$0x460]  }
0x255: {  	v26 =	vld [tilespmem:s26+$0x4E0];
	_ =	sdelay $0x1  }
0x256: {  	v27 =	vld [tilespmem:s28+$0x160];
	_ =	sdelay $0x1  }
0x257: {  	v28 =	vld [tilespmem:s28+$0x1E0]  }
0x258: {  	v3 =	vadd.f32 v26, v3  }
0x259: {  	v29 =	vld [tilespmem:s29+$0x260]  }
0x25a: {  	v3 =	vadd.f32 v27, v3  }
0x25b: {  	v30 =	vld [tilespmem:s29+$0x2E0]  }
0x25c: {  	v3 =	vadd.f32 v28, v3;
	_ =	sdelay $0x1  }
0x25d: {  	v3 =	vadd.f32 v29, v3;
	_ =	sdelay $0x1  }
0x25e: {  	v3 =	vadd.f32 v30, v3;
	_ =	sdelay $0x1  }
0x25f: {  	[tilespmem:s0+$0x60] =	vst v3  }
0x260: {  	v3 =	vld [tilespmem:s26+$0x470]  }
0x261: {  	v31 =	vld [tilespmem:s26+$0x4F0];
	_ =	sdelay $0x1  }
0x262: {  	v32 =	vld [tilespmem:s28+$0x170];
	_ =	sdelay $0x1  }
0x263: {  	v33 =	vld [tilespmem:s28+$0x1F0]  }
0x264: {  	v3 =	vadd.f32 v31, v3  }
0x265: {  	v34 =	vld [tilespmem:s29+$0x270]  }
0x266: {  	v3 =	vadd.f32 v32, v3  }
0x267: {  	v35 =	vld [tilespmem:s29+$0x2F0]  }
0x268: {  	v3 =	vadd.f32 v33, v3;
	_ =	sdelay $0x1  }
0x269: {  	v3 =	vadd.f32 v34, v3;
	_ =	sdelay $0x1  }
0x26a: {  	v3 =	vadd.f32 v35, v3;
	_ =	sdelay $0x1  }
0x26b: {  	[tilespmem:s0+$0x70] =	vst v3  }
0x26c: {  	v3 =	vld [tilespmem:s26+$0x800]  }
0x26d: {  	v36 =	vld [tilespmem:s26+$0x880];
	_ =	sdelay $0x1  }
0x26e: {  	v37 =	vld [tilespmem:s28+$0x500];
	_ =	sdelay $0x1  }
0x26f: {  	v38 =	vld [tilespmem:s28+$0x580]  }
0x270: {  	v3 =	vadd.f32 v36, v3  }
0x271: {  	v39 =	vld [tilespmem:s29+$0x600]  }
0x272: {  	v3 =	vadd.f32 v37, v3  }
0x273: {  	v40 =	vld [tilespmem:s29+$0x680]  }
0x274: {  	v3 =	vadd.f32 v38, v3;
	_ =	sdelay $0x1  }
0x275: {  	v3 =	vadd.f32 v39, v3;
	_ =	sdelay $0x1  }
0x276: {  	v3 =	vadd.f32 v40, v3  }
0x277: {  	s15 =	sor.u32 s10, s7  }
0x278: {  	[tilespmem:s15+$0x0] =	vst v3  }
0x279: {  	v3 =	vld [tilespmem:s26+$0x810]  }
0x27a: {  	v41 =	vld [tilespmem:s26+$0x890];
	_ =	sdelay $0x1  }
0x27b: {  	v42 =	vld [tilespmem:s28+$0x510];
	_ =	sdelay $0x1  }
0x27c: {  	v43 =	vld [tilespmem:s28+$0x590]  }
0x27d: {  	v3 =	vadd.f32 v41, v3  }
0x27e: {  	v44 =	vld [tilespmem:s29+$0x610]  }
0x27f: {  	v3 =	vadd.f32 v42, v3  }
0x280: {  	v45 =	vld [tilespmem:s29+$0x690]  }
0x281: {  	v3 =	vadd.f32 v43, v3;
	_ =	sdelay $0x1  }
0x282: {  	v3 =	vadd.f32 v44, v3;
	_ =	sdelay $0x1  }
0x283: {  	v3 =	vadd.f32 v45, v3;
	_ =	sdelay $0x1  }
0x284: {  	[tilespmem:s15+$0x10] =	vst v3  }
0x285: {  	v3 =	vld [tilespmem:s26+$0x820]  }
0x286: {  	v46 =	vld [tilespmem:s26+$0x8A0];
	_ =	sdelay $0x1  }
0x287: {  	s13 =	sor.u32 $0x2, s25;
	v47 =	vld [tilespmem:s28+$0x520]  }
0x288: {  	s31 =	smul.u32 $0x6, s13  }
0x289: {  	v48 =	vld [tilespmem:s28+$0x5A0]  }
0x28a: {  	s1 =	sadd.s32 $0x4, s31;
	v3 =	vadd.f32 v46, v3  }
0x28b: {  	s1 =	sshrl.u32 s1, $0x3;
	v49 =	vld [tilespmem:s29+$0x620]  }
0x28c: {  	s1 =	smul.u32 $0x3000, s1;
	v3 =	vadd.f32 v47, v3  }
0x28d: {  	s14 =	sshrl.u32 s31, $0x3;
	v50 =	vld [tilespmem:s29+$0x6A0]  }
0x28e: {  	s1 =	sshra.s32 s1, $0x2;
	s0 =	smul.u32 $0x3000, s14;
	v3 =	vadd.f32 v48, v3  }
0x28f: {  	v57 =	vld [tilespmem:s1+$0x100]  }
0x290: {  	v59 =	vld [tilespmem:s1+$0x180];
	s14 =	sor.u32 $0x3, s25;
	s0 =	sshra.s32 s0, $0x2;
	v3 =	vadd.f32 v49, v3  }
0x291: {  	s16 =	smul.u32 $0x6, s14;
	v9 =	vld [tilespmem:s0+$0x300]  }
0x292: {  	v10 =	vld [tilespmem:s0+$0x380];
	v3 =	vadd.f32 v50, v3  }
0x293: {  	s16 =	sshrl.u32 s16, $0x3;
	v11 =	vld [tilespmem:s0+$0x400]  }
0x294: {  	v55 =	vld [tilespmem:s0+$0x480];
	s16 =	smul.u32 $0x3000, s16;
	[tilespmem:s15+$0x20] =	vst v3  }
0x295: {  	v3 =	vld [tilespmem:s26+$0x830]  }
0x296: {  	s31 =	sshra.s32 s16, $0x2;
	v51 =	vld [tilespmem:s26+$0x8B0]  }
0x297: {  	v12 =	vld [tilespmem:s31+$0x200]  }
0x298: {  	v52 =	vld [tilespmem:s28+$0x530]  }
0x299: {  	v13 =	vld [tilespmem:s31+$0x280];
	v9 =	vadd.f32 v10, v9  }
0x29a: {  	v53 =	vld [tilespmem:s28+$0x5B0]  }
0x29b: {  	v56 =	vld [tilespmem:s31+$0x300];
	v9 =	vadd.f32 v11, v9;
	v3 =	vadd.f32 v51, v3  }
0x29c: {  	v54 =	vld [tilespmem:s29+$0x630]  }
0x29d: {  	v58 =	vld [tilespmem:s31+$0x380];
	v4 =	vadd.f32 v55, v9;
	v3 =	vadd.f32 v52, v3  }
0x29e: {  	v12 =	vadd.f32 v13, v12;
	v8 =	vld [tilespmem:s29+$0x6B0]  }
0x29f: {  	v4 =	vadd.f32 v57, v4;
	v3 =	vadd.f32 v53, v3  }
0x2a0: {  	s13 =	sshll.u32 s13, $0x7;
	v60 =	vld [tilespmem:s31+$0x400];
	v61 =	vadd.f32 v56, v12  }
0x2a1: {  	s13 =	sand.u32 $0x300, s13;
	v4 =	vadd.f32 v59, v4;
	v3 =	vadd.f32 v54, v3  }
0x2a2: {  	s16 =	sadd.s32 s13, s11;
	v62 =	vld [tilespmem:s31+$0x480]  }
0x2a3: {  	v7 =	vadd.f32 v58, v61;
	[tilespmem:s16+$0x0] =	vst v4;
	v3 =	vadd.f32 v8, v3  }
0x2a4: {  	v4 =	vld [tilespmem:s0+$0x310]  }
0x2a5: {  	v13 =	vld [tilespmem:s0+$0x390];
	[tilespmem:s15+$0x30] =	vst v3;
	v3 =	vadd.f32 v60, v7  }
0x2a6: {  	s14 =	sshll.u32 s14, $0x7  }
0x2a7: {  	s14 =	sand.u32 $0x380, s14;
	v14 =	vld [tilespmem:s0+$0x410];
	v3 =	vadd.f32 v62, v3  }
0x2a8: {  	s11 =	sadd.s32 s14, s11;
	v16 =	vld [tilespmem:s0+$0x490]  }
0x2a9: {  	v18 =	vld [tilespmem:s1+$0x110];
	[tilespmem:s11+$0x0] =	vst v3  }
0x2aa: {  	v4 =	vadd.f32 v13, v4;
	v3 =	vld [tilespmem:s31+$0x210]  }
0x2ab: {  	v15 =	vld [tilespmem:s31+$0x290]  }
0x2ac: {  	v20 =	vld [tilespmem:s1+$0x190];
	v4 =	vadd.f32 v14, v4  }
0x2ad: {  	v17 =	vld [tilespmem:s31+$0x310]  }
0x2ae: {  	v4 =	vadd.f32 v16, v4  }
0x2af: {  	v19 =	vld [tilespmem:s31+$0x390]  }
0x2b0: {  	v4 =	vadd.f32 v18, v4;
	v3 =	vadd.f32 v15, v3  }
0x2b1: {  	v21 =	vld [tilespmem:s31+$0x410]  }
0x2b2: {  	v4 =	vadd.f32 v20, v4;
	v3 =	vadd.f32 v17, v3  }
0x2b3: {  	v23 =	vld [tilespmem:s31+$0x490]  }
0x2b4: {  	[tilespmem:s16+$0x10] =	vst v4;
	v3 =	vadd.f32 v19, v3  }
0x2b5: {  	v4 =	vld [tilespmem:s0+$0x320]  }
0x2b6: {  	v28 =	vld [tilespmem:s0+$0x3A0];
	v3 =	vadd.f32 v21, v3;
	_ =	sdelay $0x1  }
0x2b7: {  	v29 =	vld [tilespmem:s0+$0x420];
	v3 =	vadd.f32 v23, v3  }
0x2b8: {  	v31 =	vld [tilespmem:s0+$0x4A0]  }
0x2b9: {  	v33 =	vld [tilespmem:s1+$0x120];
	[tilespmem:s11+$0x10] =	vst v3  }
0x2ba: {  	v4 =	vadd.f32 v28, v4;
	v3 =	vld [tilespmem:s31+$0x220]  }
0x2bb: {  	v30 =	vld [tilespmem:s31+$0x2A0]  }
0x2bc: {  	v35 =	vld [tilespmem:s1+$0x1A0];
	v4 =	vadd.f32 v29, v4  }
0x2bd: {  	v32 =	vld [tilespmem:s31+$0x320]  }
0x2be: {  	v4 =	vadd.f32 v31, v4  }
0x2bf: {  	v34 =	vld [tilespmem:s31+$0x3A0]  }
0x2c0: {  	v4 =	vadd.f32 v33, v4;
	v3 =	vadd.f32 v30, v3  }
0x2c1: {  	v36 =	vld [tilespmem:s31+$0x420]  }
0x2c2: {  	v4 =	vadd.f32 v35, v4;
	v3 =	vadd.f32 v32, v3  }
0x2c3: {  	v37 =	vld [tilespmem:s31+$0x4A0]  }
0x2c4: {  	[tilespmem:s16+$0x20] =	vst v4;
	v3 =	vadd.f32 v34, v3  }
0x2c5: {  	v4 =	vld [tilespmem:s0+$0x330]  }
0x2c6: {  	v38 =	vld [tilespmem:s0+$0x3B0];
	v3 =	vadd.f32 v36, v3  }
0x2c7: {  	v39 =	vld [tilespmem:s0+$0x430]  }
0x2c8: {  	v41 =	vld [tilespmem:s0+$0x4B0];
	v3 =	vadd.f32 v37, v3  }
0x2c9: {  	v43 =	vld [tilespmem:s1+$0x130]  }
0x2ca: {  	v45 =	vld [tilespmem:s1+$0x1B0];
	[tilespmem:s11+$0x20] =	vst v3  }
0x2cb: {  	v3 =	vld [tilespmem:s31+$0x230]  }
0x2cc: {  	v4 =	vadd.f32 v38, v4;
	v40 =	vld [tilespmem:s31+$0x2B0]  }
0x2cd: {  	v63 =	vld [tilespmem:s26+$0x840]  }
0x2ce: {  	v4 =	vadd.f32 v39, v4;
	v42 =	vld [tilespmem:s31+$0x330]  }
0x2cf: {  	v22 =	vld [tilespmem:s26+$0x8C0]  }
0x2d0: {  	v4 =	vadd.f32 v41, v4;
	v44 =	vld [tilespmem:s31+$0x3B0]  }
0x2d1: {  	v24 =	vld [tilespmem:s28+$0x540];
	v3 =	vadd.f32 v40, v3  }
0x2d2: {  	v4 =	vadd.f32 v43, v4;
	v46 =	vld [tilespmem:s31+$0x430]  }
0x2d3: {  	v25 =	vld [tilespmem:s28+$0x5C0];
	v3 =	vadd.f32 v42, v3  }
0x2d4: {  	v4 =	vadd.f32 v45, v4;
	v48 =	vld [tilespmem:s31+$0x4B0]  }
0x2d5: {  	v26 =	vld [tilespmem:s29+$0x640];
	v6 =	vadd.f32 v22, v63;
	v3 =	vadd.f32 v44, v3  }
0x2d6: {  	v27 =	vld [tilespmem:s29+$0x6C0];
	[tilespmem:s16+$0x30] =	vst v4  }
0x2d7: {  	v4 =	vld [tilespmem:s0+$0x340];
	v6 =	vadd.f32 v24, v6;
	v3 =	vadd.f32 v46, v3  }
0x2d8: {  	v53 =	vld [tilespmem:s0+$0x3C0]  }
0x2d9: {  	v54 =	vld [tilespmem:s0+$0x440];
	v6 =	vadd.f32 v25, v6;
	v3 =	vadd.f32 v48, v3  }
0x2da: {  	v56 =	vld [tilespmem:s0+$0x4C0]  }
0x2db: {  	v58 =	vld [tilespmem:s1+$0x140];
	v6 =	vadd.f32 v26, v6;
	[tilespmem:s11+$0x30] =	vst v3  }
0x2dc: {  	v3 =	vld [tilespmem:s31+$0x240]  }
0x2dd: {  	v6 =	vadd.f32 v27, v6;
	v55 =	vld [tilespmem:s31+$0x2C0]  }
0x2de: {  	v60 =	vld [tilespmem:s1+$0x1C0];
	v4 =	vadd.f32 v53, v4  }
0x2df: {  	[tilespmem:s15+$0x40] =	vst v6;
	v57 =	vld [tilespmem:s31+$0x340]  }
0x2e0: {  	v4 =	vadd.f32 v54, v4;
	v6 =	vld [tilespmem:s26+$0x850]  }
0x2e1: {  	v59 =	vld [tilespmem:s31+$0x3C0]  }
0x2e2: {  	v4 =	vadd.f32 v56, v4;
	v47 =	vld [tilespmem:s26+$0x8D0];
	v3 =	vadd.f32 v55, v3  }
0x2e3: {  	v61 =	vld [tilespmem:s31+$0x440]  }
0x2e4: {  	v4 =	vadd.f32 v58, v4;
	v49 =	vld [tilespmem:s28+$0x550];
	v3 =	vadd.f32 v57, v3  }
0x2e5: {  	v62 =	vld [tilespmem:s31+$0x4C0]  }
0x2e6: {  	v4 =	vadd.f32 v60, v4;
	v50 =	vld [tilespmem:s28+$0x5D0];
	v3 =	vadd.f32 v59, v3  }
0x2e7: {  	v51 =	vld [tilespmem:s29+$0x650]  }
0x2e8: {  	v52 =	vld [tilespmem:s29+$0x6D0];
	[tilespmem:s16+$0x40] =	vst v4;
	v6 =	vadd.f32 v47, v6;
	v3 =	vadd.f32 v61, v3  }
0x2e9: {  	v4 =	vld [tilespmem:s0+$0x350]  }
0x2ea: {  	v63 =	vld [tilespmem:s0+$0x3D0];
	v6 =	vadd.f32 v49, v6;
	v3 =	vadd.f32 v62, v3  }
0x2eb: {  	v12 =	vld [tilespmem:s0+$0x450]  }
0x2ec: {  	v14 =	vld [tilespmem:s0+$0x4D0];
	v6 =	vadd.f32 v50, v6;
	[tilespmem:s11+$0x40] =	vst v3  }
0x2ed: {  	v3 =	vld [tilespmem:s31+$0x250]  }
0x2ee: {  	v6 =	vadd.f32 v51, v6;
	v13 =	vld [tilespmem:s31+$0x2D0]  }
0x2ef: {  	v16 =	vld [tilespmem:s1+$0x150]  }
0x2f0: {  	v4 =	vadd.f32 v63, v4;
	v6 =	vadd.f32 v52, v6;
	v15 =	vld [tilespmem:s31+$0x350]  }
0x2f1: {  	v18 =	vld [tilespmem:s1+$0x1D0]  }
0x2f2: {  	v4 =	vadd.f32 v12, v4;
	[tilespmem:s15+$0x50] =	vst v6;
	v17 =	vld [tilespmem:s31+$0x3D0]  }
0x2f3: {  	v6 =	vld [tilespmem:s26+$0x860];
	v3 =	vadd.f32 v13, v3  }
0x2f4: {  	v4 =	vadd.f32 v14, v4;
	v19 =	vld [tilespmem:s31+$0x450]  }
0x2f5: {  	v20 =	vld [tilespmem:s26+$0x8E0];
	v3 =	vadd.f32 v15, v3  }
0x2f6: {  	v4 =	vadd.f32 v16, v4;
	v21 =	vld [tilespmem:s31+$0x4D0]  }
0x2f7: {  	v22 =	vld [tilespmem:s28+$0x560];
	v3 =	vadd.f32 v17, v3  }
0x2f8: {  	v4 =	vadd.f32 v18, v4;
	v23 =	vld [tilespmem:s28+$0x5E0]  }
0x2f9: {  	v24 =	vld [tilespmem:s29+$0x660];
	v3 =	vadd.f32 v19, v3  }
0x2fa: {  	v25 =	vld [tilespmem:s29+$0x6E0];
	[tilespmem:s16+$0x50] =	vst v4  }
0x2fb: {  	v4 =	vld [tilespmem:s0+$0x360];
	v3 =	vadd.f32 v21, v3  }
0x2fc: {  	v26 =	vld [tilespmem:s0+$0x3E0]  }
0x2fd: {  	v27 =	vld [tilespmem:s0+$0x460];
	[tilespmem:s11+$0x50] =	vst v3  }
0x2fe: {  	v3 =	vld [tilespmem:s31+$0x260]  }
0x2ff: {  	v28 =	vld [tilespmem:s31+$0x2E0]  }
0x300: {  	v29 =	vld [tilespmem:s0+$0x4E0];
	v6 =	vadd.f32 v20, v6  }
0x301: {  	v4 =	vadd.f32 v26, v4;
	v30 =	vld [tilespmem:s31+$0x360]  }
0x302: {  	v31 =	vld [tilespmem:s1+$0x160];
	v6 =	vadd.f32 v22, v6  }
0x303: {  	v4 =	vadd.f32 v27, v4;
	v32 =	vld [tilespmem:s31+$0x3E0]  }
0x304: {  	v33 =	vld [tilespmem:s1+$0x1E0];
	v6 =	vadd.f32 v23, v6;
	v3 =	vadd.f32 v28, v3  }
0x305: {  	v4 =	vadd.f32 v29, v4;
	v34 =	vld [tilespmem:s31+$0x460]  }
0x306: {  	v6 =	vadd.f32 v24, v6;
	v3 =	vadd.f32 v30, v3  }
0x307: {  	v4 =	vadd.f32 v31, v4;
	v35 =	vld [tilespmem:s31+$0x4E0]  }
0x308: {  	v6 =	vadd.f32 v25, v6;
	v3 =	vadd.f32 v32, v3  }
0x309: {  	v4 =	vadd.f32 v33, v4  }
0x30a: {  	[tilespmem:s15+$0x60] =	vst v6;
	v3 =	vadd.f32 v34, v3  }
0x30b: {  	v6 =	vld [tilespmem:s26+$0x870];
	[tilespmem:s16+$0x60] =	vst v4  }
0x30c: {  	v4 =	vld [tilespmem:s0+$0x370];
	v3 =	vadd.f32 v35, v3  }
0x30d: {  	v36 =	vld [tilespmem:s0+$0x3F0]  }
0x30e: {  	v37 =	vld [tilespmem:s0+$0x470];
	[tilespmem:s11+$0x60] =	vst v3  }
0x30f: {  	v3 =	vld [tilespmem:s31+$0x270]  }
0x310: {  	v38 =	vld [tilespmem:s31+$0x2F0]  }
0x311: {  	v39 =	vld [tilespmem:s0+$0x4F0]  }
0x312: {  	v4 =	vadd.f32 v36, v4;
	v40 =	vld [tilespmem:s31+$0x370]  }
0x313: {  	v41 =	vld [tilespmem:s1+$0x170]  }
0x314: {  	v4 =	vadd.f32 v37, v4;
	v42 =	vld [tilespmem:s31+$0x3F0]  }
0x315: {  	v43 =	vld [tilespmem:s1+$0x1F0];
	v3 =	vadd.f32 v38, v3  }
0x316: {  	v4 =	vadd.f32 v39, v4;
	v44 =	vld [tilespmem:s31+$0x470]  }
0x317: {  	v45 =	vld [tilespmem:s26+$0x8F0];
	v3 =	vadd.f32 v40, v3  }
0x318: {  	v4 =	vadd.f32 v41, v4;
	v46 =	vld [tilespmem:s31+$0x4F0]  }
0x319: {  	v47 =	vld [tilespmem:s28+$0x570];
	v3 =	vadd.f32 v42, v3  }
0x31a: {  	v49 =	vld [tilespmem:s29+$0x670];
	v4 =	vadd.f32 v43, v4  }
0x31b: {  	v50 =	vld [tilespmem:s29+$0x6F0];
	v3 =	vadd.f32 v44, v3  }
0x31c: {  	v48 =	vld [tilespmem:s28+$0x5F0];
	[tilespmem:s16+$0x70] =	vst v4  }
0x31d: {  	v51 =	vld [tilespmem:s0+$0x700];
	v3 =	vadd.f32 v46, v3  }
0x31e: {  	v52 =	vld [tilespmem:s0+$0x780]  }
0x31f: {  	[tilespmem:s11+$0x70] =	vst v3;
	v3 =	vld [tilespmem:s0+$0x800]  }
0x320: {  	v53 =	vld [tilespmem:s31+$0x600]  }
0x321: {  	v54 =	vld [tilespmem:s31+$0x680]  }
0x322: {  	v6 =	vadd.f32 v45, v6;
	v55 =	vld [tilespmem:s0+$0x880]  }
0x323: {  	v5 =	vadd.f32 v52, v51;
	v56 =	vld [tilespmem:s31+$0x700]  }
0x324: {  	v6 =	vadd.f32 v47, v6;
	v57 =	vld [tilespmem:s1+$0x500]  }
0x325: {  	v58 =	vld [tilespmem:s31+$0x780];
	v3 =	vadd.f32 v3, v5  }
0x326: {  	v6 =	vadd.f32 v48, v6;
	v59 =	vld [tilespmem:s1+$0x580];
	v12 =	vadd.f32 v54, v53  }
0x327: {  	v60 =	vld [tilespmem:s31+$0x800];
	v3 =	vadd.f32 v55, v3  }
0x328: {  	v6 =	vadd.f32 v49, v6;
	v8 =	vadd.f32 v56, v12  }
0x329: {  	v61 =	vld [tilespmem:s31+$0x880];
	v3 =	vadd.f32 v57, v3  }
0x32a: {  	v4 =	vadd.f32 v50, v6;
	v5 =	vadd.f32 v58, v8  }
0x32b: {  	v3 =	vadd.f32 v59, v3  }
0x32c: {  	s16 =	sadd.s32 s13, s7;
	[tilespmem:s15+$0x70] =	vst v4;
	v62 =	vadd.f32 v60, v5  }
0x32d: {  	v63 =	vld [tilespmem:s26+$0xC00];
	[tilespmem:s16+$0x0] =	vst v3  }
0x32e: {  	v3 =	vld [tilespmem:s0+$0x710];
	v4 =	vadd.f32 v61, v62  }
0x32f: {  	s7 =	sadd.s32 s14, s7;
	v16 =	vld [tilespmem:s0+$0x790]  }
0x330: {  	v17 =	vld [tilespmem:s0+$0x810];
	[tilespmem:s7+$0x0] =	vst v4  }
0x331: {  	v4 =	vld [tilespmem:s31+$0x610]  }
0x332: {  	v18 =	vld [tilespmem:s31+$0x690]  }
0x333: {  	v19 =	vld [tilespmem:s0+$0x890]  }
0x334: {  	v20 =	vld [tilespmem:s31+$0x710];
	v3 =	vadd.f32 v16, v3  }
0x335: {  	v21 =	vld [tilespmem:s1+$0x510]  }
0x336: {  	v22 =	vld [tilespmem:s31+$0x790];
	v3 =	vadd.f32 v17, v3  }
0x337: {  	v23 =	vld [tilespmem:s1+$0x590];
	v4 =	vadd.f32 v18, v4  }
0x338: {  	v24 =	vld [tilespmem:s31+$0x810];
	v3 =	vadd.f32 v19, v3  }
0x339: {  	v25 =	vld [tilespmem:s26+$0xC80];
	v4 =	vadd.f32 v20, v4  }
0x33a: {  	v26 =	vld [tilespmem:s31+$0x890];
	v3 =	vadd.f32 v21, v3  }
0x33b: {  	v27 =	vld [tilespmem:s28+$0x900];
	v4 =	vadd.f32 v22, v4  }
0x33c: {  	v29 =	vld [tilespmem:s29+$0xA00];
	v3 =	vadd.f32 v23, v3  }
0x33d: {  	v28 =	vld [tilespmem:s28+$0x980];
	v4 =	vadd.f32 v24, v4  }
0x33e: {  	v30 =	vld [tilespmem:s29+$0xA80];
	[tilespmem:s16+$0x10] =	vst v3  }
0x33f: {  	v3 =	vld [tilespmem:s0+$0x720];
	v4 =	vadd.f32 v26, v4  }
0x340: {  	v31 =	vld [tilespmem:s0+$0x7A0]  }
0x341: {  	v32 =	vld [tilespmem:s0+$0x820];
	[tilespmem:s7+$0x10] =	vst v4  }
0x342: {  	v4 =	vld [tilespmem:s31+$0x620]  }
0x343: {  	v33 =	vld [tilespmem:s31+$0x6A0]  }
0x344: {  	v5 =	vadd.f32 v25, v63;
	v34 =	vld [tilespmem:s0+$0x8A0]  }
0x345: {  	v35 =	vld [tilespmem:s31+$0x720];
	v3 =	vadd.f32 v31, v3  }
0x346: {  	v5 =	vadd.f32 v27, v5;
	v36 =	vld [tilespmem:s1+$0x520]  }
0x347: {  	v37 =	vld [tilespmem:s31+$0x7A0];
	v3 =	vadd.f32 v32, v3  }
0x348: {  	v5 =	vadd.f32 v28, v5;
	v38 =	vld [tilespmem:s1+$0x5A0];
	v4 =	vadd.f32 v33, v4  }
0x349: {  	v39 =	vld [tilespmem:s31+$0x820];
	v3 =	vadd.f32 v34, v3  }
0x34a: {  	v5 =	vadd.f32 v29, v5;
	v4 =	vadd.f32 v35, v4  }
0x34b: {  	v40 =	vld [tilespmem:s31+$0x8A0];
	v3 =	vadd.f32 v36, v3  }
0x34c: {  	v5 =	vadd.f32 v30, v5;
	v4 =	vadd.f32 v37, v4  }
0x34d: {  	s10 =	sor.u32 s10, s30;
	v3 =	vadd.f32 v38, v3  }
0x34e: {  	[tilespmem:s10+$0x0] =	vst v5;
	v4 =	vadd.f32 v39, v4  }
0x34f: {  	v5 =	vld [tilespmem:s26+$0xC10];
	[tilespmem:s16+$0x20] =	vst v3  }
0x350: {  	v3 =	vld [tilespmem:s0+$0x730];
	v4 =	vadd.f32 v40, v4  }
0x351: {  	v41 =	vld [tilespmem:s0+$0x7B0]  }
0x352: {  	v42 =	vld [tilespmem:s0+$0x830];
	[tilespmem:s7+$0x20] =	vst v4  }
0x353: {  	v4 =	vld [tilespmem:s31+$0x630]  }
0x354: {  	v43 =	vld [tilespmem:s31+$0x6B0]  }
0x355: {  	v44 =	vld [tilespmem:s0+$0x8B0]  }
0x356: {  	v45 =	vld [tilespmem:s31+$0x730];
	v3 =	vadd.f32 v41, v3  }
0x357: {  	v46 =	vld [tilespmem:s1+$0x530]  }
0x358: {  	v47 =	vld [tilespmem:s31+$0x7B0];
	v3 =	vadd.f32 v42, v3  }
0x359: {  	v48 =	vld [tilespmem:s1+$0x5B0];
	v4 =	vadd.f32 v43, v4  }
0x35a: {  	v49 =	vld [tilespmem:s31+$0x830];
	v3 =	vadd.f32 v44, v3  }
0x35b: {  	v50 =	vld [tilespmem:s26+$0xC90];
	v4 =	vadd.f32 v45, v4  }
0x35c: {  	v51 =	vld [tilespmem:s31+$0x8B0];
	v3 =	vadd.f32 v46, v3  }
0x35d: {  	v52 =	vld [tilespmem:s28+$0x910];
	v4 =	vadd.f32 v47, v4  }
0x35e: {  	v53 =	vld [tilespmem:s28+$0x990];
	v3 =	vadd.f32 v48, v3  }
0x35f: {  	v54 =	vld [tilespmem:s29+$0xA10];
	v4 =	vadd.f32 v49, v4  }
0x360: {  	v55 =	vld [tilespmem:s29+$0xA90];
	[tilespmem:s16+$0x30] =	vst v3  }
0x361: {  	v3 =	vld [tilespmem:s0+$0x740];
	v4 =	vadd.f32 v51, v4  }
0x362: {  	v56 =	vld [tilespmem:s0+$0x7C0]  }
0x363: {  	v57 =	vld [tilespmem:s0+$0x840];
	[tilespmem:s7+$0x30] =	vst v4  }
0x364: {  	v4 =	vld [tilespmem:s31+$0x640]  }
0x365: {  	v58 =	vld [tilespmem:s31+$0x6C0]  }
0x366: {  	v5 =	vadd.f32 v50, v5;
	v59 =	vld [tilespmem:s0+$0x8C0]  }
0x367: {  	v60 =	vld [tilespmem:s31+$0x740];
	v3 =	vadd.f32 v56, v3  }
0x368: {  	v5 =	vadd.f32 v52, v5;
	v61 =	vld [tilespmem:s1+$0x540]  }
0x369: {  	v62 =	vld [tilespmem:s31+$0x7C0];
	v3 =	vadd.f32 v57, v3  }
0x36a: {  	v5 =	vadd.f32 v53, v5;
	v63 =	vld [tilespmem:s1+$0x5C0];
	v4 =	vadd.f32 v58, v4  }
0x36b: {  	v13 =	vld [tilespmem:s31+$0x840];
	v3 =	vadd.f32 v59, v3  }
0x36c: {  	v5 =	vadd.f32 v54, v5;
	v4 =	vadd.f32 v60, v4  }
0x36d: {  	v14 =	vld [tilespmem:s31+$0x8C0];
	v3 =	vadd.f32 v61, v3  }
0x36e: {  	v5 =	vadd.f32 v55, v5;
	v4 =	vadd.f32 v62, v4  }
0x36f: {  	v3 =	vadd.f32 v63, v3  }
0x370: {  	[tilespmem:s10+$0x10] =	vst v5;
	v4 =	vadd.f32 v13, v4  }
0x371: {  	v5 =	vld [tilespmem:s26+$0xC20];
	[tilespmem:s16+$0x40] =	vst v3  }
0x372: {  	v3 =	vld [tilespmem:s0+$0x750];
	v4 =	vadd.f32 v14, v4  }
0x373: {  	v15 =	vld [tilespmem:s0+$0x7D0]  }
0x374: {  	v16 =	vld [tilespmem:s0+$0x850];
	[tilespmem:s7+$0x40] =	vst v4  }
0x375: {  	v4 =	vld [tilespmem:s31+$0x650]  }
0x376: {  	v17 =	vld [tilespmem:s31+$0x6D0]  }
0x377: {  	v18 =	vld [tilespmem:s0+$0x8D0]  }
0x378: {  	v19 =	vld [tilespmem:s31+$0x750];
	v3 =	vadd.f32 v15, v3  }
0x379: {  	v20 =	vld [tilespmem:s1+$0x550]  }
0x37a: {  	v21 =	vld [tilespmem:s31+$0x7D0];
	v3 =	vadd.f32 v16, v3  }
0x37b: {  	v22 =	vld [tilespmem:s1+$0x5D0];
	v4 =	vadd.f32 v17, v4  }
0x37c: {  	v23 =	vld [tilespmem:s31+$0x850];
	v3 =	vadd.f32 v18, v3  }
0x37d: {  	v24 =	vld [tilespmem:s26+$0xCA0];
	v4 =	vadd.f32 v19, v4  }
0x37e: {  	v25 =	vld [tilespmem:s31+$0x8D0];
	v3 =	vadd.f32 v20, v3  }
0x37f: {  	v26 =	vld [tilespmem:s28+$0x920];
	v4 =	vadd.f32 v21, v4  }
0x380: {  	v27 =	vld [tilespmem:s28+$0x9A0];
	v3 =	vadd.f32 v22, v3  }
0x381: {  	v28 =	vld [tilespmem:s29+$0xA20];
	v4 =	vadd.f32 v23, v4  }
0x382: {  	v29 =	vld [tilespmem:s29+$0xAA0];
	[tilespmem:s16+$0x50] =	vst v3  }
0x383: {  	v3 =	vld [tilespmem:s0+$0x760];
	v4 =	vadd.f32 v25, v4  }
0x384: {  	v30 =	vld [tilespmem:s0+$0x7E0]  }
0x385: {  	v31 =	vld [tilespmem:s0+$0x860];
	[tilespmem:s7+$0x50] =	vst v4  }
0x386: {  	v4 =	vld [tilespmem:s31+$0x660]  }
0x387: {  	v32 =	vld [tilespmem:s31+$0x6E0]  }
0x388: {  	v5 =	vadd.f32 v24, v5;
	v33 =	vld [tilespmem:s0+$0x8E0]  }
0x389: {  	v34 =	vld [tilespmem:s31+$0x760];
	v3 =	vadd.f32 v30, v3  }
0x38a: {  	v5 =	vadd.f32 v26, v5;
	v35 =	vld [tilespmem:s1+$0x560]  }
0x38b: {  	v36 =	vld [tilespmem:s31+$0x7E0];
	v3 =	vadd.f32 v31, v3  }
0x38c: {  	v5 =	vadd.f32 v27, v5;
	v37 =	vld [tilespmem:s1+$0x5E0];
	v4 =	vadd.f32 v32, v4  }
0x38d: {  	v38 =	vld [tilespmem:s31+$0x860];
	v3 =	vadd.f32 v33, v3  }
0x38e: {  	v5 =	vadd.f32 v28, v5;
	v4 =	vadd.f32 v34, v4  }
0x38f: {  	v39 =	vld [tilespmem:s31+$0x8E0];
	v3 =	vadd.f32 v35, v3  }
0x390: {  	v5 =	vadd.f32 v29, v5;
	v4 =	vadd.f32 v36, v4  }
0x391: {  	v3 =	vadd.f32 v37, v3  }
0x392: {  	[tilespmem:s10+$0x20] =	vst v5;
	v4 =	vadd.f32 v38, v4  }
0x393: {  	v5 =	vld [tilespmem:s26+$0xC30];
	[tilespmem:s16+$0x60] =	vst v3  }
0x394: {  	v3 =	vld [tilespmem:s0+$0x770];
	v4 =	vadd.f32 v39, v4  }
0x395: {  	v40 =	vld [tilespmem:s0+$0x7F0]  }
0x396: {  	v41 =	vld [tilespmem:s0+$0x870];
	[tilespmem:s7+$0x60] =	vst v4  }
0x397: {  	v4 =	vld [tilespmem:s31+$0x670]  }
0x398: {  	v42 =	vld [tilespmem:s31+$0x6F0]  }
0x399: {  	v43 =	vld [tilespmem:s0+$0x8F0]  }
0x39a: {  	v44 =	vld [tilespmem:s31+$0x770];
	v3 =	vadd.f32 v40, v3  }
0x39b: {  	v45 =	vld [tilespmem:s1+$0x570]  }
0x39c: {  	v46 =	vld [tilespmem:s31+$0x7F0];
	v3 =	vadd.f32 v41, v3  }
0x39d: {  	v47 =	vld [tilespmem:s1+$0x5F0];
	v4 =	vadd.f32 v42, v4  }
0x39e: {  	v48 =	vld [tilespmem:s31+$0x870];
	v3 =	vadd.f32 v43, v3  }
0x39f: {  	v52 =	vld [tilespmem:s28+$0x9B0];
	v4 =	vadd.f32 v44, v4  }
0x3a0: {  	v50 =	vld [tilespmem:s31+$0x8F0];
	v3 =	vadd.f32 v45, v3  }
0x3a1: {  	v53 =	vld [tilespmem:s29+$0xA30];
	v4 =	vadd.f32 v46, v4  }
0x3a2: {  	v49 =	vld [tilespmem:s26+$0xCB0];
	v3 =	vadd.f32 v47, v3  }
0x3a3: {  	v51 =	vld [tilespmem:s28+$0x930];
	v4 =	vadd.f32 v48, v4  }
0x3a4: {  	[tilespmem:s16+$0x70] =	vst v3;
	v3 =	vld [tilespmem:s29+$0xAB0]  }
0x3a5: {  	v54 =	vld [tilespmem:s0+$0xB00];
	v4 =	vadd.f32 v50, v4  }
0x3a6: {  	v55 =	vld [tilespmem:s0+$0xB80]  }
0x3a7: {  	v56 =	vld [tilespmem:s0+$0xC00];
	[tilespmem:s7+$0x70] =	vst v4  }
0x3a8: {  	v57 =	vld [tilespmem:s31+$0xA00]  }
0x3a9: {  	v58 =	vld [tilespmem:s31+$0xA80]  }
0x3aa: {  	v5 =	vadd.f32 v49, v5;
	v59 =	vld [tilespmem:s0+$0xC80]  }
0x3ab: {  	v60 =	vld [tilespmem:s31+$0xB00];
	v6 =	vadd.f32 v55, v54  }
0x3ac: {  	v5 =	vadd.f32 v51, v5;
	v61 =	vld [tilespmem:s1+$0x900]  }
0x3ad: {  	v62 =	vld [tilespmem:s31+$0xB80];
	v4 =	vadd.f32 v56, v6  }
0x3ae: {  	v5 =	vadd.f32 v52, v5;
	v63 =	vld [tilespmem:s1+$0x980];
	v12 =	vadd.f32 v58, v57  }
0x3af: {  	v16 =	vld [tilespmem:s31+$0xC00];
	v4 =	vadd.f32 v59, v4  }
0x3b0: {  	v5 =	vadd.f32 v53, v5;
	v8 =	vadd.f32 v60, v12  }
0x3b1: {  	v17 =	vld [tilespmem:s31+$0xC80];
	v4 =	vadd.f32 v61, v4  }
0x3b2: {  	v3 =	vadd.f32 v3, v5;
	v18 =	vadd.f32 v62, v8  }
0x3b3: {  	v4 =	vadd.f32 v63, v4  }
0x3b4: {  	s16 =	sadd.s32 s13, s30;
	[tilespmem:s10+$0x30] =	vst v3;
	v3 =	vadd.f32 v16, v18  }
0x3b5: {  	v19 =	vld [tilespmem:s26+$0xC40];
	[tilespmem:s16+$0x0] =	vst v4  }
0x3b6: {  	v4 =	vld [tilespmem:s0+$0xB10];
	v3 =	vadd.f32 v17, v3  }
0x3b7: {  	s30 =	sadd.s32 s14, s30;
	v20 =	vld [tilespmem:s0+$0xB90]  }
0x3b8: {  	v21 =	vld [tilespmem:s0+$0xC10];
	[tilespmem:s30+$0x0] =	vst v3  }
0x3b9: {  	v3 =	vld [tilespmem:s31+$0xA10]  }
0x3ba: {  	v22 =	vld [tilespmem:s31+$0xA90]  }
0x3bb: {  	v23 =	vld [tilespmem:s0+$0xC90]  }
0x3bc: {  	v24 =	vld [tilespmem:s31+$0xB10];
	v4 =	vadd.f32 v20, v4  }
0x3bd: {  	v25 =	vld [tilespmem:s1+$0x910]  }
0x3be: {  	v26 =	vld [tilespmem:s31+$0xB90];
	v4 =	vadd.f32 v21, v4  }
0x3bf: {  	v27 =	vld [tilespmem:s1+$0x990];
	v3 =	vadd.f32 v22, v3  }
0x3c0: {  	v28 =	vld [tilespmem:s31+$0xC10];
	v4 =	vadd.f32 v23, v4  }
0x3c1: {  	v29 =	vld [tilespmem:s26+$0xCC0];
	v3 =	vadd.f32 v24, v3  }
0x3c2: {  	v30 =	vld [tilespmem:s31+$0xC90];
	v4 =	vadd.f32 v25, v4  }
0x3c3: {  	v31 =	vld [tilespmem:s28+$0x940];
	v3 =	vadd.f32 v26, v3  }
0x3c4: {  	v32 =	vld [tilespmem:s28+$0x9C0];
	v4 =	vadd.f32 v27, v4  }
0x3c5: {  	v33 =	vld [tilespmem:s29+$0xA40];
	v3 =	vadd.f32 v28, v3  }
0x3c6: {  	v34 =	vld [tilespmem:s29+$0xAC0];
	[tilespmem:s16+$0x10] =	vst v4  }
0x3c7: {  	v4 =	vld [tilespmem:s0+$0xB20];
	v3 =	vadd.f32 v30, v3  }
0x3c8: {  	v35 =	vld [tilespmem:s0+$0xBA0]  }
0x3c9: {  	v36 =	vld [tilespmem:s0+$0xC20];
	[tilespmem:s30+$0x10] =	vst v3  }
0x3ca: {  	v3 =	vld [tilespmem:s31+$0xA20]  }
0x3cb: {  	v37 =	vld [tilespmem:s31+$0xAA0]  }
0x3cc: {  	v5 =	vadd.f32 v29, v19;
	v38 =	vld [tilespmem:s0+$0xCA0]  }
0x3cd: {  	v39 =	vld [tilespmem:s31+$0xB20];
	v4 =	vadd.f32 v35, v4  }
0x3ce: {  	v5 =	vadd.f32 v31, v5;
	v40 =	vld [tilespmem:s1+$0x920]  }
0x3cf: {  	v41 =	vld [tilespmem:s31+$0xBA0];
	v4 =	vadd.f32 v36, v4  }
0x3d0: {  	v5 =	vadd.f32 v32, v5;
	v42 =	vld [tilespmem:s1+$0x9A0];
	v3 =	vadd.f32 v37, v3  }
0x3d1: {  	v43 =	vld [tilespmem:s31+$0xC20];
	v4 =	vadd.f32 v38, v4  }
0x3d2: {  	v5 =	vadd.f32 v33, v5;
	v3 =	vadd.f32 v39, v3  }
0x3d3: {  	v44 =	vld [tilespmem:s31+$0xCA0];
	v4 =	vadd.f32 v40, v4  }
0x3d4: {  	v5 =	vadd.f32 v34, v5;
	v3 =	vadd.f32 v41, v3  }
0x3d5: {  	v4 =	vadd.f32 v42, v4  }
0x3d6: {  	[tilespmem:s10+$0x40] =	vst v5;
	v3 =	vadd.f32 v43, v3  }
0x3d7: {  	v5 =	vld [tilespmem:s26+$0xC50];
	[tilespmem:s16+$0x20] =	vst v4  }
0x3d8: {  	v4 =	vld [tilespmem:s0+$0xB30];
	v3 =	vadd.f32 v44, v3  }
0x3d9: {  	v45 =	vld [tilespmem:s0+$0xBB0]  }
0x3da: {  	v46 =	vld [tilespmem:s0+$0xC30];
	[tilespmem:s30+$0x20] =	vst v3  }
0x3db: {  	v3 =	vld [tilespmem:s31+$0xA30]  }
0x3dc: {  	v47 =	vld [tilespmem:s31+$0xAB0]  }
0x3dd: {  	v48 =	vld [tilespmem:s0+$0xCB0]  }
0x3de: {  	v49 =	vld [tilespmem:s31+$0xB30];
	v4 =	vadd.f32 v45, v4  }
0x3df: {  	v50 =	vld [tilespmem:s1+$0x930]  }
0x3e0: {  	v51 =	vld [tilespmem:s31+$0xBB0];
	v4 =	vadd.f32 v46, v4  }
0x3e1: {  	v52 =	vld [tilespmem:s1+$0x9B0];
	v3 =	vadd.f32 v47, v3  }
0x3e2: {  	v53 =	vld [tilespmem:s31+$0xC30];
	v4 =	vadd.f32 v48, v4  }
0x3e3: {  	v54 =	vld [tilespmem:s26+$0xCD0];
	v3 =	vadd.f32 v49, v3  }
0x3e4: {  	v55 =	vld [tilespmem:s31+$0xCB0];
	v4 =	vadd.f32 v50, v4  }
0x3e5: {  	v56 =	vld [tilespmem:s28+$0x950];
	v3 =	vadd.f32 v51, v3  }
0x3e6: {  	v57 =	vld [tilespmem:s28+$0x9D0];
	v4 =	vadd.f32 v52, v4  }
0x3e7: {  	v58 =	vld [tilespmem:s29+$0xA50];
	v3 =	vadd.f32 v53, v3  }
0x3e8: {  	v59 =	vld [tilespmem:s29+$0xAD0];
	[tilespmem:s16+$0x30] =	vst v4  }
0x3e9: {  	v4 =	vld [tilespmem:s0+$0xB40];
	v3 =	vadd.f32 v55, v3  }
0x3ea: {  	v60 =	vld [tilespmem:s0+$0xBC0]  }
0x3eb: {  	v61 =	vld [tilespmem:s0+$0xC40];
	[tilespmem:s30+$0x30] =	vst v3  }
0x3ec: {  	v3 =	vld [tilespmem:s31+$0xA40]  }
0x3ed: {  	v62 =	vld [tilespmem:s31+$0xAC0]  }
0x3ee: {  	v5 =	vadd.f32 v54, v5;
	v63 =	vld [tilespmem:s0+$0xCC0]  }
0x3ef: {  	v16 =	vld [tilespmem:s31+$0xB40];
	v4 =	vadd.f32 v60, v4  }
0x3f0: {  	v5 =	vadd.f32 v56, v5;
	v17 =	vld [tilespmem:s1+$0x940]  }
0x3f1: {  	v18 =	vld [tilespmem:s31+$0xBC0];
	v4 =	vadd.f32 v61, v4  }
0x3f2: {  	v5 =	vadd.f32 v57, v5;
	v19 =	vld [tilespmem:s1+$0x9C0];
	v3 =	vadd.f32 v62, v3  }
0x3f3: {  	v20 =	vld [tilespmem:s31+$0xC40];
	v4 =	vadd.f32 v63, v4  }
0x3f4: {  	v5 =	vadd.f32 v58, v5;
	v3 =	vadd.f32 v16, v3  }
0x3f5: {  	v21 =	vld [tilespmem:s31+$0xCC0];
	v4 =	vadd.f32 v17, v4  }
0x3f6: {  	v5 =	vadd.f32 v59, v5;
	v3 =	vadd.f32 v18, v3  }
0x3f7: {  	v4 =	vadd.f32 v19, v4  }
0x3f8: {  	[tilespmem:s10+$0x50] =	vst v5;
	v3 =	vadd.f32 v20, v3  }
0x3f9: {  	v5 =	vld [tilespmem:s26+$0xC60];
	[tilespmem:s16+$0x40] =	vst v4  }
0x3fa: {  	v4 =	vld [tilespmem:s0+$0xB50];
	v3 =	vadd.f32 v21, v3  }
0x3fb: {  	v22 =	vld [tilespmem:s0+$0xBD0]  }
0x3fc: {  	v23 =	vld [tilespmem:s0+$0xC50];
	[tilespmem:s30+$0x40] =	vst v3  }
0x3fd: {  	v3 =	vld [tilespmem:s31+$0xA50]  }
0x3fe: {  	v24 =	vld [tilespmem:s31+$0xAD0]  }
0x3ff: {  	v25 =	vld [tilespmem:s0+$0xCD0]  }
0x400: {  	v26 =	vld [tilespmem:s31+$0xB50];
	v4 =	vadd.f32 v22, v4  }
0x401: {  	v27 =	vld [tilespmem:s1+$0x950]  }
0x402: {  	v28 =	vld [tilespmem:s31+$0xBD0];
	v4 =	vadd.f32 v23, v4  }
0x403: {  	v29 =	vld [tilespmem:s1+$0x9D0];
	v3 =	vadd.f32 v24, v3  }
0x404: {  	v30 =	vld [tilespmem:s31+$0xC50];
	v4 =	vadd.f32 v25, v4  }
0x405: {  	v31 =	vld [tilespmem:s26+$0xCE0];
	v3 =	vadd.f32 v26, v3  }
0x406: {  	v32 =	vld [tilespmem:s31+$0xCD0];
	v4 =	vadd.f32 v27, v4  }
0x407: {  	v33 =	vld [tilespmem:s28+$0x960];
	v3 =	vadd.f32 v28, v3  }
0x408: {  	v34 =	vld [tilespmem:s28+$0x9E0];
	v4 =	vadd.f32 v29, v4  }
0x409: {  	v35 =	vld [tilespmem:s29+$0xA60];
	v3 =	vadd.f32 v30, v3  }
0x40a: {  	v36 =	vld [tilespmem:s29+$0xAE0];
	[tilespmem:s16+$0x50] =	vst v4  }
0x40b: {  	v37 =	vadd.f32 v31, v5;
	v38 =	vld [tilespmem:s0+$0xB60];
	v3 =	vadd.f32 v32, v3  }
0x40c: {  	v39 =	vld [tilespmem:s0+$0xBE0]  }
0x40d: {  	v4 =	vadd.f32 v33, v37;
	v40 =	vld [tilespmem:s0+$0xC60];
	[tilespmem:s30+$0x50] =	vst v3  }
0x40e: {  	v3 =	vld [tilespmem:s31+$0xA60]  }
0x40f: {  	v4 =	vadd.f32 v34, v4;
	v41 =	vld [tilespmem:s31+$0xAE0]  }
0x410: {  	v42 =	vld [tilespmem:s0+$0xCE0]  }
0x411: {  	v4 =	vadd.f32 v35, v4;
	v43 =	vld [tilespmem:s31+$0xB60]  }
0x412: {  	v44 =	vld [tilespmem:s1+$0x960];
	v5 =	vadd.f32 v39, v38  }
0x413: {  	v45 =	vld [tilespmem:s31+$0xBE0];
	v4 =	vadd.f32 v36, v4  }
0x414: {  	v46 =	vld [tilespmem:s1+$0x9E0];
	v5 =	vadd.f32 v40, v5;
	v3 =	vadd.f32 v41, v3  }
0x415: {  	v47 =	vld [tilespmem:s31+$0xC60]  }
0x416: {  	v49 =	vld [tilespmem:s31+$0xCE0];
	[tilespmem:s10+$0x60] =	vst v4;
	v5 =	vadd.f32 v42, v5;
	v3 =	vadd.f32 v43, v3  }
0x417: {  	v48 =	vld [tilespmem:s26+$0xC70]  }
0x418: {  	v50 =	vld [tilespmem:s26+$0xCF0];
	v5 =	vadd.f32 v44, v5;
	v3 =	vadd.f32 v45, v3  }
0x419: {  	v51 =	vld [tilespmem:s28+$0x970]  }
0x41a: {  	v52 =	vld [tilespmem:s28+$0x9F0];
	v5 =	vadd.f32 v46, v5;
	v3 =	vadd.f32 v47, v3  }
0x41b: {  	v53 =	vld [tilespmem:s29+$0xA70]  }
0x41c: {  	v54 =	vld [tilespmem:s29+$0xAF0];
	[tilespmem:s16+$0x60] =	vst v5;
	v3 =	vadd.f32 v49, v3  }
0x41d: {  	v5 =	vld [tilespmem:s0+$0xB70]  }
0x41e: {  	v55 =	vld [tilespmem:s0+$0xBF0];
	[tilespmem:s30+$0x60] =	vst v3  }
0x41f: {  	v3 =	vld [tilespmem:s31+$0xA70]  }
0x420: {  	v56 =	vld [tilespmem:s31+$0xAF0]  }
0x421: {  	v57 =	vld [tilespmem:s0+$0xC70]  }
0x422: {  	v14 =	vld [tilespmem:s31+$0xB70]  }
0x423: {  	v7 =	vadd.f32 v50, v48;
	v58 =	vld [tilespmem:s0+$0xCF0]  }
0x424: {  	v59 =	vld [tilespmem:s31+$0xBF0];
	v5 =	vadd.f32 v55, v5  }
0x425: {  	v6 =	vadd.f32 v51, v7;
	v60 =	vld [tilespmem:s1+$0x970];
	v3 =	vadd.f32 v56, v3  }
0x426: {  	v61 =	vld [tilespmem:s31+$0xC70];
	v5 =	vadd.f32 v57, v5  }
0x427: {  	v62 =	vld [tilespmem:s1+$0x9F0];
	v6 =	vadd.f32 v52, v6;
	v3 =	vadd.f32 v14, v3  }
0x428: {  	v63 =	vld [tilespmem:s31+$0xCF0];
	v5 =	vadd.f32 v58, v5  }
0x429: {  	v4 =	vadd.f32 v53, v6;
	v3 =	vadd.f32 v59, v3  }
0x42a: {  	p1 =	slt.u32 s25, $0xC;
	v5 =	vadd.f32 v60, v5  }
.Ltmp0:
0x42b: {  	v4 =	vadd.f32 v54, v4;
	v3 =	vadd.f32 v61, v3;
	(pc) =	sbr.rel @p1 .LBB2_3-.Ltmp0, $4  }
0x42c: {  	v5 =	vadd.f32 v62, v5  }
0x42d: {  	[tilespmem:s10+$0x70] =	vst v4;
	v3 =	vadd.f32 v63, v3  }
0x42e: {  	s31 =	sadd.s32 $0x4, s25;
	[tilespmem:s16+$0x70] =	vst v5  }
0x42f: {  	s25 =	smov.u32 s31;
	[tilespmem:s30+$0x70] =	vst v3  }
0x430: {  	s0 =	sadd.s32 s6, s24;
	p1 =	sne.s32 s22, $0x13  }
.Ltmp1:
0x431: {  	s0 =	sshrl.u32 s0, $0x3;
	(pc) =	sbr.rel @p1 .LBB2_6-.Ltmp1, $3  }
0x432: {  	s0 =	smul.u32 $0x180, s0;
	_ =	sdelay $0x1  }
0x433: {  	s0 =	sadd.s32 s5, s0  }
0x434: {  	[hbm4b:s0+s3] =	stream.linear.scatter [tilespmem:s18], [sflag:$0x3], $0x1800, $0x38;
	[tilespmem:$0x15100] =	vst v63  }
.Ltmp2:
0x435: {  	(pc) =	sbr.rel .LBB2_7-.Ltmp2, $4  }
0x436: {  	_ = 	snop  }
0x437: {  	_ =	swait.ge [sflag:s19], $0x9000  }
0x438: {  	[sflag:s19] =	ssyncset.done $0x0  }
0x439: {  	[sflag:s19] =	ssyncadd.s32 $0xFFFF7000  }
.LBB2_6:
0x43a: {  	s0 =	rddreg [dreg:$0x4]  }
0x43b: {  	s0 =	sadd.s32 s24, s0  }
0x43c: {  	s0 =	smul.u32 $0x6, s0;
	_ =	sdelay $0x1  }
0x43d: {  	s0 =	sshrl.u32 s0, $0x3  }
0x43e: {  	s0 =	sadd.s32 s2, s0  }
0x43f: {  	[tilespmem:s3], [sflag:$0x5] =	stream.linear.gather [hbm4b:s0+s3], $0x60, $0x38;
	[tilespmem:$0x15100] =	vst v63  }
0x440: {  	_ =	swait.ge [sflag:s12], $0x60  }
0x441: {  	[sflag:s12] =	ssyncset.done $0x0  }
0x442: {  	[sflag:s12] =	ssyncadd.s32 $0xFFFFFFA0  }
0x443: {  	v3 =	vld [tilespmem:$0x0];
	_ =	sdelay $0x4  }
0x444: {  	v4 =	vshrl.u32 v3, $0x3  }
0x445: {  	v4 =	vmul.u32 $0x18, v4  }
0x446: {  	v3 =	vand.u32 $0x7, v3  }
0x447: {  	v3 =	vor.u32 v3, v4  }
0x448: {  	v4 =	vperm.xlane v3, v0;
	_ =	sdelay $0x1  }
0x449: {  	v4 =	vadd.s32 v1, v4;
	_ =	sdelay $0x1  }
0x44a: {  	v3 =	vperm.xlane v3, v2;
	_ =	sdelay $0x1  }
0x44b: {  	s15 =	simm.s32 $0x100;
	v3 =	vadd.s32 v1, v3  }
0x44c: {  	[tilespmem:s15], [sflag:$0x1] =	stream.indirect_vreg.gather [hbm4b:s4+s3], $0x80, v4, vm0, $0xb8;
	[tilespmem:$0x15100] =	vst v63  }
0x44d: {  	s16 =	simm.s32 $0x900  }
0x44e: {  	[tilespmem:s16], [sflag:$0x1] =	stream.indirect_vreg.gather [hbm4b:s8+s3], $0x80, v4, vm1, $0xb8;
	[tilespmem:$0x15100] =	vst v63  }
0x44f: {  	s24 =	simm.s32 $0xD00  }
0x450: {  	[tilespmem:s24], [sflag:$0x1] =	stream.indirect_vreg.gather [hbm4b:s4+s3], $0x80, v3, vm0, $0xb8;
	[tilespmem:$0x15100] =	vst v63  }
0x451: {  	s25 =	simm.s32 $0x1500  }
0x452: {  	[tilespmem:s25], [sflag:$0x1] =	stream.indirect_vreg.gather [hbm4b:s8+s3], $0x80, v3, vm1, $0xb8;
	[tilespmem:$0x15100] =	vst v63  }
0x453: {  	v3 =	vld [tilespmem:$0x10];
	_ =	sdelay $0x4  }
0x454: {  	v59 =	vshrl.u32 v3, $0x3  }
0x455: {  	v4 =	vmul.u32 $0x18, v59  }
0x456: {  	v3 =	vand.u32 $0x7, v3  }
0x457: {  	v3 =	vor.u32 v3, v4  }
0x458: {  	v4 =	vperm.xlane v3, v0;
	_ =	sdelay $0x1  }
0x459: {  	v4 =	vadd.s32 v1, v4;
	_ =	sdelay $0x1  }
0x45a: {  	v3 =	vperm.xlane v3, v2;
	_ =	sdelay $0x1  }
0x45b: {  	s26 =	simm.s32 $0x1900;
	v3 =	vadd.s32 v1, v3  }
0x45c: {  	[tilespmem:s26], [sflag:$0x1] =	stream.indirect_vreg.gather [hbm4b:s4+s3], $0x80, v4, vm0, $0xb8;
	[tilespmem:$0x15100] =	vst v63  }
0x45d: {  	s28 =	simm.s32 $0x2100  }
0x45e: {  	[tilespmem:s28], [sflag:$0x1] =	stream.indirect_vreg.gather [hbm4b:s8+s3], $0x80, v4, vm1, $0xb8;
	[tilespmem:$0x15100] =	vst v63  }
0x45f: {  	s29 =	simm.s32 $0x2500  }
0x460: {  	[tilespmem:s29], [sflag:$0x1] =	stream.indirect_vreg.gather [hbm4b:s4+s3], $0x80, v3, vm0, $0xb8;
	[tilespmem:$0x15100] =	vst v63  }
0x461: {  	s30 =	simm.s32 $0x2D00  }
0x462: {  	[tilespmem:s30], [sflag:$0x1] =	stream.indirect_vreg.gather [hbm4b:s8+s3], $0x80, v3, vm1, $0xb8;
	[tilespmem:$0x15100] =	vst v63  }
0x463: {  	v3 =	vld [tilespmem:$0x20];
	_ =	sdelay $0x4  }
0x464: {  	v60 =	vshrl.u32 v3, $0x3  }
0x465: {  	v4 =	vmul.u32 $0x18, v60  }
0x466: {  	v3 =	vand.u32 $0x7, v3  }
0x467: {  	v3 =	vor.u32 v3, v4  }
0x468: {  	v4 =	vperm.xlane v3, v0;
	_ =	sdelay $0x1  }
0x469: {  	v4 =	vadd.s32 v1, v4;
	_ =	sdelay $0x1  }
0x46a: {  	v3 =	vperm.xlane v3, v2;
	_ =	sdelay $0x1  }
0x46b: {  	s31 =	simm.s32 $0x3100;
	v3 =	vadd.s32 v1, v3  }
0x46c: {  	[tilespmem:s31], [sflag:$0x1] =	stream.indirect_vreg.gather [hbm4b:s4+s3], $0x80, v4, vm0, $0xb8;
	[tilespmem:$0x15100] =	vst v63  }
0x46d: {  	s1 =	simm.s32 $0x3900  }
0x46e: {  	[tilespmem:s1], [sflag:$0x1] =	stream.indirect_vreg.gather [hbm4b:s8+s3], $0x80, v4, vm1, $0xb8;
	[tilespmem:$0x15100] =	vst v63  }
0x46f: {  	s7 =	simm.s32 $0x3D00  }
0x470: {  	[tilespmem:s7], [sflag:$0x1] =	stream.indirect_vreg.gather [hbm4b:s4+s3], $0x80, v3, vm0, $0xb8;
	[tilespmem:$0x15100] =	vst v63  }
0x471: {  	s10 =	simm.s32 $0x4500  }
0x472: {  	[tilespmem:s10], [sflag:$0x1] =	stream.indirect_vreg.gather [hbm4b:s8+s3], $0x80, v3, vm1, $0xb8;
	[tilespmem:$0x15100] =	vst v63  }
0x473: {  	v3 =	vld [tilespmem:$0x30];
	_ =	sdelay $0x4  }
0x474: {  	v61 =	vshrl.u32 v3, $0x3  }
0x475: {  	v4 =	vmul.u32 $0x18, v61  }
0x476: {  	v3 =	vand.u32 $0x7, v3  }
0x477: {  	v3 =	vor.u32 v3, v4  }
0x478: {  	v4 =	vperm.xlane v3, v0;
	_ =	sdelay $0x1  }
0x479: {  	v4 =	vadd.s32 v1, v4;
	_ =	sdelay $0x1  }
0x47a: {  	v3 =	vperm.xlane v3, v2;
	_ =	sdelay $0x1  }
0x47b: {  	s11 =	simm.s32 $0x4900;
	v3 =	vadd.s32 v1, v3  }
0x47c: {  	[tilespmem:s11], [sflag:$0x1] =	stream.indirect_vreg.gather [hbm4b:s4+s3], $0x80, v4, vm0, $0xb8;
	[tilespmem:$0x15100] =	vst v63  }
0x47d: {  	s13 =	simm.s32 $0x5100  }
0x47e: {  	[tilespmem:s13], [sflag:$0x1] =	stream.indirect_vreg.gather [hbm4b:s8+s3], $0x80, v4, vm1, $0xb8;
	[tilespmem:$0x15100] =	vst v63  }
0x47f: {  	s14 =	simm.s32 $0x5500  }
0x480: {  	[tilespmem:s14], [sflag:$0x1] =	stream.indirect_vreg.gather [hbm4b:s4+s3], $0x80, v3, vm0, $0xb8;
	[tilespmem:$0x15100] =	vst v63  }
0x481: {  	s15 =	simm.s32 $0x5D00  }
0x482: {  	[tilespmem:s15], [sflag:$0x1] =	stream.indirect_vreg.gather [hbm4b:s8+s3], $0x80, v3, vm1, $0xb8;
	[tilespmem:$0x15100] =	vst v63  }
0x483: {  	v3 =	vld [tilespmem:$0x40];
	_ =	sdelay $0x4  }
0x484: {  	v62 =	vshrl.u32 v3, $0x3  }
0x485: {  	v4 =	vmul.u32 $0x18, v62  }
0x486: {  	v3 =	vand.u32 $0x7, v3  }
0x487: {  	v3 =	vor.u32 v3, v4  }
0x488: {  	v4 =	vperm.xlane v3, v0;
	_ =	sdelay $0x1  }
0x489: {  	v4 =	vadd.s32 v1, v4;
	_ =	sdelay $0x1  }
0x48a: {  	v3 =	vperm.xlane v3, v2;
	_ =	sdelay $0x1  }
0x48b: {  	s16 =	simm.s32 $0x6100;
	v3 =	vadd.s32 v1, v3  }
0x48c: {  	[tilespmem:s16], [sflag:$0x1] =	stream.indirect_vreg.gather [hbm4b:s4+s3], $0x80, v4, vm0, $0xb8;
	[tilespmem:$0x15100] =	vst v63  }
0x48d: {  	s24 =	simm.s32 $0x6900  }
0x48e: {  	[tilespmem:s24], [sflag:$0x1] =	stream.indirect_vreg.gather [hbm4b:s8+s3], $0x80, v4, vm1, $0xb8;
	[tilespmem:$0x15100] =	vst v63  }
0x48f: {  	s25 =	simm.s32 $0x6D00  }
0x490: {  	[tilespmem:s25], [sflag:$0x1] =	stream.indirect_vreg.gather [hbm4b:s4+s3], $0x80, v3, vm0, $0xb8;
	[tilespmem:$0x15100] =	vst v63  }
0x491: {  	s26 =	simm.s32 $0x7500  }
0x492: {  	[tilespmem:s26], [sflag:$0x1] =	stream.indirect_vreg.gather [hbm4b:s8+s3], $0x80, v3, vm1, $0xb8;
	[tilespmem:$0x15100] =	vst v63  }
0x493: {  	v3 =	vld [tilespmem:$0x50];
	_ =	sdelay $0x4  }
0x494: {  	v63 =	vshrl.u32 v3, $0x3  }
0x495: {  	v4 =	vmul.u32 $0x18, v63  }
0x496: {  	v3 =	vand.u32 $0x7, v3  }
0x497: {  	v3 =	vor.u32 v3, v4  }
0x498: {  	v4 =	vperm.xlane v3, v0;
	_ =	sdelay $0x1  }
0x499: {  	v4 =	vadd.s32 v1, v4;
	_ =	sdelay $0x1  }
0x49a: {  	v3 =	vperm.xlane v3, v2;
	_ =	sdelay $0x1  }
0x49b: {  	s28 =	simm.s32 $0x7900;
	v3 =	vadd.s32 v1, v3  }
0x49c: {  	[tilespmem:s28], [sflag:$0x1] =	stream.indirect_vreg.gather [hbm4b:s4+s3], $0x80, v4, vm0, $0xb8;
	[tilespmem:$0x15100] =	vst v63  }
0x49d: {  	s29 =	simm.s32 $0x8100  }
0x49e: {  	[tilespmem:s29], [sflag:$0x1] =	stream.indirect_vreg.gather [hbm4b:s8+s3], $0x80, v4, vm1, $0xb8;
	[tilespmem:$0x15100] =	vst v63  }
0x49f: {  	s30 =	simm.s32 $0x8500  }
0x4a0: {  	[tilespmem:s30], [sflag:$0x1] =	stream.indirect_vreg.gather [hbm4b:s4+s3], $0x80, v3, vm0, $0xb8;
	[tilespmem:$0x15100] =	vst v63  }
.Ltmp3:
0x4a1: {  	s31 =	simm.s32 $0x8D00;
	(pc) =	sbr.rel @p0 .LBB2_8-.Ltmp3, $4  }
0x4a2: {  	[tilespmem:s31], [sflag:$0x1] =	stream.indirect_vreg.gather [hbm4b:s8+s3], $0x80, v3, vm1, $0xb8;
	[tilespmem:$0x15100] =	vst v63  }
0x4a3: {  	_ =	swait.ge [sflag:s19], $0x9000  }
0x4a4: {  	[sflag:s19] =	ssyncset.done $0x0  }
0x4a5: {  	[sflag:s19] =	ssyncadd.s32 $0xFFFF7000  }
.LBB2_7:
0x4a6: {  	_ =	swait.ge [sflag:s20], $0x1800  }
0x4a7: {  	[sflag:s20] =	ssyncset.done $0x0  }
0x4a8: {  	[sflag:s20] =	ssyncadd.s32 $0xFFFFE800  }
.LBB2_8:
0x4a9: {  	s24 =	simm.s32 $0x0  }
.LBB2_9:
0x4aa: {  	s0 =	smul.u32 $0x6, s24;
	_ =	sdelay $0x1  }
0x4ab: {  	s0 =	sshrl.u32 s0, $0x3  }
0x4ac: {  	s0 =	smul.u32 $0x3000, s0;
	_ =	sdelay $0x1  }
0x4ad: {  	s0 =	sshra.s32 s0, $0x2  }
0x4ae: {  	v3 =	vld [tilespmem:s0+$0x9100]  }
0x4af: {  	v4 =	vld [tilespmem:s0+$0x9180];
	_ =	sdelay $0x1  }
0x4b0: {  	v5 =	vld [tilespmem:s0+$0x9200];
	_ =	sdelay $0x1  }
0x4b1: {  	v6 =	vld [tilespmem:s0+$0x9280]  }
0x4b2: {  	v3 =	vadd.f32 v4, v3  }
0x4b3: {  	v44 =	vld [tilespmem:s0+$0x9300]  }
0x4b4: {  	v3 =	vadd.f32 v5, v3  }
0x4b5: {  	v45 =	vld [tilespmem:s0+$0x9380]  }
0x4b6: {  	s1 =	sshrl.u32 s24, $0x3;
	v3 =	vadd.f32 v6, v3  }
0x4b7: {  	s1 =	smul.u32 $0x3000, s1  }
0x4b8: {  	v3 =	vadd.f32 v44, v3  }
0x4b9: {  	s7 =	sshll.u32 s24, $0x7;
	s1 =	sshra.s32 s1, $0x2  }
0x4ba: {  	s10 =	sand.u32 $0x200, s7;
	s11 =	sadd.s32 $0x13900, s1;
	v3 =	vadd.f32 v45, v3  }
0x4bb: {  	s7 =	sor.u32 s10, s11  }
0x4bc: {  	[tilespmem:s7+$0x0] =	vst v3  }
0x4bd: {  	v3 =	vld [tilespmem:s0+$0x9110]  }
0x4be: {  	v46 =	vld [tilespmem:s0+$0x9190];
	_ =	sdelay $0x1  }
0x4bf: {  	v47 =	vld [tilespmem:s0+$0x9210];
	_ =	sdelay $0x1  }
0x4c0: {  	v48 =	vld [tilespmem:s0+$0x9290]  }
0x4c1: {  	v3 =	vadd.f32 v46, v3  }
0x4c2: {  	v49 =	vld [tilespmem:s0+$0x9310]  }
0x4c3: {  	v3 =	vadd.f32 v47, v3  }
0x4c4: {  	v50 =	vld [tilespmem:s0+$0x9390]  }
0x4c5: {  	v3 =	vadd.f32 v48, v3;
	_ =	sdelay $0x1  }
0x4c6: {  	v3 =	vadd.f32 v49, v3;
	_ =	sdelay $0x1  }
0x4c7: {  	v3 =	vadd.f32 v50, v3;
	_ =	sdelay $0x1  }
0x4c8: {  	[tilespmem:s7+$0x10] =	vst v3  }
0x4c9: {  	v3 =	vld [tilespmem:s0+$0x9120]  }
0x4ca: {  	v51 =	vld [tilespmem:s0+$0x91A0];
	_ =	sdelay $0x1  }
0x4cb: {  	v52 =	vld [tilespmem:s0+$0x9220];
	_ =	sdelay $0x1  }
0x4cc: {  	v53 =	vld [tilespmem:s0+$0x92A0]  }
0x4cd: {  	v3 =	vadd.f32 v51, v3  }
0x4ce: {  	v54 =	vld [tilespmem:s0+$0x9320]  }
0x4cf: {  	v3 =	vadd.f32 v52, v3  }
0x4d0: {  	v55 =	vld [tilespmem:s0+$0x93A0]  }
0x4d1: {  	v3 =	vadd.f32 v53, v3;
	_ =	sdelay $0x1  }
0x4d2: {  	v3 =	vadd.f32 v54, v3;
	_ =	sdelay $0x1  }
0x4d3: {  	v3 =	vadd.f32 v55, v3;
	_ =	sdelay $0x1  }
0x4d4: {  	[tilespmem:s7+$0x20] =	vst v3  }
0x4d5: {  	v3 =	vld [tilespmem:s0+$0x9130]  }
0x4d6: {  	v56 =	vld [tilespmem:s0+$0x91B0];
	_ =	sdelay $0x1  }
0x4d7: {  	v57 =	vld [tilespmem:s0+$0x9230];
	_ =	sdelay $0x1  }
0x4d8: {  	v58 =	vld [tilespmem:s0+$0x92B0]  }
0x4d9: {  	v3 =	vadd.f32 v56, v3  }
0x4da: {  	v59 =	vld [tilespmem:s0+$0x9330]  }
0x4db: {  	v3 =	vadd.f32 v57, v3  }
0x4dc: {  	v60 =	vld [tilespmem:s0+$0x93B0]  }
0x4dd: {  	v3 =	vadd.f32 v58, v3;
	_ =	sdelay $0x1  }
0x4de: {  	v3 =	vadd.f32 v59, v3;
	_ =	sdelay $0x1  }
0x4df: {  	v3 =	vadd.f32 v60, v3;
	_ =	sdelay $0x1  }
0x4e0: {  	[tilespmem:s7+$0x30] =	vst v3  }
0x4e1: {  	v3 =	vld [tilespmem:s0+$0x9140]  }
0x4e2: {  	v61 =	vld [tilespmem:s0+$0x91C0];
	_ =	sdelay $0x1  }
0x4e3: {  	v62 =	vld [tilespmem:s0+$0x9240];
	_ =	sdelay $0x1  }
0x4e4: {  	v63 =	vld [tilespmem:s0+$0x92C0]  }
0x4e5: {  	v3 =	vadd.f32 v61, v3  }
0x4e6: {  	v9 =	vld [tilespmem:s0+$0x9340]  }
0x4e7: {  	v3 =	vadd.f32 v62, v3  }
0x4e8: {  	v10 =	vld [tilespmem:s0+$0x93C0]  }
0x4e9: {  	v3 =	vadd.f32 v63, v3;
	_ =	sdelay $0x1  }
0x4ea: {  	v3 =	vadd.f32 v9, v3;
	_ =	sdelay $0x1  }
0x4eb: {  	v3 =	vadd.f32 v10, v3;
	_ =	sdelay $0x1  }
0x4ec: {  	[tilespmem:s7+$0x40] =	vst v3  }
0x4ed: {  	v3 =	vld [tilespmem:s0+$0x9150]  }
0x4ee: {  	v11 =	vld [tilespmem:s0+$0x91D0];
	_ =	sdelay $0x1  }
0x4ef: {  	v12 =	vld [tilespmem:s0+$0x9250];
	_ =	sdelay $0x1  }
0x4f0: {  	v13 =	vld [tilespmem:s0+$0x92D0]  }
0x4f1: {  	v3 =	vadd.f32 v11, v3  }
0x4f2: {  	v14 =	vld [tilespmem:s0+$0x9350]  }
0x4f3: {  	v3 =	vadd.f32 v12, v3  }
0x4f4: {  	v15 =	vld [tilespmem:s0+$0x93D0]  }
0x4f5: {  	v3 =	vadd.f32 v13, v3;
	_ =	sdelay $0x1  }
0x4f6: {  	v3 =	vadd.f32 v14, v3;
	_ =	sdelay $0x1  }
0x4f7: {  	v3 =	vadd.f32 v15, v3;
	_ =	sdelay $0x1  }
0x4f8: {  	[tilespmem:s7+$0x50] =	vst v3  }
0x4f9: {  	v3 =	vld [tilespmem:s0+$0x9160]  }
0x4fa: {  	v16 =	vld [tilespmem:s0+$0x91E0];
	_ =	sdelay $0x1  }
0x4fb: {  	v17 =	vld [tilespmem:s0+$0x9260];
	_ =	sdelay $0x1  }
0x4fc: {  	v18 =	vld [tilespmem:s0+$0x92E0]  }
0x4fd: {  	v3 =	vadd.f32 v16, v3  }
0x4fe: {  	v19 =	vld [tilespmem:s0+$0x9360]  }
0x4ff: {  	v3 =	vadd.f32 v17, v3  }
0x500: {  	v20 =	vld [tilespmem:s0+$0x93E0]  }
0x501: {  	v3 =	vadd.f32 v18, v3;
	_ =	sdelay $0x1  }
0x502: {  	v3 =	vadd.f32 v19, v3;
	_ =	sdelay $0x1  }
0x503: {  	v3 =	vadd.f32 v20, v3;
	_ =	sdelay $0x1  }
0x504: {  	[tilespmem:s7+$0x60] =	vst v3  }
0x505: {  	v3 =	vld [tilespmem:s0+$0x9170]  }
0x506: {  	v21 =	vld [tilespmem:s0+$0x91F0];
	_ =	sdelay $0x1  }
0x507: {  	v22 =	vld [tilespmem:s0+$0x9270];
	_ =	sdelay $0x1  }
0x508: {  	v23 =	vld [tilespmem:s0+$0x92F0]  }
0x509: {  	v3 =	vadd.f32 v21, v3  }
0x50a: {  	v24 =	vld [tilespmem:s0+$0x9370]  }
0x50b: {  	v3 =	vadd.f32 v22, v3  }
0x50c: {  	v25 =	vld [tilespmem:s0+$0x93F0]  }
0x50d: {  	v3 =	vadd.f32 v23, v3;
	_ =	sdelay $0x1  }
0x50e: {  	v3 =	vadd.f32 v24, v3;
	_ =	sdelay $0x1  }
0x50f: {  	v3 =	vadd.f32 v25, v3;
	_ =	sdelay $0x1  }
0x510: {  	[tilespmem:s7+$0x70] =	vst v3  }
0x511: {  	v3 =	vld [tilespmem:s0+$0x9500]  }
0x512: {  	v26 =	vld [tilespmem:s0+$0x9580];
	_ =	sdelay $0x1  }
0x513: {  	v27 =	vld [tilespmem:s0+$0x9600];
	_ =	sdelay $0x1  }
0x514: {  	v28 =	vld [tilespmem:s0+$0x9680]  }
0x515: {  	v3 =	vadd.f32 v26, v3  }
0x516: {  	v29 =	vld [tilespmem:s0+$0x9700]  }
0x517: {  	v3 =	vadd.f32 v27, v3  }
0x518: {  	v30 =	vld [tilespmem:s0+$0x9780]  }
0x519: {  	v3 =	vadd.f32 v28, v3;
	_ =	sdelay $0x1  }
0x51a: {  	v3 =	vadd.f32 v29, v3;
	_ =	sdelay $0x1  }
0x51b: {  	s7 =	sadd.s32 $0x13D00, s1;
	v3 =	vadd.f32 v30, v3  }
0x51c: {  	s13 =	sor.u32 s10, s7  }
0x51d: {  	[tilespmem:s13+$0x0] =	vst v3  }
0x51e: {  	v3 =	vld [tilespmem:s0+$0x9510]  }
0x51f: {  	v31 =	vld [tilespmem:s0+$0x9590];
	_ =	sdelay $0x1  }
0x520: {  	v32 =	vld [tilespmem:s0+$0x9610];
	_ =	sdelay $0x1  }
0x521: {  	v33 =	vld [tilespmem:s0+$0x9690]  }
0x522: {  	v3 =	vadd.f32 v31, v3  }
0x523: {  	v34 =	vld [tilespmem:s0+$0x9710]  }
0x524: {  	v3 =	vadd.f32 v32, v3  }
0x525: {  	v35 =	vld [tilespmem:s0+$0x9790]  }
0x526: {  	v3 =	vadd.f32 v33, v3;
	_ =	sdelay $0x1  }
0x527: {  	v3 =	vadd.f32 v34, v3;
	_ =	sdelay $0x1  }
0x528: {  	v3 =	vadd.f32 v35, v3;
	_ =	sdelay $0x1  }
0x529: {  	[tilespmem:s13+$0x10] =	vst v3  }
0x52a: {  	v3 =	vld [tilespmem:s0+$0x9520]  }
0x52b: {  	v36 =	vld [tilespmem:s0+$0x95A0];
	_ =	sdelay $0x1  }
0x52c: {  	v37 =	vld [tilespmem:s0+$0x9620];
	_ =	sdelay $0x1  }
0x52d: {  	v38 =	vld [tilespmem:s0+$0x96A0]  }
0x52e: {  	v3 =	vadd.f32 v36, v3  }
0x52f: {  	v39 =	vld [tilespmem:s0+$0x9720]  }
0x530: {  	v3 =	vadd.f32 v37, v3  }
0x531: {  	v40 =	vld [tilespmem:s0+$0x97A0]  }
0x532: {  	v3 =	vadd.f32 v38, v3;
	_ =	sdelay $0x1  }
0x533: {  	v3 =	vadd.f32 v39, v3;
	_ =	sdelay $0x1  }
0x534: {  	v3 =	vadd.f32 v40, v3;
	_ =	sdelay $0x1  }
0x535: {  	[tilespmem:s13+$0x20] =	vst v3  }
0x536: {  	v3 =	vld [tilespmem:s0+$0x9530]  }
0x537: {  	v41 =	vld [tilespmem:s0+$0x95B0];
	_ =	sdelay $0x1  }
0x538: {  	v42 =	vld [tilespmem:s0+$0x9630];
	_ =	sdelay $0x1  }
0x539: {  	v43 =	vld [tilespmem:s0+$0x96B0]  }
0x53a: {  	v3 =	vadd.f32 v41, v3  }
0x53b: {  	v44 =	vld [tilespmem:s0+$0x9730]  }
0x53c: {  	v3 =	vadd.f32 v42, v3  }
0x53d: {  	v45 =	vld [tilespmem:s0+$0x97B0]  }
0x53e: {  	v3 =	vadd.f32 v43, v3;
	_ =	sdelay $0x1  }
0x53f: {  	v3 =	vadd.f32 v44, v3;
	_ =	sdelay $0x1  }
0x540: {  	v3 =	vadd.f32 v45, v3;
	_ =	sdelay $0x1  }
0x541: {  	[tilespmem:s13+$0x30] =	vst v3  }
0x542: {  	v3 =	vld [tilespmem:s0+$0x9540]  }
0x543: {  	v46 =	vld [tilespmem:s0+$0x95C0];
	_ =	sdelay $0x1  }
0x544: {  	v47 =	vld [tilespmem:s0+$0x9640];
	_ =	sdelay $0x1  }
0x545: {  	v48 =	vld [tilespmem:s0+$0x96C0]  }
0x546: {  	v3 =	vadd.f32 v46, v3  }
0x547: {  	v49 =	vld [tilespmem:s0+$0x9740]  }
0x548: {  	v3 =	vadd.f32 v47, v3  }
0x549: {  	v50 =	vld [tilespmem:s0+$0x97C0]  }
0x54a: {  	v3 =	vadd.f32 v48, v3;
	_ =	sdelay $0x1  }
0x54b: {  	v3 =	vadd.f32 v49, v3;
	_ =	sdelay $0x1  }
0x54c: {  	v3 =	vadd.f32 v50, v3;
	_ =	sdelay $0x1  }
0x54d: {  	[tilespmem:s13+$0x40] =	vst v3  }
0x54e: {  	v3 =	vld [tilespmem:s0+$0x9550]  }
0x54f: {  	v51 =	vld [tilespmem:s0+$0x95D0];
	_ =	sdelay $0x1  }
0x550: {  	v52 =	vld [tilespmem:s0+$0x9650];
	_ =	sdelay $0x1  }
0x551: {  	v53 =	vld [tilespmem:s0+$0x96D0]  }
0x552: {  	v3 =	vadd.f32 v51, v3  }
0x553: {  	v54 =	vld [tilespmem:s0+$0x9750]  }
0x554: {  	v3 =	vadd.f32 v52, v3  }
0x555: {  	v55 =	vld [tilespmem:s0+$0x97D0]  }
0x556: {  	v3 =	vadd.f32 v53, v3;
	_ =	sdelay $0x1  }
0x557: {  	v3 =	vadd.f32 v54, v3;
	_ =	sdelay $0x1  }
0x558: {  	v3 =	vadd.f32 v55, v3;
	_ =	sdelay $0x1  }
0x559: {  	[tilespmem:s13+$0x50] =	vst v3  }
0x55a: {  	v3 =	vld [tilespmem:s0+$0x9560]  }
0x55b: {  	v56 =	vld [tilespmem:s0+$0x95E0];
	_ =	sdelay $0x1  }
0x55c: {  	v57 =	vld [tilespmem:s0+$0x9660];
	_ =	sdelay $0x1  }
0x55d: {  	v58 =	vld [tilespmem:s0+$0x96E0]  }
0x55e: {  	v3 =	vadd.f32 v56, v3  }
0x55f: {  	v59 =	vld [tilespmem:s0+$0x9760]  }
0x560: {  	v3 =	vadd.f32 v57, v3  }
0x561: {  	v60 =	vld [tilespmem:s0+$0x97E0]  }
0x562: {  	v3 =	vadd.f32 v58, v3;
	_ =	sdelay $0x1  }
0x563: {  	v3 =	vadd.f32 v59, v3;
	_ =	sdelay $0x1  }
0x564: {  	v3 =	vadd.f32 v60, v3;
	_ =	sdelay $0x1  }
0x565: {  	[tilespmem:s13+$0x60] =	vst v3  }
0x566: {  	v3 =	vld [tilespmem:s0+$0x9570]  }
0x567: {  	v61 =	vld [tilespmem:s0+$0x95F0];
	_ =	sdelay $0x1  }
0x568: {  	v62 =	vld [tilespmem:s0+$0x9670];
	_ =	sdelay $0x1  }
0x569: {  	v63 =	vld [tilespmem:s0+$0x96F0]  }
0x56a: {  	v3 =	vadd.f32 v61, v3  }
0x56b: {  	v9 =	vld [tilespmem:s0+$0x9770]  }
0x56c: {  	v3 =	vadd.f32 v62, v3  }
0x56d: {  	v10 =	vld [tilespmem:s0+$0x97F0]  }
0x56e: {  	v3 =	vadd.f32 v63, v3;
	_ =	sdelay $0x1  }
0x56f: {  	v3 =	vadd.f32 v9, v3;
	_ =	sdelay $0x1  }
0x570: {  	v3 =	vadd.f32 v10, v3;
	_ =	sdelay $0x1  }
0x571: {  	[tilespmem:s13+$0x70] =	vst v3  }
0x572: {  	v3 =	vld [tilespmem:s0+$0x9900]  }
0x573: {  	v11 =	vld [tilespmem:s0+$0x9980];
	_ =	sdelay $0x1  }
0x574: {  	v12 =	vld [tilespmem:s0+$0x9A00];
	_ =	sdelay $0x1  }
0x575: {  	v13 =	vld [tilespmem:s0+$0x9A80]  }
0x576: {  	v3 =	vadd.f32 v11, v3  }
0x577: {  	v14 =	vld [tilespmem:s0+$0x9B00]  }
0x578: {  	v3 =	vadd.f32 v12, v3  }
0x579: {  	v15 =	vld [tilespmem:s0+$0x9B80]  }
0x57a: {  	v3 =	vadd.f32 v13, v3;
	_ =	sdelay $0x1  }
0x57b: {  	v3 =	vadd.f32 v14, v3;
	_ =	sdelay $0x1  }
0x57c: {  	s29 =	sadd.s32 $0x14100, s1;
	v3 =	vadd.f32 v15, v3  }
0x57d: {  	s1 =	sor.u32 s10, s29  }
0x57e: {  	[tilespmem:s1+$0x0] =	vst v3  }
0x57f: {  	v3 =	vld [tilespmem:s0+$0x9910]  }
0x580: {  	v16 =	vld [tilespmem:s0+$0x9990];
	_ =	sdelay $0x1  }
0x581: {  	v17 =	vld [tilespmem:s0+$0x9A10];
	_ =	sdelay $0x1  }
0x582: {  	v18 =	vld [tilespmem:s0+$0x9A90]  }
0x583: {  	v3 =	vadd.f32 v16, v3  }
0x584: {  	v19 =	vld [tilespmem:s0+$0x9B10]  }
0x585: {  	v3 =	vadd.f32 v17, v3  }
0x586: {  	v20 =	vld [tilespmem:s0+$0x9B90]  }
0x587: {  	v3 =	vadd.f32 v18, v3;
	_ =	sdelay $0x1  }
0x588: {  	v3 =	vadd.f32 v19, v3;
	_ =	sdelay $0x1  }
0x589: {  	v3 =	vadd.f32 v20, v3;
	_ =	sdelay $0x1  }
0x58a: {  	[tilespmem:s1+$0x10] =	vst v3  }
0x58b: {  	v3 =	vld [tilespmem:s0+$0x9920]  }
0x58c: {  	v21 =	vld [tilespmem:s0+$0x99A0];
	_ =	sdelay $0x1  }
0x58d: {  	v22 =	vld [tilespmem:s0+$0x9A20];
	_ =	sdelay $0x1  }
0x58e: {  	v23 =	vld [tilespmem:s0+$0x9AA0]  }
0x58f: {  	v3 =	vadd.f32 v21, v3  }
0x590: {  	v24 =	vld [tilespmem:s0+$0x9B20]  }
0x591: {  	v3 =	vadd.f32 v22, v3  }
0x592: {  	v25 =	vld [tilespmem:s0+$0x9BA0]  }
0x593: {  	v3 =	vadd.f32 v23, v3;
	_ =	sdelay $0x1  }
0x594: {  	v3 =	vadd.f32 v24, v3;
	_ =	sdelay $0x1  }
0x595: {  	v3 =	vadd.f32 v25, v3;
	_ =	sdelay $0x1  }
0x596: {  	[tilespmem:s1+$0x20] =	vst v3  }
0x597: {  	v3 =	vld [tilespmem:s0+$0x9930]  }
0x598: {  	v26 =	vld [tilespmem:s0+$0x99B0];
	_ =	sdelay $0x1  }
0x599: {  	v27 =	vld [tilespmem:s0+$0x9A30];
	_ =	sdelay $0x1  }
0x59a: {  	v28 =	vld [tilespmem:s0+$0x9AB0]  }
0x59b: {  	v3 =	vadd.f32 v26, v3  }
0x59c: {  	v29 =	vld [tilespmem:s0+$0x9B30]  }
0x59d: {  	v3 =	vadd.f32 v27, v3  }
0x59e: {  	v30 =	vld [tilespmem:s0+$0x9BB0]  }
0x59f: {  	v3 =	vadd.f32 v28, v3;
	_ =	sdelay $0x1  }
0x5a0: {  	v3 =	vadd.f32 v29, v3;
	_ =	sdelay $0x1  }
0x5a1: {  	v3 =	vadd.f32 v30, v3;
	_ =	sdelay $0x1  }
0x5a2: {  	[tilespmem:s1+$0x30] =	vst v3  }
0x5a3: {  	v3 =	vld [tilespmem:s0+$0x9940]  }
0x5a4: {  	v31 =	vld [tilespmem:s0+$0x99C0];
	_ =	sdelay $0x1  }
0x5a5: {  	v32 =	vld [tilespmem:s0+$0x9A40];
	_ =	sdelay $0x1  }
0x5a6: {  	v33 =	vld [tilespmem:s0+$0x9AC0]  }
0x5a7: {  	v3 =	vadd.f32 v31, v3  }
0x5a8: {  	v34 =	vld [tilespmem:s0+$0x9B40]  }
0x5a9: {  	v3 =	vadd.f32 v32, v3  }
0x5aa: {  	v35 =	vld [tilespmem:s0+$0x9BC0]  }
0x5ab: {  	v3 =	vadd.f32 v33, v3;
	_ =	sdelay $0x1  }
0x5ac: {  	v3 =	vadd.f32 v34, v3;
	_ =	sdelay $0x1  }
0x5ad: {  	v3 =	vadd.f32 v35, v3;
	_ =	sdelay $0x1  }
0x5ae: {  	[tilespmem:s1+$0x40] =	vst v3  }
0x5af: {  	v3 =	vld [tilespmem:s0+$0x9950]  }
0x5b0: {  	v36 =	vld [tilespmem:s0+$0x99D0];
	_ =	sdelay $0x1  }
0x5b1: {  	v37 =	vld [tilespmem:s0+$0x9A50];
	_ =	sdelay $0x1  }
0x5b2: {  	v38 =	vld [tilespmem:s0+$0x9AD0]  }
0x5b3: {  	v3 =	vadd.f32 v36, v3  }
0x5b4: {  	v39 =	vld [tilespmem:s0+$0x9B50]  }
0x5b5: {  	v3 =	vadd.f32 v37, v3  }
0x5b6: {  	v40 =	vld [tilespmem:s0+$0x9BD0]  }
0x5b7: {  	v3 =	vadd.f32 v38, v3;
	_ =	sdelay $0x1  }
0x5b8: {  	v3 =	vadd.f32 v39, v3;
	_ =	sdelay $0x1  }
0x5b9: {  	v3 =	vadd.f32 v40, v3;
	_ =	sdelay $0x1  }
0x5ba: {  	[tilespmem:s1+$0x50] =	vst v3  }
0x5bb: {  	v3 =	vld [tilespmem:s0+$0x9960]  }
0x5bc: {  	v41 =	vld [tilespmem:s0+$0x99E0];
	_ =	sdelay $0x1  }
0x5bd: {  	v42 =	vld [tilespmem:s0+$0x9A60];
	_ =	sdelay $0x1  }
0x5be: {  	v43 =	vld [tilespmem:s0+$0x9AE0]  }
0x5bf: {  	v3 =	vadd.f32 v41, v3  }
0x5c0: {  	v44 =	vld [tilespmem:s0+$0x9B60]  }
0x5c1: {  	v3 =	vadd.f32 v42, v3  }
0x5c2: {  	v45 =	vld [tilespmem:s0+$0x9BE0]  }
0x5c3: {  	v3 =	vadd.f32 v43, v3;
	_ =	sdelay $0x1  }
0x5c4: {  	v3 =	vadd.f32 v44, v3;
	_ =	sdelay $0x1  }
0x5c5: {  	v3 =	vadd.f32 v45, v3;
	_ =	sdelay $0x1  }
0x5c6: {  	[tilespmem:s1+$0x60] =	vst v3  }
0x5c7: {  	v3 =	vld [tilespmem:s0+$0x9970]  }
0x5c8: {  	v46 =	vld [tilespmem:s0+$0x99F0];
	_ =	sdelay $0x1  }
0x5c9: {  	s31 =	sor.u32 $0x1, s24;
	v47 =	vld [tilespmem:s0+$0x9A70]  }
0x5ca: {  	s16 =	smul.u32 $0x6, s31  }
0x5cb: {  	v48 =	vld [tilespmem:s0+$0x9AF0]  }
0x5cc: {  	s14 =	sshrl.u32 s16, $0x3;
	v3 =	vadd.f32 v46, v3  }
0x5cd: {  	s14 =	smul.u32 $0x3000, s14;
	v49 =	vld [tilespmem:s0+$0x9B70]  }
0x5ce: {  	s15 =	sadd.s32 $0x2, s16;
	v3 =	vadd.f32 v47, v3  }
0x5cf: {  	s26 =	sshrl.u32 s15, $0x3;
	s25 =	sshra.s32 s14, $0x2;
	v50 =	vld [tilespmem:s0+$0x9BF0]  }
0x5d0: {  	v7 =	vld [tilespmem:s25+$0x9480];
	s0 =	smul.u32 $0x3000, s26;
	v3 =	vadd.f32 v48, v3  }
0x5d1: {  	v51 =	vld [tilespmem:s25+$0x9400]  }
0x5d2: {  	s28 =	sadd.s32 $0x4, s16;
	s26 =	sshra.s32 s0, $0x2;
	v3 =	vadd.f32 v49, v3  }
0x5d3: {  	s0 =	sshrl.u32 s28, $0x3;
	v52 =	vld [tilespmem:s26+$0x9100]  }
0x5d4: {  	s0 =	smul.u32 $0x3000, s0;
	v3 =	vadd.f32 v50, v3  }
0x5d5: {  	v53 =	vld [tilespmem:s26+$0x9180]  }
0x5d6: {  	s28 =	sshra.s32 s0, $0x2;
	[tilespmem:s1+$0x70] =	vst v3;
	v3 =	vadd.f32 v7, v51  }
0x5d7: {  	v54 =	vld [tilespmem:s28+$0x9200]  }
0x5d8: {  	v3 =	vadd.f32 v52, v3  }
0x5d9: {  	v55 =	vld [tilespmem:s28+$0x9280]  }
0x5da: {  	v3 =	vadd.f32 v53, v3;
	_ =	sdelay $0x1  }
0x5db: {  	v3 =	vadd.f32 v54, v3  }
0x5dc: {  	s30 =	sshll.u32 s31, $0x7  }
0x5dd: {  	s10 =	sand.u32 $0x280, s30;
	v3 =	vadd.f32 v55, v3  }
0x5de: {  	s0 =	sor.u32 s10, s11  }
0x5df: {  	[tilespmem:s0+$0x0] =	vst v3  }
0x5e0: {  	v3 =	vld [tilespmem:s25+$0x9410]  }
0x5e1: {  	v56 =	vld [tilespmem:s25+$0x9490];
	_ =	sdelay $0x1  }
0x5e2: {  	v57 =	vld [tilespmem:s26+$0x9110];
	_ =	sdelay $0x1  }
0x5e3: {  	v58 =	vld [tilespmem:s26+$0x9190]  }
0x5e4: {  	v3 =	vadd.f32 v56, v3  }
0x5e5: {  	v59 =	vld [tilespmem:s28+$0x9210]  }
0x5e6: {  	v3 =	vadd.f32 v57, v3  }
0x5e7: {  	v60 =	vld [tilespmem:s28+$0x9290]  }
0x5e8: {  	v3 =	vadd.f32 v58, v3;
	_ =	sdelay $0x1  }
0x5e9: {  	v3 =	vadd.f32 v59, v3;
	_ =	sdelay $0x1  }
0x5ea: {  	v3 =	vadd.f32 v60, v3;
	_ =	sdelay $0x1  }
0x5eb: {  	[tilespmem:s0+$0x10] =	vst v3  }
0x5ec: {  	v3 =	vld [tilespmem:s25+$0x9420]  }
0x5ed: {  	v61 =	vld [tilespmem:s25+$0x94A0];
	_ =	sdelay $0x1  }
0x5ee: {  	v62 =	vld [tilespmem:s26+$0x9120];
	_ =	sdelay $0x1  }
0x5ef: {  	v63 =	vld [tilespmem:s26+$0x91A0]  }
0x5f0: {  	v3 =	vadd.f32 v61, v3  }
0x5f1: {  	v9 =	vld [tilespmem:s28+$0x9220]  }
0x5f2: {  	v3 =	vadd.f32 v62, v3  }
0x5f3: {  	v10 =	vld [tilespmem:s28+$0x92A0]  }
0x5f4: {  	v3 =	vadd.f32 v63, v3;
	_ =	sdelay $0x1  }
0x5f5: {  	v3 =	vadd.f32 v9, v3;
	_ =	sdelay $0x1  }
0x5f6: {  	v3 =	vadd.f32 v10, v3;
	_ =	sdelay $0x1  }
0x5f7: {  	[tilespmem:s0+$0x20] =	vst v3  }
0x5f8: {  	v3 =	vld [tilespmem:s25+$0x9430]  }
0x5f9: {  	v11 =	vld [tilespmem:s25+$0x94B0];
	_ =	sdelay $0x1  }
0x5fa: {  	v12 =	vld [tilespmem:s26+$0x9130];
	_ =	sdelay $0x1  }
0x5fb: {  	v13 =	vld [tilespmem:s26+$0x91B0]  }
0x5fc: {  	v3 =	vadd.f32 v11, v3  }
0x5fd: {  	v14 =	vld [tilespmem:s28+$0x9230]  }
0x5fe: {  	v3 =	vadd.f32 v12, v3  }
0x5ff: {  	v15 =	vld [tilespmem:s28+$0x92B0]  }
0x600: {  	v3 =	vadd.f32 v13, v3;
	_ =	sdelay $0x1  }
0x601: {  	v3 =	vadd.f32 v14, v3;
	_ =	sdelay $0x1  }
0x602: {  	v3 =	vadd.f32 v15, v3;
	_ =	sdelay $0x1  }
0x603: {  	[tilespmem:s0+$0x30] =	vst v3  }
0x604: {  	v3 =	vld [tilespmem:s25+$0x9440]  }
0x605: {  	v16 =	vld [tilespmem:s25+$0x94C0];
	_ =	sdelay $0x1  }
0x606: {  	v17 =	vld [tilespmem:s26+$0x9140];
	_ =	sdelay $0x1  }
0x607: {  	v18 =	vld [tilespmem:s26+$0x91C0]  }
0x608: {  	v3 =	vadd.f32 v16, v3  }
0x609: {  	v19 =	vld [tilespmem:s28+$0x9240]  }
0x60a: {  	v3 =	vadd.f32 v17, v3  }
0x60b: {  	v20 =	vld [tilespmem:s28+$0x92C0]  }
0x60c: {  	v3 =	vadd.f32 v18, v3;
	_ =	sdelay $0x1  }
0x60d: {  	v3 =	vadd.f32 v19, v3;
	_ =	sdelay $0x1  }
0x60e: {  	v3 =	vadd.f32 v20, v3;
	_ =	sdelay $0x1  }
0x60f: {  	[tilespmem:s0+$0x40] =	vst v3  }
0x610: {  	v3 =	vld [tilespmem:s25+$0x9450]  }
0x611: {  	v21 =	vld [tilespmem:s25+$0x94D0];
	_ =	sdelay $0x1  }
0x612: {  	v22 =	vld [tilespmem:s26+$0x9150];
	_ =	sdelay $0x1  }
0x613: {  	v23 =	vld [tilespmem:s26+$0x91D0]  }
0x614: {  	v3 =	vadd.f32 v21, v3  }
0x615: {  	v24 =	vld [tilespmem:s28+$0x9250]  }
0x616: {  	v3 =	vadd.f32 v22, v3  }
0x617: {  	v25 =	vld [tilespmem:s28+$0x92D0]  }
0x618: {  	v3 =	vadd.f32 v23, v3;
	_ =	sdelay $0x1  }
0x619: {  	v3 =	vadd.f32 v24, v3;
	_ =	sdelay $0x1  }
0x61a: {  	v3 =	vadd.f32 v25, v3;
	_ =	sdelay $0x1  }
0x61b: {  	[tilespmem:s0+$0x50] =	vst v3  }
0x61c: {  	v3 =	vld [tilespmem:s25+$0x9460]  }
0x61d: {  	v26 =	vld [tilespmem:s25+$0x94E0];
	_ =	sdelay $0x1  }
0x61e: {  	v27 =	vld [tilespmem:s26+$0x9160];
	_ =	sdelay $0x1  }
0x61f: {  	v28 =	vld [tilespmem:s26+$0x91E0]  }
0x620: {  	v3 =	vadd.f32 v26, v3  }
0x621: {  	v29 =	vld [tilespmem:s28+$0x9260]  }
0x622: {  	v3 =	vadd.f32 v27, v3  }
0x623: {  	v30 =	vld [tilespmem:s28+$0x92E0]  }
0x624: {  	v3 =	vadd.f32 v28, v3;
	_ =	sdelay $0x1  }
0x625: {  	v3 =	vadd.f32 v29, v3;
	_ =	sdelay $0x1  }
0x626: {  	v3 =	vadd.f32 v30, v3;
	_ =	sdelay $0x1  }
0x627: {  	[tilespmem:s0+$0x60] =	vst v3  }
0x628: {  	v3 =	vld [tilespmem:s25+$0x9470]  }
0x629: {  	v31 =	vld [tilespmem:s25+$0x94F0];
	_ =	sdelay $0x1  }
0x62a: {  	v32 =	vld [tilespmem:s26+$0x9170];
	_ =	sdelay $0x1  }
0x62b: {  	v33 =	vld [tilespmem:s26+$0x91F0]  }
0x62c: {  	v3 =	vadd.f32 v31, v3  }
0x62d: {  	v34 =	vld [tilespmem:s28+$0x9270]  }
0x62e: {  	v3 =	vadd.f32 v32, v3  }
0x62f: {  	v35 =	vld [tilespmem:s28+$0x92F0]  }
0x630: {  	v3 =	vadd.f32 v33, v3;
	_ =	sdelay $0x1  }
0x631: {  	v3 =	vadd.f32 v34, v3;
	_ =	sdelay $0x1  }
0x632: {  	v3 =	vadd.f32 v35, v3;
	_ =	sdelay $0x1  }
0x633: {  	[tilespmem:s0+$0x70] =	vst v3  }
0x634: {  	v3 =	vld [tilespmem:s25+$0x9800]  }
0x635: {  	v36 =	vld [tilespmem:s25+$0x9880];
	_ =	sdelay $0x1  }
0x636: {  	v37 =	vld [tilespmem:s26+$0x9500];
	_ =	sdelay $0x1  }
0x637: {  	v38 =	vld [tilespmem:s26+$0x9580]  }
0x638: {  	v3 =	vadd.f32 v36, v3  }
0x639: {  	v39 =	vld [tilespmem:s28+$0x9600]  }
0x63a: {  	v3 =	vadd.f32 v37, v3  }
0x63b: {  	v40 =	vld [tilespmem:s28+$0x9680]  }
0x63c: {  	v3 =	vadd.f32 v38, v3;
	_ =	sdelay $0x1  }
0x63d: {  	v3 =	vadd.f32 v39, v3;
	_ =	sdelay $0x1  }
0x63e: {  	v3 =	vadd.f32 v40, v3  }
0x63f: {  	s15 =	sor.u32 s10, s7  }
0x640: {  	[tilespmem:s15+$0x0] =	vst v3  }
0x641: {  	v3 =	vld [tilespmem:s25+$0x9810]  }
0x642: {  	v41 =	vld [tilespmem:s25+$0x9890];
	_ =	sdelay $0x1  }
0x643: {  	v42 =	vld [tilespmem:s26+$0x9510];
	_ =	sdelay $0x1  }
0x644: {  	v43 =	vld [tilespmem:s26+$0x9590]  }
0x645: {  	v3 =	vadd.f32 v41, v3  }
0x646: {  	v44 =	vld [tilespmem:s28+$0x9610]  }
0x647: {  	v3 =	vadd.f32 v42, v3  }
0x648: {  	v45 =	vld [tilespmem:s28+$0x9690]  }
0x649: {  	v3 =	vadd.f32 v43, v3;
	_ =	sdelay $0x1  }
0x64a: {  	v3 =	vadd.f32 v44, v3;
	_ =	sdelay $0x1  }
0x64b: {  	v3 =	vadd.f32 v45, v3;
	_ =	sdelay $0x1  }
0x64c: {  	[tilespmem:s15+$0x10] =	vst v3  }
0x64d: {  	v3 =	vld [tilespmem:s25+$0x9820]  }
0x64e: {  	v46 =	vld [tilespmem:s25+$0x98A0];
	_ =	sdelay $0x1  }
0x64f: {  	s13 =	sor.u32 $0x2, s24;
	v47 =	vld [tilespmem:s26+$0x9520]  }
0x650: {  	s31 =	smul.u32 $0x6, s13  }
0x651: {  	v48 =	vld [tilespmem:s26+$0x95A0]  }
0x652: {  	s14 =	sor.u32 $0x3, s24;
	s1 =	sadd.s32 $0x4, s31;
	v3 =	vadd.f32 v46, v3  }
0x653: {  	s16 =	smul.u32 $0x6, s14;
	s1 =	sshrl.u32 s1, $0x3;
	v49 =	vld [tilespmem:s28+$0x9620]  }
0x654: {  	s1 =	smul.u32 $0x3000, s1;
	v3 =	vadd.f32 v47, v3  }
0x655: {  	s16 =	sshrl.u32 s16, $0x3;
	v50 =	vld [tilespmem:s28+$0x96A0]  }
0x656: {  	s16 =	smul.u32 $0x3000, s16;
	s30 =	sshrl.u32 s31, $0x3;
	s1 =	sshra.s32 s1, $0x2;
	v3 =	vadd.f32 v48, v3  }
0x657: {  	v57 =	vld [tilespmem:s1+$0x9100];
	s0 =	smul.u32 $0x3000, s30  }
0x658: {  	v59 =	vld [tilespmem:s1+$0x9180];
	s30 =	sshra.s32 s16, $0x2;
	v3 =	vadd.f32 v49, v3  }
0x659: {  	v12 =	vld [tilespmem:s30+$0x9200];
	s0 =	sshra.s32 s0, $0x2  }
0x65a: {  	v9 =	vld [tilespmem:s0+$0x9300];
	v3 =	vadd.f32 v50, v3  }
0x65b: {  	v10 =	vld [tilespmem:s0+$0x9380]  }
0x65c: {  	v11 =	vld [tilespmem:s0+$0x9400];
	[tilespmem:s15+$0x20] =	vst v3  }
0x65d: {  	v3 =	vld [tilespmem:s25+$0x9830]  }
0x65e: {  	v51 =	vld [tilespmem:s25+$0x98B0]  }
0x65f: {  	v55 =	vld [tilespmem:s0+$0x9480]  }
0x660: {  	v52 =	vld [tilespmem:s26+$0x9530]  }
0x661: {  	v13 =	vld [tilespmem:s30+$0x9280];
	v9 =	vadd.f32 v10, v9  }
0x662: {  	v53 =	vld [tilespmem:s26+$0x95B0]  }
0x663: {  	v56 =	vld [tilespmem:s30+$0x9300];
	v9 =	vadd.f32 v11, v9;
	v3 =	vadd.f32 v51, v3  }
0x664: {  	v54 =	vld [tilespmem:s28+$0x9630]  }
0x665: {  	v58 =	vld [tilespmem:s30+$0x9380];
	v4 =	vadd.f32 v55, v9;
	v3 =	vadd.f32 v52, v3  }
0x666: {  	v12 =	vadd.f32 v13, v12;
	v8 =	vld [tilespmem:s28+$0x96B0]  }
0x667: {  	v4 =	vadd.f32 v57, v4;
	v3 =	vadd.f32 v53, v3  }
0x668: {  	s13 =	sshll.u32 s13, $0x7;
	v60 =	vld [tilespmem:s30+$0x9400];
	v61 =	vadd.f32 v56, v12  }
0x669: {  	s13 =	sand.u32 $0x300, s13;
	v4 =	vadd.f32 v59, v4;
	v3 =	vadd.f32 v54, v3  }
0x66a: {  	s31 =	sadd.s32 s13, s11;
	v62 =	vld [tilespmem:s30+$0x9480]  }
0x66b: {  	v7 =	vadd.f32 v58, v61;
	[tilespmem:s31+$0x0] =	vst v4;
	v3 =	vadd.f32 v8, v3  }
0x66c: {  	v4 =	vld [tilespmem:s0+$0x9310]  }
0x66d: {  	v13 =	vld [tilespmem:s0+$0x9390];
	[tilespmem:s15+$0x30] =	vst v3;
	v3 =	vadd.f32 v60, v7  }
0x66e: {  	s14 =	sshll.u32 s14, $0x7  }
0x66f: {  	s14 =	sand.u32 $0x380, s14;
	v14 =	vld [tilespmem:s0+$0x9410];
	v3 =	vadd.f32 v62, v3  }
0x670: {  	s11 =	sadd.s32 s14, s11;
	v16 =	vld [tilespmem:s0+$0x9490]  }
0x671: {  	v18 =	vld [tilespmem:s1+$0x9110];
	[tilespmem:s11+$0x0] =	vst v3  }
0x672: {  	v4 =	vadd.f32 v13, v4;
	v3 =	vld [tilespmem:s30+$0x9210]  }
0x673: {  	v15 =	vld [tilespmem:s30+$0x9290]  }
0x674: {  	v20 =	vld [tilespmem:s1+$0x9190];
	v4 =	vadd.f32 v14, v4  }
0x675: {  	v17 =	vld [tilespmem:s30+$0x9310]  }
0x676: {  	v4 =	vadd.f32 v16, v4  }
0x677: {  	v19 =	vld [tilespmem:s30+$0x9390]  }
0x678: {  	v4 =	vadd.f32 v18, v4;
	v3 =	vadd.f32 v15, v3  }
0x679: {  	v21 =	vld [tilespmem:s30+$0x9410]  }
0x67a: {  	v4 =	vadd.f32 v20, v4;
	v3 =	vadd.f32 v17, v3  }
0x67b: {  	v23 =	vld [tilespmem:s30+$0x9490]  }
0x67c: {  	[tilespmem:s31+$0x10] =	vst v4;
	v3 =	vadd.f32 v19, v3  }
0x67d: {  	v4 =	vld [tilespmem:s0+$0x9320]  }
0x67e: {  	v28 =	vld [tilespmem:s0+$0x93A0];
	v3 =	vadd.f32 v21, v3;
	_ =	sdelay $0x1  }
0x67f: {  	v29 =	vld [tilespmem:s0+$0x9420];
	v3 =	vadd.f32 v23, v3  }
0x680: {  	v31 =	vld [tilespmem:s0+$0x94A0]  }
0x681: {  	v33 =	vld [tilespmem:s1+$0x9120];
	[tilespmem:s11+$0x10] =	vst v3  }
0x682: {  	v4 =	vadd.f32 v28, v4;
	v3 =	vld [tilespmem:s30+$0x9220]  }
0x683: {  	v30 =	vld [tilespmem:s30+$0x92A0]  }
0x684: {  	v35 =	vld [tilespmem:s1+$0x91A0];
	v4 =	vadd.f32 v29, v4  }
0x685: {  	v32 =	vld [tilespmem:s30+$0x9320]  }
0x686: {  	v4 =	vadd.f32 v31, v4  }
0x687: {  	v34 =	vld [tilespmem:s30+$0x93A0]  }
0x688: {  	v4 =	vadd.f32 v33, v4;
	v3 =	vadd.f32 v30, v3  }
0x689: {  	v36 =	vld [tilespmem:s30+$0x9420]  }
0x68a: {  	v4 =	vadd.f32 v35, v4;
	v3 =	vadd.f32 v32, v3  }
0x68b: {  	v37 =	vld [tilespmem:s30+$0x94A0]  }
0x68c: {  	[tilespmem:s31+$0x20] =	vst v4;
	v3 =	vadd.f32 v34, v3  }
0x68d: {  	v4 =	vld [tilespmem:s0+$0x9330]  }
0x68e: {  	v38 =	vld [tilespmem:s0+$0x93B0];
	v3 =	vadd.f32 v36, v3  }
0x68f: {  	v39 =	vld [tilespmem:s0+$0x9430]  }
0x690: {  	v41 =	vld [tilespmem:s0+$0x94B0];
	v3 =	vadd.f32 v37, v3  }
0x691: {  	v43 =	vld [tilespmem:s1+$0x9130]  }
0x692: {  	v45 =	vld [tilespmem:s1+$0x91B0];
	[tilespmem:s11+$0x20] =	vst v3  }
0x693: {  	v3 =	vld [tilespmem:s30+$0x9230]  }
0x694: {  	v4 =	vadd.f32 v38, v4;
	v40 =	vld [tilespmem:s30+$0x92B0]  }
0x695: {  	v63 =	vld [tilespmem:s25+$0x9840]  }
0x696: {  	v4 =	vadd.f32 v39, v4;
	v42 =	vld [tilespmem:s30+$0x9330]  }
0x697: {  	v22 =	vld [tilespmem:s25+$0x98C0]  }
0x698: {  	v4 =	vadd.f32 v41, v4;
	v44 =	vld [tilespmem:s30+$0x93B0]  }
0x699: {  	v24 =	vld [tilespmem:s26+$0x9540];
	v3 =	vadd.f32 v40, v3  }
0x69a: {  	v4 =	vadd.f32 v43, v4;
	v46 =	vld [tilespmem:s30+$0x9430]  }
0x69b: {  	v25 =	vld [tilespmem:s26+$0x95C0];
	v3 =	vadd.f32 v42, v3  }
0x69c: {  	v4 =	vadd.f32 v45, v4;
	v48 =	vld [tilespmem:s30+$0x94B0]  }
0x69d: {  	v26 =	vld [tilespmem:s28+$0x9640];
	v6 =	vadd.f32 v22, v63;
	v3 =	vadd.f32 v44, v3  }
0x69e: {  	v27 =	vld [tilespmem:s28+$0x96C0];
	[tilespmem:s31+$0x30] =	vst v4  }
0x69f: {  	v4 =	vld [tilespmem:s0+$0x9340];
	v6 =	vadd.f32 v24, v6;
	v3 =	vadd.f32 v46, v3  }
0x6a0: {  	v53 =	vld [tilespmem:s0+$0x93C0]  }
0x6a1: {  	v54 =	vld [tilespmem:s0+$0x9440];
	v6 =	vadd.f32 v25, v6;
	v3 =	vadd.f32 v48, v3  }
0x6a2: {  	v56 =	vld [tilespmem:s0+$0x94C0]  }
0x6a3: {  	v58 =	vld [tilespmem:s1+$0x9140];
	v6 =	vadd.f32 v26, v6;
	[tilespmem:s11+$0x30] =	vst v3  }
0x6a4: {  	v3 =	vld [tilespmem:s30+$0x9240]  }
0x6a5: {  	v6 =	vadd.f32 v27, v6;
	v55 =	vld [tilespmem:s30+$0x92C0]  }
0x6a6: {  	v60 =	vld [tilespmem:s1+$0x91C0];
	v4 =	vadd.f32 v53, v4  }
0x6a7: {  	[tilespmem:s15+$0x40] =	vst v6;
	v57 =	vld [tilespmem:s30+$0x9340]  }
0x6a8: {  	v4 =	vadd.f32 v54, v4;
	v6 =	vld [tilespmem:s25+$0x9850]  }
0x6a9: {  	v59 =	vld [tilespmem:s30+$0x93C0]  }
0x6aa: {  	v4 =	vadd.f32 v56, v4;
	v47 =	vld [tilespmem:s25+$0x98D0];
	v3 =	vadd.f32 v55, v3  }
0x6ab: {  	v61 =	vld [tilespmem:s30+$0x9440]  }
0x6ac: {  	v4 =	vadd.f32 v58, v4;
	v49 =	vld [tilespmem:s26+$0x9550];
	v3 =	vadd.f32 v57, v3  }
0x6ad: {  	v62 =	vld [tilespmem:s30+$0x94C0]  }
0x6ae: {  	v4 =	vadd.f32 v60, v4;
	v50 =	vld [tilespmem:s26+$0x95D0];
	v3 =	vadd.f32 v59, v3  }
0x6af: {  	v51 =	vld [tilespmem:s28+$0x9650]  }
0x6b0: {  	v52 =	vld [tilespmem:s28+$0x96D0];
	[tilespmem:s31+$0x40] =	vst v4;
	v6 =	vadd.f32 v47, v6;
	v3 =	vadd.f32 v61, v3  }
0x6b1: {  	v4 =	vld [tilespmem:s0+$0x9350]  }
0x6b2: {  	v63 =	vld [tilespmem:s0+$0x93D0];
	v6 =	vadd.f32 v49, v6;
	v3 =	vadd.f32 v62, v3  }
0x6b3: {  	v12 =	vld [tilespmem:s0+$0x9450]  }
0x6b4: {  	v14 =	vld [tilespmem:s0+$0x94D0];
	v6 =	vadd.f32 v50, v6;
	[tilespmem:s11+$0x40] =	vst v3  }
0x6b5: {  	v3 =	vld [tilespmem:s30+$0x9250]  }
0x6b6: {  	v6 =	vadd.f32 v51, v6;
	v13 =	vld [tilespmem:s30+$0x92D0]  }
0x6b7: {  	v16 =	vld [tilespmem:s1+$0x9150]  }
0x6b8: {  	v4 =	vadd.f32 v63, v4;
	v6 =	vadd.f32 v52, v6;
	v15 =	vld [tilespmem:s30+$0x9350]  }
0x6b9: {  	v18 =	vld [tilespmem:s1+$0x91D0]  }
0x6ba: {  	v4 =	vadd.f32 v12, v4;
	[tilespmem:s15+$0x50] =	vst v6;
	v17 =	vld [tilespmem:s30+$0x93D0]  }
0x6bb: {  	v6 =	vld [tilespmem:s25+$0x9860];
	v3 =	vadd.f32 v13, v3  }
0x6bc: {  	v4 =	vadd.f32 v14, v4;
	v19 =	vld [tilespmem:s30+$0x9450]  }
0x6bd: {  	v20 =	vld [tilespmem:s25+$0x98E0];
	v3 =	vadd.f32 v15, v3  }
0x6be: {  	v4 =	vadd.f32 v16, v4;
	v21 =	vld [tilespmem:s30+$0x94D0]  }
0x6bf: {  	v22 =	vld [tilespmem:s26+$0x9560];
	v3 =	vadd.f32 v17, v3  }
0x6c0: {  	v4 =	vadd.f32 v18, v4;
	v23 =	vld [tilespmem:s26+$0x95E0]  }
0x6c1: {  	v24 =	vld [tilespmem:s28+$0x9660];
	v3 =	vadd.f32 v19, v3  }
0x6c2: {  	v25 =	vld [tilespmem:s28+$0x96E0];
	[tilespmem:s31+$0x50] =	vst v4  }
0x6c3: {  	v4 =	vld [tilespmem:s0+$0x9360];
	v3 =	vadd.f32 v21, v3  }
0x6c4: {  	v26 =	vld [tilespmem:s0+$0x93E0]  }
0x6c5: {  	v27 =	vld [tilespmem:s0+$0x9460];
	[tilespmem:s11+$0x50] =	vst v3  }
0x6c6: {  	v3 =	vld [tilespmem:s30+$0x9260]  }
0x6c7: {  	v28 =	vld [tilespmem:s30+$0x92E0]  }
0x6c8: {  	v29 =	vld [tilespmem:s0+$0x94E0];
	v6 =	vadd.f32 v20, v6  }
0x6c9: {  	v4 =	vadd.f32 v26, v4;
	v30 =	vld [tilespmem:s30+$0x9360]  }
0x6ca: {  	v31 =	vld [tilespmem:s1+$0x9160];
	v6 =	vadd.f32 v22, v6  }
0x6cb: {  	v4 =	vadd.f32 v27, v4;
	v32 =	vld [tilespmem:s30+$0x93E0]  }
0x6cc: {  	v33 =	vld [tilespmem:s1+$0x91E0];
	v6 =	vadd.f32 v23, v6;
	v3 =	vadd.f32 v28, v3  }
0x6cd: {  	v4 =	vadd.f32 v29, v4;
	v34 =	vld [tilespmem:s30+$0x9460]  }
0x6ce: {  	v6 =	vadd.f32 v24, v6;
	v3 =	vadd.f32 v30, v3  }
0x6cf: {  	v4 =	vadd.f32 v31, v4;
	v35 =	vld [tilespmem:s30+$0x94E0]  }
0x6d0: {  	v6 =	vadd.f32 v25, v6;
	v3 =	vadd.f32 v32, v3  }
0x6d1: {  	v4 =	vadd.f32 v33, v4  }
0x6d2: {  	[tilespmem:s15+$0x60] =	vst v6;
	v3 =	vadd.f32 v34, v3  }
0x6d3: {  	v6 =	vld [tilespmem:s25+$0x9870];
	[tilespmem:s31+$0x60] =	vst v4  }
0x6d4: {  	v4 =	vld [tilespmem:s0+$0x9370];
	v3 =	vadd.f32 v35, v3  }
0x6d5: {  	v36 =	vld [tilespmem:s0+$0x93F0]  }
0x6d6: {  	v37 =	vld [tilespmem:s0+$0x9470];
	[tilespmem:s11+$0x60] =	vst v3  }
0x6d7: {  	v3 =	vld [tilespmem:s30+$0x9270]  }
0x6d8: {  	v38 =	vld [tilespmem:s30+$0x92F0]  }
0x6d9: {  	v39 =	vld [tilespmem:s0+$0x94F0]  }
0x6da: {  	v4 =	vadd.f32 v36, v4;
	v40 =	vld [tilespmem:s30+$0x9370]  }
0x6db: {  	v41 =	vld [tilespmem:s1+$0x9170]  }
0x6dc: {  	v4 =	vadd.f32 v37, v4;
	v42 =	vld [tilespmem:s30+$0x93F0]  }
0x6dd: {  	v43 =	vld [tilespmem:s1+$0x91F0];
	v3 =	vadd.f32 v38, v3  }
0x6de: {  	v4 =	vadd.f32 v39, v4;
	v44 =	vld [tilespmem:s30+$0x9470]  }
0x6df: {  	v45 =	vld [tilespmem:s25+$0x98F0];
	v3 =	vadd.f32 v40, v3  }
0x6e0: {  	v4 =	vadd.f32 v41, v4;
	v46 =	vld [tilespmem:s30+$0x94F0]  }
0x6e1: {  	v47 =	vld [tilespmem:s26+$0x9570];
	v3 =	vadd.f32 v42, v3  }
0x6e2: {  	v49 =	vld [tilespmem:s28+$0x9670];
	v4 =	vadd.f32 v43, v4  }
0x6e3: {  	v50 =	vld [tilespmem:s28+$0x96F0];
	v3 =	vadd.f32 v44, v3  }
0x6e4: {  	v48 =	vld [tilespmem:s26+$0x95F0];
	[tilespmem:s31+$0x70] =	vst v4  }
0x6e5: {  	v51 =	vld [tilespmem:s0+$0x9700];
	v3 =	vadd.f32 v46, v3  }
0x6e6: {  	v52 =	vld [tilespmem:s0+$0x9780]  }
0x6e7: {  	[tilespmem:s11+$0x70] =	vst v3;
	v3 =	vld [tilespmem:s0+$0x9800]  }
0x6e8: {  	v53 =	vld [tilespmem:s30+$0x9600]  }
0x6e9: {  	v54 =	vld [tilespmem:s30+$0x9680]  }
0x6ea: {  	v6 =	vadd.f32 v45, v6;
	v55 =	vld [tilespmem:s0+$0x9880]  }
0x6eb: {  	v5 =	vadd.f32 v52, v51;
	v56 =	vld [tilespmem:s30+$0x9700]  }
0x6ec: {  	v6 =	vadd.f32 v47, v6;
	v57 =	vld [tilespmem:s1+$0x9500]  }
0x6ed: {  	v58 =	vld [tilespmem:s30+$0x9780];
	v3 =	vadd.f32 v3, v5  }
0x6ee: {  	v6 =	vadd.f32 v48, v6;
	v59 =	vld [tilespmem:s1+$0x9580];
	v12 =	vadd.f32 v54, v53  }
0x6ef: {  	v60 =	vld [tilespmem:s30+$0x9800];
	v3 =	vadd.f32 v55, v3  }
0x6f0: {  	v6 =	vadd.f32 v49, v6;
	v8 =	vadd.f32 v56, v12  }
0x6f1: {  	v61 =	vld [tilespmem:s30+$0x9880];
	v3 =	vadd.f32 v57, v3  }
0x6f2: {  	v4 =	vadd.f32 v50, v6;
	v5 =	vadd.f32 v58, v8  }
0x6f3: {  	v3 =	vadd.f32 v59, v3  }
0x6f4: {  	s31 =	sadd.s32 s13, s7;
	[tilespmem:s15+$0x70] =	vst v4;
	v62 =	vadd.f32 v60, v5  }
0x6f5: {  	v63 =	vld [tilespmem:s25+$0x9C00];
	[tilespmem:s31+$0x0] =	vst v3  }
0x6f6: {  	v3 =	vld [tilespmem:s0+$0x9710];
	v4 =	vadd.f32 v61, v62  }
0x6f7: {  	s7 =	sadd.s32 s14, s7;
	v16 =	vld [tilespmem:s0+$0x9790]  }
0x6f8: {  	v17 =	vld [tilespmem:s0+$0x9810];
	[tilespmem:s7+$0x0] =	vst v4  }
0x6f9: {  	v4 =	vld [tilespmem:s30+$0x9610]  }
0x6fa: {  	v18 =	vld [tilespmem:s30+$0x9690]  }
0x6fb: {  	v19 =	vld [tilespmem:s0+$0x9890]  }
0x6fc: {  	v20 =	vld [tilespmem:s30+$0x9710];
	v3 =	vadd.f32 v16, v3  }
0x6fd: {  	v21 =	vld [tilespmem:s1+$0x9510]  }
0x6fe: {  	v22 =	vld [tilespmem:s30+$0x9790];
	v3 =	vadd.f32 v17, v3  }
0x6ff: {  	v23 =	vld [tilespmem:s1+$0x9590];
	v4 =	vadd.f32 v18, v4  }
0x700: {  	v24 =	vld [tilespmem:s30+$0x9810];
	v3 =	vadd.f32 v19, v3  }
0x701: {  	v25 =	vld [tilespmem:s25+$0x9C80];
	v4 =	vadd.f32 v20, v4  }
0x702: {  	v26 =	vld [tilespmem:s30+$0x9890];
	v3 =	vadd.f32 v21, v3  }
0x703: {  	v27 =	vld [tilespmem:s26+$0x9900];
	v4 =	vadd.f32 v22, v4  }
0x704: {  	v29 =	vld [tilespmem:s28+$0x9A00];
	v3 =	vadd.f32 v23, v3  }
0x705: {  	v28 =	vld [tilespmem:s26+$0x9980];
	v4 =	vadd.f32 v24, v4  }
0x706: {  	v30 =	vld [tilespmem:s28+$0x9A80];
	[tilespmem:s31+$0x10] =	vst v3  }
0x707: {  	v3 =	vld [tilespmem:s0+$0x9720];
	v4 =	vadd.f32 v26, v4  }
0x708: {  	v31 =	vld [tilespmem:s0+$0x97A0]  }
0x709: {  	v32 =	vld [tilespmem:s0+$0x9820];
	[tilespmem:s7+$0x10] =	vst v4  }
0x70a: {  	v4 =	vld [tilespmem:s30+$0x9620]  }
0x70b: {  	v33 =	vld [tilespmem:s30+$0x96A0]  }
0x70c: {  	v5 =	vadd.f32 v25, v63;
	v34 =	vld [tilespmem:s0+$0x98A0]  }
0x70d: {  	v35 =	vld [tilespmem:s30+$0x9720];
	v3 =	vadd.f32 v31, v3  }
0x70e: {  	v5 =	vadd.f32 v27, v5;
	v36 =	vld [tilespmem:s1+$0x9520]  }
0x70f: {  	v37 =	vld [tilespmem:s30+$0x97A0];
	v3 =	vadd.f32 v32, v3  }
0x710: {  	v5 =	vadd.f32 v28, v5;
	v38 =	vld [tilespmem:s1+$0x95A0];
	v4 =	vadd.f32 v33, v4  }
0x711: {  	v39 =	vld [tilespmem:s30+$0x9820];
	v3 =	vadd.f32 v34, v3  }
0x712: {  	v5 =	vadd.f32 v29, v5;
	v4 =	vadd.f32 v35, v4  }
0x713: {  	v40 =	vld [tilespmem:s30+$0x98A0];
	v3 =	vadd.f32 v36, v3  }
0x714: {  	v5 =	vadd.f32 v30, v5;
	v4 =	vadd.f32 v37, v4  }
0x715: {  	s10 =	sor.u32 s10, s29;
	v3 =	vadd.f32 v38, v3  }
0x716: {  	[tilespmem:s10+$0x0] =	vst v5;
	v4 =	vadd.f32 v39, v4  }
0x717: {  	v5 =	vld [tilespmem:s25+$0x9C10];
	[tilespmem:s31+$0x20] =	vst v3  }
0x718: {  	v3 =	vld [tilespmem:s0+$0x9730];
	v4 =	vadd.f32 v40, v4  }
0x719: {  	v41 =	vld [tilespmem:s0+$0x97B0]  }
0x71a: {  	v42 =	vld [tilespmem:s0+$0x9830];
	[tilespmem:s7+$0x20] =	vst v4  }
0x71b: {  	v4 =	vld [tilespmem:s30+$0x9630]  }
0x71c: {  	v43 =	vld [tilespmem:s30+$0x96B0]  }
0x71d: {  	v44 =	vld [tilespmem:s0+$0x98B0]  }
0x71e: {  	v45 =	vld [tilespmem:s30+$0x9730];
	v3 =	vadd.f32 v41, v3  }
0x71f: {  	v46 =	vld [tilespmem:s1+$0x9530]  }
0x720: {  	v47 =	vld [tilespmem:s30+$0x97B0];
	v3 =	vadd.f32 v42, v3  }
0x721: {  	v48 =	vld [tilespmem:s1+$0x95B0];
	v4 =	vadd.f32 v43, v4  }
0x722: {  	v49 =	vld [tilespmem:s30+$0x9830];
	v3 =	vadd.f32 v44, v3  }
0x723: {  	v50 =	vld [tilespmem:s25+$0x9C90];
	v4 =	vadd.f32 v45, v4  }
0x724: {  	v51 =	vld [tilespmem:s30+$0x98B0];
	v3 =	vadd.f32 v46, v3  }
0x725: {  	v52 =	vld [tilespmem:s26+$0x9910];
	v4 =	vadd.f32 v47, v4  }
0x726: {  	v53 =	vld [tilespmem:s26+$0x9990];
	v3 =	vadd.f32 v48, v3  }
0x727: {  	v54 =	vld [tilespmem:s28+$0x9A10];
	v4 =	vadd.f32 v49, v4  }
0x728: {  	v55 =	vld [tilespmem:s28+$0x9A90];
	[tilespmem:s31+$0x30] =	vst v3  }
0x729: {  	v3 =	vld [tilespmem:s0+$0x9740];
	v4 =	vadd.f32 v51, v4  }
0x72a: {  	v56 =	vld [tilespmem:s0+$0x97C0]  }
0x72b: {  	v57 =	vld [tilespmem:s0+$0x9840];
	[tilespmem:s7+$0x30] =	vst v4  }
0x72c: {  	v4 =	vld [tilespmem:s30+$0x9640]  }
0x72d: {  	v58 =	vld [tilespmem:s30+$0x96C0]  }
0x72e: {  	v5 =	vadd.f32 v50, v5;
	v59 =	vld [tilespmem:s0+$0x98C0]  }
0x72f: {  	v60 =	vld [tilespmem:s30+$0x9740];
	v3 =	vadd.f32 v56, v3  }
0x730: {  	v5 =	vadd.f32 v52, v5;
	v61 =	vld [tilespmem:s1+$0x9540]  }
0x731: {  	v62 =	vld [tilespmem:s30+$0x97C0];
	v3 =	vadd.f32 v57, v3  }
0x732: {  	v5 =	vadd.f32 v53, v5;
	v63 =	vld [tilespmem:s1+$0x95C0];
	v4 =	vadd.f32 v58, v4  }
0x733: {  	v13 =	vld [tilespmem:s30+$0x9840];
	v3 =	vadd.f32 v59, v3  }
0x734: {  	v5 =	vadd.f32 v54, v5;
	v4 =	vadd.f32 v60, v4  }
0x735: {  	v14 =	vld [tilespmem:s30+$0x98C0];
	v3 =	vadd.f32 v61, v3  }
0x736: {  	v5 =	vadd.f32 v55, v5;
	v4 =	vadd.f32 v62, v4  }
0x737: {  	v3 =	vadd.f32 v63, v3  }
0x738: {  	[tilespmem:s10+$0x10] =	vst v5;
	v4 =	vadd.f32 v13, v4  }
0x739: {  	v5 =	vld [tilespmem:s25+$0x9C20];
	[tilespmem:s31+$0x40] =	vst v3  }
0x73a: {  	v3 =	vld [tilespmem:s0+$0x9750];
	v4 =	vadd.f32 v14, v4  }
0x73b: {  	v15 =	vld [tilespmem:s0+$0x97D0]  }
0x73c: {  	v16 =	vld [tilespmem:s0+$0x9850];
	[tilespmem:s7+$0x40] =	vst v4  }
0x73d: {  	v4 =	vld [tilespmem:s30+$0x9650]  }
0x73e: {  	v17 =	vld [tilespmem:s30+$0x96D0]  }
0x73f: {  	v18 =	vld [tilespmem:s0+$0x98D0]  }
0x740: {  	v19 =	vld [tilespmem:s30+$0x9750];
	v3 =	vadd.f32 v15, v3  }
0x741: {  	v20 =	vld [tilespmem:s1+$0x9550]  }
0x742: {  	v21 =	vld [tilespmem:s30+$0x97D0];
	v3 =	vadd.f32 v16, v3  }
0x743: {  	v22 =	vld [tilespmem:s1+$0x95D0];
	v4 =	vadd.f32 v17, v4  }
0x744: {  	v23 =	vld [tilespmem:s30+$0x9850];
	v3 =	vadd.f32 v18, v3  }
0x745: {  	v24 =	vld [tilespmem:s25+$0x9CA0];
	v4 =	vadd.f32 v19, v4  }
0x746: {  	v25 =	vld [tilespmem:s30+$0x98D0];
	v3 =	vadd.f32 v20, v3  }
0x747: {  	v26 =	vld [tilespmem:s26+$0x9920];
	v4 =	vadd.f32 v21, v4  }
0x748: {  	v27 =	vld [tilespmem:s26+$0x99A0];
	v3 =	vadd.f32 v22, v3  }
0x749: {  	v28 =	vld [tilespmem:s28+$0x9A20];
	v4 =	vadd.f32 v23, v4  }
0x74a: {  	v29 =	vld [tilespmem:s28+$0x9AA0];
	[tilespmem:s31+$0x50] =	vst v3  }
0x74b: {  	v3 =	vld [tilespmem:s0+$0x9760];
	v4 =	vadd.f32 v25, v4  }
0x74c: {  	v30 =	vld [tilespmem:s0+$0x97E0]  }
0x74d: {  	v31 =	vld [tilespmem:s0+$0x9860];
	[tilespmem:s7+$0x50] =	vst v4  }
0x74e: {  	v4 =	vld [tilespmem:s30+$0x9660]  }
0x74f: {  	v32 =	vld [tilespmem:s30+$0x96E0]  }
0x750: {  	v5 =	vadd.f32 v24, v5;
	v33 =	vld [tilespmem:s0+$0x98E0]  }
0x751: {  	v34 =	vld [tilespmem:s30+$0x9760];
	v3 =	vadd.f32 v30, v3  }
0x752: {  	v5 =	vadd.f32 v26, v5;
	v35 =	vld [tilespmem:s1+$0x9560]  }
0x753: {  	v36 =	vld [tilespmem:s30+$0x97E0];
	v3 =	vadd.f32 v31, v3  }
0x754: {  	v5 =	vadd.f32 v27, v5;
	v37 =	vld [tilespmem:s1+$0x95E0];
	v4 =	vadd.f32 v32, v4  }
0x755: {  	v38 =	vld [tilespmem:s30+$0x9860];
	v3 =	vadd.f32 v33, v3  }
0x756: {  	v5 =	vadd.f32 v28, v5;
	v4 =	vadd.f32 v34, v4  }
0x757: {  	v39 =	vld [tilespmem:s30+$0x98E0];
	v3 =	vadd.f32 v35, v3  }
0x758: {  	v5 =	vadd.f32 v29, v5;
	v4 =	vadd.f32 v36, v4  }
0x759: {  	v3 =	vadd.f32 v37, v3  }
0x75a: {  	[tilespmem:s10+$0x20] =	vst v5;
	v4 =	vadd.f32 v38, v4  }
0x75b: {  	v5 =	vld [tilespmem:s25+$0x9C30];
	[tilespmem:s31+$0x60] =	vst v3  }
0x75c: {  	v3 =	vld [tilespmem:s0+$0x9770];
	v4 =	vadd.f32 v39, v4  }
0x75d: {  	v40 =	vld [tilespmem:s0+$0x97F0]  }
0x75e: {  	v41 =	vld [tilespmem:s0+$0x9870];
	[tilespmem:s7+$0x60] =	vst v4  }
0x75f: {  	v4 =	vld [tilespmem:s30+$0x9670]  }
0x760: {  	v42 =	vld [tilespmem:s30+$0x96F0]  }
0x761: {  	v43 =	vld [tilespmem:s0+$0x98F0]  }
0x762: {  	v44 =	vld [tilespmem:s30+$0x9770];
	v3 =	vadd.f32 v40, v3  }
0x763: {  	v45 =	vld [tilespmem:s1+$0x9570]  }
0x764: {  	v46 =	vld [tilespmem:s30+$0x97F0];
	v3 =	vadd.f32 v41, v3  }
0x765: {  	v47 =	vld [tilespmem:s1+$0x95F0];
	v4 =	vadd.f32 v42, v4  }
0x766: {  	v48 =	vld [tilespmem:s30+$0x9870];
	v3 =	vadd.f32 v43, v3  }
0x767: {  	v52 =	vld [tilespmem:s26+$0x99B0];
	v4 =	vadd.f32 v44, v4  }
0x768: {  	v50 =	vld [tilespmem:s30+$0x98F0];
	v3 =	vadd.f32 v45, v3  }
0x769: {  	v53 =	vld [tilespmem:s28+$0x9A30];
	v4 =	vadd.f32 v46, v4  }
0x76a: {  	v49 =	vld [tilespmem:s25+$0x9CB0];
	v3 =	vadd.f32 v47, v3  }
0x76b: {  	v51 =	vld [tilespmem:s26+$0x9930];
	v4 =	vadd.f32 v48, v4  }
0x76c: {  	[tilespmem:s31+$0x70] =	vst v3;
	v3 =	vld [tilespmem:s28+$0x9AB0]  }
0x76d: {  	v54 =	vld [tilespmem:s0+$0x9B00];
	v4 =	vadd.f32 v50, v4  }
0x76e: {  	v55 =	vld [tilespmem:s0+$0x9B80]  }
0x76f: {  	v56 =	vld [tilespmem:s0+$0x9C00];
	[tilespmem:s7+$0x70] =	vst v4  }
0x770: {  	v57 =	vld [tilespmem:s30+$0x9A00]  }
0x771: {  	v58 =	vld [tilespmem:s30+$0x9A80]  }
0x772: {  	v5 =	vadd.f32 v49, v5;
	v59 =	vld [tilespmem:s0+$0x9C80]  }
0x773: {  	v60 =	vld [tilespmem:s30+$0x9B00];
	v6 =	vadd.f32 v55, v54  }
0x774: {  	v5 =	vadd.f32 v51, v5;
	v61 =	vld [tilespmem:s1+$0x9900]  }
0x775: {  	v62 =	vld [tilespmem:s30+$0x9B80];
	v4 =	vadd.f32 v56, v6  }
0x776: {  	v5 =	vadd.f32 v52, v5;
	v63 =	vld [tilespmem:s1+$0x9980];
	v12 =	vadd.f32 v58, v57  }
0x777: {  	v16 =	vld [tilespmem:s30+$0x9C00];
	v4 =	vadd.f32 v59, v4  }
0x778: {  	v5 =	vadd.f32 v53, v5;
	v8 =	vadd.f32 v60, v12  }
0x779: {  	v17 =	vld [tilespmem:s30+$0x9C80];
	v4 =	vadd.f32 v61, v4  }
0x77a: {  	v3 =	vadd.f32 v3, v5;
	v18 =	vadd.f32 v62, v8  }
0x77b: {  	v4 =	vadd.f32 v63, v4  }
0x77c: {  	s16 =	sadd.s32 s13, s29;
	[tilespmem:s10+$0x30] =	vst v3;
	v3 =	vadd.f32 v16, v18  }
0x77d: {  	v19 =	vld [tilespmem:s25+$0x9C40];
	[tilespmem:s16+$0x0] =	vst v4  }
0x77e: {  	v4 =	vld [tilespmem:s0+$0x9B10];
	v3 =	vadd.f32 v17, v3  }
0x77f: {  	s29 =	sadd.s32 s14, s29;
	v20 =	vld [tilespmem:s0+$0x9B90]  }
0x780: {  	v21 =	vld [tilespmem:s0+$0x9C10];
	[tilespmem:s29+$0x0] =	vst v3  }
0x781: {  	v3 =	vld [tilespmem:s30+$0x9A10]  }
0x782: {  	v22 =	vld [tilespmem:s30+$0x9A90]  }
0x783: {  	v23 =	vld [tilespmem:s0+$0x9C90]  }
0x784: {  	v24 =	vld [tilespmem:s30+$0x9B10];
	v4 =	vadd.f32 v20, v4  }
0x785: {  	v25 =	vld [tilespmem:s1+$0x9910]  }
0x786: {  	v26 =	vld [tilespmem:s30+$0x9B90];
	v4 =	vadd.f32 v21, v4  }
0x787: {  	v27 =	vld [tilespmem:s1+$0x9990];
	v3 =	vadd.f32 v22, v3  }
0x788: {  	v28 =	vld [tilespmem:s30+$0x9C10];
	v4 =	vadd.f32 v23, v4  }
0x789: {  	v29 =	vld [tilespmem:s25+$0x9CC0];
	v3 =	vadd.f32 v24, v3  }
0x78a: {  	v30 =	vld [tilespmem:s30+$0x9C90];
	v4 =	vadd.f32 v25, v4  }
0x78b: {  	v31 =	vld [tilespmem:s26+$0x9940];
	v3 =	vadd.f32 v26, v3  }
0x78c: {  	v32 =	vld [tilespmem:s26+$0x99C0];
	v4 =	vadd.f32 v27, v4  }
0x78d: {  	v33 =	vld [tilespmem:s28+$0x9A40];
	v3 =	vadd.f32 v28, v3  }
0x78e: {  	v34 =	vld [tilespmem:s28+$0x9AC0];
	[tilespmem:s16+$0x10] =	vst v4  }
0x78f: {  	v4 =	vld [tilespmem:s0+$0x9B20];
	v3 =	vadd.f32 v30, v3  }
0x790: {  	v35 =	vld [tilespmem:s0+$0x9BA0]  }
0x791: {  	v36 =	vld [tilespmem:s0+$0x9C20];
	[tilespmem:s29+$0x10] =	vst v3  }
0x792: {  	v3 =	vld [tilespmem:s30+$0x9A20]  }
0x793: {  	v37 =	vld [tilespmem:s30+$0x9AA0]  }
0x794: {  	v5 =	vadd.f32 v29, v19;
	v38 =	vld [tilespmem:s0+$0x9CA0]  }
0x795: {  	v39 =	vld [tilespmem:s30+$0x9B20];
	v4 =	vadd.f32 v35, v4  }
0x796: {  	v5 =	vadd.f32 v31, v5;
	v40 =	vld [tilespmem:s1+$0x9920]  }
0x797: {  	v41 =	vld [tilespmem:s30+$0x9BA0];
	v4 =	vadd.f32 v36, v4  }
0x798: {  	v5 =	vadd.f32 v32, v5;
	v42 =	vld [tilespmem:s1+$0x99A0];
	v3 =	vadd.f32 v37, v3  }
0x799: {  	v43 =	vld [tilespmem:s30+$0x9C20];
	v4 =	vadd.f32 v38, v4  }
0x79a: {  	v5 =	vadd.f32 v33, v5;
	v3 =	vadd.f32 v39, v3  }
0x79b: {  	v44 =	vld [tilespmem:s30+$0x9CA0];
	v4 =	vadd.f32 v40, v4  }
0x79c: {  	v5 =	vadd.f32 v34, v5;
	v3 =	vadd.f32 v41, v3  }
0x79d: {  	v4 =	vadd.f32 v42, v4  }
0x79e: {  	[tilespmem:s10+$0x40] =	vst v5;
	v3 =	vadd.f32 v43, v3  }
0x79f: {  	v5 =	vld [tilespmem:s25+$0x9C50];
	[tilespmem:s16+$0x20] =	vst v4  }
0x7a0: {  	v4 =	vld [tilespmem:s0+$0x9B30];
	v3 =	vadd.f32 v44, v3  }
0x7a1: {  	v45 =	vld [tilespmem:s0+$0x9BB0]  }
0x7a2: {  	v46 =	vld [tilespmem:s0+$0x9C30];
	[tilespmem:s29+$0x20] =	vst v3  }
0x7a3: {  	v3 =	vld [tilespmem:s30+$0x9A30]  }
0x7a4: {  	v47 =	vld [tilespmem:s30+$0x9AB0]  }
0x7a5: {  	v48 =	vld [tilespmem:s0+$0x9CB0]  }
0x7a6: {  	v49 =	vld [tilespmem:s30+$0x9B30];
	v4 =	vadd.f32 v45, v4  }
0x7a7: {  	v50 =	vld [tilespmem:s1+$0x9930]  }
0x7a8: {  	v51 =	vld [tilespmem:s30+$0x9BB0];
	v4 =	vadd.f32 v46, v4  }
0x7a9: {  	v52 =	vld [tilespmem:s1+$0x99B0];
	v3 =	vadd.f32 v47, v3  }
0x7aa: {  	v53 =	vld [tilespmem:s30+$0x9C30];
	v4 =	vadd.f32 v48, v4  }
0x7ab: {  	v54 =	vld [tilespmem:s25+$0x9CD0];
	v3 =	vadd.f32 v49, v3  }
0x7ac: {  	v55 =	vld [tilespmem:s30+$0x9CB0];
	v4 =	vadd.f32 v50, v4  }
0x7ad: {  	v56 =	vld [tilespmem:s26+$0x9950];
	v3 =	vadd.f32 v51, v3  }
0x7ae: {  	v57 =	vld [tilespmem:s26+$0x99D0];
	v4 =	vadd.f32 v52, v4  }
0x7af: {  	v58 =	vld [tilespmem:s28+$0x9A50];
	v3 =	vadd.f32 v53, v3  }
0x7b0: {  	v59 =	vld [tilespmem:s28+$0x9AD0];
	[tilespmem:s16+$0x30] =	vst v4  }
0x7b1: {  	v4 =	vld [tilespmem:s0+$0x9B40];
	v3 =	vadd.f32 v55, v3  }
0x7b2: {  	v60 =	vld [tilespmem:s0+$0x9BC0]  }
0x7b3: {  	v61 =	vld [tilespmem:s0+$0x9C40];
	[tilespmem:s29+$0x30] =	vst v3  }
0x7b4: {  	v3 =	vld [tilespmem:s30+$0x9A40]  }
0x7b5: {  	v62 =	vld [tilespmem:s30+$0x9AC0]  }
0x7b6: {  	v5 =	vadd.f32 v54, v5;
	v63 =	vld [tilespmem:s0+$0x9CC0]  }
0x7b7: {  	v16 =	vld [tilespmem:s30+$0x9B40];
	v4 =	vadd.f32 v60, v4  }
0x7b8: {  	v5 =	vadd.f32 v56, v5;
	v17 =	vld [tilespmem:s1+$0x9940]  }
0x7b9: {  	v18 =	vld [tilespmem:s30+$0x9BC0];
	v4 =	vadd.f32 v61, v4  }
0x7ba: {  	v5 =	vadd.f32 v57, v5;
	v19 =	vld [tilespmem:s1+$0x99C0];
	v3 =	vadd.f32 v62, v3  }
0x7bb: {  	v20 =	vld [tilespmem:s30+$0x9C40];
	v4 =	vadd.f32 v63, v4  }
0x7bc: {  	v5 =	vadd.f32 v58, v5;
	v3 =	vadd.f32 v16, v3  }
0x7bd: {  	v21 =	vld [tilespmem:s30+$0x9CC0];
	v4 =	vadd.f32 v17, v4  }
0x7be: {  	v5 =	vadd.f32 v59, v5;
	v3 =	vadd.f32 v18, v3  }
0x7bf: {  	v4 =	vadd.f32 v19, v4  }
0x7c0: {  	[tilespmem:s10+$0x50] =	vst v5;
	v3 =	vadd.f32 v20, v3  }
0x7c1: {  	v5 =	vld [tilespmem:s25+$0x9C60];
	[tilespmem:s16+$0x40] =	vst v4  }
0x7c2: {  	v4 =	vld [tilespmem:s0+$0x9B50];
	v3 =	vadd.f32 v21, v3  }
0x7c3: {  	v22 =	vld [tilespmem:s0+$0x9BD0]  }
0x7c4: {  	v23 =	vld [tilespmem:s0+$0x9C50];
	[tilespmem:s29+$0x40] =	vst v3  }
0x7c5: {  	v3 =	vld [tilespmem:s30+$0x9A50]  }
0x7c6: {  	v24 =	vld [tilespmem:s30+$0x9AD0]  }
0x7c7: {  	v25 =	vld [tilespmem:s0+$0x9CD0]  }
0x7c8: {  	v26 =	vld [tilespmem:s30+$0x9B50];
	v4 =	vadd.f32 v22, v4  }
0x7c9: {  	v27 =	vld [tilespmem:s1+$0x9950]  }
0x7ca: {  	v28 =	vld [tilespmem:s30+$0x9BD0];
	v4 =	vadd.f32 v23, v4  }
0x7cb: {  	v29 =	vld [tilespmem:s1+$0x99D0];
	v3 =	vadd.f32 v24, v3  }
0x7cc: {  	v30 =	vld [tilespmem:s30+$0x9C50];
	v4 =	vadd.f32 v25, v4  }
0x7cd: {  	v31 =	vld [tilespmem:s25+$0x9CE0];
	v3 =	vadd.f32 v26, v3  }
0x7ce: {  	v32 =	vld [tilespmem:s30+$0x9CD0];
	v4 =	vadd.f32 v27, v4  }
0x7cf: {  	v33 =	vld [tilespmem:s26+$0x9960];
	v3 =	vadd.f32 v28, v3  }
0x7d0: {  	v34 =	vld [tilespmem:s26+$0x99E0];
	v4 =	vadd.f32 v29, v4  }
0x7d1: {  	v35 =	vld [tilespmem:s28+$0x9A60];
	v3 =	vadd.f32 v30, v3  }
0x7d2: {  	v36 =	vld [tilespmem:s28+$0x9AE0];
	[tilespmem:s16+$0x50] =	vst v4  }
0x7d3: {  	v37 =	vadd.f32 v31, v5;
	v38 =	vld [tilespmem:s0+$0x9B60];
	v3 =	vadd.f32 v32, v3  }
0x7d4: {  	v39 =	vld [tilespmem:s0+$0x9BE0]  }
0x7d5: {  	v4 =	vadd.f32 v33, v37;
	v40 =	vld [tilespmem:s0+$0x9C60];
	[tilespmem:s29+$0x50] =	vst v3  }
0x7d6: {  	v3 =	vld [tilespmem:s30+$0x9A60]  }
0x7d7: {  	v4 =	vadd.f32 v34, v4;
	v41 =	vld [tilespmem:s30+$0x9AE0]  }
0x7d8: {  	v42 =	vld [tilespmem:s0+$0x9CE0]  }
0x7d9: {  	v4 =	vadd.f32 v35, v4;
	v43 =	vld [tilespmem:s30+$0x9B60]  }
0x7da: {  	v44 =	vld [tilespmem:s1+$0x9960];
	v5 =	vadd.f32 v39, v38  }
0x7db: {  	v45 =	vld [tilespmem:s30+$0x9BE0];
	v4 =	vadd.f32 v36, v4  }
0x7dc: {  	v46 =	vld [tilespmem:s1+$0x99E0];
	v5 =	vadd.f32 v40, v5;
	v3 =	vadd.f32 v41, v3  }
0x7dd: {  	v47 =	vld [tilespmem:s30+$0x9C60]  }
0x7de: {  	v49 =	vld [tilespmem:s30+$0x9CE0];
	[tilespmem:s10+$0x60] =	vst v4;
	v5 =	vadd.f32 v42, v5;
	v3 =	vadd.f32 v43, v3  }
0x7df: {  	v48 =	vld [tilespmem:s25+$0x9C70]  }
0x7e0: {  	v50 =	vld [tilespmem:s25+$0x9CF0];
	v5 =	vadd.f32 v44, v5;
	v3 =	vadd.f32 v45, v3  }
0x7e1: {  	v51 =	vld [tilespmem:s26+$0x9970]  }
0x7e2: {  	v52 =	vld [tilespmem:s26+$0x99F0];
	v5 =	vadd.f32 v46, v5;
	v3 =	vadd.f32 v47, v3  }
0x7e3: {  	v53 =	vld [tilespmem:s28+$0x9A70]  }
0x7e4: {  	v54 =	vld [tilespmem:s28+$0x9AF0];
	[tilespmem:s16+$0x60] =	vst v5;
	v3 =	vadd.f32 v49, v3  }
0x7e5: {  	v5 =	vld [tilespmem:s0+$0x9B70]  }
0x7e6: {  	v55 =	vld [tilespmem:s0+$0x9BF0];
	[tilespmem:s29+$0x60] =	vst v3  }
0x7e7: {  	v3 =	vld [tilespmem:s30+$0x9A70]  }
0x7e8: {  	v56 =	vld [tilespmem:s30+$0x9AF0]  }
0x7e9: {  	v57 =	vld [tilespmem:s0+$0x9C70]  }
0x7ea: {  	v14 =	vld [tilespmem:s30+$0x9B70]  }
0x7eb: {  	v7 =	vadd.f32 v50, v48;
	v58 =	vld [tilespmem:s0+$0x9CF0]  }
0x7ec: {  	v59 =	vld [tilespmem:s30+$0x9BF0];
	v5 =	vadd.f32 v55, v5  }
0x7ed: {  	v6 =	vadd.f32 v51, v7;
	v60 =	vld [tilespmem:s1+$0x9970];
	v3 =	vadd.f32 v56, v3  }
0x7ee: {  	v61 =	vld [tilespmem:s30+$0x9C70];
	v5 =	vadd.f32 v57, v5  }
0x7ef: {  	v62 =	vld [tilespmem:s1+$0x99F0];
	v6 =	vadd.f32 v52, v6;
	v3 =	vadd.f32 v14, v3  }
0x7f0: {  	v63 =	vld [tilespmem:s30+$0x9CF0];
	v5 =	vadd.f32 v58, v5  }
0x7f1: {  	v4 =	vadd.f32 v53, v6;
	v3 =	vadd.f32 v59, v3  }
0x7f2: {  	p0 =	slt.u32 s24, $0xC;
	v5 =	vadd.f32 v60, v5  }
.Ltmp4:
0x7f3: {  	v4 =	vadd.f32 v54, v4;
	v3 =	vadd.f32 v61, v3;
	(pc) =	sbr.rel @p0 .LBB2_9-.Ltmp4, $4  }
0x7f4: {  	v5 =	vadd.f32 v62, v5  }
0x7f5: {  	[tilespmem:s10+$0x70] =	vst v4;
	v3 =	vadd.f32 v63, v3  }
0x7f6: {  	s31 =	sadd.s32 $0x4, s24;
	[tilespmem:s16+$0x70] =	vst v5  }
0x7f7: {  	s24 =	smov.u32 s31;
	[tilespmem:s29+$0x70] =	vst v3  }
0x7f8: {  	s22 =	sadd.s32 $0x1, s22  }
0x7f9: {  	p0 =	sne.s32 s22, $0x14  }
.Ltmp5:
0x7fa: {  	s0 =	sshrl.u32 s23, $0x3;
	(pc) =	sbr.rel @p0 .LBB2_2-.Ltmp5, $3  }
0x7fb: {  	s0 =	smul.u32 $0x180, s0;
	_ =	sdelay $0x1  }
0x7fc: {  	s0 =	sadd.s32 s5, s0  }
0x7fd: {  	[hbm4b:s0+s3] =	stream.linear.scatter [tilespmem:s21], [sflag:$0x4], $0x1800, $0x38;
	[tilespmem:$0x15100] =	vst v63  }
0x7fe: {  	s0 =	simm.s32 $0x3  }
0x7ff: {  	_ =	swait.ge [sflag:s0], $0x1800  }
0x800: {  	[sflag:s0] =	ssyncset.done $0x0  }
0x801: {  	[sflag:s0] =	ssyncadd.s32 $0xFFFFE800  }
0x802: {  	_ =	swait.ge [sflag:s20], $0x1800  }
0x803: {  	s1 =	rddreg [dreg:$0x6]  }
0x804: {  	s31 =	rddreg [dreg:$0x5];
	s1 =	sadd.s32 $0x1, s1  }
0x805: {  	p0 =	sne.s32 s1, s31  }
.Ltmp6:
0x806: {  	_ = 	snop;
	(pc) =	sbr.rel @p0 .LBB2_1-.Ltmp6, $3  }
0x807: {  	_ =	sdelay $0x1  }
0x808: {  	[sflag:s20] =	ssyncset.done $0x0  }
0x809: {  	[sflag:s20] =	ssyncadd.s32 $0xFFFFE800  }
0x80a: {  	_ =	sfence.sel $0x180000  }
0x80b: {  	[bflag:$0x0] =	sbarrier.arrive $0xFFFF  }
0x80c: {  	_ =	strace $0x90000047  }
0x80d: {  	s0 =	stileid.u32;
	[bflag:$0x2] =	sbarrier.arrive $0xFFFF  }
0x80e: {  	p0 =	sne.s32 s0, $0x0;
	s0 =	rddreg [dreg:$0x2]  }
0x80f: {  	s0 =	sadd.s32 @!p0 $0x100000, s0  }
0x810: {  	[sflag:s0] =	ssyncadd.tile.s32 @!p0 $0x1;
	_ =	shalt  }
.Lfunc_end2:
_tile_overlayer_lowered:
.L_overlay_start_2:
0x811: {  	(tag) =	ssettag $0x2  }
0x812: {  	s0 =	rddreg [dreg:$0x0];
	s2 =	stileid.u32  }
0x813: {  	s1 =	rddreg [dreg:$0x1];
	p0 =	sne.s32 s2, $0x0  }
0x814: {  	s3 =	rddreg [dreg:$0x2];
	[bflag:$0x3] =	sbarrier.arrive $0xFFFF;
	s2 =	simm.s32 @!p0 $0x1C05  }
0x815: {  	[timem:s3], [sflag:s2] =	dma.local @!p0 [hbm:s0], s1  }
0x816: {  	s0 =	simm.s32 @!p0 $0x5  }
0x817: {  	_ =	swait.ge @!p0 [sflag:s0], s1  }
0x818: {  	s1 =	ssub.s32 @!p0 $0x0, s1;
	[sflag:s0] =	ssyncset.done @!p0 $0x0  }
0x819: {  	[sflag:s0] =	ssyncadd.s32 @!p0 s1  }
0x81a: {  	[bflag:$0x3] =	sbarrier.arrive $0xFFFF  }
0x81b: {  	_ =	shalt  }

</sc_bundles>
